<compile_context>
chip_gen: v7x
topology: tpu7x:2x2x1
jax: 0.10.2.dev20260603
libtpu: 0.0.44.dev20260713+nightly
codegen_flags: <defaults>
</compile_context>

<pallas_src>
import functools

import jax
import jax.numpy as jnp
from jax import lax
from jax.experimental import pallas as pl
from jax.experimental.pallas import tpu as pltpu
from jax.experimental.pallas import tpu_sc as plsc

N = 10000
E = 320000
IN_F = 128
H1F = 256
H2F = 128
NCLS = 47
D2 = 48
DH = 16
CHUNK = 128
NCHUNK = E // CHUNK
NSUB = 16
NW = 2 * NSUB
ITERS = (NCHUNK + NW - 1) // NW
ROWS_PER_SUB = 624
TAIL_ROWS = N - NSUB * ROWS_PER_SUB
NCHUNK_PAD = 2512
CPW = NCHUNK // NW


def _mesh():
    return plsc.VectorSubcoreMesh(core_axis_name="c", subcore_axis_name="s")


_LINEAR = pltpu.CompilerParams(use_tc_tiling_on_sc=False)


RB = 104


@functools.partial(
    pl.kernel,
    mesh=_mesh(),
    compiler_params=_LINEAR,
    out_type=jax.ShapeDtypeStruct((2, N, IN_F), jnp.float32),
    scratch_types=[
        pltpu.VMEM((CHUNK, DH), jnp.float32),
        pltpu.VMEM((2, CHUNK), jnp.int32),
        pltpu.VMEM((2, CHUNK), jnp.int32),
        pltpu.VMEM((ROWS_PER_SUB + TAIL_ROWS, DH), jnp.float32),
        pltpu.VMEM((ROWS_PER_SUB + TAIL_ROWS, DH), jnp.float32),
        pltpu.VMEM((RB, IN_F), jnp.float32),
        pltpu.VMEM_SHARED((N, DH), jnp.float32),
        pltpu.VMEM_SHARED((N, DH), jnp.float32),
        pltpu.SemaphoreType.DMA,
        pltpu.SemaphoreType.DMA,
        pltpu.SemaphoreType.DMA,
        pltpu.SemaphoreType.DMA,
    ],
)
def _deg_kernel(sd_hbm, ones_hbm, zeros_hbm, out_hbm,
                ones_v, sd0, sd1, slab_s, slab_d, wide_v,
                acc_s, acc_d, sem0, sem1, ssem0, ssem1):
    cid = lax.axis_index("c")
    sid = lax.axis_index("s")
    wid = cid * NSUB + sid
    r0 = sid * ROWS_PER_SUB
    sdv = (sd0, sd1)
    sems = (sem0, sem1)
    ssem = (ssem0, ssem1)
    npair = (ITERS + 1) // 2

    def fire(slot, ordinal, first=False):
        if not first:
            cprev = wid + (ordinal - 2) * NW

            @pl.when(cprev < NCHUNK)
            def _():
                pltpu.make_async_copy(ones_v, acc_s.at[sdv[slot].at[0]],
                                      ssem[slot]).wait()
                pltpu.make_async_copy(ones_v, acc_d.at[sdv[slot].at[1]],
                                      ssem[slot]).wait()

        c = wid + ordinal * NW

        @pl.when(c < NCHUNK)
        def _():
            pltpu.async_copy(sd_hbm.at[c], sdv[slot], sems[slot])

    def drain(slot, ordinal):
        c = wid + ordinal * NW

        @pl.when(c < NCHUNK)
        def _():
            pltpu.make_async_copy(sd_hbm.at[c], sdv[slot], sems[slot]).wait()
            pltpu.async_copy(ones_v, acc_s.at[sdv[slot].at[0]],
                             ssem[slot], add=True)
            pltpu.async_copy(ones_v, acc_d.at[sdv[slot].at[1]],
                             ssem[slot], add=True)

    pltpu.sync_copy(ones_hbm, ones_v)
    pltpu.sync_copy(zeros_hbm.at[pl.ds(r0, ROWS_PER_SUB)],
                    acc_s.at[pl.ds(r0, ROWS_PER_SUB)])
    pltpu.sync_copy(zeros_hbm.at[pl.ds(r0, ROWS_PER_SUB)],
                    acc_d.at[pl.ds(r0, ROWS_PER_SUB)])

    @pl.when(sid == NSUB - 1)
    def _():
        pltpu.sync_copy(zeros_hbm.at[pl.ds(NSUB * ROWS_PER_SUB, TAIL_ROWS)],
                        acc_s.at[pl.ds(NSUB * ROWS_PER_SUB, TAIL_ROWS)])
        pltpu.sync_copy(zeros_hbm.at[pl.ds(NSUB * ROWS_PER_SUB, TAIL_ROWS)],
                        acc_d.at[pl.ds(NSUB * ROWS_PER_SUB, TAIL_ROWS)])

    plsc.subcore_barrier()

    fire(0, 0, first=True)
    fire(1, 1, first=True)

    @pl.loop(0, npair)
    def _(j):
        i0 = 2 * j
        drain(0, i0)
        fire(0, i0 + 2)
        drain(1, i0 + 1)
        fire(1, i0 + 3)

    plsc.subcore_barrier()

    def slab_load(acc, slab):
        pltpu.sync_copy(acc.at[pl.ds(r0, ROWS_PER_SUB)],
                        slab.at[pl.ds(0, ROWS_PER_SUB)])

        @pl.when(sid == NSUB - 1)
        def _():
            pltpu.sync_copy(acc.at[pl.ds(NSUB * ROWS_PER_SUB, TAIL_ROWS)],
                            slab.at[pl.ds(ROWS_PER_SUB, TAIL_ROWS)])

    slab_load(acc_s, slab_s)
    slab_load(acc_d, slab_d)

    def expand_rows(off, nrows):
        @pl.loop(0, nrows)
        def _(r):
            vs = slab_s[off + r, :]
            vd = slab_d[off + r, :]
            for k in range(4):
                wide_v[r, pl.ds(k * DH, DH)] = vs
            for k in range(4, 8):
                wide_v[r, pl.ds(k * DH, DH)] = vd

    nblk = ROWS_PER_SUB // RB

    @pl.loop(0, nblk)
    def _(b):
        expand_rows(b * RB, RB)
        pltpu.sync_copy(wide_v, out_hbm.at[cid, pl.ds(r0 + b * RB, RB)])

    @pl.when(sid == NSUB - 1)
    def _():
        expand_rows(ROWS_PER_SUB, TAIL_ROWS)
        pltpu.sync_copy(wide_v.at[pl.ds(0, TAIL_ROWS)],
                        out_hbm.at[cid, pl.ds(NSUB * ROWS_PER_SUB,
                                              TAIL_ROWS)])


def _make_agg(D, nslot, preload=False):
    ngroup = (ITERS + nslot - 1) // nslot

    if preload:
        idx_scratch = [pltpu.VMEM((CPW + 1, 2, CHUNK), jnp.int32)]
    else:
        idx_scratch = [pltpu.VMEM((2, CHUNK), jnp.int32)
                       for _ in range(nslot)]
    row_scratch = [pltpu.VMEM((CHUNK, D), jnp.float32) for _ in range(nslot)]
    sem_scratch = [pltpu.SemaphoreType.DMA for _ in range(2 * nslot)]

    @functools.partial(
        pl.kernel,
        mesh=_mesh(),
        compiler_params=_LINEAR,
        out_type=jax.ShapeDtypeStruct((2, N, D), jnp.float32),
        scratch_types=idx_scratch + row_scratch
        + [pltpu.VMEM_SHARED((N, D), jnp.float32)] + sem_scratch,
    )
    def agg(feat_hbm, sd_hbm, zeros_hbm, out_hbm, *scratch):
        nidx = 1 if preload else nslot
        idxs = scratch[0:nidx]
        rows = scratch[nidx:nidx + nslot]
        acc = scratch[nidx + nslot]
        gsem = scratch[nidx + nslot + 1:nidx + 2 * nslot + 1]
        ssem = scratch[nidx + 2 * nslot + 1:]
        cid = lax.axis_index("c")
        sid = lax.axis_index("s")
        wid = cid * NSUB + sid
        r0 = sid * ROWS_PER_SUB
        if preload:
            start = wid * CPW + jnp.minimum(wid, NCHUNK - NW * CPW)
            cnt = CPW + (wid < NCHUNK - NW * CPW)

            def sd_at(slot, ordinal):
                return idxs[0].at[ordinal]

            def valid(ordinal):
                return ordinal < cnt
        else:
            def sd_at(slot, ordinal):
                return idxs[slot]

            def valid(ordinal):
                return wid + ordinal * NW < NCHUNK

        def fire(slot, ordinal, first=False):
            if not first:
                @pl.when(valid(ordinal - nslot))
                def _():
                    pltpu.make_async_copy(
                        rows[slot],
                        acc.at[sd_at(slot, ordinal - nslot).at[1]],
                        ssem[slot]).wait()

            @pl.when(valid(ordinal))
            def _():
                if not preload:
                    pltpu.sync_copy(sd_hbm.at[wid + ordinal * NW], idxs[slot])
                pltpu.async_copy(feat_hbm.at[sd_at(slot, ordinal).at[0]],
                                 rows[slot], gsem[slot])

        def drain(slot, ordinal):
            @pl.when(valid(ordinal))
            def _():
                pltpu.make_async_copy(feat_hbm.at[sd_at(slot, ordinal).at[0]],
                                      rows[slot], gsem[slot]).wait()
                pltpu.async_copy(rows[slot],
                                 acc.at[sd_at(slot, ordinal).at[1]],
                                 ssem[slot], add=True)

        pltpu.sync_copy(zeros_hbm.at[pl.ds(r0, ROWS_PER_SUB)],
                        acc.at[pl.ds(r0, ROWS_PER_SUB)])
        if preload:
            pltpu.sync_copy(sd_hbm.at[pl.ds(start, CPW + 1)], idxs[0])

        @pl.when(sid == NSUB - 1)
        def _():
            pltpu.sync_copy(zeros_hbm.at[pl.ds(NSUB * ROWS_PER_SUB, TAIL_ROWS)],
                            acc.at[pl.ds(NSUB * ROWS_PER_SUB, TAIL_ROWS)])

        plsc.subcore_barrier()

        for s in range(nslot):
            fire(s, s, first=True)

        @pl.loop(0, ngroup)
        def _(j):
            i0 = j * nslot
            for s in range(nslot):
                drain(s, i0 + s)
                fire(s, i0 + s + nslot)

        plsc.subcore_barrier()
        pltpu.sync_copy(acc.at[pl.ds(r0, ROWS_PER_SUB)],
                        out_hbm.at[cid, pl.ds(r0, ROWS_PER_SUB)])

        @pl.when(sid == NSUB - 1)
        def _():
            pltpu.sync_copy(acc.at[pl.ds(NSUB * ROWS_PER_SUB, TAIL_ROWS)],
                            out_hbm.at[cid, pl.ds(NSUB * ROWS_PER_SUB, TAIL_ROWS)])

    return agg


_agg128 = _make_agg(IN_F, 3)
_agg48 = _make_agg(D2, 6)


BN = 2000


def _tc_norm_scale(x, deg_p):
    def body(x_ref, d_ref, xs_ref, nrm_ref):
        d = d_ref[...]
        ns = lax.rsqrt(jnp.maximum(d[0, :, 0:1] + d[1, :, 0:1], 1.0))
        nd = lax.rsqrt(jnp.maximum(d[0, :, 64:65] + d[1, :, 64:65], 1.0))
        nrm_ref[...] = jnp.concatenate([ns, nd], axis=1)
        xs_ref[...] = x_ref[...] * ns

    return pl.pallas_call(
        body,
        grid=(N // BN,),
        in_specs=[
            pl.BlockSpec((BN, IN_F), lambda i: (i, 0)),
            pl.BlockSpec((2, BN, IN_F), lambda i: (0, i, 0)),
        ],
        out_specs=[
            pl.BlockSpec((BN, IN_F), lambda i: (i, 0)),
            pl.BlockSpec((BN, 2), lambda i: (i, 0)),
        ],
        out_shape=[
            jax.ShapeDtypeStruct((N, IN_F), jnp.float32),
            jax.ShapeDtypeStruct((N, 2), jnp.float32),
        ],
    )(x, deg_p)


def _tc_mid(p, nrm, w1, b1, w2, wfc_p):
    def body(p_ref, n_ref, w1_ref, b1_ref, w2_ref, wfc_ref, g_ref):
        nd = n_ref[:, 1]
        ns = n_ref[:, 0]
        a = (p_ref[0] + p_ref[1]) * nd[:, None]
        h = jnp.dot(a, w1_ref[...], preferred_element_type=jnp.float32)
        h = jnp.maximum(h + b1_ref[...][None, :], 0.0)
        wc = jnp.dot(w2_ref[...], wfc_ref[...],
                     preferred_element_type=jnp.float32)
        g_ref[...] = jnp.dot(h * ns[:, None], wc,
                             preferred_element_type=jnp.float32)

    return pl.pallas_call(
        body,
        grid=(N // BN,),
        in_specs=[
            pl.BlockSpec((2, BN, IN_F), lambda i: (0, i, 0)),
            pl.BlockSpec((BN, 2), lambda i: (i, 0)),
            pl.BlockSpec((IN_F, H1F), lambda i: (0, 0)),
            pl.BlockSpec((H1F,), lambda i: (0,)),
            pl.BlockSpec((H1F, H2F), lambda i: (0, 0)),
            pl.BlockSpec((H2F, D2), lambda i: (0, 0)),
        ],
        out_specs=pl.BlockSpec((BN, D2), lambda i: (i, 0)),
        out_shape=jax.ShapeDtypeStruct((N, D2), jnp.float32),
    )(p, nrm, w1, b1, w2, wfc_p)


def _tc_final(q, nrm, b2, wfc_p, bfc_p):
    def body(q_ref, n_ref, b2_ref, wfc_ref, bfc_ref, o_ref):
        bc = jnp.dot(b2_ref[...][None, :], wfc_ref[...],
                     preferred_element_type=jnp.float32)[0] + bfc_ref[...]
        nd = n_ref[:, 1]
        full = (q_ref[0] + q_ref[1]) * nd[:, None] + bc[None, :]
        o_ref[...] = full[:, :NCLS]

    return pl.pallas_call(
        body,
        grid=(N // BN,),
        in_specs=[
            pl.BlockSpec((2, BN, D2), lambda i: (0, i, 0)),
            pl.BlockSpec((BN, 2), lambda i: (i, 0)),
            pl.BlockSpec((H2F,), lambda i: (0,)),
            pl.BlockSpec((H2F, D2), lambda i: (0, 0)),
            pl.BlockSpec((D2,), lambda i: (0,)),
        ],
        out_specs=pl.BlockSpec((BN, NCLS), lambda i: (i, 0)),
        out_shape=jax.ShapeDtypeStruct((N, NCLS), jnp.float32),
    )(q, nrm, b2, wfc_p, bfc_p)


@jax.jit
def kernel(x, edge_index, W1, b1, W2, b2, Wfc, bfc):
    sd = edge_index.reshape(2, NCHUNK, CHUNK).transpose(1, 0, 2)
    ones16 = jnp.ones((CHUNK, DH), jnp.float32)
    zeros16 = jnp.zeros((N, DH), jnp.float32)
    zeros128 = jnp.zeros((N, IN_F), jnp.float32)
    zeros48 = jnp.zeros((N, D2), jnp.float32)
    wfc_p = jnp.pad(Wfc, ((0, 0), (0, D2 - NCLS)))
    bfc_p = jnp.pad(bfc, (0, D2 - NCLS))

    deg_p = _deg_kernel(sd, ones16, zeros16)
    xs, nrm = _tc_norm_scale(x, deg_p)
    p = _agg128(xs, sd, zeros128)
    g = _tc_mid(p, nrm, W1, b1, W2, wfc_p)
    q = _agg48(g, sd, zeros48)
    return _tc_final(q, nrm, b2, wfc_p, bfc_p)

# --- scband reference (transcript-rebuilt; emitter-appended) ---
"""Pipeline reference for scband-gcn-41738492182565 (READ-ONLY COPY).

The authoritative reference and input builder live on the scoring server;
editing this copy changes nothing except your own understanding.
"""

import jax, jax.numpy as jnp
import numpy as np

N = 10000
E = 320000
IN_FEATS = 128
H1 = 256
H2 = 128
NUM_CLASS = 47


def _glorot(key, shape):
    fan_in, fan_out = shape[0], shape[1]
    scale = jnp.sqrt(6.0 / (fan_in + fan_out))
    return jax.random.uniform(key, shape, dtype=jnp.float32, minval=-scale, maxval=scale)


def setup_inputs(seed: int = 0) -> dict:
    key = jax.random.key(seed)
    ks = jax.random.split(key, 8)
    x = jax.random.normal(ks[0], (N, IN_FEATS), dtype=jnp.float32)
    edge_index = jax.random.randint(ks[1], (2, E), 0, N, dtype=jnp.int32)
    W1 = _glorot(ks[2], (IN_FEATS, H1))
    b1 = jnp.zeros((H1,), dtype=jnp.float32)
    W2 = _glorot(ks[3], (H1, H2))
    b2 = jnp.zeros((H2,), dtype=jnp.float32)
    Wfc = _glorot(ks[4], (H2, NUM_CLASS))
    bfc = jnp.zeros((NUM_CLASS,), dtype=jnp.float32)
    return {"x": x, "edge_index": edge_index, "W1": W1, "b1": b1, "W2": W2, "b2": b2, "Wfc": Wfc, "bfc": bfc}


def reference(x, edge_index, W1, b1, W2, b2, Wfc, bfc):
    # DGL GraphConv with norm='both', allow_zero_in_degree=True:
    #   h = D_in^{-1/2} * A^T * (D_out^{-1/2} * x) @ W + b
    src = edge_index[0]
    dst = edge_index[1]
    ones = jnp.ones((E,), dtype=jnp.float32)
    deg_out = jnp.clip(jax.ops.segment_sum(ones, src, num_segments=N), 1.0, None)
    deg_in = jnp.clip(jax.ops.segment_sum(ones, dst, num_segments=N), 1.0, None)
    norm_src = jnp.power(deg_out, -0.5)
    norm_dst = jnp.power(deg_in, -0.5)

    def gconv(h, W, b):
        h = h * norm_src[:, None]
        msg = jnp.take(h, src, axis=0)
        agg = jax.ops.segment_sum(msg, dst, num_segments=N)
        agg = agg * norm_dst[:, None]
        return agg @ W + b

    h = gconv(x, W1, b1)
    h = jax.nn.relu(h)
    # dropout(p=0.2) is identity in eval/reference mode
    h = gconv(h, W2, b2)
    out = h @ Wfc + bfc
    return out

if __name__ == "__main__":
    import jax
    _d = setup_inputs()
    print(jax.jit(kernel)(*tuple(_d.values())))

</pallas_src>

<mosaic_0001>
#map = affine_map<(d0, d1) -> (0, 0)>
#map1 = affine_map<(d0, d1) -> (0, 0, 0)>
module attributes {stable_mosaic.version = 14 : i64} {
  func.func @agg(%arg0: i32, %arg1: i32, %arg2: memref<10000x48xf32, #tpu.memory_space<hbm>>, %arg3: memref<2500x2x128xi32, #tpu.memory_space<hbm>>, %arg4: memref<10000x48xf32, #tpu.memory_space<hbm>>, %arg5: memref<2x10000x48xf32, #tpu.memory_space<hbm>>, %arg6: memref<2x128xi32, #tpu.memory_space<vmem>>, %arg7: memref<2x128xi32, #tpu.memory_space<vmem>>, %arg8: memref<2x128xi32, #tpu.memory_space<vmem>>, %arg9: memref<2x128xi32, #tpu.memory_space<vmem>>, %arg10: memref<2x128xi32, #tpu.memory_space<vmem>>, %arg11: memref<2x128xi32, #tpu.memory_space<vmem>>, %arg12: memref<128x48xf32, #tpu.memory_space<vmem>>, %arg13: memref<128x48xf32, #tpu.memory_space<vmem>>, %arg14: memref<128x48xf32, #tpu.memory_space<vmem>>, %arg15: memref<128x48xf32, #tpu.memory_space<vmem>>, %arg16: memref<128x48xf32, #tpu.memory_space<vmem>>, %arg17: memref<128x48xf32, #tpu.memory_space<vmem>>, %arg18: memref<10000x48xf32, #tpu.memory_space<vmem_shared>>, %arg19: memref<!tpu.dma_semaphore, #tpu.memory_space<semaphore_mem>>, %arg20: memref<!tpu.dma_semaphore, #tpu.memory_space<semaphore_mem>>, %arg21: memref<!tpu.dma_semaphore, #tpu.memory_space<semaphore_mem>>, %arg22: memref<!tpu.dma_semaphore, #tpu.memory_space<semaphore_mem>>, %arg23: memref<!tpu.dma_semaphore, #tpu.memory_space<semaphore_mem>>, %arg24: memref<!tpu.dma_semaphore, #tpu.memory_space<semaphore_mem>>, %arg25: memref<!tpu.dma_semaphore, #tpu.memory_space<semaphore_mem>>, %arg26: memref<!tpu.dma_semaphore, #tpu.memory_space<semaphore_mem>>, %arg27: memref<!tpu.dma_semaphore, #tpu.memory_space<semaphore_mem>>, %arg28: memref<!tpu.dma_semaphore, #tpu.memory_space<semaphore_mem>>, %arg29: memref<!tpu.dma_semaphore, #tpu.memory_space<semaphore_mem>>, %arg30: memref<!tpu.dma_semaphore, #tpu.memory_space<semaphore_mem>>) attributes {dimension_semantics = [#tpu.dimension_semantics<core_parallel>, #tpu.dimension_semantics<subcore_parallel>], iteration_bounds = array<i64: 2, 16>, scalar_prefetch = 0 : i64, scratch_operands = 25 : i64, tpu.core_type = #tpu.core_type<sc_vector_subcore>, window_params = [{transform_indices = #map}, {transform_indices = #map1}, {transform_indices = #map}, {transform_indices = #map1}]} {
    %mul3A = arith.constant 16 : i32
    %mul3A_0 = arith.muli %arg0, %mul3A : i32
    %add3A = arith.addi %mul3A_0, %arg1 : i32
    %mul3A_1 = arith.constant 624 : i32
    %mul3A_2 = arith.muli %arg1, %mul3A_1 : i32
    "tpu.region"() ({
      %run_scoped3A = tpu.sem_alloc : memref<!tpu.dma_semaphore, #tpu.memory_space<semaphore_mem>>
      %dma_start3A = arith.constant 0 : i32
      %dma_start3A_56 = tpu.memref_slice %arg18[%mul3A_2, %dma_start3A] : memref<10000x48xf32, #tpu.memory_space<vmem_shared>> -> memref<624x48xf32, #tpu.memory_space<vmem_shared>>
      %dma_start3A_57 = arith.constant 0 : i32
      %dma_start3A_58 = tpu.memref_slice %arg4[%mul3A_2, %dma_start3A_57] : memref<10000x48xf32, #tpu.memory_space<hbm>> -> memref<624x48xf32, #tpu.memory_space<hbm>>
      tpu.enqueue_dma source(%dma_start3A_58 : memref<624x48xf32, #tpu.memory_space<hbm>>) target(%dma_start3A_56 : memref<624x48xf32, #tpu.memory_space<vmem_shared>>) target_semaphore(%run_scoped3A : memref<!tpu.dma_semaphore, #tpu.memory_space<semaphore_mem>>)
      %dma_wait3A = arith.constant 0 : i32
      %dma_wait3A_59 = tpu.memref_slice %arg18[%mul3A_2, %dma_wait3A] : memref<10000x48xf32, #tpu.memory_space<vmem_shared>> -> memref<624x48xf32, #tpu.memory_space<vmem_shared>>
      %dma_wait3A_60 = arith.constant 0 : i32
      %dma_wait3A_61 = tpu.memref_slice %arg4[%mul3A_2, %dma_wait3A_60] : memref<10000x48xf32, #tpu.memory_space<hbm>> -> memref<624x48xf32, #tpu.memory_space<hbm>>
      tpu.wait_dma2 semaphore(%run_scoped3A : memref<!tpu.dma_semaphore, #tpu.memory_space<semaphore_mem>>) src(%dma_wait3A_61 : memref<624x48xf32, #tpu.memory_space<hbm>>) dst(%dma_wait3A_59 : memref<624x48xf32, #tpu.memory_space<vmem_shared>>)
      tpu.yield
    }) : () -> ()
    %eq3A = arith.constant 15 : i32
    %eq3A_3 = arith.cmpi eq, %arg1, %eq3A : i32
    %convert_element_type3A = arith.extui %eq3A_3 : i1 to i32
    %cond3A = arith.constant 0 : i32
    %cond3A_4 = arith.cmpi ne, %convert_element_type3A, %cond3A : i32
    scf.if %cond3A_4 {
      "tpu.region"() ({
        %run_scoped3A = tpu.sem_alloc : memref<!tpu.dma_semaphore, #tpu.memory_space<semaphore_mem>>
        %dma_start3A = arith.constant 9984 : i32
        %dma_start3A_56 = arith.constant 0 : i32
        %dma_start3A_57 = tpu.memref_slice %arg18[%dma_start3A, %dma_start3A_56] : memref<10000x48xf32, #tpu.memory_space<vmem_shared>> -> memref<16x48xf32, #tpu.memory_space<vmem_shared>>
        %dma_start3A_58 = arith.constant 9984 : i32
        %dma_start3A_59 = arith.constant 0 : i32
        %dma_start3A_60 = tpu.memref_slice %arg4[%dma_start3A_58, %dma_start3A_59] : memref<10000x48xf32, #tpu.memory_space<hbm>> -> memref<16x48xf32, #tpu.memory_space<hbm>>
        tpu.enqueue_dma source(%dma_start3A_60 : memref<16x48xf32, #tpu.memory_space<hbm>>) target(%dma_start3A_57 : memref<16x48xf32, #tpu.memory_space<vmem_shared>>) target_semaphore(%run_scoped3A : memref<!tpu.dma_semaphore, #tpu.memory_space<semaphore_mem>>)
        %dma_wait3A = arith.constant 9984 : i32
        %dma_wait3A_61 = arith.constant 0 : i32
        %dma_wait3A_62 = tpu.memref_slice %arg18[%dma_wait3A, %dma_wait3A_61] : memref<10000x48xf32, #tpu.memory_space<vmem_shared>> -> memref<16x48xf32, #tpu.memory_space<vmem_shared>>
        %dma_wait3A_63 = arith.constant 9984 : i32
        %dma_wait3A_64 = arith.constant 0 : i32
        %dma_wait3A_65 = tpu.memref_slice %arg4[%dma_wait3A_63, %dma_wait3A_64] : memref<10000x48xf32, #tpu.memory_space<hbm>> -> memref<16x48xf32, #tpu.memory_space<hbm>>
        tpu.wait_dma2 semaphore(%run_scoped3A : memref<!tpu.dma_semaphore, #tpu.memory_space<semaphore_mem>>) src(%dma_wait3A_65 : memref<16x48xf32, #tpu.memory_space<hbm>>) dst(%dma_wait3A_62 : memref<16x48xf32, #tpu.memory_space<vmem_shared>>)
        tpu.yield
      }) : () -> ()
    } else {
    }
    %barrier3A = arith.constant 0 : index
    tpu.barrier barrier_id(%barrier3A)
    %add3A_5 = arith.constant 0 : i32
    %add3A_6 = arith.addi %add3A, %add3A_5 : i32
    %lt3A = arith.constant 2500 : i32
    %lt3A_7 = arith.cmpi slt, %add3A_6, %lt3A : i32
    %convert_element_type3A_8 = arith.extui %lt3A_7 : i1 to i32
    %cond3A_9 = arith.constant 0 : i32
    %cond3A_10 = arith.cmpi ne, %convert_element_type3A_8, %cond3A_9 : i32
    scf.if %cond3A_10 {
      %add3A_56 = arith.constant 0 : i32
      %add3A_57 = arith.addi %add3A, %add3A_56 : i32
      "tpu.region"() ({
        %run_scoped3A = tpu.sem_alloc : memref<!tpu.dma_semaphore, #tpu.memory_space<semaphore_mem>>
        %dma_start3A_64 = arith.constant 0 : i32
        %dma_start3A_65 = arith.constant 0 : i32
        %dma_start3A_66 = tpu.memref_slice %arg3[%add3A_57, %dma_start3A_64, %dma_start3A_65] : memref<2500x2x128xi32, #tpu.memory_space<hbm>> -> memref<1x2x128xi32, #tpu.memory_space<hbm>>
        %dma_start3A_67 = tpu.memref_squeeze %dma_start3A_66 : memref<1x2x128xi32, #tpu.memory_space<hbm>> -> memref<2x128xi32, #tpu.memory_space<hbm>>
        %dma_start3A_68 = arith.constant 0 : i32
        %dma_start3A_69 = arith.constant 0 : i32
        %dma_start3A_70 = tpu.memref_slice %arg3[%add3A_57, %dma_start3A_68, %dma_start3A_69] : memref<2500x2x128xi32, #tpu.memory_space<hbm>> -> memref<1x2x128xi32, #tpu.memory_space<hbm>>
        %dma_start3A_71 = tpu.memref_squeeze %dma_start3A_70 : memref<1x2x128xi32, #tpu.memory_space<hbm>> -> memref<2x128xi32, #tpu.memory_space<hbm>>
        tpu.enqueue_dma source(%dma_start3A_71 : memref<2x128xi32, #tpu.memory_space<hbm>>) target(%arg6 : memref<2x128xi32, #tpu.memory_space<vmem>>) target_semaphore(%run_scoped3A : memref<!tpu.dma_semaphore, #tpu.memory_space<semaphore_mem>>)
        %dma_wait3A = arith.constant 0 : i32
        %dma_wait3A_72 = arith.constant 0 : i32
        %dma_wait3A_73 = tpu.memref_slice %arg3[%add3A_57, %dma_wait3A, %dma_wait3A_72] : memref<2500x2x128xi32, #tpu.memory_space<hbm>> -> memref<1x2x128xi32, #tpu.memory_space<hbm>>
        %dma_wait3A_74 = tpu.memref_squeeze %dma_wait3A_73 : memref<1x2x128xi32, #tpu.memory_space<hbm>> -> memref<2x128xi32, #tpu.memory_space<hbm>>
        %dma_wait3A_75 = arith.constant 0 : i32
        %dma_wait3A_76 = arith.constant 0 : i32
        %dma_wait3A_77 = tpu.memref_slice %arg3[%add3A_57, %dma_wait3A_75, %dma_wait3A_76] : memref<2500x2x128xi32, #tpu.memory_space<hbm>> -> memref<1x2x128xi32, #tpu.memory_space<hbm>>
        %dma_wait3A_78 = tpu.memref_squeeze %dma_wait3A_77 : memref<1x2x128xi32, #tpu.memory_space<hbm>> -> memref<2x128xi32, #tpu.memory_space<hbm>>
        tpu.wait_dma2 semaphore(%run_scoped3A : memref<!tpu.dma_semaphore, #tpu.memory_space<semaphore_mem>>) src(%dma_wait3A_78 : memref<2x128xi32, #tpu.memory_space<hbm>>) dst(%arg6 : memref<2x128xi32, #tpu.memory_space<vmem>>)
        tpu.yield
      }) : () -> ()
      %dma_start3A = arith.constant 0 : i32
      %dma_start3A_58 = arith.constant 0 : i32
      %dma_start3A_59 = tpu.memref_slice %arg6[%dma_start3A, %dma_start3A_58] : memref<2x128xi32, #tpu.memory_space<vmem>> -> memref<1x128xi32, #tpu.memory_space<vmem>>
      %dma_start3A_60 = tpu.memref_squeeze %dma_start3A_59 : memref<1x128xi32, #tpu.memory_space<vmem>> -> memref<128xi32, #tpu.memory_space<vmem>>
      %dma_start3A_61 = arith.constant 0 : i32
      %dma_start3A_62 = arith.constant 0 : i32
      %dma_start3A_63 = tpu.memref_slice %arg2[%dma_start3A_61, %dma_start3A_62] : memref<10000x48xf32, #tpu.memory_space<hbm>> -> memref<10000x48xf32, #tpu.memory_space<hbm>>
      tpu.enqueue_indirect_dma source(%dma_start3A_63 : memref<10000x48xf32, #tpu.memory_space<hbm>>) target(%arg12 : memref<128x48xf32, #tpu.memory_space<vmem>>) offsets(%dma_start3A_60 : memref<128xi32, #tpu.memory_space<vmem>>) semaphore(%arg19 : memref<!tpu.dma_semaphore, #tpu.memory_space<semaphore_mem>>)
    } else {
    }
    %add3A_11 = arith.constant 32 : i32
    %add3A_12 = arith.addi %add3A, %add3A_11 : i32
    %lt3A_13 = arith.constant 2500 : i32
    %lt3A_14 = arith.cmpi slt, %add3A_12, %lt3A_13 : i32
    %convert_element_type3A_15 = arith.extui %lt3A_14 : i1 to i32
    %cond3A_16 = arith.constant 0 : i32
    %cond3A_17 = arith.cmpi ne, %convert_element_type3A_15, %cond3A_16 : i32
    scf.if %cond3A_17 {
      %add3A_56 = arith.constant 32 : i32
      %add3A_57 = arith.addi %add3A, %add3A_56 : i32
      "tpu.region"() ({
        %run_scoped3A = tpu.sem_alloc : memref<!tpu.dma_semaphore, #tpu.memory_space<semaphore_mem>>
        %dma_start3A_64 = arith.constant 0 : i32
        %dma_start3A_65 = arith.constant 0 : i32
        %dma_start3A_66 = tpu.memref_slice %arg3[%add3A_57, %dma_start3A_64, %dma_start3A_65] : memref<2500x2x128xi32, #tpu.memory_space<hbm>> -> memref<1x2x128xi32, #tpu.memory_space<hbm>>
        %dma_start3A_67 = tpu.memref_squeeze %dma_start3A_66 : memref<1x2x128xi32, #tpu.memory_space<hbm>> -> memref<2x128xi32, #tpu.memory_space<hbm>>
        %dma_start3A_68 = arith.constant 0 : i32
        %dma_start3A_69 = arith.constant 0 : i32
        %dma_start3A_70 = tpu.memref_slice %arg3[%add3A_57, %dma_start3A_68, %dma_start3A_69] : memref<2500x2x128xi32, #tpu.memory_space<hbm>> -> memref<1x2x128xi32, #tpu.memory_space<hbm>>
        %dma_start3A_71 = tpu.memref_squeeze %dma_start3A_70 : memref<1x2x128xi32, #tpu.memory_space<hbm>> -> memref<2x128xi32, #tpu.memory_space<hbm>>
        tpu.enqueue_dma source(%dma_start3A_71 : memref<2x128xi32, #tpu.memory_space<hbm>>) target(%arg7 : memref<2x128xi32, #tpu.memory_space<vmem>>) target_semaphore(%run_scoped3A : memref<!tpu.dma_semaphore, #tpu.memory_space<semaphore_mem>>)
        %dma_wait3A = arith.constant 0 : i32
        %dma_wait3A_72 = arith.constant 0 : i32
        %dma_wait3A_73 = tpu.memref_slice %arg3[%add3A_57, %dma_wait3A, %dma_wait3A_72] : memref<2500x2x128xi32, #tpu.memory_space<hbm>> -> memref<1x2x128xi32, #tpu.memory_space<hbm>>
        %dma_wait3A_74 = tpu.memref_squeeze %dma_wait3A_73 : memref<1x2x128xi32, #tpu.memory_space<hbm>> -> memref<2x128xi32, #tpu.memory_space<hbm>>
        %dma_wait3A_75 = arith.constant 0 : i32
        %dma_wait3A_76 = arith.constant 0 : i32
        %dma_wait3A_77 = tpu.memref_slice %arg3[%add3A_57, %dma_wait3A_75, %dma_wait3A_76] : memref<2500x2x128xi32, #tpu.memory_space<hbm>> -> memref<1x2x128xi32, #tpu.memory_space<hbm>>
        %dma_wait3A_78 = tpu.memref_squeeze %dma_wait3A_77 : memref<1x2x128xi32, #tpu.memory_space<hbm>> -> memref<2x128xi32, #tpu.memory_space<hbm>>
        tpu.wait_dma2 semaphore(%run_scoped3A : memref<!tpu.dma_semaphore, #tpu.memory_space<semaphore_mem>>) src(%dma_wait3A_78 : memref<2x128xi32, #tpu.memory_space<hbm>>) dst(%arg7 : memref<2x128xi32, #tpu.memory_space<vmem>>)
        tpu.yield
      }) : () -> ()
      %dma_start3A = arith.constant 0 : i32
      %dma_start3A_58 = arith.constant 0 : i32
      %dma_start3A_59 = tpu.memref_slice %arg7[%dma_start3A, %dma_start3A_58] : memref<2x128xi32, #tpu.memory_space<vmem>> -> memref<1x128xi32, #tpu.memory_space<vmem>>
      %dma_start3A_60 = tpu.memref_squeeze %dma_start3A_59 : memref<1x128xi32, #tpu.memory_space<vmem>> -> memref<128xi32, #tpu.memory_space<vmem>>
      %dma_start3A_61 = arith.constant 0 : i32
      %dma_start3A_62 = arith.constant 0 : i32
      %dma_start3A_63 = tpu.memref_slice %arg2[%dma_start3A_61, %dma_start3A_62] : memref<10000x48xf32, #tpu.memory_space<hbm>> -> memref<10000x48xf32, #tpu.memory_space<hbm>>
      tpu.enqueue_indirect_dma source(%dma_start3A_63 : memref<10000x48xf32, #tpu.memory_space<hbm>>) target(%arg13 : memref<128x48xf32, #tpu.memory_space<vmem>>) offsets(%dma_start3A_60 : memref<128xi32, #tpu.memory_space<vmem>>) semaphore(%arg20 : memref<!tpu.dma_semaphore, #tpu.memory_space<semaphore_mem>>)
    } else {
    }
    %add3A_18 = arith.constant 64 : i32
    %add3A_19 = arith.addi %add3A, %add3A_18 : i32
    %lt3A_20 = arith.constant 2500 : i32
    %lt3A_21 = arith.cmpi slt, %add3A_19, %lt3A_20 : i32
    %convert_element_type3A_22 = arith.extui %lt3A_21 : i1 to i32
    %cond3A_23 = arith.constant 0 : i32
    %cond3A_24 = arith.cmpi ne, %convert_element_type3A_22, %cond3A_23 : i32
    scf.if %cond3A_24 {
      %add3A_56 = arith.constant 64 : i32
      %add3A_57 = arith.addi %add3A, %add3A_56 : i32
      "tpu.region"() ({
        %run_scoped3A = tpu.sem_alloc : memref<!tpu.dma_semaphore, #tpu.memory_space<semaphore_mem>>
        %dma_start3A_64 = arith.constant 0 : i32
        %dma_start3A_65 = arith.constant 0 : i32
        %dma_start3A_66 = tpu.memref_slice %arg3[%add3A_57, %dma_start3A_64, %dma_start3A_65] : memref<2500x2x128xi32, #tpu.memory_space<hbm>> -> memref<1x2x128xi32, #tpu.memory_space<hbm>>
        %dma_start3A_67 = tpu.memref_squeeze %dma_start3A_66 : memref<1x2x128xi32, #tpu.memory_space<hbm>> -> memref<2x128xi32, #tpu.memory_space<hbm>>
        %dma_start3A_68 = arith.constant 0 : i32
        %dma_start3A_69 = arith.constant 0 : i32
        %dma_start3A_70 = tpu.memref_slice %arg3[%add3A_57, %dma_start3A_68, %dma_start3A_69] : memref<2500x2x128xi32, #tpu.memory_space<hbm>> -> memref<1x2x128xi32, #tpu.memory_space<hbm>>
        %dma_start3A_71 = tpu.memref_squeeze %dma_start3A_70 : memref<1x2x128xi32, #tpu.memory_space<hbm>> -> memref<2x128xi32, #tpu.memory_space<hbm>>
        tpu.enqueue_dma source(%dma_start3A_71 : memref<2x128xi32, #tpu.memory_space<hbm>>) target(%arg8 : memref<2x128xi32, #tpu.memory_space<vmem>>) target_semaphore(%run_scoped3A : memref<!tpu.dma_semaphore, #tpu.memory_space<semaphore_mem>>)
        %dma_wait3A = arith.constant 0 : i32
        %dma_wait3A_72 = arith.constant 0 : i32
        %dma_wait3A_73 = tpu.memref_slice %arg3[%add3A_57, %dma_wait3A, %dma_wait3A_72] : memref<2500x2x128xi32, #tpu.memory_space<hbm>> -> memref<1x2x128xi32, #tpu.memory_space<hbm>>
        %dma_wait3A_74 = tpu.memref_squeeze %dma_wait3A_73 : memref<1x2x128xi32, #tpu.memory_space<hbm>> -> memref<2x128xi32, #tpu.memory_space<hbm>>
        %dma_wait3A_75 = arith.constant 0 : i32
        %dma_wait3A_76 = arith.constant 0 : i32
        %dma_wait3A_77 = tpu.memref_slice %arg3[%add3A_57, %dma_wait3A_75, %dma_wait3A_76] : memref<2500x2x128xi32, #tpu.memory_space<hbm>> -> memref<1x2x128xi32, #tpu.memory_space<hbm>>
        %dma_wait3A_78 = tpu.memref_squeeze %dma_wait3A_77 : memref<1x2x128xi32, #tpu.memory_space<hbm>> -> memref<2x128xi32, #tpu.memory_space<hbm>>
        tpu.wait_dma2 semaphore(%run_scoped3A : memref<!tpu.dma_semaphore, #tpu.memory_space<semaphore_mem>>) src(%dma_wait3A_78 : memref<2x128xi32, #tpu.memory_space<hbm>>) dst(%arg8 : memref<2x128xi32, #tpu.memory_space<vmem>>)
        tpu.yield
      }) : () -> ()
      %dma_start3A = arith.constant 0 : i32
      %dma_start3A_58 = arith.constant 0 : i32
      %dma_start3A_59 = tpu.memref_slice %arg8[%dma_start3A, %dma_start3A_58] : memref<2x128xi32, #tpu.memory_space<vmem>> -> memref<1x128xi32, #tpu.memory_space<vmem>>
      %dma_start3A_60 = tpu.memref_squeeze %dma_start3A_59 : memref<1x128xi32, #tpu.memory_space<vmem>> -> memref<128xi32, #tpu.memory_space<vmem>>
      %dma_start3A_61 = arith.constant 0 : i32
      %dma_start3A_62 = arith.constant 0 : i32
      %dma_start3A_63 = tpu.memref_slice %arg2[%dma_start3A_61, %dma_start3A_62] : memref<10000x48xf32, #tpu.memory_space<hbm>> -> memref<10000x48xf32, #tpu.memory_space<hbm>>
      tpu.enqueue_indirect_dma source(%dma_start3A_63 : memref<10000x48xf32, #tpu.memory_space<hbm>>) target(%arg14 : memref<128x48xf32, #tpu.memory_space<vmem>>) offsets(%dma_start3A_60 : memref<128xi32, #tpu.memory_space<vmem>>) semaphore(%arg21 : memref<!tpu.dma_semaphore, #tpu.memory_space<semaphore_mem>>)
    } else {
    }
    %add3A_25 = arith.constant 96 : i32
    %add3A_26 = arith.addi %add3A, %add3A_25 : i32
    %lt3A_27 = arith.constant 2500 : i32
    %lt3A_28 = arith.cmpi slt, %add3A_26, %lt3A_27 : i32
    %convert_element_type3A_29 = arith.extui %lt3A_28 : i1 to i32
    %cond3A_30 = arith.constant 0 : i32
    %cond3A_31 = arith.cmpi ne, %convert_element_type3A_29, %cond3A_30 : i32
    scf.if %cond3A_31 {
      %add3A_56 = arith.constant 96 : i32
      %add3A_57 = arith.addi %add3A, %add3A_56 : i32
      "tpu.region"() ({
        %run_scoped3A = tpu.sem_alloc : memref<!tpu.dma_semaphore, #tpu.memory_space<semaphore_mem>>
        %dma_start3A_64 = arith.constant 0 : i32
        %dma_start3A_65 = arith.constant 0 : i32
        %dma_start3A_66 = tpu.memref_slice %arg3[%add3A_57, %dma_start3A_64, %dma_start3A_65] : memref<2500x2x128xi32, #tpu.memory_space<hbm>> -> memref<1x2x128xi32, #tpu.memory_space<hbm>>
        %dma_start3A_67 = tpu.memref_squeeze %dma_start3A_66 : memref<1x2x128xi32, #tpu.memory_space<hbm>> -> memref<2x128xi32, #tpu.memory_space<hbm>>
        %dma_start3A_68 = arith.constant 0 : i32
        %dma_start3A_69 = arith.constant 0 : i32
        %dma_start3A_70 = tpu.memref_slice %arg3[%add3A_57, %dma_start3A_68, %dma_start3A_69] : memref<2500x2x128xi32, #tpu.memory_space<hbm>> -> memref<1x2x128xi32, #tpu.memory_space<hbm>>
        %dma_start3A_71 = tpu.memref_squeeze %dma_start3A_70 : memref<1x2x128xi32, #tpu.memory_space<hbm>> -> memref<2x128xi32, #tpu.memory_space<hbm>>
        tpu.enqueue_dma source(%dma_start3A_71 : memref<2x128xi32, #tpu.memory_space<hbm>>) target(%arg9 : memref<2x128xi32, #tpu.memory_space<vmem>>) target_semaphore(%run_scoped3A : memref<!tpu.dma_semaphore, #tpu.memory_space<semaphore_mem>>)
        %dma_wait3A = arith.constant 0 : i32
        %dma_wait3A_72 = arith.constant 0 : i32
        %dma_wait3A_73 = tpu.memref_slice %arg3[%add3A_57, %dma_wait3A, %dma_wait3A_72] : memref<2500x2x128xi32, #tpu.memory_space<hbm>> -> memref<1x2x128xi32, #tpu.memory_space<hbm>>
        %dma_wait3A_74 = tpu.memref_squeeze %dma_wait3A_73 : memref<1x2x128xi32, #tpu.memory_space<hbm>> -> memref<2x128xi32, #tpu.memory_space<hbm>>
        %dma_wait3A_75 = arith.constant 0 : i32
        %dma_wait3A_76 = arith.constant 0 : i32
        %dma_wait3A_77 = tpu.memref_slice %arg3[%add3A_57, %dma_wait3A_75, %dma_wait3A_76] : memref<2500x2x128xi32, #tpu.memory_space<hbm>> -> memref<1x2x128xi32, #tpu.memory_space<hbm>>
        %dma_wait3A_78 = tpu.memref_squeeze %dma_wait3A_77 : memref<1x2x128xi32, #tpu.memory_space<hbm>> -> memref<2x128xi32, #tpu.memory_space<hbm>>
        tpu.wait_dma2 semaphore(%run_scoped3A : memref<!tpu.dma_semaphore, #tpu.memory_space<semaphore_mem>>) src(%dma_wait3A_78 : memref<2x128xi32, #tpu.memory_space<hbm>>) dst(%arg9 : memref<2x128xi32, #tpu.memory_space<vmem>>)
        tpu.yield
      }) : () -> ()
      %dma_start3A = arith.constant 0 : i32
      %dma_start3A_58 = arith.constant 0 : i32
      %dma_start3A_59 = tpu.memref_slice %arg9[%dma_start3A, %dma_start3A_58] : memref<2x128xi32, #tpu.memory_space<vmem>> -> memref<1x128xi32, #tpu.memory_space<vmem>>
      %dma_start3A_60 = tpu.memref_squeeze %dma_start3A_59 : memref<1x128xi32, #tpu.memory_space<vmem>> -> memref<128xi32, #tpu.memory_space<vmem>>
      %dma_start3A_61 = arith.constant 0 : i32
      %dma_start3A_62 = arith.constant 0 : i32
      %dma_start3A_63 = tpu.memref_slice %arg2[%dma_start3A_61, %dma_start3A_62] : memref<10000x48xf32, #tpu.memory_space<hbm>> -> memref<10000x48xf32, #tpu.memory_space<hbm>>
      tpu.enqueue_indirect_dma source(%dma_start3A_63 : memref<10000x48xf32, #tpu.memory_space<hbm>>) target(%arg15 : memref<128x48xf32, #tpu.memory_space<vmem>>) offsets(%dma_start3A_60 : memref<128xi32, #tpu.memory_space<vmem>>) semaphore(%arg22 : memref<!tpu.dma_semaphore, #tpu.memory_space<semaphore_mem>>)
    } else {
    }
    %add3A_32 = arith.constant 128 : i32
    %add3A_33 = arith.addi %add3A, %add3A_32 : i32
    %lt3A_34 = arith.constant 2500 : i32
    %lt3A_35 = arith.cmpi slt, %add3A_33, %lt3A_34 : i32
    %convert_element_type3A_36 = arith.extui %lt3A_35 : i1 to i32
    %cond3A_37 = arith.constant 0 : i32
    %cond3A_38 = arith.cmpi ne, %convert_element_type3A_36, %cond3A_37 : i32
    scf.if %cond3A_38 {
      %add3A_56 = arith.constant 128 : i32
      %add3A_57 = arith.addi %add3A, %add3A_56 : i32
      "tpu.region"() ({
        %run_scoped3A = tpu.sem_alloc : memref<!tpu.dma_semaphore, #tpu.memory_space<semaphore_mem>>
        %dma_start3A_64 = arith.constant 0 : i32
        %dma_start3A_65 = arith.constant 0 : i32
        %dma_start3A_66 = tpu.memref_slice %arg3[%add3A_57, %dma_start3A_64, %dma_start3A_65] : memref<2500x2x128xi32, #tpu.memory_space<hbm>> -> memref<1x2x128xi32, #tpu.memory_space<hbm>>
        %dma_start3A_67 = tpu.memref_squeeze %dma_start3A_66 : memref<1x2x128xi32, #tpu.memory_space<hbm>> -> memref<2x128xi32, #tpu.memory_space<hbm>>
        %dma_start3A_68 = arith.constant 0 : i32
        %dma_start3A_69 = arith.constant 0 : i32
        %dma_start3A_70 = tpu.memref_slice %arg3[%add3A_57, %dma_start3A_68, %dma_start3A_69] : memref<2500x2x128xi32, #tpu.memory_space<hbm>> -> memref<1x2x128xi32, #tpu.memory_space<hbm>>
        %dma_start3A_71 = tpu.memref_squeeze %dma_start3A_70 : memref<1x2x128xi32, #tpu.memory_space<hbm>> -> memref<2x128xi32, #tpu.memory_space<hbm>>
        tpu.enqueue_dma source(%dma_start3A_71 : memref<2x128xi32, #tpu.memory_space<hbm>>) target(%arg10 : memref<2x128xi32, #tpu.memory_space<vmem>>) target_semaphore(%run_scoped3A : memref<!tpu.dma_semaphore, #tpu.memory_space<semaphore_mem>>)
        %dma_wait3A = arith.constant 0 : i32
        %dma_wait3A_72 = arith.constant 0 : i32
        %dma_wait3A_73 = tpu.memref_slice %arg3[%add3A_57, %dma_wait3A, %dma_wait3A_72] : memref<2500x2x128xi32, #tpu.memory_space<hbm>> -> memref<1x2x128xi32, #tpu.memory_space<hbm>>
        %dma_wait3A_74 = tpu.memref_squeeze %dma_wait3A_73 : memref<1x2x128xi32, #tpu.memory_space<hbm>> -> memref<2x128xi32, #tpu.memory_space<hbm>>
        %dma_wait3A_75 = arith.constant 0 : i32
        %dma_wait3A_76 = arith.constant 0 : i32
        %dma_wait3A_77 = tpu.memref_slice %arg3[%add3A_57, %dma_wait3A_75, %dma_wait3A_76] : memref<2500x2x128xi32, #tpu.memory_space<hbm>> -> memref<1x2x128xi32, #tpu.memory_space<hbm>>
        %dma_wait3A_78 = tpu.memref_squeeze %dma_wait3A_77 : memref<1x2x128xi32, #tpu.memory_space<hbm>> -> memref<2x128xi32, #tpu.memory_space<hbm>>
        tpu.wait_dma2 semaphore(%run_scoped3A : memref<!tpu.dma_semaphore, #tpu.memory_space<semaphore_mem>>) src(%dma_wait3A_78 : memref<2x128xi32, #tpu.memory_space<hbm>>) dst(%arg10 : memref<2x128xi32, #tpu.memory_space<vmem>>)
        tpu.yield
      }) : () -> ()
      %dma_start3A = arith.constant 0 : i32
      %dma_start3A_58 = arith.constant 0 : i32
      %dma_start3A_59 = tpu.memref_slice %arg10[%dma_start3A, %dma_start3A_58] : memref<2x128xi32, #tpu.memory_space<vmem>> -> memref<1x128xi32, #tpu.memory_space<vmem>>
      %dma_start3A_60 = tpu.memref_squeeze %dma_start3A_59 : memref<1x128xi32, #tpu.memory_space<vmem>> -> memref<128xi32, #tpu.memory_space<vmem>>
      %dma_start3A_61 = arith.constant 0 : i32
      %dma_start3A_62 = arith.constant 0 : i32
      %dma_start3A_63 = tpu.memref_slice %arg2[%dma_start3A_61, %dma_start3A_62] : memref<10000x48xf32, #tpu.memory_space<hbm>> -> memref<10000x48xf32, #tpu.memory_space<hbm>>
      tpu.enqueue_indirect_dma source(%dma_start3A_63 : memref<10000x48xf32, #tpu.memory_space<hbm>>) target(%arg16 : memref<128x48xf32, #tpu.memory_space<vmem>>) offsets(%dma_start3A_60 : memref<128xi32, #tpu.memory_space<vmem>>) semaphore(%arg23 : memref<!tpu.dma_semaphore, #tpu.memory_space<semaphore_mem>>)
    } else {
    }
    %add3A_39 = arith.constant 160 : i32
    %add3A_40 = arith.addi %add3A, %add3A_39 : i32
    %lt3A_41 = arith.constant 2500 : i32
    %lt3A_42 = arith.cmpi slt, %add3A_40, %lt3A_41 : i32
    %convert_element_type3A_43 = arith.extui %lt3A_42 : i1 to i32
    %cond3A_44 = arith.constant 0 : i32
    %cond3A_45 = arith.cmpi ne, %convert_element_type3A_43, %cond3A_44 : i32
    scf.if %cond3A_45 {
      %add3A_56 = arith.constant 160 : i32
      %add3A_57 = arith.addi %add3A, %add3A_56 : i32
      "tpu.region"() ({
        %run_scoped3A = tpu.sem_alloc : memref<!tpu.dma_semaphore, #tpu.memory_space<semaphore_mem>>
        %dma_start3A_64 = arith.constant 0 : i32
        %dma_start3A_65 = arith.constant 0 : i32
        %dma_start3A_66 = tpu.memref_slice %arg3[%add3A_57, %dma_start3A_64, %dma_start3A_65] : memref<2500x2x128xi32, #tpu.memory_space<hbm>> -> memref<1x2x128xi32, #tpu.memory_space<hbm>>
        %dma_start3A_67 = tpu.memref_squeeze %dma_start3A_66 : memref<1x2x128xi32, #tpu.memory_space<hbm>> -> memref<2x128xi32, #tpu.memory_space<hbm>>
        %dma_start3A_68 = arith.constant 0 : i32
        %dma_start3A_69 = arith.constant 0 : i32
        %dma_start3A_70 = tpu.memref_slice %arg3[%add3A_57, %dma_start3A_68, %dma_start3A_69] : memref<2500x2x128xi32, #tpu.memory_space<hbm>> -> memref<1x2x128xi32, #tpu.memory_space<hbm>>
        %dma_start3A_71 = tpu.memref_squeeze %dma_start3A_70 : memref<1x2x128xi32, #tpu.memory_space<hbm>> -> memref<2x128xi32, #tpu.memory_space<hbm>>
        tpu.enqueue_dma source(%dma_start3A_71 : memref<2x128xi32, #tpu.memory_space<hbm>>) target(%arg11 : memref<2x128xi32, #tpu.memory_space<vmem>>) target_semaphore(%run_scoped3A : memref<!tpu.dma_semaphore, #tpu.memory_space<semaphore_mem>>)
        %dma_wait3A = arith.constant 0 : i32
        %dma_wait3A_72 = arith.constant 0 : i32
        %dma_wait3A_73 = tpu.memref_slice %arg3[%add3A_57, %dma_wait3A, %dma_wait3A_72] : memref<2500x2x128xi32, #tpu.memory_space<hbm>> -> memref<1x2x128xi32, #tpu.memory_space<hbm>>
        %dma_wait3A_74 = tpu.memref_squeeze %dma_wait3A_73 : memref<1x2x128xi32, #tpu.memory_space<hbm>> -> memref<2x128xi32, #tpu.memory_space<hbm>>
        %dma_wait3A_75 = arith.constant 0 : i32
        %dma_wait3A_76 = arith.constant 0 : i32
        %dma_wait3A_77 = tpu.memref_slice %arg3[%add3A_57, %dma_wait3A_75, %dma_wait3A_76] : memref<2500x2x128xi32, #tpu.memory_space<hbm>> -> memref<1x2x128xi32, #tpu.memory_space<hbm>>
        %dma_wait3A_78 = tpu.memref_squeeze %dma_wait3A_77 : memref<1x2x128xi32, #tpu.memory_space<hbm>> -> memref<2x128xi32, #tpu.memory_space<hbm>>
        tpu.wait_dma2 semaphore(%run_scoped3A : memref<!tpu.dma_semaphore, #tpu.memory_space<semaphore_mem>>) src(%dma_wait3A_78 : memref<2x128xi32, #tpu.memory_space<hbm>>) dst(%arg11 : memref<2x128xi32, #tpu.memory_space<vmem>>)
        tpu.yield
      }) : () -> ()
      %dma_start3A = arith.constant 0 : i32
      %dma_start3A_58 = arith.constant 0 : i32
      %dma_start3A_59 = tpu.memref_slice %arg11[%dma_start3A, %dma_start3A_58] : memref<2x128xi32, #tpu.memory_space<vmem>> -> memref<1x128xi32, #tpu.memory_space<vmem>>
      %dma_start3A_60 = tpu.memref_squeeze %dma_start3A_59 : memref<1x128xi32, #tpu.memory_space<vmem>> -> memref<128xi32, #tpu.memory_space<vmem>>
      %dma_start3A_61 = arith.constant 0 : i32
      %dma_start3A_62 = arith.constant 0 : i32
      %dma_start3A_63 = tpu.memref_slice %arg2[%dma_start3A_61, %dma_start3A_62] : memref<10000x48xf32, #tpu.memory_space<hbm>> -> memref<10000x48xf32, #tpu.memory_space<hbm>>
      tpu.enqueue_indirect_dma source(%dma_start3A_63 : memref<10000x48xf32, #tpu.memory_space<hbm>>) target(%arg17 : memref<128x48xf32, #tpu.memory_space<vmem>>) offsets(%dma_start3A_60 : memref<128xi32, #tpu.memory_space<vmem>>) semaphore(%arg24 : memref<!tpu.dma_semaphore, #tpu.memory_space<semaphore_mem>>)
    } else {
    }
    %scan3A = arith.constant 0 : i32
    %scan3A_46 = arith.constant 14 : i32
    %scan3A_47 = arith.addi %scan3A, %scan3A_46 : i32
    %scan3A_48 = arith.constant 1 : i32
    scf.for %scan3A_56 = %scan3A to %scan3A_47 step %scan3A_48  : i32 {
      %mul3A_57 = arith.constant 1 : i32
      %mul3A_58 = arith.muli %scan3A_56, %mul3A_57 : i32
      %add3A_59 = arith.constant 0 : i32
      %add3A_60 = arith.addi %add3A_59, %mul3A_58 : i32
      %mul3A_61 = arith.constant 6 : i32
      %mul3A_62 = arith.muli %add3A_60, %mul3A_61 : i32
      %add3A_63 = arith.constant 0 : i32
      %add3A_64 = arith.addi %mul3A_62, %add3A_63 : i32
      %mul3A_65 = arith.constant 32 : i32
      %mul3A_66 = arith.muli %add3A_64, %mul3A_65 : i32
      %add3A_67 = arith.addi %add3A, %mul3A_66 : i32
      %lt3A_68 = arith.constant 2500 : i32
      %lt3A_69 = arith.cmpi slt, %add3A_67, %lt3A_68 : i32
      %convert_element_type3A_70 = arith.extui %lt3A_69 : i1 to i32
      %cond3A_71 = arith.constant 0 : i32
      %cond3A_72 = arith.cmpi ne, %convert_element_type3A_70, %cond3A_71 : i32
      scf.if %cond3A_72 {
        %dma_wait3A = arith.constant 0 : i32
        %dma_wait3A_254 = arith.constant 0 : i32
        %dma_wait3A_255 = tpu.memref_slice %arg6[%dma_wait3A, %dma_wait3A_254] : memref<2x128xi32, #tpu.memory_space<vmem>> -> memref<1x128xi32, #tpu.memory_space<vmem>>
        %dma_wait3A_256 = tpu.memref_squeeze %dma_wait3A_255 : memref<1x128xi32, #tpu.memory_space<vmem>> -> memref<128xi32, #tpu.memory_space<vmem>>
        %dma_wait3A_257 = arith.constant 0 : i32
        %dma_wait3A_258 = arith.constant 0 : i32
        %dma_wait3A_259 = tpu.memref_slice %arg2[%dma_wait3A_257, %dma_wait3A_258] : memref<10000x48xf32, #tpu.memory_space<hbm>> -> memref<10000x48xf32, #tpu.memory_space<hbm>>
        tpu.wait_indirect_dma semaphore(%arg19 : memref<!tpu.dma_semaphore, #tpu.memory_space<semaphore_mem>>) src(%dma_wait3A_259 : memref<10000x48xf32, #tpu.memory_space<hbm>>) dst(%arg12 : memref<128x48xf32, #tpu.memory_space<vmem>>)
        %dma_start3A = arith.constant 1 : i32
        %dma_start3A_260 = arith.constant 0 : i32
        %dma_start3A_261 = tpu.memref_slice %arg6[%dma_start3A, %dma_start3A_260] : memref<2x128xi32, #tpu.memory_space<vmem>> -> memref<1x128xi32, #tpu.memory_space<vmem>>
        %dma_start3A_262 = tpu.memref_squeeze %dma_start3A_261 : memref<1x128xi32, #tpu.memory_space<vmem>> -> memref<128xi32, #tpu.memory_space<vmem>>
        %dma_start3A_263 = arith.constant 0 : i32
        %dma_start3A_264 = arith.constant 0 : i32
        %dma_start3A_265 = tpu.memref_slice %arg18[%dma_start3A_263, %dma_start3A_264] : memref<10000x48xf32, #tpu.memory_space<vmem_shared>> -> memref<10000x48xf32, #tpu.memory_space<vmem_shared>>
        tpu.enqueue_indirect_dma source(%arg12 : memref<128x48xf32, #tpu.memory_space<vmem>>) target(%dma_start3A_265 : memref<10000x48xf32, #tpu.memory_space<vmem_shared>>) offsets(%dma_start3A_262 : memref<128xi32, #tpu.memory_space<vmem>>) semaphore(%arg25 : memref<!tpu.dma_semaphore, #tpu.memory_space<semaphore_mem>>) {add = true}
      } else {
      }
      %add3A_73 = arith.constant 0 : i32
      %add3A_74 = arith.addi %mul3A_62, %add3A_73 : i32
      %add3A_75 = arith.constant 6 : i32
      %add3A_76 = arith.addi %add3A_74, %add3A_75 : i32
      %sub3A = arith.constant 6 : i32
      %sub3A_77 = arith.subi %add3A_76, %sub3A : i32
      %mul3A_78 = arith.constant 32 : i32
      %mul3A_79 = arith.muli %sub3A_77, %mul3A_78 : i32
      %add3A_80 = arith.addi %add3A, %mul3A_79 : i32
      %lt3A_81 = arith.constant 2500 : i32
      %lt3A_82 = arith.cmpi slt, %add3A_80, %lt3A_81 : i32
      %convert_element_type3A_83 = arith.extui %lt3A_82 : i1 to i32
      %cond3A_84 = arith.constant 0 : i32
      %cond3A_85 = arith.cmpi ne, %convert_element_type3A_83, %cond3A_84 : i32
      scf.if %cond3A_85 {
        %sub3A_254 = arith.constant 6 : i32
        %sub3A_255 = arith.subi %add3A_76, %sub3A_254 : i32
        %dma_wait3A = arith.constant 1 : i32
        %dma_wait3A_256 = arith.constant 0 : i32
        %dma_wait3A_257 = tpu.memref_slice %arg6[%dma_wait3A, %dma_wait3A_256] : memref<2x128xi32, #tpu.memory_space<vmem>> -> memref<1x128xi32, #tpu.memory_space<vmem>>
        %dma_wait3A_258 = tpu.memref_squeeze %dma_wait3A_257 : memref<1x128xi32, #tpu.memory_space<vmem>> -> memref<128xi32, #tpu.memory_space<vmem>>
        %dma_wait3A_259 = arith.constant 0 : i32
        %dma_wait3A_260 = arith.constant 0 : i32
        %dma_wait3A_261 = tpu.memref_slice %arg18[%dma_wait3A_259, %dma_wait3A_260] : memref<10000x48xf32, #tpu.memory_space<vmem_shared>> -> memref<10000x48xf32, #tpu.memory_space<vmem_shared>>
        tpu.wait_indirect_dma semaphore(%arg25 : memref<!tpu.dma_semaphore, #tpu.memory_space<semaphore_mem>>) src(%arg12 : memref<128x48xf32, #tpu.memory_space<vmem>>) dst(%dma_wait3A_261 : memref<10000x48xf32, #tpu.memory_space<vmem_shared>>)
      } else {
      }
      %mul3A_86 = arith.constant 32 : i32
      %mul3A_87 = arith.muli %add3A_76, %mul3A_86 : i32
      %add3A_88 = arith.addi %add3A, %mul3A_87 : i32
      %lt3A_89 = arith.constant 2500 : i32
      %lt3A_90 = arith.cmpi slt, %add3A_88, %lt3A_89 : i32
      %convert_element_type3A_91 = arith.extui %lt3A_90 : i1 to i32
      %cond3A_92 = arith.constant 0 : i32
      %cond3A_93 = arith.cmpi ne, %convert_element_type3A_91, %cond3A_92 : i32
      scf.if %cond3A_93 {
        %mul3A_254 = arith.constant 32 : i32
        %mul3A_255 = arith.muli %add3A_76, %mul3A_254 : i32
        %add3A_256 = arith.addi %add3A, %mul3A_255 : i32
        "tpu.region"() ({
          %run_scoped3A = tpu.sem_alloc : memref<!tpu.dma_semaphore, #tpu.memory_space<semaphore_mem>>
          %dma_start3A_263 = arith.constant 0 : i32
          %dma_start3A_264 = arith.constant 0 : i32
          %dma_start3A_265 = tpu.memref_slice %arg3[%add3A_256, %dma_start3A_263, %dma_start3A_264] : memref<2500x2x128xi32, #tpu.memory_space<hbm>> -> memref<1x2x128xi32, #tpu.memory_space<hbm>>
          %dma_start3A_266 = tpu.memref_squeeze %dma_start3A_265 : memref<1x2x128xi32, #tpu.memory_space<hbm>> -> memref<2x128xi32, #tpu.memory_space<hbm>>
          %dma_start3A_267 = arith.constant 0 : i32
          %dma_start3A_268 = arith.constant 0 : i32
          %dma_start3A_269 = tpu.memref_slice %arg3[%add3A_256, %dma_start3A_267, %dma_start3A_268] : memref<2500x2x128xi32, #tpu.memory_space<hbm>> -> memref<1x2x128xi32, #tpu.memory_space<hbm>>
          %dma_start3A_270 = tpu.memref_squeeze %dma_start3A_269 : memref<1x2x128xi32, #tpu.memory_space<hbm>> -> memref<2x128xi32, #tpu.memory_space<hbm>>
          tpu.enqueue_dma source(%dma_start3A_270 : memref<2x128xi32, #tpu.memory_space<hbm>>) target(%arg6 : memref<2x128xi32, #tpu.memory_space<vmem>>) target_semaphore(%run_scoped3A : memref<!tpu.dma_semaphore, #tpu.memory_space<semaphore_mem>>)
          %dma_wait3A = arith.constant 0 : i32
          %dma_wait3A_271 = arith.constant 0 : i32
          %dma_wait3A_272 = tpu.memref_slice %arg3[%add3A_256, %dma_wait3A, %dma_wait3A_271] : memref<2500x2x128xi32, #tpu.memory_space<hbm>> -> memref<1x2x128xi32, #tpu.memory_space<hbm>>
          %dma_wait3A_273 = tpu.memref_squeeze %dma_wait3A_272 : memref<1x2x128xi32, #tpu.memory_space<hbm>> -> memref<2x128xi32, #tpu.memory_space<hbm>>
          %dma_wait3A_274 = arith.constant 0 : i32
          %dma_wait3A_275 = arith.constant 0 : i32
          %dma_wait3A_276 = tpu.memref_slice %arg3[%add3A_256, %dma_wait3A_274, %dma_wait3A_275] : memref<2500x2x128xi32, #tpu.memory_space<hbm>> -> memref<1x2x128xi32, #tpu.memory_space<hbm>>
          %dma_wait3A_277 = tpu.memref_squeeze %dma_wait3A_276 : memref<1x2x128xi32, #tpu.memory_space<hbm>> -> memref<2x128xi32, #tpu.memory_space<hbm>>
          tpu.wait_dma2 semaphore(%run_scoped3A : memref<!tpu.dma_semaphore, #tpu.memory_space<semaphore_mem>>) src(%dma_wait3A_277 : memref<2x128xi32, #tpu.memory_space<hbm>>) dst(%arg6 : memref<2x128xi32, #tpu.memory_space<vmem>>)
          tpu.yield
        }) : () -> ()
        %dma_start3A = arith.constant 0 : i32
        %dma_start3A_257 = arith.constant 0 : i32
        %dma_start3A_258 = tpu.memref_slice %arg6[%dma_start3A, %dma_start3A_257] : memref<2x128xi32, #tpu.memory_space<vmem>> -> memref<1x128xi32, #tpu.memory_space<vmem>>
        %dma_start3A_259 = tpu.memref_squeeze %dma_start3A_258 : memref<1x128xi32, #tpu.memory_space<vmem>> -> memref<128xi32, #tpu.memory_space<vmem>>
        %dma_start3A_260 = arith.constant 0 : i32
        %dma_start3A_261 = arith.constant 0 : i32
        %dma_start3A_262 = tpu.memref_slice %arg2[%dma_start3A_260, %dma_start3A_261] : memref<10000x48xf32, #tpu.memory_space<hbm>> -> memref<10000x48xf32, #tpu.memory_space<hbm>>
        tpu.enqueue_indirect_dma source(%dma_start3A_262 : memref<10000x48xf32, #tpu.memory_space<hbm>>) target(%arg12 : memref<128x48xf32, #tpu.memory_space<vmem>>) offsets(%dma_start3A_259 : memref<128xi32, #tpu.memory_space<vmem>>) semaphore(%arg19 : memref<!tpu.dma_semaphore, #tpu.memory_space<semaphore_mem>>)
      } else {
      }
      %add3A_94 = arith.constant 1 : i32
      %add3A_95 = arith.addi %mul3A_62, %add3A_94 : i32
      %mul3A_96 = arith.constant 32 : i32
      %mul3A_97 = arith.muli %add3A_95, %mul3A_96 : i32
      %add3A_98 = arith.addi %add3A, %mul3A_97 : i32
      %lt3A_99 = arith.constant 2500 : i32
      %lt3A_100 = arith.cmpi slt, %add3A_98, %lt3A_99 : i32
      %convert_element_type3A_101 = arith.extui %lt3A_100 : i1 to i32
      %cond3A_102 = arith.constant 0 : i32
      %cond3A_103 = arith.cmpi ne, %convert_element_type3A_101, %cond3A_102 : i32
      scf.if %cond3A_103 {
        %dma_wait3A = arith.constant 0 : i32
        %dma_wait3A_254 = arith.constant 0 : i32
        %dma_wait3A_255 = tpu.memref_slice %arg7[%dma_wait3A, %dma_wait3A_254] : memref<2x128xi32, #tpu.memory_space<vmem>> -> memref<1x128xi32, #tpu.memory_space<vmem>>
        %dma_wait3A_256 = tpu.memref_squeeze %dma_wait3A_255 : memref<1x128xi32, #tpu.memory_space<vmem>> -> memref<128xi32, #tpu.memory_space<vmem>>
        %dma_wait3A_257 = arith.constant 0 : i32
        %dma_wait3A_258 = arith.constant 0 : i32
        %dma_wait3A_259 = tpu.memref_slice %arg2[%dma_wait3A_257, %dma_wait3A_258] : memref<10000x48xf32, #tpu.memory_space<hbm>> -> memref<10000x48xf32, #tpu.memory_space<hbm>>
        tpu.wait_indirect_dma semaphore(%arg20 : memref<!tpu.dma_semaphore, #tpu.memory_space<semaphore_mem>>) src(%dma_wait3A_259 : memref<10000x48xf32, #tpu.memory_space<hbm>>) dst(%arg13 : memref<128x48xf32, #tpu.memory_space<vmem>>)
        %dma_start3A = arith.constant 1 : i32
        %dma_start3A_260 = arith.constant 0 : i32
        %dma_start3A_261 = tpu.memref_slice %arg7[%dma_start3A, %dma_start3A_260] : memref<2x128xi32, #tpu.memory_space<vmem>> -> memref<1x128xi32, #tpu.memory_space<vmem>>
        %dma_start3A_262 = tpu.memref_squeeze %dma_start3A_261 : memref<1x128xi32, #tpu.memory_space<vmem>> -> memref<128xi32, #tpu.memory_space<vmem>>
        %dma_start3A_263 = arith.constant 0 : i32
        %dma_start3A_264 = arith.constant 0 : i32
        %dma_start3A_265 = tpu.memref_slice %arg18[%dma_start3A_263, %dma_start3A_264] : memref<10000x48xf32, #tpu.memory_space<vmem_shared>> -> memref<10000x48xf32, #tpu.memory_space<vmem_shared>>
        tpu.enqueue_indirect_dma source(%arg13 : memref<128x48xf32, #tpu.memory_space<vmem>>) target(%dma_start3A_265 : memref<10000x48xf32, #tpu.memory_space<vmem_shared>>) offsets(%dma_start3A_262 : memref<128xi32, #tpu.memory_space<vmem>>) semaphore(%arg26 : memref<!tpu.dma_semaphore, #tpu.memory_space<semaphore_mem>>) {add = true}
      } else {
      }
      %add3A_104 = arith.constant 1 : i32
      %add3A_105 = arith.addi %mul3A_62, %add3A_104 : i32
      %add3A_106 = arith.constant 6 : i32
      %add3A_107 = arith.addi %add3A_105, %add3A_106 : i32
      %sub3A_108 = arith.constant 6 : i32
      %sub3A_109 = arith.subi %add3A_107, %sub3A_108 : i32
      %mul3A_110 = arith.constant 32 : i32
      %mul3A_111 = arith.muli %sub3A_109, %mul3A_110 : i32
      %add3A_112 = arith.addi %add3A, %mul3A_111 : i32
      %lt3A_113 = arith.constant 2500 : i32
      %lt3A_114 = arith.cmpi slt, %add3A_112, %lt3A_113 : i32
      %convert_element_type3A_115 = arith.extui %lt3A_114 : i1 to i32
      %cond3A_116 = arith.constant 0 : i32
      %cond3A_117 = arith.cmpi ne, %convert_element_type3A_115, %cond3A_116 : i32
      scf.if %cond3A_117 {
        %sub3A_254 = arith.constant 6 : i32
        %sub3A_255 = arith.subi %add3A_107, %sub3A_254 : i32
        %dma_wait3A = arith.constant 1 : i32
        %dma_wait3A_256 = arith.constant 0 : i32
        %dma_wait3A_257 = tpu.memref_slice %arg7[%dma_wait3A, %dma_wait3A_256] : memref<2x128xi32, #tpu.memory_space<vmem>> -> memref<1x128xi32, #tpu.memory_space<vmem>>
        %dma_wait3A_258 = tpu.memref_squeeze %dma_wait3A_257 : memref<1x128xi32, #tpu.memory_space<vmem>> -> memref<128xi32, #tpu.memory_space<vmem>>
        %dma_wait3A_259 = arith.constant 0 : i32
        %dma_wait3A_260 = arith.constant 0 : i32
        %dma_wait3A_261 = tpu.memref_slice %arg18[%dma_wait3A_259, %dma_wait3A_260] : memref<10000x48xf32, #tpu.memory_space<vmem_shared>> -> memref<10000x48xf32, #tpu.memory_space<vmem_shared>>
        tpu.wait_indirect_dma semaphore(%arg26 : memref<!tpu.dma_semaphore, #tpu.memory_space<semaphore_mem>>) src(%arg13 : memref<128x48xf32, #tpu.memory_space<vmem>>) dst(%dma_wait3A_261 : memref<10000x48xf32, #tpu.memory_space<vmem_shared>>)
      } else {
      }
      %mul3A_118 = arith.constant 32 : i32
      %mul3A_119 = arith.muli %add3A_107, %mul3A_118 : i32
      %add3A_120 = arith.addi %add3A, %mul3A_119 : i32
      %lt3A_121 = arith.constant 2500 : i32
      %lt3A_122 = arith.cmpi slt, %add3A_120, %lt3A_121 : i32
      %convert_element_type3A_123 = arith.extui %lt3A_122 : i1 to i32
      %cond3A_124 = arith.constant 0 : i32
      %cond3A_125 = arith.cmpi ne, %convert_element_type3A_123, %cond3A_124 : i32
      scf.if %cond3A_125 {
        %mul3A_254 = arith.constant 32 : i32
        %mul3A_255 = arith.muli %add3A_107, %mul3A_254 : i32
        %add3A_256 = arith.addi %add3A, %mul3A_255 : i32
        "tpu.region"() ({
          %run_scoped3A = tpu.sem_alloc : memref<!tpu.dma_semaphore, #tpu.memory_space<semaphore_mem>>
          %dma_start3A_263 = arith.constant 0 : i32
          %dma_start3A_264 = arith.constant 0 : i32
          %dma_start3A_265 = tpu.memref_slice %arg3[%add3A_256, %dma_start3A_263, %dma_start3A_264] : memref<2500x2x128xi32, #tpu.memory_space<hbm>> -> memref<1x2x128xi32, #tpu.memory_space<hbm>>
          %dma_start3A_266 = tpu.memref_squeeze %dma_start3A_265 : memref<1x2x128xi32, #tpu.memory_space<hbm>> -> memref<2x128xi32, #tpu.memory_space<hbm>>
          %dma_start3A_267 = arith.constant 0 : i32
          %dma_start3A_268 = arith.constant 0 : i32
          %dma_start3A_269 = tpu.memref_slice %arg3[%add3A_256, %dma_start3A_267, %dma_start3A_268] : memref<2500x2x128xi32, #tpu.memory_space<hbm>> -> memref<1x2x128xi32, #tpu.memory_space<hbm>>
          %dma_start3A_270 = tpu.memref_squeeze %dma_start3A_269 : memref<1x2x128xi32, #tpu.memory_space<hbm>> -> memref<2x128xi32, #tpu.memory_space<hbm>>
          tpu.enqueue_dma source(%dma_start3A_270 : memref<2x128xi32, #tpu.memory_space<hbm>>) target(%arg7 : memref<2x128xi32, #tpu.memory_space<vmem>>) target_semaphore(%run_scoped3A : memref<!tpu.dma_semaphore, #tpu.memory_space<semaphore_mem>>)
          %dma_wait3A = arith.constant 0 : i32
          %dma_wait3A_271 = arith.constant 0 : i32
          %dma_wait3A_272 = tpu.memref_slice %arg3[%add3A_256, %dma_wait3A, %dma_wait3A_271] : memref<2500x2x128xi32, #tpu.memory_space<hbm>> -> memref<1x2x128xi32, #tpu.memory_space<hbm>>
          %dma_wait3A_273 = tpu.memref_squeeze %dma_wait3A_272 : memref<1x2x128xi32, #tpu.memory_space<hbm>> -> memref<2x128xi32, #tpu.memory_space<hbm>>
          %dma_wait3A_274 = arith.constant 0 : i32
          %dma_wait3A_275 = arith.constant 0 : i32
          %dma_wait3A_276 = tpu.memref_slice %arg3[%add3A_256, %dma_wait3A_274, %dma_wait3A_275] : memref<2500x2x128xi32, #tpu.memory_space<hbm>> -> memref<1x2x128xi32, #tpu.memory_space<hbm>>
          %dma_wait3A_277 = tpu.memref_squeeze %dma_wait3A_276 : memref<1x2x128xi32, #tpu.memory_space<hbm>> -> memref<2x128xi32, #tpu.memory_space<hbm>>
          tpu.wait_dma2 semaphore(%run_scoped3A : memref<!tpu.dma_semaphore, #tpu.memory_space<semaphore_mem>>) src(%dma_wait3A_277 : memref<2x128xi32, #tpu.memory_space<hbm>>) dst(%arg7 : memref<2x128xi32, #tpu.memory_space<vmem>>)
          tpu.yield
        }) : () -> ()
        %dma_start3A = arith.constant 0 : i32
        %dma_start3A_257 = arith.constant 0 : i32
        %dma_start3A_258 = tpu.memref_slice %arg7[%dma_start3A, %dma_start3A_257] : memref<2x128xi32, #tpu.memory_space<vmem>> -> memref<1x128xi32, #tpu.memory_space<vmem>>
        %dma_start3A_259 = tpu.memref_squeeze %dma_start3A_258 : memref<1x128xi32, #tpu.memory_space<vmem>> -> memref<128xi32, #tpu.memory_space<vmem>>
        %dma_start3A_260 = arith.constant 0 : i32
        %dma_start3A_261 = arith.constant 0 : i32
        %dma_start3A_262 = tpu.memref_slice %arg2[%dma_start3A_260, %dma_start3A_261] : memref<10000x48xf32, #tpu.memory_space<hbm>> -> memref<10000x48xf32, #tpu.memory_space<hbm>>
        tpu.enqueue_indirect_dma source(%dma_start3A_262 : memref<10000x48xf32, #tpu.memory_space<hbm>>) target(%arg13 : memref<128x48xf32, #tpu.memory_space<vmem>>) offsets(%dma_start3A_259 : memref<128xi32, #tpu.memory_space<vmem>>) semaphore(%arg20 : memref<!tpu.dma_semaphore, #tpu.memory_space<semaphore_mem>>)
      } else {
      }
      %add3A_126 = arith.constant 2 : i32
      %add3A_127 = arith.addi %mul3A_62, %add3A_126 : i32
      %mul3A_128 = arith.constant 32 : i32
      %mul3A_129 = arith.muli %add3A_127, %mul3A_128 : i32
      %add3A_130 = arith.addi %add3A, %mul3A_129 : i32
      %lt3A_131 = arith.constant 2500 : i32
      %lt3A_132 = arith.cmpi slt, %add3A_130, %lt3A_131 : i32
      %convert_element_type3A_133 = arith.extui %lt3A_132 : i1 to i32
      %cond3A_134 = arith.constant 0 : i32
      %cond3A_135 = arith.cmpi ne, %convert_element_type3A_133, %cond3A_134 : i32
      scf.if %cond3A_135 {
        %dma_wait3A = arith.constant 0 : i32
        %dma_wait3A_254 = arith.constant 0 : i32
        %dma_wait3A_255 = tpu.memref_slice %arg8[%dma_wait3A, %dma_wait3A_254] : memref<2x128xi32, #tpu.memory_space<vmem>> -> memref<1x128xi32, #tpu.memory_space<vmem>>
        %dma_wait3A_256 = tpu.memref_squeeze %dma_wait3A_255 : memref<1x128xi32, #tpu.memory_space<vmem>> -> memref<128xi32, #tpu.memory_space<vmem>>
        %dma_wait3A_257 = arith.constant 0 : i32
        %dma_wait3A_258 = arith.constant 0 : i32
        %dma_wait3A_259 = tpu.memref_slice %arg2[%dma_wait3A_257, %dma_wait3A_258] : memref<10000x48xf32, #tpu.memory_space<hbm>> -> memref<10000x48xf32, #tpu.memory_space<hbm>>
        tpu.wait_indirect_dma semaphore(%arg21 : memref<!tpu.dma_semaphore, #tpu.memory_space<semaphore_mem>>) src(%dma_wait3A_259 : memref<10000x48xf32, #tpu.memory_space<hbm>>) dst(%arg14 : memref<128x48xf32, #tpu.memory_space<vmem>>)
        %dma_start3A = arith.constant 1 : i32
        %dma_start3A_260 = arith.constant 0 : i32
        %dma_start3A_261 = tpu.memref_slice %arg8[%dma_start3A, %dma_start3A_260] : memref<2x128xi32, #tpu.memory_space<vmem>> -> memref<1x128xi32, #tpu.memory_space<vmem>>
        %dma_start3A_262 = tpu.memref_squeeze %dma_start3A_261 : memref<1x128xi32, #tpu.memory_space<vmem>> -> memref<128xi32, #tpu.memory_space<vmem>>
        %dma_start3A_263 = arith.constant 0 : i32
        %dma_start3A_264 = arith.constant 0 : i32
        %dma_start3A_265 = tpu.memref_slice %arg18[%dma_start3A_263, %dma_start3A_264] : memref<10000x48xf32, #tpu.memory_space<vmem_shared>> -> memref<10000x48xf32, #tpu.memory_space<vmem_shared>>
        tpu.enqueue_indirect_dma source(%arg14 : memref<128x48xf32, #tpu.memory_space<vmem>>) target(%dma_start3A_265 : memref<10000x48xf32, #tpu.memory_space<vmem_shared>>) offsets(%dma_start3A_262 : memref<128xi32, #tpu.memory_space<vmem>>) semaphore(%arg27 : memref<!tpu.dma_semaphore, #tpu.memory_space<semaphore_mem>>) {add = true}
      } else {
      }
      %add3A_136 = arith.constant 2 : i32
      %add3A_137 = arith.addi %mul3A_62, %add3A_136 : i32
      %add3A_138 = arith.constant 6 : i32
      %add3A_139 = arith.addi %add3A_137, %add3A_138 : i32
      %sub3A_140 = arith.constant 6 : i32
      %sub3A_141 = arith.subi %add3A_139, %sub3A_140 : i32
      %mul3A_142 = arith.constant 32 : i32
      %mul3A_143 = arith.muli %sub3A_141, %mul3A_142 : i32
      %add3A_144 = arith.addi %add3A, %mul3A_143 : i32
      %lt3A_145 = arith.constant 2500 : i32
      %lt3A_146 = arith.cmpi slt, %add3A_144, %lt3A_145 : i32
      %convert_element_type3A_147 = arith.extui %lt3A_146 : i1 to i32
      %cond3A_148 = arith.constant 0 : i32
      %cond3A_149 = arith.cmpi ne, %convert_element_type3A_147, %cond3A_148 : i32
      scf.if %cond3A_149 {
        %sub3A_254 = arith.constant 6 : i32
        %sub3A_255 = arith.subi %add3A_139, %sub3A_254 : i32
        %dma_wait3A = arith.constant 1 : i32
        %dma_wait3A_256 = arith.constant 0 : i32
        %dma_wait3A_257 = tpu.memref_slice %arg8[%dma_wait3A, %dma_wait3A_256] : memref<2x128xi32, #tpu.memory_space<vmem>> -> memref<1x128xi32, #tpu.memory_space<vmem>>
        %dma_wait3A_258 = tpu.memref_squeeze %dma_wait3A_257 : memref<1x128xi32, #tpu.memory_space<vmem>> -> memref<128xi32, #tpu.memory_space<vmem>>
        %dma_wait3A_259 = arith.constant 0 : i32
        %dma_wait3A_260 = arith.constant 0 : i32
        %dma_wait3A_261 = tpu.memref_slice %arg18[%dma_wait3A_259, %dma_wait3A_260] : memref<10000x48xf32, #tpu.memory_space<vmem_shared>> -> memref<10000x48xf32, #tpu.memory_space<vmem_shared>>
        tpu.wait_indirect_dma semaphore(%arg27 : memref<!tpu.dma_semaphore, #tpu.memory_space<semaphore_mem>>) src(%arg14 : memref<128x48xf32, #tpu.memory_space<vmem>>) dst(%dma_wait3A_261 : memref<10000x48xf32, #tpu.memory_space<vmem_shared>>)
      } else {
      }
      %mul3A_150 = arith.constant 32 : i32
      %mul3A_151 = arith.muli %add3A_139, %mul3A_150 : i32
      %add3A_152 = arith.addi %add3A, %mul3A_151 : i32
      %lt3A_153 = arith.constant 2500 : i32
      %lt3A_154 = arith.cmpi slt, %add3A_152, %lt3A_153 : i32
      %convert_element_type3A_155 = arith.extui %lt3A_154 : i1 to i32
      %cond3A_156 = arith.constant 0 : i32
      %cond3A_157 = arith.cmpi ne, %convert_element_type3A_155, %cond3A_156 : i32
      scf.if %cond3A_157 {
        %mul3A_254 = arith.constant 32 : i32
        %mul3A_255 = arith.muli %add3A_139, %mul3A_254 : i32
        %add3A_256 = arith.addi %add3A, %mul3A_255 : i32
        "tpu.region"() ({
          %run_scoped3A = tpu.sem_alloc : memref<!tpu.dma_semaphore, #tpu.memory_space<semaphore_mem>>
          %dma_start3A_263 = arith.constant 0 : i32
          %dma_start3A_264 = arith.constant 0 : i32
          %dma_start3A_265 = tpu.memref_slice %arg3[%add3A_256, %dma_start3A_263, %dma_start3A_264] : memref<2500x2x128xi32, #tpu.memory_space<hbm>> -> memref<1x2x128xi32, #tpu.memory_space<hbm>>
          %dma_start3A_266 = tpu.memref_squeeze %dma_start3A_265 : memref<1x2x128xi32, #tpu.memory_space<hbm>> -> memref<2x128xi32, #tpu.memory_space<hbm>>
          %dma_start3A_267 = arith.constant 0 : i32
          %dma_start3A_268 = arith.constant 0 : i32
          %dma_start3A_269 = tpu.memref_slice %arg3[%add3A_256, %dma_start3A_267, %dma_start3A_268] : memref<2500x2x128xi32, #tpu.memory_space<hbm>> -> memref<1x2x128xi32, #tpu.memory_space<hbm>>
          %dma_start3A_270 = tpu.memref_squeeze %dma_start3A_269 : memref<1x2x128xi32, #tpu.memory_space<hbm>> -> memref<2x128xi32, #tpu.memory_space<hbm>>
          tpu.enqueue_dma source(%dma_start3A_270 : memref<2x128xi32, #tpu.memory_space<hbm>>) target(%arg8 : memref<2x128xi32, #tpu.memory_space<vmem>>) target_semaphore(%run_scoped3A : memref<!tpu.dma_semaphore, #tpu.memory_space<semaphore_mem>>)
          %dma_wait3A = arith.constant 0 : i32
          %dma_wait3A_271 = arith.constant 0 : i32
          %dma_wait3A_272 = tpu.memref_slice %arg3[%add3A_256, %dma_wait3A, %dma_wait3A_271] : memref<2500x2x128xi32, #tpu.memory_space<hbm>> -> memref<1x2x128xi32, #tpu.memory_space<hbm>>
          %dma_wait3A_273 = tpu.memref_squeeze %dma_wait3A_272 : memref<1x2x128xi32, #tpu.memory_space<hbm>> -> memref<2x128xi32, #tpu.memory_space<hbm>>
          %dma_wait3A_274 = arith.constant 0 : i32
          %dma_wait3A_275 = arith.constant 0 : i32
          %dma_wait3A_276 = tpu.memref_slice %arg3[%add3A_256, %dma_wait3A_274, %dma_wait3A_275] : memref<2500x2x128xi32, #tpu.memory_space<hbm>> -> memref<1x2x128xi32, #tpu.memory_space<hbm>>
          %dma_wait3A_277 = tpu.memref_squeeze %dma_wait3A_276 : memref<1x2x128xi32, #tpu.memory_space<hbm>> -> memref<2x128xi32, #tpu.memory_space<hbm>>
          tpu.wait_dma2 semaphore(%run_scoped3A : memref<!tpu.dma_semaphore, #tpu.memory_space<semaphore_mem>>) src(%dma_wait3A_277 : memref<2x128xi32, #tpu.memory_space<hbm>>) dst(%arg8 : memref<2x128xi32, #tpu.memory_space<vmem>>)
          tpu.yield
        }) : () -> ()
        %dma_start3A = arith.constant 0 : i32
        %dma_start3A_257 = arith.constant 0 : i32
        %dma_start3A_258 = tpu.memref_slice %arg8[%dma_start3A, %dma_start3A_257] : memref<2x128xi32, #tpu.memory_space<vmem>> -> memref<1x128xi32, #tpu.memory_space<vmem>>
        %dma_start3A_259 = tpu.memref_squeeze %dma_start3A_258 : memref<1x128xi32, #tpu.memory_space<vmem>> -> memref<128xi32, #tpu.memory_space<vmem>>
        %dma_start3A_260 = arith.constant 0 : i32
        %dma_start3A_261 = arith.constant 0 : i32
        %dma_start3A_262 = tpu.memref_slice %arg2[%dma_start3A_260, %dma_start3A_261] : memref<10000x48xf32, #tpu.memory_space<hbm>> -> memref<10000x48xf32, #tpu.memory_space<hbm>>
        tpu.enqueue_indirect_dma source(%dma_start3A_262 : memref<10000x48xf32, #tpu.memory_space<hbm>>) target(%arg14 : memref<128x48xf32, #tpu.memory_space<vmem>>) offsets(%dma_start3A_259 : memref<128xi32, #tpu.memory_space<vmem>>) semaphore(%arg21 : memref<!tpu.dma_semaphore, #tpu.memory_space<semaphore_mem>>)
      } else {
      }
      %add3A_158 = arith.constant 3 : i32
      %add3A_159 = arith.addi %mul3A_62, %add3A_158 : i32
      %mul3A_160 = arith.constant 32 : i32
      %mul3A_161 = arith.muli %add3A_159, %mul3A_160 : i32
      %add3A_162 = arith.addi %add3A, %mul3A_161 : i32
      %lt3A_163 = arith.constant 2500 : i32
      %lt3A_164 = arith.cmpi slt, %add3A_162, %lt3A_163 : i32
      %convert_element_type3A_165 = arith.extui %lt3A_164 : i1 to i32
      %cond3A_166 = arith.constant 0 : i32
      %cond3A_167 = arith.cmpi ne, %convert_element_type3A_165, %cond3A_166 : i32
      scf.if %cond3A_167 {
        %dma_wait3A = arith.constant 0 : i32
        %dma_wait3A_254 = arith.constant 0 : i32
        %dma_wait3A_255 = tpu.memref_slice %arg9[%dma_wait3A, %dma_wait3A_254] : memref<2x128xi32, #tpu.memory_space<vmem>> -> memref<1x128xi32, #tpu.memory_space<vmem>>
        %dma_wait3A_256 = tpu.memref_squeeze %dma_wait3A_255 : memref<1x128xi32, #tpu.memory_space<vmem>> -> memref<128xi32, #tpu.memory_space<vmem>>
        %dma_wait3A_257 = arith.constant 0 : i32
        %dma_wait3A_258 = arith.constant 0 : i32
        %dma_wait3A_259 = tpu.memref_slice %arg2[%dma_wait3A_257, %dma_wait3A_258] : memref<10000x48xf32, #tpu.memory_space<hbm>> -> memref<10000x48xf32, #tpu.memory_space<hbm>>
        tpu.wait_indirect_dma semaphore(%arg22 : memref<!tpu.dma_semaphore, #tpu.memory_space<semaphore_mem>>) src(%dma_wait3A_259 : memref<10000x48xf32, #tpu.memory_space<hbm>>) dst(%arg15 : memref<128x48xf32, #tpu.memory_space<vmem>>)
        %dma_start3A = arith.constant 1 : i32
        %dma_start3A_260 = arith.constant 0 : i32
        %dma_start3A_261 = tpu.memref_slice %arg9[%dma_start3A, %dma_start3A_260] : memref<2x128xi32, #tpu.memory_space<vmem>> -> memref<1x128xi32, #tpu.memory_space<vmem>>
        %dma_start3A_262 = tpu.memref_squeeze %dma_start3A_261 : memref<1x128xi32, #tpu.memory_space<vmem>> -> memref<128xi32, #tpu.memory_space<vmem>>
        %dma_start3A_263 = arith.constant 0 : i32
        %dma_start3A_264 = arith.constant 0 : i32
        %dma_start3A_265 = tpu.memref_slice %arg18[%dma_start3A_263, %dma_start3A_264] : memref<10000x48xf32, #tpu.memory_space<vmem_shared>> -> memref<10000x48xf32, #tpu.memory_space<vmem_shared>>
        tpu.enqueue_indirect_dma source(%arg15 : memref<128x48xf32, #tpu.memory_space<vmem>>) target(%dma_start3A_265 : memref<10000x48xf32, #tpu.memory_space<vmem_shared>>) offsets(%dma_start3A_262 : memref<128xi32, #tpu.memory_space<vmem>>) semaphore(%arg28 : memref<!tpu.dma_semaphore, #tpu.memory_space<semaphore_mem>>) {add = true}
      } else {
      }
      %add3A_168 = arith.constant 3 : i32
      %add3A_169 = arith.addi %mul3A_62, %add3A_168 : i32
      %add3A_170 = arith.constant 6 : i32
      %add3A_171 = arith.addi %add3A_169, %add3A_170 : i32
      %sub3A_172 = arith.constant 6 : i32
      %sub3A_173 = arith.subi %add3A_171, %sub3A_172 : i32
      %mul3A_174 = arith.constant 32 : i32
      %mul3A_175 = arith.muli %sub3A_173, %mul3A_174 : i32
      %add3A_176 = arith.addi %add3A, %mul3A_175 : i32
      %lt3A_177 = arith.constant 2500 : i32
      %lt3A_178 = arith.cmpi slt, %add3A_176, %lt3A_177 : i32
      %convert_element_type3A_179 = arith.extui %lt3A_178 : i1 to i32
      %cond3A_180 = arith.constant 0 : i32
      %cond3A_181 = arith.cmpi ne, %convert_element_type3A_179, %cond3A_180 : i32
      scf.if %cond3A_181 {
        %sub3A_254 = arith.constant 6 : i32
        %sub3A_255 = arith.subi %add3A_171, %sub3A_254 : i32
        %dma_wait3A = arith.constant 1 : i32
        %dma_wait3A_256 = arith.constant 0 : i32
        %dma_wait3A_257 = tpu.memref_slice %arg9[%dma_wait3A, %dma_wait3A_256] : memref<2x128xi32, #tpu.memory_space<vmem>> -> memref<1x128xi32, #tpu.memory_space<vmem>>
        %dma_wait3A_258 = tpu.memref_squeeze %dma_wait3A_257 : memref<1x128xi32, #tpu.memory_space<vmem>> -> memref<128xi32, #tpu.memory_space<vmem>>
        %dma_wait3A_259 = arith.constant 0 : i32
        %dma_wait3A_260 = arith.constant 0 : i32
        %dma_wait3A_261 = tpu.memref_slice %arg18[%dma_wait3A_259, %dma_wait3A_260] : memref<10000x48xf32, #tpu.memory_space<vmem_shared>> -> memref<10000x48xf32, #tpu.memory_space<vmem_shared>>
        tpu.wait_indirect_dma semaphore(%arg28 : memref<!tpu.dma_semaphore, #tpu.memory_space<semaphore_mem>>) src(%arg15 : memref<128x48xf32, #tpu.memory_space<vmem>>) dst(%dma_wait3A_261 : memref<10000x48xf32, #tpu.memory_space<vmem_shared>>)
      } else {
      }
      %mul3A_182 = arith.constant 32 : i32
      %mul3A_183 = arith.muli %add3A_171, %mul3A_182 : i32
      %add3A_184 = arith.addi %add3A, %mul3A_183 : i32
      %lt3A_185 = arith.constant 2500 : i32
      %lt3A_186 = arith.cmpi slt, %add3A_184, %lt3A_185 : i32
      %convert_element_type3A_187 = arith.extui %lt3A_186 : i1 to i32
      %cond3A_188 = arith.constant 0 : i32
      %cond3A_189 = arith.cmpi ne, %convert_element_type3A_187, %cond3A_188 : i32
      scf.if %cond3A_189 {
        %mul3A_254 = arith.constant 32 : i32
        %mul3A_255 = arith.muli %add3A_171, %mul3A_254 : i32
        %add3A_256 = arith.addi %add3A, %mul3A_255 : i32
        "tpu.region"() ({
          %run_scoped3A = tpu.sem_alloc : memref<!tpu.dma_semaphore, #tpu.memory_space<semaphore_mem>>
          %dma_start3A_263 = arith.constant 0 : i32
          %dma_start3A_264 = arith.constant 0 : i32
          %dma_start3A_265 = tpu.memref_slice %arg3[%add3A_256, %dma_start3A_263, %dma_start3A_264] : memref<2500x2x128xi32, #tpu.memory_space<hbm>> -> memref<1x2x128xi32, #tpu.memory_space<hbm>>
          %dma_start3A_266 = tpu.memref_squeeze %dma_start3A_265 : memref<1x2x128xi32, #tpu.memory_space<hbm>> -> memref<2x128xi32, #tpu.memory_space<hbm>>
          %dma_start3A_267 = arith.constant 0 : i32
          %dma_start3A_268 = arith.constant 0 : i32
          %dma_start3A_269 = tpu.memref_slice %arg3[%add3A_256, %dma_start3A_267, %dma_start3A_268] : memref<2500x2x128xi32, #tpu.memory_space<hbm>> -> memref<1x2x128xi32, #tpu.memory_space<hbm>>
          %dma_start3A_270 = tpu.memref_squeeze %dma_start3A_269 : memref<1x2x128xi32, #tpu.memory_space<hbm>> -> memref<2x128xi32, #tpu.memory_space<hbm>>
          tpu.enqueue_dma source(%dma_start3A_270 : memref<2x128xi32, #tpu.memory_space<hbm>>) target(%arg9 : memref<2x128xi32, #tpu.memory_space<vmem>>) target_semaphore(%run_scoped3A : memref<!tpu.dma_semaphore, #tpu.memory_space<semaphore_mem>>)
          %dma_wait3A = arith.constant 0 : i32
          %dma_wait3A_271 = arith.constant 0 : i32
          %dma_wait3A_272 = tpu.memref_slice %arg3[%add3A_256, %dma_wait3A, %dma_wait3A_271] : memref<2500x2x128xi32, #tpu.memory_space<hbm>> -> memref<1x2x128xi32, #tpu.memory_space<hbm>>
          %dma_wait3A_273 = tpu.memref_squeeze %dma_wait3A_272 : memref<1x2x128xi32, #tpu.memory_space<hbm>> -> memref<2x128xi32, #tpu.memory_space<hbm>>
          %dma_wait3A_274 = arith.constant 0 : i32
          %dma_wait3A_275 = arith.constant 0 : i32
          %dma_wait3A_276 = tpu.memref_slice %arg3[%add3A_256, %dma_wait3A_274, %dma_wait3A_275] : memref<2500x2x128xi32, #tpu.memory_space<hbm>> -> memref<1x2x128xi32, #tpu.memory_space<hbm>>
          %dma_wait3A_277 = tpu.memref_squeeze %dma_wait3A_276 : memref<1x2x128xi32, #tpu.memory_space<hbm>> -> memref<2x128xi32, #tpu.memory_space<hbm>>
          tpu.wait_dma2 semaphore(%run_scoped3A : memref<!tpu.dma_semaphore, #tpu.memory_space<semaphore_mem>>) src(%dma_wait3A_277 : memref<2x128xi32, #tpu.memory_space<hbm>>) dst(%arg9 : memref<2x128xi32, #tpu.memory_space<vmem>>)
          tpu.yield
        }) : () -> ()
        %dma_start3A = arith.constant 0 : i32
        %dma_start3A_257 = arith.constant 0 : i32
        %dma_start3A_258 = tpu.memref_slice %arg9[%dma_start3A, %dma_start3A_257] : memref<2x128xi32, #tpu.memory_space<vmem>> -> memref<1x128xi32, #tpu.memory_space<vmem>>
        %dma_start3A_259 = tpu.memref_squeeze %dma_start3A_258 : memref<1x128xi32, #tpu.memory_space<vmem>> -> memref<128xi32, #tpu.memory_space<vmem>>
        %dma_start3A_260 = arith.constant 0 : i32
        %dma_start3A_261 = arith.constant 0 : i32
        %dma_start3A_262 = tpu.memref_slice %arg2[%dma_start3A_260, %dma_start3A_261] : memref<10000x48xf32, #tpu.memory_space<hbm>> -> memref<10000x48xf32, #tpu.memory_space<hbm>>
        tpu.enqueue_indirect_dma source(%dma_start3A_262 : memref<10000x48xf32, #tpu.memory_space<hbm>>) target(%arg15 : memref<128x48xf32, #tpu.memory_space<vmem>>) offsets(%dma_start3A_259 : memref<128xi32, #tpu.memory_space<vmem>>) semaphore(%arg22 : memref<!tpu.dma_semaphore, #tpu.memory_space<semaphore_mem>>)
      } else {
      }
      %add3A_190 = arith.constant 4 : i32
      %add3A_191 = arith.addi %mul3A_62, %add3A_190 : i32
      %mul3A_192 = arith.constant 32 : i32
      %mul3A_193 = arith.muli %add3A_191, %mul3A_192 : i32
      %add3A_194 = arith.addi %add3A, %mul3A_193 : i32
      %lt3A_195 = arith.constant 2500 : i32
      %lt3A_196 = arith.cmpi slt, %add3A_194, %lt3A_195 : i32
      %convert_element_type3A_197 = arith.extui %lt3A_196 : i1 to i32
      %cond3A_198 = arith.constant 0 : i32
      %cond3A_199 = arith.cmpi ne, %convert_element_type3A_197, %cond3A_198 : i32
      scf.if %cond3A_199 {
        %dma_wait3A = arith.constant 0 : i32
        %dma_wait3A_254 = arith.constant 0 : i32
        %dma_wait3A_255 = tpu.memref_slice %arg10[%dma_wait3A, %dma_wait3A_254] : memref<2x128xi32, #tpu.memory_space<vmem>> -> memref<1x128xi32, #tpu.memory_space<vmem>>
        %dma_wait3A_256 = tpu.memref_squeeze %dma_wait3A_255 : memref<1x128xi32, #tpu.memory_space<vmem>> -> memref<128xi32, #tpu.memory_space<vmem>>
        %dma_wait3A_257 = arith.constant 0 : i32
        %dma_wait3A_258 = arith.constant 0 : i32
        %dma_wait3A_259 = tpu.memref_slice %arg2[%dma_wait3A_257, %dma_wait3A_258] : memref<10000x48xf32, #tpu.memory_space<hbm>> -> memref<10000x48xf32, #tpu.memory_space<hbm>>
        tpu.wait_indirect_dma semaphore(%arg23 : memref<!tpu.dma_semaphore, #tpu.memory_space<semaphore_mem>>) src(%dma_wait3A_259 : memref<10000x48xf32, #tpu.memory_space<hbm>>) dst(%arg16 : memref<128x48xf32, #tpu.memory_space<vmem>>)
        %dma_start3A = arith.constant 1 : i32
        %dma_start3A_260 = arith.constant 0 : i32
        %dma_start3A_261 = tpu.memref_slice %arg10[%dma_start3A, %dma_start3A_260] : memref<2x128xi32, #tpu.memory_space<vmem>> -> memref<1x128xi32, #tpu.memory_space<vmem>>
        %dma_start3A_262 = tpu.memref_squeeze %dma_start3A_261 : memref<1x128xi32, #tpu.memory_space<vmem>> -> memref<128xi32, #tpu.memory_space<vmem>>
        %dma_start3A_263 = arith.constant 0 : i32
        %dma_start3A_264 = arith.constant 0 : i32
        %dma_start3A_265 = tpu.memref_slice %arg18[%dma_start3A_263, %dma_start3A_264] : memref<10000x48xf32, #tpu.memory_space<vmem_shared>> -> memref<10000x48xf32, #tpu.memory_space<vmem_shared>>
        tpu.enqueue_indirect_dma source(%arg16 : memref<128x48xf32, #tpu.memory_space<vmem>>) target(%dma_start3A_265 : memref<10000x48xf32, #tpu.memory_space<vmem_shared>>) offsets(%dma_start3A_262 : memref<128xi32, #tpu.memory_space<vmem>>) semaphore(%arg29 : memref<!tpu.dma_semaphore, #tpu.memory_space<semaphore_mem>>) {add = true}
      } else {
      }
      %add3A_200 = arith.constant 4 : i32
      %add3A_201 = arith.addi %mul3A_62, %add3A_200 : i32
      %add3A_202 = arith.constant 6 : i32
      %add3A_203 = arith.addi %add3A_201, %add3A_202 : i32
      %sub3A_204 = arith.constant 6 : i32
      %sub3A_205 = arith.subi %add3A_203, %sub3A_204 : i32
      %mul3A_206 = arith.constant 32 : i32
      %mul3A_207 = arith.muli %sub3A_205, %mul3A_206 : i32
      %add3A_208 = arith.addi %add3A, %mul3A_207 : i32
      %lt3A_209 = arith.constant 2500 : i32
      %lt3A_210 = arith.cmpi slt, %add3A_208, %lt3A_209 : i32
      %convert_element_type3A_211 = arith.extui %lt3A_210 : i1 to i32
      %cond3A_212 = arith.constant 0 : i32
      %cond3A_213 = arith.cmpi ne, %convert_element_type3A_211, %cond3A_212 : i32
      scf.if %cond3A_213 {
        %sub3A_254 = arith.constant 6 : i32
        %sub3A_255 = arith.subi %add3A_203, %sub3A_254 : i32
        %dma_wait3A = arith.constant 1 : i32
        %dma_wait3A_256 = arith.constant 0 : i32
        %dma_wait3A_257 = tpu.memref_slice %arg10[%dma_wait3A, %dma_wait3A_256] : memref<2x128xi32, #tpu.memory_space<vmem>> -> memref<1x128xi32, #tpu.memory_space<vmem>>
        %dma_wait3A_258 = tpu.memref_squeeze %dma_wait3A_257 : memref<1x128xi32, #tpu.memory_space<vmem>> -> memref<128xi32, #tpu.memory_space<vmem>>
        %dma_wait3A_259 = arith.constant 0 : i32
        %dma_wait3A_260 = arith.constant 0 : i32
        %dma_wait3A_261 = tpu.memref_slice %arg18[%dma_wait3A_259, %dma_wait3A_260] : memref<10000x48xf32, #tpu.memory_space<vmem_shared>> -> memref<10000x48xf32, #tpu.memory_space<vmem_shared>>
        tpu.wait_indirect_dma semaphore(%arg29 : memref<!tpu.dma_semaphore, #tpu.memory_space<semaphore_mem>>) src(%arg16 : memref<128x48xf32, #tpu.memory_space<vmem>>) dst(%dma_wait3A_261 : memref<10000x48xf32, #tpu.memory_space<vmem_shared>>)
      } else {
      }
      %mul3A_214 = arith.constant 32 : i32
      %mul3A_215 = arith.muli %add3A_203, %mul3A_214 : i32
      %add3A_216 = arith.addi %add3A, %mul3A_215 : i32
      %lt3A_217 = arith.constant 2500 : i32
      %lt3A_218 = arith.cmpi slt, %add3A_216, %lt3A_217 : i32
      %convert_element_type3A_219 = arith.extui %lt3A_218 : i1 to i32
      %cond3A_220 = arith.constant 0 : i32
      %cond3A_221 = arith.cmpi ne, %convert_element_type3A_219, %cond3A_220 : i32
      scf.if %cond3A_221 {
        %mul3A_254 = arith.constant 32 : i32
        %mul3A_255 = arith.muli %add3A_203, %mul3A_254 : i32
        %add3A_256 = arith.addi %add3A, %mul3A_255 : i32
        "tpu.region"() ({
          %run_scoped3A = tpu.sem_alloc : memref<!tpu.dma_semaphore, #tpu.memory_space<semaphore_mem>>
          %dma_start3A_263 = arith.constant 0 : i32
          %dma_start3A_264 = arith.constant 0 : i32
          %dma_start3A_265 = tpu.memref_slice %arg3[%add3A_256, %dma_start3A_263, %dma_start3A_264] : memref<2500x2x128xi32, #tpu.memory_space<hbm>> -> memref<1x2x128xi32, #tpu.memory_space<hbm>>
          %dma_start3A_266 = tpu.memref_squeeze %dma_start3A_265 : memref<1x2x128xi32, #tpu.memory_space<hbm>> -> memref<2x128xi32, #tpu.memory_space<hbm>>
          %dma_start3A_267 = arith.constant 0 : i32
          %dma_start3A_268 = arith.constant 0 : i32
          %dma_start3A_269 = tpu.memref_slice %arg3[%add3A_256, %dma_start3A_267, %dma_start3A_268] : memref<2500x2x128xi32, #tpu.memory_space<hbm>> -> memref<1x2x128xi32, #tpu.memory_space<hbm>>
          %dma_start3A_270 = tpu.memref_squeeze %dma_start3A_269 : memref<1x2x128xi32, #tpu.memory_space<hbm>> -> memref<2x128xi32, #tpu.memory_space<hbm>>
          tpu.enqueue_dma source(%dma_start3A_270 : memref<2x128xi32, #tpu.memory_space<hbm>>) target(%arg10 : memref<2x128xi32, #tpu.memory_space<vmem>>) target_semaphore(%run_scoped3A : memref<!tpu.dma_semaphore, #tpu.memory_space<semaphore_mem>>)
          %dma_wait3A = arith.constant 0 : i32
          %dma_wait3A_271 = arith.constant 0 : i32
          %dma_wait3A_272 = tpu.memref_slice %arg3[%add3A_256, %dma_wait3A, %dma_wait3A_271] : memref<2500x2x128xi32, #tpu.memory_space<hbm>> -> memref<1x2x128xi32, #tpu.memory_space<hbm>>
          %dma_wait3A_273 = tpu.memref_squeeze %dma_wait3A_272 : memref<1x2x128xi32, #tpu.memory_space<hbm>> -> memref<2x128xi32, #tpu.memory_space<hbm>>
          %dma_wait3A_274 = arith.constant 0 : i32
          %dma_wait3A_275 = arith.constant 0 : i32
          %dma_wait3A_276 = tpu.memref_slice %arg3[%add3A_256, %dma_wait3A_274, %dma_wait3A_275] : memref<2500x2x128xi32, #tpu.memory_space<hbm>> -> memref<1x2x128xi32, #tpu.memory_space<hbm>>
          %dma_wait3A_277 = tpu.memref_squeeze %dma_wait3A_276 : memref<1x2x128xi32, #tpu.memory_space<hbm>> -> memref<2x128xi32, #tpu.memory_space<hbm>>
          tpu.wait_dma2 semaphore(%run_scoped3A : memref<!tpu.dma_semaphore, #tpu.memory_space<semaphore_mem>>) src(%dma_wait3A_277 : memref<2x128xi32, #tpu.memory_space<hbm>>) dst(%arg10 : memref<2x128xi32, #tpu.memory_space<vmem>>)
          tpu.yield
        }) : () -> ()
        %dma_start3A = arith.constant 0 : i32
        %dma_start3A_257 = arith.constant 0 : i32
        %dma_start3A_258 = tpu.memref_slice %arg10[%dma_start3A, %dma_start3A_257] : memref<2x128xi32, #tpu.memory_space<vmem>> -> memref<1x128xi32, #tpu.memory_space<vmem>>
        %dma_start3A_259 = tpu.memref_squeeze %dma_start3A_258 : memref<1x128xi32, #tpu.memory_space<vmem>> -> memref<128xi32, #tpu.memory_space<vmem>>
        %dma_start3A_260 = arith.constant 0 : i32
        %dma_start3A_261 = arith.constant 0 : i32
        %dma_start3A_262 = tpu.memref_slice %arg2[%dma_start3A_260, %dma_start3A_261] : memref<10000x48xf32, #tpu.memory_space<hbm>> -> memref<10000x48xf32, #tpu.memory_space<hbm>>
        tpu.enqueue_indirect_dma source(%dma_start3A_262 : memref<10000x48xf32, #tpu.memory_space<hbm>>) target(%arg16 : memref<128x48xf32, #tpu.memory_space<vmem>>) offsets(%dma_start3A_259 : memref<128xi32, #tpu.memory_space<vmem>>) semaphore(%arg23 : memref<!tpu.dma_semaphore, #tpu.memory_space<semaphore_mem>>)
      } else {
      }
      %add3A_222 = arith.constant 5 : i32
      %add3A_223 = arith.addi %mul3A_62, %add3A_222 : i32
      %mul3A_224 = arith.constant 32 : i32
      %mul3A_225 = arith.muli %add3A_223, %mul3A_224 : i32
      %add3A_226 = arith.addi %add3A, %mul3A_225 : i32
      %lt3A_227 = arith.constant 2500 : i32
      %lt3A_228 = arith.cmpi slt, %add3A_226, %lt3A_227 : i32
      %convert_element_type3A_229 = arith.extui %lt3A_228 : i1 to i32
      %cond3A_230 = arith.constant 0 : i32
      %cond3A_231 = arith.cmpi ne, %convert_element_type3A_229, %cond3A_230 : i32
      scf.if %cond3A_231 {
        %dma_wait3A = arith.constant 0 : i32
        %dma_wait3A_254 = arith.constant 0 : i32
        %dma_wait3A_255 = tpu.memref_slice %arg11[%dma_wait3A, %dma_wait3A_254] : memref<2x128xi32, #tpu.memory_space<vmem>> -> memref<1x128xi32, #tpu.memory_space<vmem>>
        %dma_wait3A_256 = tpu.memref_squeeze %dma_wait3A_255 : memref<1x128xi32, #tpu.memory_space<vmem>> -> memref<128xi32, #tpu.memory_space<vmem>>
        %dma_wait3A_257 = arith.constant 0 : i32
        %dma_wait3A_258 = arith.constant 0 : i32
        %dma_wait3A_259 = tpu.memref_slice %arg2[%dma_wait3A_257, %dma_wait3A_258] : memref<10000x48xf32, #tpu.memory_space<hbm>> -> memref<10000x48xf32, #tpu.memory_space<hbm>>
        tpu.wait_indirect_dma semaphore(%arg24 : memref<!tpu.dma_semaphore, #tpu.memory_space<semaphore_mem>>) src(%dma_wait3A_259 : memref<10000x48xf32, #tpu.memory_space<hbm>>) dst(%arg17 : memref<128x48xf32, #tpu.memory_space<vmem>>)
        %dma_start3A = arith.constant 1 : i32
        %dma_start3A_260 = arith.constant 0 : i32
        %dma_start3A_261 = tpu.memref_slice %arg11[%dma_start3A, %dma_start3A_260] : memref<2x128xi32, #tpu.memory_space<vmem>> -> memref<1x128xi32, #tpu.memory_space<vmem>>
        %dma_start3A_262 = tpu.memref_squeeze %dma_start3A_261 : memref<1x128xi32, #tpu.memory_space<vmem>> -> memref<128xi32, #tpu.memory_space<vmem>>
        %dma_start3A_263 = arith.constant 0 : i32
        %dma_start3A_264 = arith.constant 0 : i32
        %dma_start3A_265 = tpu.memref_slice %arg18[%dma_start3A_263, %dma_start3A_264] : memref<10000x48xf32, #tpu.memory_space<vmem_shared>> -> memref<10000x48xf32, #tpu.memory_space<vmem_shared>>
        tpu.enqueue_indirect_dma source(%arg17 : memref<128x48xf32, #tpu.memory_space<vmem>>) target(%dma_start3A_265 : memref<10000x48xf32, #tpu.memory_space<vmem_shared>>) offsets(%dma_start3A_262 : memref<128xi32, #tpu.memory_space<vmem>>) semaphore(%arg30 : memref<!tpu.dma_semaphore, #tpu.memory_space<semaphore_mem>>) {add = true}
      } else {
      }
      %add3A_232 = arith.constant 5 : i32
      %add3A_233 = arith.addi %mul3A_62, %add3A_232 : i32
      %add3A_234 = arith.constant 6 : i32
      %add3A_235 = arith.addi %add3A_233, %add3A_234 : i32
      %sub3A_236 = arith.constant 6 : i32
      %sub3A_237 = arith.subi %add3A_235, %sub3A_236 : i32
      %mul3A_238 = arith.constant 32 : i32
      %mul3A_239 = arith.muli %sub3A_237, %mul3A_238 : i32
      %add3A_240 = arith.addi %add3A, %mul3A_239 : i32
      %lt3A_241 = arith.constant 2500 : i32
      %lt3A_242 = arith.cmpi slt, %add3A_240, %lt3A_241 : i32
      %convert_element_type3A_243 = arith.extui %lt3A_242 : i1 to i32
      %cond3A_244 = arith.constant 0 : i32
      %cond3A_245 = arith.cmpi ne, %convert_element_type3A_243, %cond3A_244 : i32
      scf.if %cond3A_245 {
        %sub3A_254 = arith.constant 6 : i32
        %sub3A_255 = arith.subi %add3A_235, %sub3A_254 : i32
        %dma_wait3A = arith.constant 1 : i32
        %dma_wait3A_256 = arith.constant 0 : i32
        %dma_wait3A_257 = tpu.memref_slice %arg11[%dma_wait3A, %dma_wait3A_256] : memref<2x128xi32, #tpu.memory_space<vmem>> -> memref<1x128xi32, #tpu.memory_space<vmem>>
        %dma_wait3A_258 = tpu.memref_squeeze %dma_wait3A_257 : memref<1x128xi32, #tpu.memory_space<vmem>> -> memref<128xi32, #tpu.memory_space<vmem>>
        %dma_wait3A_259 = arith.constant 0 : i32
        %dma_wait3A_260 = arith.constant 0 : i32
        %dma_wait3A_261 = tpu.memref_slice %arg18[%dma_wait3A_259, %dma_wait3A_260] : memref<10000x48xf32, #tpu.memory_space<vmem_shared>> -> memref<10000x48xf32, #tpu.memory_space<vmem_shared>>
        tpu.wait_indirect_dma semaphore(%arg30 : memref<!tpu.dma_semaphore, #tpu.memory_space<semaphore_mem>>) src(%arg17 : memref<128x48xf32, #tpu.memory_space<vmem>>) dst(%dma_wait3A_261 : memref<10000x48xf32, #tpu.memory_space<vmem_shared>>)
      } else {
      }
      %mul3A_246 = arith.constant 32 : i32
      %mul3A_247 = arith.muli %add3A_235, %mul3A_246 : i32
      %add3A_248 = arith.addi %add3A, %mul3A_247 : i32
      %lt3A_249 = arith.constant 2500 : i32
      %lt3A_250 = arith.cmpi slt, %add3A_248, %lt3A_249 : i32
      %convert_element_type3A_251 = arith.extui %lt3A_250 : i1 to i32
      %cond3A_252 = arith.constant 0 : i32
      %cond3A_253 = arith.cmpi ne, %convert_element_type3A_251, %cond3A_252 : i32
      scf.if %cond3A_253 {
        %mul3A_254 = arith.constant 32 : i32
        %mul3A_255 = arith.muli %add3A_235, %mul3A_254 : i32
        %add3A_256 = arith.addi %add3A, %mul3A_255 : i32
        "tpu.region"() ({
          %run_scoped3A = tpu.sem_alloc : memref<!tpu.dma_semaphore, #tpu.memory_space<semaphore_mem>>
          %dma_start3A_263 = arith.constant 0 : i32
          %dma_start3A_264 = arith.constant 0 : i32
          %dma_start3A_265 = tpu.memref_slice %arg3[%add3A_256, %dma_start3A_263, %dma_start3A_264] : memref<2500x2x128xi32, #tpu.memory_space<hbm>> -> memref<1x2x128xi32, #tpu.memory_space<hbm>>
          %dma_start3A_266 = tpu.memref_squeeze %dma_start3A_265 : memref<1x2x128xi32, #tpu.memory_space<hbm>> -> memref<2x128xi32, #tpu.memory_space<hbm>>
          %dma_start3A_267 = arith.constant 0 : i32
          %dma_start3A_268 = arith.constant 0 : i32
          %dma_start3A_269 = tpu.memref_slice %arg3[%add3A_256, %dma_start3A_267, %dma_start3A_268] : memref<2500x2x128xi32, #tpu.memory_space<hbm>> -> memref<1x2x128xi32, #tpu.memory_space<hbm>>
          %dma_start3A_270 = tpu.memref_squeeze %dma_start3A_269 : memref<1x2x128xi32, #tpu.memory_space<hbm>> -> memref<2x128xi32, #tpu.memory_space<hbm>>
          tpu.enqueue_dma source(%dma_start3A_270 : memref<2x128xi32, #tpu.memory_space<hbm>>) target(%arg11 : memref<2x128xi32, #tpu.memory_space<vmem>>) target_semaphore(%run_scoped3A : memref<!tpu.dma_semaphore, #tpu.memory_space<semaphore_mem>>)
          %dma_wait3A = arith.constant 0 : i32
          %dma_wait3A_271 = arith.constant 0 : i32
          %dma_wait3A_272 = tpu.memref_slice %arg3[%add3A_256, %dma_wait3A, %dma_wait3A_271] : memref<2500x2x128xi32, #tpu.memory_space<hbm>> -> memref<1x2x128xi32, #tpu.memory_space<hbm>>
          %dma_wait3A_273 = tpu.memref_squeeze %dma_wait3A_272 : memref<1x2x128xi32, #tpu.memory_space<hbm>> -> memref<2x128xi32, #tpu.memory_space<hbm>>
          %dma_wait3A_274 = arith.constant 0 : i32
          %dma_wait3A_275 = arith.constant 0 : i32
          %dma_wait3A_276 = tpu.memref_slice %arg3[%add3A_256, %dma_wait3A_274, %dma_wait3A_275] : memref<2500x2x128xi32, #tpu.memory_space<hbm>> -> memref<1x2x128xi32, #tpu.memory_space<hbm>>
          %dma_wait3A_277 = tpu.memref_squeeze %dma_wait3A_276 : memref<1x2x128xi32, #tpu.memory_space<hbm>> -> memref<2x128xi32, #tpu.memory_space<hbm>>
          tpu.wait_dma2 semaphore(%run_scoped3A : memref<!tpu.dma_semaphore, #tpu.memory_space<semaphore_mem>>) src(%dma_wait3A_277 : memref<2x128xi32, #tpu.memory_space<hbm>>) dst(%arg11 : memref<2x128xi32, #tpu.memory_space<vmem>>)
          tpu.yield
        }) : () -> ()
        %dma_start3A = arith.constant 0 : i32
        %dma_start3A_257 = arith.constant 0 : i32
        %dma_start3A_258 = tpu.memref_slice %arg11[%dma_start3A, %dma_start3A_257] : memref<2x128xi32, #tpu.memory_space<vmem>> -> memref<1x128xi32, #tpu.memory_space<vmem>>
        %dma_start3A_259 = tpu.memref_squeeze %dma_start3A_258 : memref<1x128xi32, #tpu.memory_space<vmem>> -> memref<128xi32, #tpu.memory_space<vmem>>
        %dma_start3A_260 = arith.constant 0 : i32
        %dma_start3A_261 = arith.constant 0 : i32
        %dma_start3A_262 = tpu.memref_slice %arg2[%dma_start3A_260, %dma_start3A_261] : memref<10000x48xf32, #tpu.memory_space<hbm>> -> memref<10000x48xf32, #tpu.memory_space<hbm>>
        tpu.enqueue_indirect_dma source(%dma_start3A_262 : memref<10000x48xf32, #tpu.memory_space<hbm>>) target(%arg17 : memref<128x48xf32, #tpu.memory_space<vmem>>) offsets(%dma_start3A_259 : memref<128xi32, #tpu.memory_space<vmem>>) semaphore(%arg24 : memref<!tpu.dma_semaphore, #tpu.memory_space<semaphore_mem>>)
      } else {
      }
    }
    %scan3A_49 = arith.constant 14 : i32
    %barrier3A_50 = arith.constant 0 : index
    tpu.barrier barrier_id(%barrier3A_50)
    "tpu.region"() ({
      %run_scoped3A = tpu.sem_alloc : memref<!tpu.dma_semaphore, #tpu.memory_space<semaphore_mem>>
      %dma_start3A = arith.constant 0 : i32
      %dma_start3A_56 = tpu.memref_slice %arg5[%arg0, %mul3A_2, %dma_start3A] : memref<2x10000x48xf32, #tpu.memory_space<hbm>> -> memref<1x624x48xf32, #tpu.memory_space<hbm>>
      %dma_start3A_57 = tpu.memref_squeeze %dma_start3A_56 : memref<1x624x48xf32, #tpu.memory_space<hbm>> -> memref<624x48xf32, #tpu.memory_space<hbm>>
      %dma_start3A_58 = arith.constant 0 : i32
      %dma_start3A_59 = tpu.memref_slice %arg18[%mul3A_2, %dma_start3A_58] : memref<10000x48xf32, #tpu.memory_space<vmem_shared>> -> memref<624x48xf32, #tpu.memory_space<vmem_shared>>
      tpu.enqueue_dma source(%dma_start3A_59 : memref<624x48xf32, #tpu.memory_space<vmem_shared>>) target(%dma_start3A_57 : memref<624x48xf32, #tpu.memory_space<hbm>>) target_semaphore(%run_scoped3A : memref<!tpu.dma_semaphore, #tpu.memory_space<semaphore_mem>>)
      %dma_wait3A = arith.constant 0 : i32
      %dma_wait3A_60 = tpu.memref_slice %arg5[%arg0, %mul3A_2, %dma_wait3A] : memref<2x10000x48xf32, #tpu.memory_space<hbm>> -> memref<1x624x48xf32, #tpu.memory_space<hbm>>
      %dma_wait3A_61 = tpu.memref_squeeze %dma_wait3A_60 : memref<1x624x48xf32, #tpu.memory_space<hbm>> -> memref<624x48xf32, #tpu.memory_space<hbm>>
      %dma_wait3A_62 = arith.constant 0 : i32
      %dma_wait3A_63 = tpu.memref_slice %arg18[%mul3A_2, %dma_wait3A_62] : memref<10000x48xf32, #tpu.memory_space<vmem_shared>> -> memref<624x48xf32, #tpu.memory_space<vmem_shared>>
      tpu.wait_dma2 semaphore(%run_scoped3A : memref<!tpu.dma_semaphore, #tpu.memory_space<semaphore_mem>>) src(%dma_wait3A_63 : memref<624x48xf32, #tpu.memory_space<vmem_shared>>) dst(%dma_wait3A_61 : memref<624x48xf32, #tpu.memory_space<hbm>>)
      tpu.yield
    }) : () -> ()
    %eq3A_51 = arith.constant 15 : i32
    %eq3A_52 = arith.cmpi eq, %arg1, %eq3A_51 : i32
    %convert_element_type3A_53 = arith.extui %eq3A_52 : i1 to i32
    %cond3A_54 = arith.constant 0 : i32
    %cond3A_55 = arith.cmpi ne, %convert_element_type3A_53, %cond3A_54 : i32
    scf.if %cond3A_55 {
      "tpu.region"() ({
        %run_scoped3A = tpu.sem_alloc : memref<!tpu.dma_semaphore, #tpu.memory_space<semaphore_mem>>
        %dma_start3A = arith.constant 9984 : i32
        %dma_start3A_56 = arith.constant 0 : i32
        %dma_start3A_57 = tpu.memref_slice %arg5[%arg0, %dma_start3A, %dma_start3A_56] : memref<2x10000x48xf32, #tpu.memory_space<hbm>> -> memref<1x16x48xf32, #tpu.memory_space<hbm>>
        %dma_start3A_58 = tpu.memref_squeeze %dma_start3A_57 : memref<1x16x48xf32, #tpu.memory_space<hbm>> -> memref<16x48xf32, #tpu.memory_space<hbm>>
        %dma_start3A_59 = arith.constant 9984 : i32
        %dma_start3A_60 = arith.constant 0 : i32
        %dma_start3A_61 = tpu.memref_slice %arg18[%dma_start3A_59, %dma_start3A_60] : memref<10000x48xf32, #tpu.memory_space<vmem_shared>> -> memref<16x48xf32, #tpu.memory_space<vmem_shared>>
        tpu.enqueue_dma source(%dma_start3A_61 : memref<16x48xf32, #tpu.memory_space<vmem_shared>>) target(%dma_start3A_58 : memref<16x48xf32, #tpu.memory_space<hbm>>) target_semaphore(%run_scoped3A : memref<!tpu.dma_semaphore, #tpu.memory_space<semaphore_mem>>)
        %dma_wait3A = arith.constant 9984 : i32
        %dma_wait3A_62 = arith.constant 0 : i32
        %dma_wait3A_63 = tpu.memref_slice %arg5[%arg0, %dma_wait3A, %dma_wait3A_62] : memref<2x10000x48xf32, #tpu.memory_space<hbm>> -> memref<1x16x48xf32, #tpu.memory_space<hbm>>
        %dma_wait3A_64 = tpu.memref_squeeze %dma_wait3A_63 : memref<1x16x48xf32, #tpu.memory_space<hbm>> -> memref<16x48xf32, #tpu.memory_space<hbm>>
        %dma_wait3A_65 = arith.constant 9984 : i32
        %dma_wait3A_66 = arith.constant 0 : i32
        %dma_wait3A_67 = tpu.memref_slice %arg18[%dma_wait3A_65, %dma_wait3A_66] : memref<10000x48xf32, #tpu.memory_space<vmem_shared>> -> memref<16x48xf32, #tpu.memory_space<vmem_shared>>
        tpu.wait_dma2 semaphore(%run_scoped3A : memref<!tpu.dma_semaphore, #tpu.memory_space<semaphore_mem>>) src(%dma_wait3A_67 : memref<16x48xf32, #tpu.memory_space<vmem_shared>>) dst(%dma_wait3A_64 : memref<16x48xf32, #tpu.memory_space<hbm>>)
        tpu.yield
      }) : () -> ()
    } else {
    }
    return
  }
}

#map = affine_map<(d0, d1) -> (0, 0, 0)>
#map1 = affine_map<(d0, d1) -> (0, 0)>
module attributes {stable_mosaic.version = 14 : i64} {
  func.func @_deg_kernel(%arg0: i32, %arg1: i32, %arg2: memref<2500x2x128xi32, #tpu.memory_space<hbm>>, %arg3: memref<128x16xf32, #tpu.memory_space<hbm>>, %arg4: memref<10000x16xf32, #tpu.memory_space<hbm>>, %arg5: memref<2x10000x128xf32, #tpu.memory_space<hbm>>, %arg6: memref<128x16xf32, #tpu.memory_space<vmem>>, %arg7: memref<2x128xi32, #tpu.memory_space<vmem>>, %arg8: memref<2x128xi32, #tpu.memory_space<vmem>>, %arg9: memref<640x16xf32, #tpu.memory_space<vmem>>, %arg10: memref<640x16xf32, #tpu.memory_space<vmem>>, %arg11: memref<104x128xf32, #tpu.memory_space<vmem>>, %arg12: memref<10000x16xf32, #tpu.memory_space<vmem_shared>>, %arg13: memref<10000x16xf32, #tpu.memory_space<vmem_shared>>, %arg14: memref<!tpu.dma_semaphore, #tpu.memory_space<semaphore_mem>>, %arg15: memref<!tpu.dma_semaphore, #tpu.memory_space<semaphore_mem>>, %arg16: memref<!tpu.dma_semaphore, #tpu.memory_space<semaphore_mem>>, %arg17: memref<!tpu.dma_semaphore, #tpu.memory_space<semaphore_mem>>) attributes {dimension_semantics = [#tpu.dimension_semantics<core_parallel>, #tpu.dimension_semantics<subcore_parallel>], iteration_bounds = array<i64: 2, 16>, scalar_prefetch = 0 : i64, scratch_operands = 12 : i64, tpu.core_type = #tpu.core_type<sc_vector_subcore>, window_params = [{transform_indices = #map}, {transform_indices = #map1}, {transform_indices = #map1}, {transform_indices = #map}]} {
    %mul3A = arith.constant 16 : i32
    %mul3A_0 = arith.muli %arg0, %mul3A : i32
    %add3A = arith.addi %mul3A_0, %arg1 : i32
    %mul3A_1 = arith.constant 624 : i32
    %mul3A_2 = arith.muli %arg1, %mul3A_1 : i32
    "tpu.region"() ({
      %run_scoped3A = tpu.sem_alloc : memref<!tpu.dma_semaphore, #tpu.memory_space<semaphore_mem>>
      tpu.enqueue_dma source(%arg3 : memref<128x16xf32, #tpu.memory_space<hbm>>) target(%arg6 : memref<128x16xf32, #tpu.memory_space<vmem>>) target_semaphore(%run_scoped3A : memref<!tpu.dma_semaphore, #tpu.memory_space<semaphore_mem>>)
      tpu.wait_dma2 semaphore(%run_scoped3A : memref<!tpu.dma_semaphore, #tpu.memory_space<semaphore_mem>>) src(%arg3 : memref<128x16xf32, #tpu.memory_space<hbm>>) dst(%arg6 : memref<128x16xf32, #tpu.memory_space<vmem>>)
      tpu.yield
    }) : () -> ()
    "tpu.region"() ({
      %run_scoped3A = tpu.sem_alloc : memref<!tpu.dma_semaphore, #tpu.memory_space<semaphore_mem>>
      %dma_start3A = arith.constant 0 : i32
      %dma_start3A_43 = tpu.memref_slice %arg12[%mul3A_2, %dma_start3A] : memref<10000x16xf32, #tpu.memory_space<vmem_shared>> -> memref<624x16xf32, #tpu.memory_space<vmem_shared>>
      %dma_start3A_44 = arith.constant 0 : i32
      %dma_start3A_45 = tpu.memref_slice %arg4[%mul3A_2, %dma_start3A_44] : memref<10000x16xf32, #tpu.memory_space<hbm>> -> memref<624x16xf32, #tpu.memory_space<hbm>>
      tpu.enqueue_dma source(%dma_start3A_45 : memref<624x16xf32, #tpu.memory_space<hbm>>) target(%dma_start3A_43 : memref<624x16xf32, #tpu.memory_space<vmem_shared>>) target_semaphore(%run_scoped3A : memref<!tpu.dma_semaphore, #tpu.memory_space<semaphore_mem>>)
      %dma_wait3A = arith.constant 0 : i32
      %dma_wait3A_46 = tpu.memref_slice %arg12[%mul3A_2, %dma_wait3A] : memref<10000x16xf32, #tpu.memory_space<vmem_shared>> -> memref<624x16xf32, #tpu.memory_space<vmem_shared>>
      %dma_wait3A_47 = arith.constant 0 : i32
      %dma_wait3A_48 = tpu.memref_slice %arg4[%mul3A_2, %dma_wait3A_47] : memref<10000x16xf32, #tpu.memory_space<hbm>> -> memref<624x16xf32, #tpu.memory_space<hbm>>
      tpu.wait_dma2 semaphore(%run_scoped3A : memref<!tpu.dma_semaphore, #tpu.memory_space<semaphore_mem>>) src(%dma_wait3A_48 : memref<624x16xf32, #tpu.memory_space<hbm>>) dst(%dma_wait3A_46 : memref<624x16xf32, #tpu.memory_space<vmem_shared>>)
      tpu.yield
    }) : () -> ()
    "tpu.region"() ({
      %run_scoped3A = tpu.sem_alloc : memref<!tpu.dma_semaphore, #tpu.memory_space<semaphore_mem>>
      %dma_start3A = arith.constant 0 : i32
      %dma_start3A_43 = tpu.memref_slice %arg13[%mul3A_2, %dma_start3A] : memref<10000x16xf32, #tpu.memory_space<vmem_shared>> -> memref<624x16xf32, #tpu.memory_space<vmem_shared>>
      %dma_start3A_44 = arith.constant 0 : i32
      %dma_start3A_45 = tpu.memref_slice %arg4[%mul3A_2, %dma_start3A_44] : memref<10000x16xf32, #tpu.memory_space<hbm>> -> memref<624x16xf32, #tpu.memory_space<hbm>>
      tpu.enqueue_dma source(%dma_start3A_45 : memref<624x16xf32, #tpu.memory_space<hbm>>) target(%dma_start3A_43 : memref<624x16xf32, #tpu.memory_space<vmem_shared>>) target_semaphore(%run_scoped3A : memref<!tpu.dma_semaphore, #tpu.memory_space<semaphore_mem>>)
      %dma_wait3A = arith.constant 0 : i32
      %dma_wait3A_46 = tpu.memref_slice %arg13[%mul3A_2, %dma_wait3A] : memref<10000x16xf32, #tpu.memory_space<vmem_shared>> -> memref<624x16xf32, #tpu.memory_space<vmem_shared>>
      %dma_wait3A_47 = arith.constant 0 : i32
      %dma_wait3A_48 = tpu.memref_slice %arg4[%mul3A_2, %dma_wait3A_47] : memref<10000x16xf32, #tpu.memory_space<hbm>> -> memref<624x16xf32, #tpu.memory_space<hbm>>
      tpu.wait_dma2 semaphore(%run_scoped3A : memref<!tpu.dma_semaphore, #tpu.memory_space<semaphore_mem>>) src(%dma_wait3A_48 : memref<624x16xf32, #tpu.memory_space<hbm>>) dst(%dma_wait3A_46 : memref<624x16xf32, #tpu.memory_space<vmem_shared>>)
      tpu.yield
    }) : () -> ()
    %eq3A = arith.constant 15 : i32
    %eq3A_3 = arith.cmpi eq, %arg1, %eq3A : i32
    %convert_element_type3A = arith.extui %eq3A_3 : i1 to i32
    %cond3A = arith.constant 0 : i32
    %cond3A_4 = arith.cmpi ne, %convert_element_type3A, %cond3A : i32
    scf.if %cond3A_4 {
      "tpu.region"() ({
        %run_scoped3A = tpu.sem_alloc : memref<!tpu.dma_semaphore, #tpu.memory_space<semaphore_mem>>
        %dma_start3A = arith.constant 9984 : i32
        %dma_start3A_43 = arith.constant 0 : i32
        %dma_start3A_44 = tpu.memref_slice %arg12[%dma_start3A, %dma_start3A_43] : memref<10000x16xf32, #tpu.memory_space<vmem_shared>> -> memref<16x16xf32, #tpu.memory_space<vmem_shared>>
        %dma_start3A_45 = arith.constant 9984 : i32
        %dma_start3A_46 = arith.constant 0 : i32
        %dma_start3A_47 = tpu.memref_slice %arg4[%dma_start3A_45, %dma_start3A_46] : memref<10000x16xf32, #tpu.memory_space<hbm>> -> memref<16x16xf32, #tpu.memory_space<hbm>>
        tpu.enqueue_dma source(%dma_start3A_47 : memref<16x16xf32, #tpu.memory_space<hbm>>) target(%dma_start3A_44 : memref<16x16xf32, #tpu.memory_space<vmem_shared>>) target_semaphore(%run_scoped3A : memref<!tpu.dma_semaphore, #tpu.memory_space<semaphore_mem>>)
        %dma_wait3A = arith.constant 9984 : i32
        %dma_wait3A_48 = arith.constant 0 : i32
        %dma_wait3A_49 = tpu.memref_slice %arg12[%dma_wait3A, %dma_wait3A_48] : memref<10000x16xf32, #tpu.memory_space<vmem_shared>> -> memref<16x16xf32, #tpu.memory_space<vmem_shared>>
        %dma_wait3A_50 = arith.constant 9984 : i32
        %dma_wait3A_51 = arith.constant 0 : i32
        %dma_wait3A_52 = tpu.memref_slice %arg4[%dma_wait3A_50, %dma_wait3A_51] : memref<10000x16xf32, #tpu.memory_space<hbm>> -> memref<16x16xf32, #tpu.memory_space<hbm>>
        tpu.wait_dma2 semaphore(%run_scoped3A : memref<!tpu.dma_semaphore, #tpu.memory_space<semaphore_mem>>) src(%dma_wait3A_52 : memref<16x16xf32, #tpu.memory_space<hbm>>) dst(%dma_wait3A_49 : memref<16x16xf32, #tpu.memory_space<vmem_shared>>)
        tpu.yield
      }) : () -> ()
      "tpu.region"() ({
        %run_scoped3A = tpu.sem_alloc : memref<!tpu.dma_semaphore, #tpu.memory_space<semaphore_mem>>
        %dma_start3A = arith.constant 9984 : i32
        %dma_start3A_43 = arith.constant 0 : i32
        %dma_start3A_44 = tpu.memref_slice %arg13[%dma_start3A, %dma_start3A_43] : memref<10000x16xf32, #tpu.memory_space<vmem_shared>> -> memref<16x16xf32, #tpu.memory_space<vmem_shared>>
        %dma_start3A_45 = arith.constant 9984 : i32
        %dma_start3A_46 = arith.constant 0 : i32
        %dma_start3A_47 = tpu.memref_slice %arg4[%dma_start3A_45, %dma_start3A_46] : memref<10000x16xf32, #tpu.memory_space<hbm>> -> memref<16x16xf32, #tpu.memory_space<hbm>>
        tpu.enqueue_dma source(%dma_start3A_47 : memref<16x16xf32, #tpu.memory_space<hbm>>) target(%dma_start3A_44 : memref<16x16xf32, #tpu.memory_space<vmem_shared>>) target_semaphore(%run_scoped3A : memref<!tpu.dma_semaphore, #tpu.memory_space<semaphore_mem>>)
        %dma_wait3A = arith.constant 9984 : i32
        %dma_wait3A_48 = arith.constant 0 : i32
        %dma_wait3A_49 = tpu.memref_slice %arg13[%dma_wait3A, %dma_wait3A_48] : memref<10000x16xf32, #tpu.memory_space<vmem_shared>> -> memref<16x16xf32, #tpu.memory_space<vmem_shared>>
        %dma_wait3A_50 = arith.constant 9984 : i32
        %dma_wait3A_51 = arith.constant 0 : i32
        %dma_wait3A_52 = tpu.memref_slice %arg4[%dma_wait3A_50, %dma_wait3A_51] : memref<10000x16xf32, #tpu.memory_space<hbm>> -> memref<16x16xf32, #tpu.memory_space<hbm>>
        tpu.wait_dma2 semaphore(%run_scoped3A : memref<!tpu.dma_semaphore, #tpu.memory_space<semaphore_mem>>) src(%dma_wait3A_52 : memref<16x16xf32, #tpu.memory_space<hbm>>) dst(%dma_wait3A_49 : memref<16x16xf32, #tpu.memory_space<vmem_shared>>)
        tpu.yield
      }) : () -> ()
    } else {
    }
    %barrier3A = arith.constant 0 : index
    tpu.barrier barrier_id(%barrier3A)
    %add3A_5 = arith.constant 0 : i32
    %add3A_6 = arith.addi %add3A, %add3A_5 : i32
    %lt3A = arith.constant 2500 : i32
    %lt3A_7 = arith.cmpi slt, %add3A_6, %lt3A : i32
    %convert_element_type3A_8 = arith.extui %lt3A_7 : i1 to i32
    %cond3A_9 = arith.constant 0 : i32
    %cond3A_10 = arith.cmpi ne, %convert_element_type3A_8, %cond3A_9 : i32
    scf.if %cond3A_10 {
      %dma_start3A = arith.constant 0 : i32
      %dma_start3A_43 = arith.constant 0 : i32
      %dma_start3A_44 = tpu.memref_slice %arg2[%add3A_6, %dma_start3A, %dma_start3A_43] : memref<2500x2x128xi32, #tpu.memory_space<hbm>> -> memref<1x2x128xi32, #tpu.memory_space<hbm>>
      %dma_start3A_45 = tpu.memref_squeeze %dma_start3A_44 : memref<1x2x128xi32, #tpu.memory_space<hbm>> -> memref<2x128xi32, #tpu.memory_space<hbm>>
      %dma_start3A_46 = arith.constant 0 : i32
      %dma_start3A_47 = arith.constant 0 : i32
      %dma_start3A_48 = tpu.memref_slice %arg2[%add3A_6, %dma_start3A_46, %dma_start3A_47] : memref<2500x2x128xi32, #tpu.memory_space<hbm>> -> memref<1x2x128xi32, #tpu.memory_space<hbm>>
      %dma_start3A_49 = tpu.memref_squeeze %dma_start3A_48 : memref<1x2x128xi32, #tpu.memory_space<hbm>> -> memref<2x128xi32, #tpu.memory_space<hbm>>
      tpu.enqueue_dma source(%dma_start3A_49 : memref<2x128xi32, #tpu.memory_space<hbm>>) target(%arg7 : memref<2x128xi32, #tpu.memory_space<vmem>>) target_semaphore(%arg14 : memref<!tpu.dma_semaphore, #tpu.memory_space<semaphore_mem>>)
    } else {
    }
    %add3A_11 = arith.constant 32 : i32
    %add3A_12 = arith.addi %add3A, %add3A_11 : i32
    %lt3A_13 = arith.constant 2500 : i32
    %lt3A_14 = arith.cmpi slt, %add3A_12, %lt3A_13 : i32
    %convert_element_type3A_15 = arith.extui %lt3A_14 : i1 to i32
    %cond3A_16 = arith.constant 0 : i32
    %cond3A_17 = arith.cmpi ne, %convert_element_type3A_15, %cond3A_16 : i32
    scf.if %cond3A_17 {
      %dma_start3A = arith.constant 0 : i32
      %dma_start3A_43 = arith.constant 0 : i32
      %dma_start3A_44 = tpu.memref_slice %arg2[%add3A_12, %dma_start3A, %dma_start3A_43] : memref<2500x2x128xi32, #tpu.memory_space<hbm>> -> memref<1x2x128xi32, #tpu.memory_space<hbm>>
      %dma_start3A_45 = tpu.memref_squeeze %dma_start3A_44 : memref<1x2x128xi32, #tpu.memory_space<hbm>> -> memref<2x128xi32, #tpu.memory_space<hbm>>
      %dma_start3A_46 = arith.constant 0 : i32
      %dma_start3A_47 = arith.constant 0 : i32
      %dma_start3A_48 = tpu.memref_slice %arg2[%add3A_12, %dma_start3A_46, %dma_start3A_47] : memref<2500x2x128xi32, #tpu.memory_space<hbm>> -> memref<1x2x128xi32, #tpu.memory_space<hbm>>
      %dma_start3A_49 = tpu.memref_squeeze %dma_start3A_48 : memref<1x2x128xi32, #tpu.memory_space<hbm>> -> memref<2x128xi32, #tpu.memory_space<hbm>>
      tpu.enqueue_dma source(%dma_start3A_49 : memref<2x128xi32, #tpu.memory_space<hbm>>) target(%arg8 : memref<2x128xi32, #tpu.memory_space<vmem>>) target_semaphore(%arg15 : memref<!tpu.dma_semaphore, #tpu.memory_space<semaphore_mem>>)
    } else {
    }
    %scan3A = arith.constant 0 : i32
    %scan3A_18 = arith.constant 40 : i32
    %scan3A_19 = arith.addi %scan3A, %scan3A_18 : i32
    %scan3A_20 = arith.constant 1 : i32
    scf.for %scan3A_43 = %scan3A to %scan3A_19 step %scan3A_20  : i32 {
      %mul3A_44 = arith.constant 1 : i32
      %mul3A_45 = arith.muli %scan3A_43, %mul3A_44 : i32
      %add3A_46 = arith.constant 0 : i32
      %add3A_47 = arith.addi %add3A_46, %mul3A_45 : i32
      %mul3A_48 = arith.constant 2 : i32
      %mul3A_49 = arith.muli %mul3A_48, %add3A_47 : i32
      %mul3A_50 = arith.constant 32 : i32
      %mul3A_51 = arith.muli %mul3A_49, %mul3A_50 : i32
      %add3A_52 = arith.addi %add3A, %mul3A_51 : i32
      %lt3A_53 = arith.constant 2500 : i32
      %lt3A_54 = arith.cmpi slt, %add3A_52, %lt3A_53 : i32
      %convert_element_type3A_55 = arith.extui %lt3A_54 : i1 to i32
      %cond3A_56 = arith.constant 0 : i32
      %cond3A_57 = arith.cmpi ne, %convert_element_type3A_55, %cond3A_56 : i32
      scf.if %cond3A_57 {
        %dma_wait3A = arith.constant 0 : i32
        %dma_wait3A_107 = arith.constant 0 : i32
        %dma_wait3A_108 = tpu.memref_slice %arg2[%add3A_52, %dma_wait3A, %dma_wait3A_107] : memref<2500x2x128xi32, #tpu.memory_space<hbm>> -> memref<1x2x128xi32, #tpu.memory_space<hbm>>
        %dma_wait3A_109 = tpu.memref_squeeze %dma_wait3A_108 : memref<1x2x128xi32, #tpu.memory_space<hbm>> -> memref<2x128xi32, #tpu.memory_space<hbm>>
        %dma_wait3A_110 = arith.constant 0 : i32
        %dma_wait3A_111 = arith.constant 0 : i32
        %dma_wait3A_112 = tpu.memref_slice %arg2[%add3A_52, %dma_wait3A_110, %dma_wait3A_111] : memref<2500x2x128xi32, #tpu.memory_space<hbm>> -> memref<1x2x128xi32, #tpu.memory_space<hbm>>
        %dma_wait3A_113 = tpu.memref_squeeze %dma_wait3A_112 : memref<1x2x128xi32, #tpu.memory_space<hbm>> -> memref<2x128xi32, #tpu.memory_space<hbm>>
        tpu.wait_dma2 semaphore(%arg14 : memref<!tpu.dma_semaphore, #tpu.memory_space<semaphore_mem>>) src(%dma_wait3A_113 : memref<2x128xi32, #tpu.memory_space<hbm>>) dst(%arg7 : memref<2x128xi32, #tpu.memory_space<vmem>>)
        %dma_start3A = arith.constant 0 : i32
        %dma_start3A_114 = arith.constant 0 : i32
        %dma_start3A_115 = tpu.memref_slice %arg7[%dma_start3A, %dma_start3A_114] : memref<2x128xi32, #tpu.memory_space<vmem>> -> memref<1x128xi32, #tpu.memory_space<vmem>>
        %dma_start3A_116 = tpu.memref_squeeze %dma_start3A_115 : memref<1x128xi32, #tpu.memory_space<vmem>> -> memref<128xi32, #tpu.memory_space<vmem>>
        %dma_start3A_117 = arith.constant 0 : i32
        %dma_start3A_118 = arith.constant 0 : i32
        %dma_start3A_119 = tpu.memref_slice %arg12[%dma_start3A_117, %dma_start3A_118] : memref<10000x16xf32, #tpu.memory_space<vmem_shared>> -> memref<10000x16xf32, #tpu.memory_space<vmem_shared>>
        tpu.enqueue_indirect_dma source(%arg6 : memref<128x16xf32, #tpu.memory_space<vmem>>) target(%dma_start3A_119 : memref<10000x16xf32, #tpu.memory_space<vmem_shared>>) offsets(%dma_start3A_116 : memref<128xi32, #tpu.memory_space<vmem>>) semaphore(%arg16 : memref<!tpu.dma_semaphore, #tpu.memory_space<semaphore_mem>>) {add = true}
        %dma_start3A_120 = arith.constant 1 : i32
        %dma_start3A_121 = arith.constant 0 : i32
        %dma_start3A_122 = tpu.memref_slice %arg7[%dma_start3A_120, %dma_start3A_121] : memref<2x128xi32, #tpu.memory_space<vmem>> -> memref<1x128xi32, #tpu.memory_space<vmem>>
        %dma_start3A_123 = tpu.memref_squeeze %dma_start3A_122 : memref<1x128xi32, #tpu.memory_space<vmem>> -> memref<128xi32, #tpu.memory_space<vmem>>
        %dma_start3A_124 = arith.constant 0 : i32
        %dma_start3A_125 = arith.constant 0 : i32
        %dma_start3A_126 = tpu.memref_slice %arg13[%dma_start3A_124, %dma_start3A_125] : memref<10000x16xf32, #tpu.memory_space<vmem_shared>> -> memref<10000x16xf32, #tpu.memory_space<vmem_shared>>
        tpu.enqueue_indirect_dma source(%arg6 : memref<128x16xf32, #tpu.memory_space<vmem>>) target(%dma_start3A_126 : memref<10000x16xf32, #tpu.memory_space<vmem_shared>>) offsets(%dma_start3A_123 : memref<128xi32, #tpu.memory_space<vmem>>) semaphore(%arg16 : memref<!tpu.dma_semaphore, #tpu.memory_space<semaphore_mem>>) {add = true}
      } else {
      }
      %add3A_58 = arith.constant 2 : i32
      %add3A_59 = arith.addi %mul3A_49, %add3A_58 : i32
      %sub3A = arith.constant 2 : i32
      %sub3A_60 = arith.subi %add3A_59, %sub3A : i32
      %mul3A_61 = arith.constant 32 : i32
      %mul3A_62 = arith.muli %sub3A_60, %mul3A_61 : i32
      %add3A_63 = arith.addi %add3A, %mul3A_62 : i32
      %lt3A_64 = arith.constant 2500 : i32
      %lt3A_65 = arith.cmpi slt, %add3A_63, %lt3A_64 : i32
      %convert_element_type3A_66 = arith.extui %lt3A_65 : i1 to i32
      %cond3A_67 = arith.constant 0 : i32
      %cond3A_68 = arith.cmpi ne, %convert_element_type3A_66, %cond3A_67 : i32
      scf.if %cond3A_68 {
        %dma_wait3A = arith.constant 0 : i32
        %dma_wait3A_107 = arith.constant 0 : i32
        %dma_wait3A_108 = tpu.memref_slice %arg7[%dma_wait3A, %dma_wait3A_107] : memref<2x128xi32, #tpu.memory_space<vmem>> -> memref<1x128xi32, #tpu.memory_space<vmem>>
        %dma_wait3A_109 = tpu.memref_squeeze %dma_wait3A_108 : memref<1x128xi32, #tpu.memory_space<vmem>> -> memref<128xi32, #tpu.memory_space<vmem>>
        %dma_wait3A_110 = arith.constant 0 : i32
        %dma_wait3A_111 = arith.constant 0 : i32
        %dma_wait3A_112 = tpu.memref_slice %arg12[%dma_wait3A_110, %dma_wait3A_111] : memref<10000x16xf32, #tpu.memory_space<vmem_shared>> -> memref<10000x16xf32, #tpu.memory_space<vmem_shared>>
        tpu.wait_indirect_dma semaphore(%arg16 : memref<!tpu.dma_semaphore, #tpu.memory_space<semaphore_mem>>) src(%arg6 : memref<128x16xf32, #tpu.memory_space<vmem>>) dst(%dma_wait3A_112 : memref<10000x16xf32, #tpu.memory_space<vmem_shared>>)
        %dma_wait3A_113 = arith.constant 1 : i32
        %dma_wait3A_114 = arith.constant 0 : i32
        %dma_wait3A_115 = tpu.memref_slice %arg7[%dma_wait3A_113, %dma_wait3A_114] : memref<2x128xi32, #tpu.memory_space<vmem>> -> memref<1x128xi32, #tpu.memory_space<vmem>>
        %dma_wait3A_116 = tpu.memref_squeeze %dma_wait3A_115 : memref<1x128xi32, #tpu.memory_space<vmem>> -> memref<128xi32, #tpu.memory_space<vmem>>
        %dma_wait3A_117 = arith.constant 0 : i32
        %dma_wait3A_118 = arith.constant 0 : i32
        %dma_wait3A_119 = tpu.memref_slice %arg13[%dma_wait3A_117, %dma_wait3A_118] : memref<10000x16xf32, #tpu.memory_space<vmem_shared>> -> memref<10000x16xf32, #tpu.memory_space<vmem_shared>>
        tpu.wait_indirect_dma semaphore(%arg16 : memref<!tpu.dma_semaphore, #tpu.memory_space<semaphore_mem>>) src(%arg6 : memref<128x16xf32, #tpu.memory_space<vmem>>) dst(%dma_wait3A_119 : memref<10000x16xf32, #tpu.memory_space<vmem_shared>>)
      } else {
      }
      %mul3A_69 = arith.constant 32 : i32
      %mul3A_70 = arith.muli %add3A_59, %mul3A_69 : i32
      %add3A_71 = arith.addi %add3A, %mul3A_70 : i32
      %lt3A_72 = arith.constant 2500 : i32
      %lt3A_73 = arith.cmpi slt, %add3A_71, %lt3A_72 : i32
      %convert_element_type3A_74 = arith.extui %lt3A_73 : i1 to i32
      %cond3A_75 = arith.constant 0 : i32
      %cond3A_76 = arith.cmpi ne, %convert_element_type3A_74, %cond3A_75 : i32
      scf.if %cond3A_76 {
        %dma_start3A = arith.constant 0 : i32
        %dma_start3A_107 = arith.constant 0 : i32
        %dma_start3A_108 = tpu.memref_slice %arg2[%add3A_71, %dma_start3A, %dma_start3A_107] : memref<2500x2x128xi32, #tpu.memory_space<hbm>> -> memref<1x2x128xi32, #tpu.memory_space<hbm>>
        %dma_start3A_109 = tpu.memref_squeeze %dma_start3A_108 : memref<1x2x128xi32, #tpu.memory_space<hbm>> -> memref<2x128xi32, #tpu.memory_space<hbm>>
        %dma_start3A_110 = arith.constant 0 : i32
        %dma_start3A_111 = arith.constant 0 : i32
        %dma_start3A_112 = tpu.memref_slice %arg2[%add3A_71, %dma_start3A_110, %dma_start3A_111] : memref<2500x2x128xi32, #tpu.memory_space<hbm>> -> memref<1x2x128xi32, #tpu.memory_space<hbm>>
        %dma_start3A_113 = tpu.memref_squeeze %dma_start3A_112 : memref<1x2x128xi32, #tpu.memory_space<hbm>> -> memref<2x128xi32, #tpu.memory_space<hbm>>
        tpu.enqueue_dma source(%dma_start3A_113 : memref<2x128xi32, #tpu.memory_space<hbm>>) target(%arg7 : memref<2x128xi32, #tpu.memory_space<vmem>>) target_semaphore(%arg14 : memref<!tpu.dma_semaphore, #tpu.memory_space<semaphore_mem>>)
      } else {
      }
      %add3A_77 = arith.constant 1 : i32
      %add3A_78 = arith.addi %mul3A_49, %add3A_77 : i32
      %mul3A_79 = arith.constant 32 : i32
      %mul3A_80 = arith.muli %add3A_78, %mul3A_79 : i32
      %add3A_81 = arith.addi %add3A, %mul3A_80 : i32
      %lt3A_82 = arith.constant 2500 : i32
      %lt3A_83 = arith.cmpi slt, %add3A_81, %lt3A_82 : i32
      %convert_element_type3A_84 = arith.extui %lt3A_83 : i1 to i32
      %cond3A_85 = arith.constant 0 : i32
      %cond3A_86 = arith.cmpi ne, %convert_element_type3A_84, %cond3A_85 : i32
      scf.if %cond3A_86 {
        %dma_wait3A = arith.constant 0 : i32
        %dma_wait3A_107 = arith.constant 0 : i32
        %dma_wait3A_108 = tpu.memref_slice %arg2[%add3A_81, %dma_wait3A, %dma_wait3A_107] : memref<2500x2x128xi32, #tpu.memory_space<hbm>> -> memref<1x2x128xi32, #tpu.memory_space<hbm>>
        %dma_wait3A_109 = tpu.memref_squeeze %dma_wait3A_108 : memref<1x2x128xi32, #tpu.memory_space<hbm>> -> memref<2x128xi32, #tpu.memory_space<hbm>>
        %dma_wait3A_110 = arith.constant 0 : i32
        %dma_wait3A_111 = arith.constant 0 : i32
        %dma_wait3A_112 = tpu.memref_slice %arg2[%add3A_81, %dma_wait3A_110, %dma_wait3A_111] : memref<2500x2x128xi32, #tpu.memory_space<hbm>> -> memref<1x2x128xi32, #tpu.memory_space<hbm>>
        %dma_wait3A_113 = tpu.memref_squeeze %dma_wait3A_112 : memref<1x2x128xi32, #tpu.memory_space<hbm>> -> memref<2x128xi32, #tpu.memory_space<hbm>>
        tpu.wait_dma2 semaphore(%arg15 : memref<!tpu.dma_semaphore, #tpu.memory_space<semaphore_mem>>) src(%dma_wait3A_113 : memref<2x128xi32, #tpu.memory_space<hbm>>) dst(%arg8 : memref<2x128xi32, #tpu.memory_space<vmem>>)
        %dma_start3A = arith.constant 0 : i32
        %dma_start3A_114 = arith.constant 0 : i32
        %dma_start3A_115 = tpu.memref_slice %arg8[%dma_start3A, %dma_start3A_114] : memref<2x128xi32, #tpu.memory_space<vmem>> -> memref<1x128xi32, #tpu.memory_space<vmem>>
        %dma_start3A_116 = tpu.memref_squeeze %dma_start3A_115 : memref<1x128xi32, #tpu.memory_space<vmem>> -> memref<128xi32, #tpu.memory_space<vmem>>
        %dma_start3A_117 = arith.constant 0 : i32
        %dma_start3A_118 = arith.constant 0 : i32
        %dma_start3A_119 = tpu.memref_slice %arg12[%dma_start3A_117, %dma_start3A_118] : memref<10000x16xf32, #tpu.memory_space<vmem_shared>> -> memref<10000x16xf32, #tpu.memory_space<vmem_shared>>
        tpu.enqueue_indirect_dma source(%arg6 : memref<128x16xf32, #tpu.memory_space<vmem>>) target(%dma_start3A_119 : memref<10000x16xf32, #tpu.memory_space<vmem_shared>>) offsets(%dma_start3A_116 : memref<128xi32, #tpu.memory_space<vmem>>) semaphore(%arg17 : memref<!tpu.dma_semaphore, #tpu.memory_space<semaphore_mem>>) {add = true}
        %dma_start3A_120 = arith.constant 1 : i32
        %dma_start3A_121 = arith.constant 0 : i32
        %dma_start3A_122 = tpu.memref_slice %arg8[%dma_start3A_120, %dma_start3A_121] : memref<2x128xi32, #tpu.memory_space<vmem>> -> memref<1x128xi32, #tpu.memory_space<vmem>>
        %dma_start3A_123 = tpu.memref_squeeze %dma_start3A_122 : memref<1x128xi32, #tpu.memory_space<vmem>> -> memref<128xi32, #tpu.memory_space<vmem>>
        %dma_start3A_124 = arith.constant 0 : i32
        %dma_start3A_125 = arith.constant 0 : i32
        %dma_start3A_126 = tpu.memref_slice %arg13[%dma_start3A_124, %dma_start3A_125] : memref<10000x16xf32, #tpu.memory_space<vmem_shared>> -> memref<10000x16xf32, #tpu.memory_space<vmem_shared>>
        tpu.enqueue_indirect_dma source(%arg6 : memref<128x16xf32, #tpu.memory_space<vmem>>) target(%dma_start3A_126 : memref<10000x16xf32, #tpu.memory_space<vmem_shared>>) offsets(%dma_start3A_123 : memref<128xi32, #tpu.memory_space<vmem>>) semaphore(%arg17 : memref<!tpu.dma_semaphore, #tpu.memory_space<semaphore_mem>>) {add = true}
      } else {
      }
      %add3A_87 = arith.constant 3 : i32
      %add3A_88 = arith.addi %mul3A_49, %add3A_87 : i32
      %sub3A_89 = arith.constant 2 : i32
      %sub3A_90 = arith.subi %add3A_88, %sub3A_89 : i32
      %mul3A_91 = arith.constant 32 : i32
      %mul3A_92 = arith.muli %sub3A_90, %mul3A_91 : i32
      %add3A_93 = arith.addi %add3A, %mul3A_92 : i32
      %lt3A_94 = arith.constant 2500 : i32
      %lt3A_95 = arith.cmpi slt, %add3A_93, %lt3A_94 : i32
      %convert_element_type3A_96 = arith.extui %lt3A_95 : i1 to i32
      %cond3A_97 = arith.constant 0 : i32
      %cond3A_98 = arith.cmpi ne, %convert_element_type3A_96, %cond3A_97 : i32
      scf.if %cond3A_98 {
        %dma_wait3A = arith.constant 0 : i32
        %dma_wait3A_107 = arith.constant 0 : i32
        %dma_wait3A_108 = tpu.memref_slice %arg8[%dma_wait3A, %dma_wait3A_107] : memref<2x128xi32, #tpu.memory_space<vmem>> -> memref<1x128xi32, #tpu.memory_space<vmem>>
        %dma_wait3A_109 = tpu.memref_squeeze %dma_wait3A_108 : memref<1x128xi32, #tpu.memory_space<vmem>> -> memref<128xi32, #tpu.memory_space<vmem>>
        %dma_wait3A_110 = arith.constant 0 : i32
        %dma_wait3A_111 = arith.constant 0 : i32
        %dma_wait3A_112 = tpu.memref_slice %arg12[%dma_wait3A_110, %dma_wait3A_111] : memref<10000x16xf32, #tpu.memory_space<vmem_shared>> -> memref<10000x16xf32, #tpu.memory_space<vmem_shared>>
        tpu.wait_indirect_dma semaphore(%arg17 : memref<!tpu.dma_semaphore, #tpu.memory_space<semaphore_mem>>) src(%arg6 : memref<128x16xf32, #tpu.memory_space<vmem>>) dst(%dma_wait3A_112 : memref<10000x16xf32, #tpu.memory_space<vmem_shared>>)
        %dma_wait3A_113 = arith.constant 1 : i32
        %dma_wait3A_114 = arith.constant 0 : i32
        %dma_wait3A_115 = tpu.memref_slice %arg8[%dma_wait3A_113, %dma_wait3A_114] : memref<2x128xi32, #tpu.memory_space<vmem>> -> memref<1x128xi32, #tpu.memory_space<vmem>>
        %dma_wait3A_116 = tpu.memref_squeeze %dma_wait3A_115 : memref<1x128xi32, #tpu.memory_space<vmem>> -> memref<128xi32, #tpu.memory_space<vmem>>
        %dma_wait3A_117 = arith.constant 0 : i32
        %dma_wait3A_118 = arith.constant 0 : i32
        %dma_wait3A_119 = tpu.memref_slice %arg13[%dma_wait3A_117, %dma_wait3A_118] : memref<10000x16xf32, #tpu.memory_space<vmem_shared>> -> memref<10000x16xf32, #tpu.memory_space<vmem_shared>>
        tpu.wait_indirect_dma semaphore(%arg17 : memref<!tpu.dma_semaphore, #tpu.memory_space<semaphore_mem>>) src(%arg6 : memref<128x16xf32, #tpu.memory_space<vmem>>) dst(%dma_wait3A_119 : memref<10000x16xf32, #tpu.memory_space<vmem_shared>>)
      } else {
      }
      %mul3A_99 = arith.constant 32 : i32
      %mul3A_100 = arith.muli %add3A_88, %mul3A_99 : i32
      %add3A_101 = arith.addi %add3A, %mul3A_100 : i32
      %lt3A_102 = arith.constant 2500 : i32
      %lt3A_103 = arith.cmpi slt, %add3A_101, %lt3A_102 : i32
      %convert_element_type3A_104 = arith.extui %lt3A_103 : i1 to i32
      %cond3A_105 = arith.constant 0 : i32
      %cond3A_106 = arith.cmpi ne, %convert_element_type3A_104, %cond3A_105 : i32
      scf.if %cond3A_106 {
        %dma_start3A = arith.constant 0 : i32
        %dma_start3A_107 = arith.constant 0 : i32
        %dma_start3A_108 = tpu.memref_slice %arg2[%add3A_101, %dma_start3A, %dma_start3A_107] : memref<2500x2x128xi32, #tpu.memory_space<hbm>> -> memref<1x2x128xi32, #tpu.memory_space<hbm>>
        %dma_start3A_109 = tpu.memref_squeeze %dma_start3A_108 : memref<1x2x128xi32, #tpu.memory_space<hbm>> -> memref<2x128xi32, #tpu.memory_space<hbm>>
        %dma_start3A_110 = arith.constant 0 : i32
        %dma_start3A_111 = arith.constant 0 : i32
        %dma_start3A_112 = tpu.memref_slice %arg2[%add3A_101, %dma_start3A_110, %dma_start3A_111] : memref<2500x2x128xi32, #tpu.memory_space<hbm>> -> memref<1x2x128xi32, #tpu.memory_space<hbm>>
        %dma_start3A_113 = tpu.memref_squeeze %dma_start3A_112 : memref<1x2x128xi32, #tpu.memory_space<hbm>> -> memref<2x128xi32, #tpu.memory_space<hbm>>
        tpu.enqueue_dma source(%dma_start3A_113 : memref<2x128xi32, #tpu.memory_space<hbm>>) target(%arg8 : memref<2x128xi32, #tpu.memory_space<vmem>>) target_semaphore(%arg15 : memref<!tpu.dma_semaphore, #tpu.memory_space<semaphore_mem>>)
      } else {
      }
    }
    %scan3A_21 = arith.constant 40 : i32
    %barrier3A_22 = arith.constant 0 : index
    tpu.barrier barrier_id(%barrier3A_22)
    "tpu.region"() ({
      %run_scoped3A = tpu.sem_alloc : memref<!tpu.dma_semaphore, #tpu.memory_space<semaphore_mem>>
      %dma_start3A = arith.constant 0 : i32
      %dma_start3A_43 = arith.constant 0 : i32
      %dma_start3A_44 = tpu.memref_slice %arg9[%dma_start3A, %dma_start3A_43] : memref<640x16xf32, #tpu.memory_space<vmem>> -> memref<624x16xf32, #tpu.memory_space<vmem>>
      %dma_start3A_45 = arith.constant 0 : i32
      %dma_start3A_46 = tpu.memref_slice %arg12[%mul3A_2, %dma_start3A_45] : memref<10000x16xf32, #tpu.memory_space<vmem_shared>> -> memref<624x16xf32, #tpu.memory_space<vmem_shared>>
      %dma_start3A_47 = arith.constant 0 : i32
      %dma_start3A_48 = arith.constant 0 : i32
      %dma_start3A_49 = tpu.memref_slice %arg9[%dma_start3A_47, %dma_start3A_48] : memref<640x16xf32, #tpu.memory_space<vmem>> -> memref<624x16xf32, #tpu.memory_space<vmem>>
      %dma_start3A_50 = arith.constant 0 : i32
      %dma_start3A_51 = tpu.memref_slice %arg12[%mul3A_2, %dma_start3A_50] : memref<10000x16xf32, #tpu.memory_space<vmem_shared>> -> memref<624x16xf32, #tpu.memory_space<vmem_shared>>
      tpu.enqueue_dma source(%dma_start3A_51 : memref<624x16xf32, #tpu.memory_space<vmem_shared>>) target(%dma_start3A_49 : memref<624x16xf32, #tpu.memory_space<vmem>>) target_semaphore(%run_scoped3A : memref<!tpu.dma_semaphore, #tpu.memory_space<semaphore_mem>>)
      %dma_wait3A = arith.constant 0 : i32
      %dma_wait3A_52 = arith.constant 0 : i32
      %dma_wait3A_53 = tpu.memref_slice %arg9[%dma_wait3A, %dma_wait3A_52] : memref<640x16xf32, #tpu.memory_space<vmem>> -> memref<624x16xf32, #tpu.memory_space<vmem>>
      %dma_wait3A_54 = arith.constant 0 : i32
      %dma_wait3A_55 = tpu.memref_slice %arg12[%mul3A_2, %dma_wait3A_54] : memref<10000x16xf32, #tpu.memory_space<vmem_shared>> -> memref<624x16xf32, #tpu.memory_space<vmem_shared>>
      %dma_wait3A_56 = arith.constant 0 : i32
      %dma_wait3A_57 = arith.constant 0 : i32
      %dma_wait3A_58 = tpu.memref_slice %arg9[%dma_wait3A_56, %dma_wait3A_57] : memref<640x16xf32, #tpu.memory_space<vmem>> -> memref<624x16xf32, #tpu.memory_space<vmem>>
      %dma_wait3A_59 = arith.constant 0 : i32
      %dma_wait3A_60 = tpu.memref_slice %arg12[%mul3A_2, %dma_wait3A_59] : memref<10000x16xf32, #tpu.memory_space<vmem_shared>> -> memref<624x16xf32, #tpu.memory_space<vmem_shared>>
      tpu.wait_dma2 semaphore(%run_scoped3A : memref<!tpu.dma_semaphore, #tpu.memory_space<semaphore_mem>>) src(%dma_wait3A_60 : memref<624x16xf32, #tpu.memory_space<vmem_shared>>) dst(%dma_wait3A_58 : memref<624x16xf32, #tpu.memory_space<vmem>>)
      tpu.yield
    }) : () -> ()
    %eq3A_23 = arith.constant 15 : i32
    %eq3A_24 = arith.cmpi eq, %arg1, %eq3A_23 : i32
    %convert_element_type3A_25 = arith.extui %eq3A_24 : i1 to i32
    %cond3A_26 = arith.constant 0 : i32
    %cond3A_27 = arith.cmpi ne, %convert_element_type3A_25, %cond3A_26 : i32
    scf.if %cond3A_27 {
      "tpu.region"() ({
        %run_scoped3A = tpu.sem_alloc : memref<!tpu.dma_semaphore, #tpu.memory_space<semaphore_mem>>
        %dma_start3A = arith.constant 624 : i32
        %dma_start3A_43 = arith.constant 0 : i32
        %dma_start3A_44 = tpu.memref_slice %arg9[%dma_start3A, %dma_start3A_43] : memref<640x16xf32, #tpu.memory_space<vmem>> -> memref<16x16xf32, #tpu.memory_space<vmem>>
        %dma_start3A_45 = arith.constant 9984 : i32
        %dma_start3A_46 = arith.constant 0 : i32
        %dma_start3A_47 = tpu.memref_slice %arg12[%dma_start3A_45, %dma_start3A_46] : memref<10000x16xf32, #tpu.memory_space<vmem_shared>> -> memref<16x16xf32, #tpu.memory_space<vmem_shared>>
        %dma_start3A_48 = arith.constant 624 : i32
        %dma_start3A_49 = arith.constant 0 : i32
        %dma_start3A_50 = tpu.memref_slice %arg9[%dma_start3A_48, %dma_start3A_49] : memref<640x16xf32, #tpu.memory_space<vmem>> -> memref<16x16xf32, #tpu.memory_space<vmem>>
        %dma_start3A_51 = arith.constant 9984 : i32
        %dma_start3A_52 = arith.constant 0 : i32
        %dma_start3A_53 = tpu.memref_slice %arg12[%dma_start3A_51, %dma_start3A_52] : memref<10000x16xf32, #tpu.memory_space<vmem_shared>> -> memref<16x16xf32, #tpu.memory_space<vmem_shared>>
        tpu.enqueue_dma source(%dma_start3A_53 : memref<16x16xf32, #tpu.memory_space<vmem_shared>>) target(%dma_start3A_50 : memref<16x16xf32, #tpu.memory_space<vmem>>) target_semaphore(%run_scoped3A : memref<!tpu.dma_semaphore, #tpu.memory_space<semaphore_mem>>)
        %dma_wait3A = arith.constant 624 : i32
        %dma_wait3A_54 = arith.constant 0 : i32
        %dma_wait3A_55 = tpu.memref_slice %arg9[%dma_wait3A, %dma_wait3A_54] : memref<640x16xf32, #tpu.memory_space<vmem>> -> memref<16x16xf32, #tpu.memory_space<vmem>>
        %dma_wait3A_56 = arith.constant 9984 : i32
        %dma_wait3A_57 = arith.constant 0 : i32
        %dma_wait3A_58 = tpu.memref_slice %arg12[%dma_wait3A_56, %dma_wait3A_57] : memref<10000x16xf32, #tpu.memory_space<vmem_shared>> -> memref<16x16xf32, #tpu.memory_space<vmem_shared>>
        %dma_wait3A_59 = arith.constant 624 : i32
        %dma_wait3A_60 = arith.constant 0 : i32
        %dma_wait3A_61 = tpu.memref_slice %arg9[%dma_wait3A_59, %dma_wait3A_60] : memref<640x16xf32, #tpu.memory_space<vmem>> -> memref<16x16xf32, #tpu.memory_space<vmem>>
        %dma_wait3A_62 = arith.constant 9984 : i32
        %dma_wait3A_63 = arith.constant 0 : i32
        %dma_wait3A_64 = tpu.memref_slice %arg12[%dma_wait3A_62, %dma_wait3A_63] : memref<10000x16xf32, #tpu.memory_space<vmem_shared>> -> memref<16x16xf32, #tpu.memory_space<vmem_shared>>
        tpu.wait_dma2 semaphore(%run_scoped3A : memref<!tpu.dma_semaphore, #tpu.memory_space<semaphore_mem>>) src(%dma_wait3A_64 : memref<16x16xf32, #tpu.memory_space<vmem_shared>>) dst(%dma_wait3A_61 : memref<16x16xf32, #tpu.memory_space<vmem>>)
        tpu.yield
      }) : () -> ()
    } else {
    }
    "tpu.region"() ({
      %run_scoped3A = tpu.sem_alloc : memref<!tpu.dma_semaphore, #tpu.memory_space<semaphore_mem>>
      %dma_start3A = arith.constant 0 : i32
      %dma_start3A_43 = arith.constant 0 : i32
      %dma_start3A_44 = tpu.memref_slice %arg10[%dma_start3A, %dma_start3A_43] : memref<640x16xf32, #tpu.memory_space<vmem>> -> memref<624x16xf32, #tpu.memory_space<vmem>>
      %dma_start3A_45 = arith.constant 0 : i32
      %dma_start3A_46 = tpu.memref_slice %arg13[%mul3A_2, %dma_start3A_45] : memref<10000x16xf32, #tpu.memory_space<vmem_shared>> -> memref<624x16xf32, #tpu.memory_space<vmem_shared>>
      %dma_start3A_47 = arith.constant 0 : i32
      %dma_start3A_48 = arith.constant 0 : i32
      %dma_start3A_49 = tpu.memref_slice %arg10[%dma_start3A_47, %dma_start3A_48] : memref<640x16xf32, #tpu.memory_space<vmem>> -> memref<624x16xf32, #tpu.memory_space<vmem>>
      %dma_start3A_50 = arith.constant 0 : i32
      %dma_start3A_51 = tpu.memref_slice %arg13[%mul3A_2, %dma_start3A_50] : memref<10000x16xf32, #tpu.memory_space<vmem_shared>> -> memref<624x16xf32, #tpu.memory_space<vmem_shared>>
      tpu.enqueue_dma source(%dma_start3A_51 : memref<624x16xf32, #tpu.memory_space<vmem_shared>>) target(%dma_start3A_49 : memref<624x16xf32, #tpu.memory_space<vmem>>) target_semaphore(%run_scoped3A : memref<!tpu.dma_semaphore, #tpu.memory_space<semaphore_mem>>)
      %dma_wait3A = arith.constant 0 : i32
      %dma_wait3A_52 = arith.constant 0 : i32
      %dma_wait3A_53 = tpu.memref_slice %arg10[%dma_wait3A, %dma_wait3A_52] : memref<640x16xf32, #tpu.memory_space<vmem>> -> memref<624x16xf32, #tpu.memory_space<vmem>>
      %dma_wait3A_54 = arith.constant 0 : i32
      %dma_wait3A_55 = tpu.memref_slice %arg13[%mul3A_2, %dma_wait3A_54] : memref<10000x16xf32, #tpu.memory_space<vmem_shared>> -> memref<624x16xf32, #tpu.memory_space<vmem_shared>>
      %dma_wait3A_56 = arith.constant 0 : i32
      %dma_wait3A_57 = arith.constant 0 : i32
      %dma_wait3A_58 = tpu.memref_slice %arg10[%dma_wait3A_56, %dma_wait3A_57] : memref<640x16xf32, #tpu.memory_space<vmem>> -> memref<624x16xf32, #tpu.memory_space<vmem>>
      %dma_wait3A_59 = arith.constant 0 : i32
      %dma_wait3A_60 = tpu.memref_slice %arg13[%mul3A_2, %dma_wait3A_59] : memref<10000x16xf32, #tpu.memory_space<vmem_shared>> -> memref<624x16xf32, #tpu.memory_space<vmem_shared>>
      tpu.wait_dma2 semaphore(%run_scoped3A : memref<!tpu.dma_semaphore, #tpu.memory_space<semaphore_mem>>) src(%dma_wait3A_60 : memref<624x16xf32, #tpu.memory_space<vmem_shared>>) dst(%dma_wait3A_58 : memref<624x16xf32, #tpu.memory_space<vmem>>)
      tpu.yield
    }) : () -> ()
    %eq3A_28 = arith.constant 15 : i32
    %eq3A_29 = arith.cmpi eq, %arg1, %eq3A_28 : i32
    %convert_element_type3A_30 = arith.extui %eq3A_29 : i1 to i32
    %cond3A_31 = arith.constant 0 : i32
    %cond3A_32 = arith.cmpi ne, %convert_element_type3A_30, %cond3A_31 : i32
    scf.if %cond3A_32 {
      "tpu.region"() ({
        %run_scoped3A = tpu.sem_alloc : memref<!tpu.dma_semaphore, #tpu.memory_space<semaphore_mem>>
        %dma_start3A = arith.constant 624 : i32
        %dma_start3A_43 = arith.constant 0 : i32
        %dma_start3A_44 = tpu.memref_slice %arg10[%dma_start3A, %dma_start3A_43] : memref<640x16xf32, #tpu.memory_space<vmem>> -> memref<16x16xf32, #tpu.memory_space<vmem>>
        %dma_start3A_45 = arith.constant 9984 : i32
        %dma_start3A_46 = arith.constant 0 : i32
        %dma_start3A_47 = tpu.memref_slice %arg13[%dma_start3A_45, %dma_start3A_46] : memref<10000x16xf32, #tpu.memory_space<vmem_shared>> -> memref<16x16xf32, #tpu.memory_space<vmem_shared>>
        %dma_start3A_48 = arith.constant 624 : i32
        %dma_start3A_49 = arith.constant 0 : i32
        %dma_start3A_50 = tpu.memref_slice %arg10[%dma_start3A_48, %dma_start3A_49] : memref<640x16xf32, #tpu.memory_space<vmem>> -> memref<16x16xf32, #tpu.memory_space<vmem>>
        %dma_start3A_51 = arith.constant 9984 : i32
        %dma_start3A_52 = arith.constant 0 : i32
        %dma_start3A_53 = tpu.memref_slice %arg13[%dma_start3A_51, %dma_start3A_52] : memref<10000x16xf32, #tpu.memory_space<vmem_shared>> -> memref<16x16xf32, #tpu.memory_space<vmem_shared>>
        tpu.enqueue_dma source(%dma_start3A_53 : memref<16x16xf32, #tpu.memory_space<vmem_shared>>) target(%dma_start3A_50 : memref<16x16xf32, #tpu.memory_space<vmem>>) target_semaphore(%run_scoped3A : memref<!tpu.dma_semaphore, #tpu.memory_space<semaphore_mem>>)
        %dma_wait3A = arith.constant 624 : i32
        %dma_wait3A_54 = arith.constant 0 : i32
        %dma_wait3A_55 = tpu.memref_slice %arg10[%dma_wait3A, %dma_wait3A_54] : memref<640x16xf32, #tpu.memory_space<vmem>> -> memref<16x16xf32, #tpu.memory_space<vmem>>
        %dma_wait3A_56 = arith.constant 9984 : i32
        %dma_wait3A_57 = arith.constant 0 : i32
        %dma_wait3A_58 = tpu.memref_slice %arg13[%dma_wait3A_56, %dma_wait3A_57] : memref<10000x16xf32, #tpu.memory_space<vmem_shared>> -> memref<16x16xf32, #tpu.memory_space<vmem_shared>>
        %dma_wait3A_59 = arith.constant 624 : i32
        %dma_wait3A_60 = arith.constant 0 : i32
        %dma_wait3A_61 = tpu.memref_slice %arg10[%dma_wait3A_59, %dma_wait3A_60] : memref<640x16xf32, #tpu.memory_space<vmem>> -> memref<16x16xf32, #tpu.memory_space<vmem>>
        %dma_wait3A_62 = arith.constant 9984 : i32
        %dma_wait3A_63 = arith.constant 0 : i32
        %dma_wait3A_64 = tpu.memref_slice %arg13[%dma_wait3A_62, %dma_wait3A_63] : memref<10000x16xf32, #tpu.memory_space<vmem_shared>> -> memref<16x16xf32, #tpu.memory_space<vmem_shared>>
        tpu.wait_dma2 semaphore(%run_scoped3A : memref<!tpu.dma_semaphore, #tpu.memory_space<semaphore_mem>>) src(%dma_wait3A_64 : memref<16x16xf32, #tpu.memory_space<vmem_shared>>) dst(%dma_wait3A_61 : memref<16x16xf32, #tpu.memory_space<vmem>>)
        tpu.yield
      }) : () -> ()
    } else {
    }
    %scan3A_33 = arith.constant 0 : i32
    %scan3A_34 = arith.constant 6 : i32
    %scan3A_35 = arith.addi %scan3A_33, %scan3A_34 : i32
    %scan3A_36 = arith.constant 1 : i32
    scf.for %scan3A_43 = %scan3A_33 to %scan3A_35 step %scan3A_36  : i32 {
      %mul3A_44 = arith.constant 1 : i32
      %mul3A_45 = arith.muli %scan3A_43, %mul3A_44 : i32
      %add3A_46 = arith.constant 0 : i32
      %add3A_47 = arith.addi %add3A_46, %mul3A_45 : i32
      %mul3A_48 = arith.constant 104 : i32
      %mul3A_49 = arith.muli %add3A_47, %mul3A_48 : i32
      %scan3A_50 = arith.constant 0 : i32
      %scan3A_51 = arith.constant 104 : i32
      %scan3A_52 = arith.addi %scan3A_50, %scan3A_51 : i32
      %scan3A_53 = arith.constant 1 : i32
      scf.for %scan3A_58 = %scan3A_50 to %scan3A_52 step %scan3A_53  : i32 {
        %mul3A_59 = arith.constant 1 : i32
        %mul3A_60 = arith.muli %scan3A_58, %mul3A_59 : i32
        %add3A_61 = arith.constant 0 : i32
        %add3A_62 = arith.addi %add3A_61, %mul3A_60 : i32
        %add3A_63 = arith.addi %mul3A_49, %add3A_62 : i32
        %get3A = arith.index_cast %add3A_63 : i32 to index
        %get3A_64 = arith.constant 0 : index
        %get3A_65 = tpu.vector_load %arg9[%get3A, %get3A_64] {strides = array<i32>} : memref<640x16xf32, #tpu.memory_space<vmem>>, vector<1x16xf32>,
        %get3A_66 = vector.shape_cast %get3A_65 : vector<1x16xf32> to vector<16xf32>
        %add3A_67 = arith.addi %mul3A_49, %add3A_62 : i32
        %get3A_68 = arith.index_cast %add3A_67 : i32 to index
        %get3A_69 = arith.constant 0 : index
        %get3A_70 = tpu.vector_load %arg10[%get3A_68, %get3A_69] {strides = array<i32>} : memref<640x16xf32, #tpu.memory_space<vmem>>, vector<1x16xf32>,
        %get3A_71 = vector.shape_cast %get3A_70 : vector<1x16xf32> to vector<16xf32>
        %swap3A = arith.index_cast %add3A_62 : i32 to index
        %swap3A_72 = arith.constant 0 : index
        %swap3A_73 = tpu.vector_load %arg11[%swap3A, %swap3A_72] {strides = array<i32>} : memref<104x128xf32, #tpu.memory_space<vmem>>, vector<1x16xf32>,
        %swap3A_74 = vector.shape_cast %swap3A_73 : vector<1x16xf32> to vector<16xf32>
        %swap3A_75 = vector.shape_cast %get3A_66 : vector<16xf32> to vector<1x16xf32>
        tpu.vector_store %arg11[%swap3A, %swap3A_72], %swap3A_75 {strides = array<i32>} : memref<104x128xf32, #tpu.memory_space<vmem>>, vector<1x16xf32>,
        %swap3A_76 = arith.index_cast %add3A_62 : i32 to index
        %swap3A_77 = arith.constant 16 : index
        %swap3A_78 = tpu.vector_load %arg11[%swap3A_76, %swap3A_77] {strides = array<i32>} : memref<104x128xf32, #tpu.memory_space<vmem>>, vector<1x16xf32>,
        %swap3A_79 = vector.shape_cast %swap3A_78 : vector<1x16xf32> to vector<16xf32>
        %swap3A_80 = vector.shape_cast %get3A_66 : vector<16xf32> to vector<1x16xf32>
        tpu.vector_store %arg11[%swap3A_76, %swap3A_77], %swap3A_80 {strides = array<i32>} : memref<104x128xf32, #tpu.memory_space<vmem>>, vector<1x16xf32>,
        %swap3A_81 = arith.index_cast %add3A_62 : i32 to index
        %swap3A_82 = arith.constant 32 : index
        %swap3A_83 = tpu.vector_load %arg11[%swap3A_81, %swap3A_82] {strides = array<i32>} : memref<104x128xf32, #tpu.memory_space<vmem>>, vector<1x16xf32>,
        %swap3A_84 = vector.shape_cast %swap3A_83 : vector<1x16xf32> to vector<16xf32>
        %swap3A_85 = vector.shape_cast %get3A_66 : vector<16xf32> to vector<1x16xf32>
        tpu.vector_store %arg11[%swap3A_81, %swap3A_82], %swap3A_85 {strides = array<i32>} : memref<104x128xf32, #tpu.memory_space<vmem>>, vector<1x16xf32>,
        %swap3A_86 = arith.index_cast %add3A_62 : i32 to index
        %swap3A_87 = arith.constant 48 : index
        %swap3A_88 = tpu.vector_load %arg11[%swap3A_86, %swap3A_87] {strides = array<i32>} : memref<104x128xf32, #tpu.memory_space<vmem>>, vector<1x16xf32>,
        %swap3A_89 = vector.shape_cast %swap3A_88 : vector<1x16xf32> to vector<16xf32>
        %swap3A_90 = vector.shape_cast %get3A_66 : vector<16xf32> to vector<1x16xf32>
        tpu.vector_store %arg11[%swap3A_86, %swap3A_87], %swap3A_90 {strides = array<i32>} : memref<104x128xf32, #tpu.memory_space<vmem>>, vector<1x16xf32>,
        %swap3A_91 = arith.index_cast %add3A_62 : i32 to index
        %swap3A_92 = arith.constant 64 : index
        %swap3A_93 = tpu.vector_load %arg11[%swap3A_91, %swap3A_92] {strides = array<i32>} : memref<104x128xf32, #tpu.memory_space<vmem>>, vector<1x16xf32>,
        %swap3A_94 = vector.shape_cast %swap3A_93 : vector<1x16xf32> to vector<16xf32>
        %swap3A_95 = vector.shape_cast %get3A_71 : vector<16xf32> to vector<1x16xf32>
        tpu.vector_store %arg11[%swap3A_91, %swap3A_92], %swap3A_95 {strides = array<i32>} : memref<104x128xf32, #tpu.memory_space<vmem>>, vector<1x16xf32>,
        %swap3A_96 = arith.index_cast %add3A_62 : i32 to index
        %swap3A_97 = arith.constant 80 : index
        %swap3A_98 = tpu.vector_load %arg11[%swap3A_96, %swap3A_97] {strides = array<i32>} : memref<104x128xf32, #tpu.memory_space<vmem>>, vector<1x16xf32>,
        %swap3A_99 = vector.shape_cast %swap3A_98 : vector<1x16xf32> to vector<16xf32>
        %swap3A_100 = vector.shape_cast %get3A_71 : vector<16xf32> to vector<1x16xf32>
        tpu.vector_store %arg11[%swap3A_96, %swap3A_97], %swap3A_100 {strides = array<i32>} : memref<104x128xf32, #tpu.memory_space<vmem>>, vector<1x16xf32>,
        %swap3A_101 = arith.index_cast %add3A_62 : i32 to index
        %swap3A_102 = arith.constant 96 : index
        %swap3A_103 = tpu.vector_load %arg11[%swap3A_101, %swap3A_102] {strides = array<i32>} : memref<104x128xf32, #tpu.memory_space<vmem>>, vector<1x16xf32>,
        %swap3A_104 = vector.shape_cast %swap3A_103 : vector<1x16xf32> to vector<16xf32>
        %swap3A_105 = vector.shape_cast %get3A_71 : vector<16xf32> to vector<1x16xf32>
        tpu.vector_store %arg11[%swap3A_101, %swap3A_102], %swap3A_105 {strides = array<i32>} : memref<104x128xf32, #tpu.memory_space<vmem>>, vector<1x16xf32>,
        %swap3A_106 = arith.index_cast %add3A_62 : i32 to index
        %swap3A_107 = arith.constant 112 : index
        %swap3A_108 = tpu.vector_load %arg11[%swap3A_106, %swap3A_107] {strides = array<i32>} : memref<104x128xf32, #tpu.memory_space<vmem>>, vector<1x16xf32>,
        %swap3A_109 = vector.shape_cast %swap3A_108 : vector<1x16xf32> to vector<16xf32>
        %swap3A_110 = vector.shape_cast %get3A_71 : vector<16xf32> to vector<1x16xf32>
        tpu.vector_store %arg11[%swap3A_106, %swap3A_107], %swap3A_110 {strides = array<i32>} : memref<104x128xf32, #tpu.memory_space<vmem>>, vector<1x16xf32>,
      }
      %scan3A_54 = arith.constant 104 : i32
      %mul3A_55 = arith.constant 104 : i32
      %mul3A_56 = arith.muli %add3A_47, %mul3A_55 : i32
      %add3A_57 = arith.addi %mul3A_2, %mul3A_56 : i32
      "tpu.region"() ({
        %run_scoped3A = tpu.sem_alloc : memref<!tpu.dma_semaphore, #tpu.memory_space<semaphore_mem>>
        %dma_start3A = arith.constant 0 : i32
        %dma_start3A_58 = tpu.memref_slice %arg5[%arg0, %add3A_57, %dma_start3A] : memref<2x10000x128xf32, #tpu.memory_space<hbm>> -> memref<1x104x128xf32, #tpu.memory_space<hbm>>
        %dma_start3A_59 = tpu.memref_squeeze %dma_start3A_58 : memref<1x104x128xf32, #tpu.memory_space<hbm>> -> memref<104x128xf32, #tpu.memory_space<hbm>>
        %dma_start3A_60 = arith.constant 0 : i32
        %dma_start3A_61 = tpu.memref_slice %arg5[%arg0, %add3A_57, %dma_start3A_60] : memref<2x10000x128xf32, #tpu.memory_space<hbm>> -> memref<1x104x128xf32, #tpu.memory_space<hbm>>
        %dma_start3A_62 = tpu.memref_squeeze %dma_start3A_61 : memref<1x104x128xf32, #tpu.memory_space<hbm>> -> memref<104x128xf32, #tpu.memory_space<hbm>>
        tpu.enqueue_dma source(%arg11 : memref<104x128xf32, #tpu.memory_space<vmem>>) target(%dma_start3A_62 : memref<104x128xf32, #tpu.memory_space<hbm>>) target_semaphore(%run_scoped3A : memref<!tpu.dma_semaphore, #tpu.memory_space<semaphore_mem>>)
        %dma_wait3A = arith.constant 0 : i32
        %dma_wait3A_63 = tpu.memref_slice %arg5[%arg0, %add3A_57, %dma_wait3A] : memref<2x10000x128xf32, #tpu.memory_space<hbm>> -> memref<1x104x128xf32, #tpu.memory_space<hbm>>
        %dma_wait3A_64 = tpu.memref_squeeze %dma_wait3A_63 : memref<1x104x128xf32, #tpu.memory_space<hbm>> -> memref<104x128xf32, #tpu.memory_space<hbm>>
        %dma_wait3A_65 = arith.constant 0 : i32
        %dma_wait3A_66 = tpu.memref_slice %arg5[%arg0, %add3A_57, %dma_wait3A_65] : memref<2x10000x128xf32, #tpu.memory_space<hbm>> -> memref<1x104x128xf32, #tpu.memory_space<hbm>>
        %dma_wait3A_67 = tpu.memref_squeeze %dma_wait3A_66 : memref<1x104x128xf32, #tpu.memory_space<hbm>> -> memref<104x128xf32, #tpu.memory_space<hbm>>
        tpu.wait_dma2 semaphore(%run_scoped3A : memref<!tpu.dma_semaphore, #tpu.memory_space<semaphore_mem>>) src(%arg11 : memref<104x128xf32, #tpu.memory_space<vmem>>) dst(%dma_wait3A_67 : memref<104x128xf32, #tpu.memory_space<hbm>>)
        tpu.yield
      }) : () -> ()
    }
    %scan3A_37 = arith.constant 6 : i32
    %eq3A_38 = arith.constant 15 : i32
    %eq3A_39 = arith.cmpi eq, %arg1, %eq3A_38 : i32
    %convert_element_type3A_40 = arith.extui %eq3A_39 : i1 to i32
    %cond3A_41 = arith.constant 0 : i32
    %cond3A_42 = arith.cmpi ne, %convert_element_type3A_40, %cond3A_41 : i32
    scf.if %cond3A_42 {
      %scan3A_43 = arith.constant 0 : i32
      %scan3A_44 = arith.constant 16 : i32
      %scan3A_45 = arith.addi %scan3A_43, %scan3A_44 : i32
      %scan3A_46 = arith.constant 1 : i32
      scf.for %scan3A_48 = %scan3A_43 to %scan3A_45 step %scan3A_46  : i32 {
        %mul3A_49 = arith.constant 1 : i32
        %mul3A_50 = arith.muli %scan3A_48, %mul3A_49 : i32
        %add3A_51 = arith.constant 0 : i32
        %add3A_52 = arith.addi %add3A_51, %mul3A_50 : i32
        %add3A_53 = arith.constant 624 : i32
        %add3A_54 = arith.addi %add3A_53, %add3A_52 : i32
        %get3A = arith.index_cast %add3A_54 : i32 to index
        %get3A_55 = arith.constant 0 : index
        %get3A_56 = tpu.vector_load %arg9[%get3A, %get3A_55] {strides = array<i32>} : memref<640x16xf32, #tpu.memory_space<vmem>>, vector<1x16xf32>,
        %get3A_57 = vector.shape_cast %get3A_56 : vector<1x16xf32> to vector<16xf32>
        %add3A_58 = arith.constant 624 : i32
        %add3A_59 = arith.addi %add3A_58, %add3A_52 : i32
        %get3A_60 = arith.index_cast %add3A_59 : i32 to index
        %get3A_61 = arith.constant 0 : index
        %get3A_62 = tpu.vector_load %arg10[%get3A_60, %get3A_61] {strides = array<i32>} : memref<640x16xf32, #tpu.memory_space<vmem>>, vector<1x16xf32>,
        %get3A_63 = vector.shape_cast %get3A_62 : vector<1x16xf32> to vector<16xf32>
        %swap3A = arith.index_cast %add3A_52 : i32 to index
        %swap3A_64 = arith.constant 0 : index
        %swap3A_65 = tpu.vector_load %arg11[%swap3A, %swap3A_64] {strides = array<i32>} : memref<104x128xf32, #tpu.memory_space<vmem>>, vector<1x16xf32>,
        %swap3A_66 = vector.shape_cast %swap3A_65 : vector<1x16xf32> to vector<16xf32>
        %swap3A_67 = vector.shape_cast %get3A_57 : vector<16xf32> to vector<1x16xf32>
        tpu.vector_store %arg11[%swap3A, %swap3A_64], %swap3A_67 {strides = array<i32>} : memref<104x128xf32, #tpu.memory_space<vmem>>, vector<1x16xf32>,
        %swap3A_68 = arith.index_cast %add3A_52 : i32 to index
        %swap3A_69 = arith.constant 16 : index
        %swap3A_70 = tpu.vector_load %arg11[%swap3A_68, %swap3A_69] {strides = array<i32>} : memref<104x128xf32, #tpu.memory_space<vmem>>, vector<1x16xf32>,
        %swap3A_71 = vector.shape_cast %swap3A_70 : vector<1x16xf32> to vector<16xf32>
        %swap3A_72 = vector.shape_cast %get3A_57 : vector<16xf32> to vector<1x16xf32>
        tpu.vector_store %arg11[%swap3A_68, %swap3A_69], %swap3A_72 {strides = array<i32>} : memref<104x128xf32, #tpu.memory_space<vmem>>, vector<1x16xf32>,
        %swap3A_73 = arith.index_cast %add3A_52 : i32 to index
        %swap3A_74 = arith.constant 32 : index
        %swap3A_75 = tpu.vector_load %arg11[%swap3A_73, %swap3A_74] {strides = array<i32>} : memref<104x128xf32, #tpu.memory_space<vmem>>, vector<1x16xf32>,
        %swap3A_76 = vector.shape_cast %swap3A_75 : vector<1x16xf32> to vector<16xf32>
        %swap3A_77 = vector.shape_cast %get3A_57 : vector<16xf32> to vector<1x16xf32>
        tpu.vector_store %arg11[%swap3A_73, %swap3A_74], %swap3A_77 {strides = array<i32>} : memref<104x128xf32, #tpu.memory_space<vmem>>, vector<1x16xf32>,
        %swap3A_78 = arith.index_cast %add3A_52 : i32 to index
        %swap3A_79 = arith.constant 48 : index
        %swap3A_80 = tpu.vector_load %arg11[%swap3A_78, %swap3A_79] {strides = array<i32>} : memref<104x128xf32, #tpu.memory_space<vmem>>, vector<1x16xf32>,
        %swap3A_81 = vector.shape_cast %swap3A_80 : vector<1x16xf32> to vector<16xf32>
        %swap3A_82 = vector.shape_cast %get3A_57 : vector<16xf32> to vector<1x16xf32>
        tpu.vector_store %arg11[%swap3A_78, %swap3A_79], %swap3A_82 {strides = array<i32>} : memref<104x128xf32, #tpu.memory_space<vmem>>, vector<1x16xf32>,
        %swap3A_83 = arith.index_cast %add3A_52 : i32 to index
        %swap3A_84 = arith.constant 64 : index
        %swap3A_85 = tpu.vector_load %arg11[%swap3A_83, %swap3A_84] {strides = array<i32>} : memref<104x128xf32, #tpu.memory_space<vmem>>, vector<1x16xf32>,
        %swap3A_86 = vector.shape_cast %swap3A_85 : vector<1x16xf32> to vector<16xf32>
        %swap3A_87 = vector.shape_cast %get3A_63 : vector<16xf32> to vector<1x16xf32>
        tpu.vector_store %arg11[%swap3A_83, %swap3A_84], %swap3A_87 {strides = array<i32>} : memref<104x128xf32, #tpu.memory_space<vmem>>, vector<1x16xf32>,
        %swap3A_88 = arith.index_cast %add3A_52 : i32 to index
        %swap3A_89 = arith.constant 80 : index
        %swap3A_90 = tpu.vector_load %arg11[%swap3A_88, %swap3A_89] {strides = array<i32>} : memref<104x128xf32, #tpu.memory_space<vmem>>, vector<1x16xf32>,
        %swap3A_91 = vector.shape_cast %swap3A_90 : vector<1x16xf32> to vector<16xf32>
        %swap3A_92 = vector.shape_cast %get3A_63 : vector<16xf32> to vector<1x16xf32>
        tpu.vector_store %arg11[%swap3A_88, %swap3A_89], %swap3A_92 {strides = array<i32>} : memref<104x128xf32, #tpu.memory_space<vmem>>, vector<1x16xf32>,
        %swap3A_93 = arith.index_cast %add3A_52 : i32 to index
        %swap3A_94 = arith.constant 96 : index
        %swap3A_95 = tpu.vector_load %arg11[%swap3A_93, %swap3A_94] {strides = array<i32>} : memref<104x128xf32, #tpu.memory_space<vmem>>, vector<1x16xf32>,
        %swap3A_96 = vector.shape_cast %swap3A_95 : vector<1x16xf32> to vector<16xf32>
        %swap3A_97 = vector.shape_cast %get3A_63 : vector<16xf32> to vector<1x16xf32>
        tpu.vector_store %arg11[%swap3A_93, %swap3A_94], %swap3A_97 {strides = array<i32>} : memref<104x128xf32, #tpu.memory_space<vmem>>, vector<1x16xf32>,
        %swap3A_98 = arith.index_cast %add3A_52 : i32 to index
        %swap3A_99 = arith.constant 112 : index
        %swap3A_100 = tpu.vector_load %arg11[%swap3A_98, %swap3A_99] {strides = array<i32>} : memref<104x128xf32, #tpu.memory_space<vmem>>, vector<1x16xf32>,
        %swap3A_101 = vector.shape_cast %swap3A_100 : vector<1x16xf32> to vector<16xf32>
        %swap3A_102 = vector.shape_cast %get3A_63 : vector<16xf32> to vector<1x16xf32>
        tpu.vector_store %arg11[%swap3A_98, %swap3A_99], %swap3A_102 {strides = array<i32>} : memref<104x128xf32, #tpu.memory_space<vmem>>, vector<1x16xf32>,
      }
      %scan3A_47 = arith.constant 16 : i32
      "tpu.region"() ({
        %run_scoped3A = tpu.sem_alloc : memref<!tpu.dma_semaphore, #tpu.memory_space<semaphore_mem>>
        %dma_start3A = arith.constant 0 : i32
        %dma_start3A_48 = arith.constant 0 : i32
        %dma_start3A_49 = tpu.memref_slice %arg11[%dma_start3A, %dma_start3A_48] : memref<104x128xf32, #tpu.memory_space<vmem>> -> memref<16x128xf32, #tpu.memory_space<vmem>>
        %dma_start3A_50 = arith.constant 9984 : i32
        %dma_start3A_51 = arith.constant 0 : i32
        %dma_start3A_52 = tpu.memref_slice %arg5[%arg0, %dma_start3A_50, %dma_start3A_51] : memref<2x10000x128xf32, #tpu.memory_space<hbm>> -> memref<1x16x128xf32, #tpu.memory_space<hbm>>
        %dma_start3A_53 = tpu.memref_squeeze %dma_start3A_52 : memref<1x16x128xf32, #tpu.memory_space<hbm>> -> memref<16x128xf32, #tpu.memory_space<hbm>>
        %dma_start3A_54 = arith.constant 9984 : i32
        %dma_start3A_55 = arith.constant 0 : i32
        %dma_start3A_56 = tpu.memref_slice %arg5[%arg0, %dma_start3A_54, %dma_start3A_55] : memref<2x10000x128xf32, #tpu.memory_space<hbm>> -> memref<1x16x128xf32, #tpu.memory_space<hbm>>
        %dma_start3A_57 = tpu.memref_squeeze %dma_start3A_56 : memref<1x16x128xf32, #tpu.memory_space<hbm>> -> memref<16x128xf32, #tpu.memory_space<hbm>>
        %dma_start3A_58 = arith.constant 0 : i32
        %dma_start3A_59 = arith.constant 0 : i32
        %dma_start3A_60 = tpu.memref_slice %arg11[%dma_start3A_58, %dma_start3A_59] : memref<104x128xf32, #tpu.memory_space<vmem>> -> memref<16x128xf32, #tpu.memory_space<vmem>>
        tpu.enqueue_dma source(%dma_start3A_60 : memref<16x128xf32, #tpu.memory_space<vmem>>) target(%dma_start3A_57 : memref<16x128xf32, #tpu.memory_space<hbm>>) target_semaphore(%run_scoped3A : memref<!tpu.dma_semaphore, #tpu.memory_space<semaphore_mem>>)
        %dma_wait3A = arith.constant 0 : i32
        %dma_wait3A_61 = arith.constant 0 : i32
        %dma_wait3A_62 = tpu.memref_slice %arg11[%dma_wait3A, %dma_wait3A_61] : memref<104x128xf32, #tpu.memory_space<vmem>> -> memref<16x128xf32, #tpu.memory_space<vmem>>
        %dma_wait3A_63 = arith.constant 9984 : i32
        %dma_wait3A_64 = arith.constant 0 : i32
        %dma_wait3A_65 = tpu.memref_slice %arg5[%arg0, %dma_wait3A_63, %dma_wait3A_64] : memref<2x10000x128xf32, #tpu.memory_space<hbm>> -> memref<1x16x128xf32, #tpu.memory_space<hbm>>
        %dma_wait3A_66 = tpu.memref_squeeze %dma_wait3A_65 : memref<1x16x128xf32, #tpu.memory_space<hbm>> -> memref<16x128xf32, #tpu.memory_space<hbm>>
        %dma_wait3A_67 = arith.constant 9984 : i32
        %dma_wait3A_68 = arith.constant 0 : i32
        %dma_wait3A_69 = tpu.memref_slice %arg5[%arg0, %dma_wait3A_67, %dma_wait3A_68] : memref<2x10000x128xf32, #tpu.memory_space<hbm>> -> memref<1x16x128xf32, #tpu.memory_space<hbm>>
        %dma_wait3A_70 = tpu.memref_squeeze %dma_wait3A_69 : memref<1x16x128xf32, #tpu.memory_space<hbm>> -> memref<16x128xf32, #tpu.memory_space<hbm>>
        %dma_wait3A_71 = arith.constant 0 : i32
        %dma_wait3A_72 = arith.constant 0 : i32
        %dma_wait3A_73 = tpu.memref_slice %arg11[%dma_wait3A_71, %dma_wait3A_72] : memref<104x128xf32, #tpu.memory_space<vmem>> -> memref<16x128xf32, #tpu.memory_space<vmem>>
        tpu.wait_dma2 semaphore(%run_scoped3A : memref<!tpu.dma_semaphore, #tpu.memory_space<semaphore_mem>>) src(%dma_wait3A_73 : memref<16x128xf32, #tpu.memory_space<vmem>>) dst(%dma_wait3A_70 : memref<16x128xf32, #tpu.memory_space<hbm>>)
        tpu.yield
      }) : () -> ()
    } else {
    }
    return
  }
}

#map = affine_map<(d0, d1) -> (0, 0)>
#map1 = affine_map<(d0, d1) -> (0, 0, 0)>
module attributes {stable_mosaic.version = 14 : i64} {
  func.func @agg(%arg0: i32, %arg1: i32, %arg2: memref<10000x128xf32, #tpu.memory_space<hbm>>, %arg3: memref<2500x2x128xi32, #tpu.memory_space<hbm>>, %arg4: memref<10000x128xf32, #tpu.memory_space<hbm>>, %arg5: memref<2x10000x128xf32, #tpu.memory_space<hbm>>, %arg6: memref<2x128xi32, #tpu.memory_space<vmem>>, %arg7: memref<2x128xi32, #tpu.memory_space<vmem>>, %arg8: memref<2x128xi32, #tpu.memory_space<vmem>>, %arg9: memref<128x128xf32, #tpu.memory_space<vmem>>, %arg10: memref<128x128xf32, #tpu.memory_space<vmem>>, %arg11: memref<128x128xf32, #tpu.memory_space<vmem>>, %arg12: memref<10000x128xf32, #tpu.memory_space<vmem_shared>>, %arg13: memref<!tpu.dma_semaphore, #tpu.memory_space<semaphore_mem>>, %arg14: memref<!tpu.dma_semaphore, #tpu.memory_space<semaphore_mem>>, %arg15: memref<!tpu.dma_semaphore, #tpu.memory_space<semaphore_mem>>, %arg16: memref<!tpu.dma_semaphore, #tpu.memory_space<semaphore_mem>>, %arg17: memref<!tpu.dma_semaphore, #tpu.memory_space<semaphore_mem>>, %arg18: memref<!tpu.dma_semaphore, #tpu.memory_space<semaphore_mem>>) attributes {dimension_semantics = [#tpu.dimension_semantics<core_parallel>, #tpu.dimension_semantics<subcore_parallel>], iteration_bounds = array<i64: 2, 16>, scalar_prefetch = 0 : i64, scratch_operands = 13 : i64, tpu.core_type = #tpu.core_type<sc_vector_subcore>, window_params = [{transform_indices = #map}, {transform_indices = #map1}, {transform_indices = #map}, {transform_indices = #map1}]} {
    %mul3A = arith.constant 16 : i32
    %mul3A_0 = arith.muli %arg0, %mul3A : i32
    %add3A = arith.addi %mul3A_0, %arg1 : i32
    %mul3A_1 = arith.constant 624 : i32
    %mul3A_2 = arith.muli %arg1, %mul3A_1 : i32
    "tpu.region"() ({
      %run_scoped3A = tpu.sem_alloc : memref<!tpu.dma_semaphore, #tpu.memory_space<semaphore_mem>>
      %dma_start3A = arith.constant 0 : i32
      %dma_start3A_35 = tpu.memref_slice %arg12[%mul3A_2, %dma_start3A] : memref<10000x128xf32, #tpu.memory_space<vmem_shared>> -> memref<624x128xf32, #tpu.memory_space<vmem_shared>>
      %dma_start3A_36 = arith.constant 0 : i32
      %dma_start3A_37 = tpu.memref_slice %arg4[%mul3A_2, %dma_start3A_36] : memref<10000x128xf32, #tpu.memory_space<hbm>> -> memref<624x128xf32, #tpu.memory_space<hbm>>
      tpu.enqueue_dma source(%dma_start3A_37 : memref<624x128xf32, #tpu.memory_space<hbm>>) target(%dma_start3A_35 : memref<624x128xf32, #tpu.memory_space<vmem_shared>>) target_semaphore(%run_scoped3A : memref<!tpu.dma_semaphore, #tpu.memory_space<semaphore_mem>>)
      %dma_wait3A = arith.constant 0 : i32
      %dma_wait3A_38 = tpu.memref_slice %arg12[%mul3A_2, %dma_wait3A] : memref<10000x128xf32, #tpu.memory_space<vmem_shared>> -> memref<624x128xf32, #tpu.memory_space<vmem_shared>>
      %dma_wait3A_39 = arith.constant 0 : i32
      %dma_wait3A_40 = tpu.memref_slice %arg4[%mul3A_2, %dma_wait3A_39] : memref<10000x128xf32, #tpu.memory_space<hbm>> -> memref<624x128xf32, #tpu.memory_space<hbm>>
      tpu.wait_dma2 semaphore(%run_scoped3A : memref<!tpu.dma_semaphore, #tpu.memory_space<semaphore_mem>>) src(%dma_wait3A_40 : memref<624x128xf32, #tpu.memory_space<hbm>>) dst(%dma_wait3A_38 : memref<624x128xf32, #tpu.memory_space<vmem_shared>>)
      tpu.yield
    }) : () -> ()
    %eq3A = arith.constant 15 : i32
    %eq3A_3 = arith.cmpi eq, %arg1, %eq3A : i32
    %convert_element_type3A = arith.extui %eq3A_3 : i1 to i32
    %cond3A = arith.constant 0 : i32
    %cond3A_4 = arith.cmpi ne, %convert_element_type3A, %cond3A : i32
    scf.if %cond3A_4 {
      "tpu.region"() ({
        %run_scoped3A = tpu.sem_alloc : memref<!tpu.dma_semaphore, #tpu.memory_space<semaphore_mem>>
        %dma_start3A = arith.constant 9984 : i32
        %dma_start3A_35 = arith.constant 0 : i32
        %dma_start3A_36 = tpu.memref_slice %arg12[%dma_start3A, %dma_start3A_35] : memref<10000x128xf32, #tpu.memory_space<vmem_shared>> -> memref<16x128xf32, #tpu.memory_space<vmem_shared>>
        %dma_start3A_37 = arith.constant 9984 : i32
        %dma_start3A_38 = arith.constant 0 : i32
        %dma_start3A_39 = tpu.memref_slice %arg4[%dma_start3A_37, %dma_start3A_38] : memref<10000x128xf32, #tpu.memory_space<hbm>> -> memref<16x128xf32, #tpu.memory_space<hbm>>
        tpu.enqueue_dma source(%dma_start3A_39 : memref<16x128xf32, #tpu.memory_space<hbm>>) target(%dma_start3A_36 : memref<16x128xf32, #tpu.memory_space<vmem_shared>>) target_semaphore(%run_scoped3A : memref<!tpu.dma_semaphore, #tpu.memory_space<semaphore_mem>>)
        %dma_wait3A = arith.constant 9984 : i32
        %dma_wait3A_40 = arith.constant 0 : i32
        %dma_wait3A_41 = tpu.memref_slice %arg12[%dma_wait3A, %dma_wait3A_40] : memref<10000x128xf32, #tpu.memory_space<vmem_shared>> -> memref<16x128xf32, #tpu.memory_space<vmem_shared>>
        %dma_wait3A_42 = arith.constant 9984 : i32
        %dma_wait3A_43 = arith.constant 0 : i32
        %dma_wait3A_44 = tpu.memref_slice %arg4[%dma_wait3A_42, %dma_wait3A_43] : memref<10000x128xf32, #tpu.memory_space<hbm>> -> memref<16x128xf32, #tpu.memory_space<hbm>>
        tpu.wait_dma2 semaphore(%run_scoped3A : memref<!tpu.dma_semaphore, #tpu.memory_space<semaphore_mem>>) src(%dma_wait3A_44 : memref<16x128xf32, #tpu.memory_space<hbm>>) dst(%dma_wait3A_41 : memref<16x128xf32, #tpu.memory_space<vmem_shared>>)
        tpu.yield
      }) : () -> ()
    } else {
    }
    %barrier3A = arith.constant 0 : index
    tpu.barrier barrier_id(%barrier3A)
    %add3A_5 = arith.constant 0 : i32
    %add3A_6 = arith.addi %add3A, %add3A_5 : i32
    %lt3A = arith.constant 2500 : i32
    %lt3A_7 = arith.cmpi slt, %add3A_6, %lt3A : i32
    %convert_element_type3A_8 = arith.extui %lt3A_7 : i1 to i32
    %cond3A_9 = arith.constant 0 : i32
    %cond3A_10 = arith.cmpi ne, %convert_element_type3A_8, %cond3A_9 : i32
    scf.if %cond3A_10 {
      %add3A_35 = arith.constant 0 : i32
      %add3A_36 = arith.addi %add3A, %add3A_35 : i32
      "tpu.region"() ({
        %run_scoped3A = tpu.sem_alloc : memref<!tpu.dma_semaphore, #tpu.memory_space<semaphore_mem>>
        %dma_start3A_43 = arith.constant 0 : i32
        %dma_start3A_44 = arith.constant 0 : i32
        %dma_start3A_45 = tpu.memref_slice %arg3[%add3A_36, %dma_start3A_43, %dma_start3A_44] : memref<2500x2x128xi32, #tpu.memory_space<hbm>> -> memref<1x2x128xi32, #tpu.memory_space<hbm>>
        %dma_start3A_46 = tpu.memref_squeeze %dma_start3A_45 : memref<1x2x128xi32, #tpu.memory_space<hbm>> -> memref<2x128xi32, #tpu.memory_space<hbm>>
        %dma_start3A_47 = arith.constant 0 : i32
        %dma_start3A_48 = arith.constant 0 : i32
        %dma_start3A_49 = tpu.memref_slice %arg3[%add3A_36, %dma_start3A_47, %dma_start3A_48] : memref<2500x2x128xi32, #tpu.memory_space<hbm>> -> memref<1x2x128xi32, #tpu.memory_space<hbm>>
        %dma_start3A_50 = tpu.memref_squeeze %dma_start3A_49 : memref<1x2x128xi32, #tpu.memory_space<hbm>> -> memref<2x128xi32, #tpu.memory_space<hbm>>
        tpu.enqueue_dma source(%dma_start3A_50 : memref<2x128xi32, #tpu.memory_space<hbm>>) target(%arg6 : memref<2x128xi32, #tpu.memory_space<vmem>>) target_semaphore(%run_scoped3A : memref<!tpu.dma_semaphore, #tpu.memory_space<semaphore_mem>>)
        %dma_wait3A = arith.constant 0 : i32
        %dma_wait3A_51 = arith.constant 0 : i32
        %dma_wait3A_52 = tpu.memref_slice %arg3[%add3A_36, %dma_wait3A, %dma_wait3A_51] : memref<2500x2x128xi32, #tpu.memory_space<hbm>> -> memref<1x2x128xi32, #tpu.memory_space<hbm>>
        %dma_wait3A_53 = tpu.memref_squeeze %dma_wait3A_52 : memref<1x2x128xi32, #tpu.memory_space<hbm>> -> memref<2x128xi32, #tpu.memory_space<hbm>>
        %dma_wait3A_54 = arith.constant 0 : i32
        %dma_wait3A_55 = arith.constant 0 : i32
        %dma_wait3A_56 = tpu.memref_slice %arg3[%add3A_36, %dma_wait3A_54, %dma_wait3A_55] : memref<2500x2x128xi32, #tpu.memory_space<hbm>> -> memref<1x2x128xi32, #tpu.memory_space<hbm>>
        %dma_wait3A_57 = tpu.memref_squeeze %dma_wait3A_56 : memref<1x2x128xi32, #tpu.memory_space<hbm>> -> memref<2x128xi32, #tpu.memory_space<hbm>>
        tpu.wait_dma2 semaphore(%run_scoped3A : memref<!tpu.dma_semaphore, #tpu.memory_space<semaphore_mem>>) src(%dma_wait3A_57 : memref<2x128xi32, #tpu.memory_space<hbm>>) dst(%arg6 : memref<2x128xi32, #tpu.memory_space<vmem>>)
        tpu.yield
      }) : () -> ()
      %dma_start3A = arith.constant 0 : i32
      %dma_start3A_37 = arith.constant 0 : i32
      %dma_start3A_38 = tpu.memref_slice %arg6[%dma_start3A, %dma_start3A_37] : memref<2x128xi32, #tpu.memory_space<vmem>> -> memref<1x128xi32, #tpu.memory_space<vmem>>
      %dma_start3A_39 = tpu.memref_squeeze %dma_start3A_38 : memref<1x128xi32, #tpu.memory_space<vmem>> -> memref<128xi32, #tpu.memory_space<vmem>>
      %dma_start3A_40 = arith.constant 0 : i32
      %dma_start3A_41 = arith.constant 0 : i32
      %dma_start3A_42 = tpu.memref_slice %arg2[%dma_start3A_40, %dma_start3A_41] : memref<10000x128xf32, #tpu.memory_space<hbm>> -> memref<10000x128xf32, #tpu.memory_space<hbm>>
      tpu.enqueue_indirect_dma source(%dma_start3A_42 : memref<10000x128xf32, #tpu.memory_space<hbm>>) target(%arg9 : memref<128x128xf32, #tpu.memory_space<vmem>>) offsets(%dma_start3A_39 : memref<128xi32, #tpu.memory_space<vmem>>) semaphore(%arg13 : memref<!tpu.dma_semaphore, #tpu.memory_space<semaphore_mem>>)
    } else {
    }
    %add3A_11 = arith.constant 32 : i32
    %add3A_12 = arith.addi %add3A, %add3A_11 : i32
    %lt3A_13 = arith.constant 2500 : i32
    %lt3A_14 = arith.cmpi slt, %add3A_12, %lt3A_13 : i32
    %convert_element_type3A_15 = arith.extui %lt3A_14 : i1 to i32
    %cond3A_16 = arith.constant 0 : i32
    %cond3A_17 = arith.cmpi ne, %convert_element_type3A_15, %cond3A_16 : i32
    scf.if %cond3A_17 {
      %add3A_35 = arith.constant 32 : i32
      %add3A_36 = arith.addi %add3A, %add3A_35 : i32
      "tpu.region"() ({
        %run_scoped3A = tpu.sem_alloc : memref<!tpu.dma_semaphore, #tpu.memory_space<semaphore_mem>>
        %dma_start3A_43 = arith.constant 0 : i32
        %dma_start3A_44 = arith.constant 0 : i32
        %dma_start3A_45 = tpu.memref_slice %arg3[%add3A_36, %dma_start3A_43, %dma_start3A_44] : memref<2500x2x128xi32, #tpu.memory_space<hbm>> -> memref<1x2x128xi32, #tpu.memory_space<hbm>>
        %dma_start3A_46 = tpu.memref_squeeze %dma_start3A_45 : memref<1x2x128xi32, #tpu.memory_space<hbm>> -> memref<2x128xi32, #tpu.memory_space<hbm>>
        %dma_start3A_47 = arith.constant 0 : i32
        %dma_start3A_48 = arith.constant 0 : i32
        %dma_start3A_49 = tpu.memref_slice %arg3[%add3A_36, %dma_start3A_47, %dma_start3A_48] : memref<2500x2x128xi32, #tpu.memory_space<hbm>> -> memref<1x2x128xi32, #tpu.memory_space<hbm>>
        %dma_start3A_50 = tpu.memref_squeeze %dma_start3A_49 : memref<1x2x128xi32, #tpu.memory_space<hbm>> -> memref<2x128xi32, #tpu.memory_space<hbm>>
        tpu.enqueue_dma source(%dma_start3A_50 : memref<2x128xi32, #tpu.memory_space<hbm>>) target(%arg7 : memref<2x128xi32, #tpu.memory_space<vmem>>) target_semaphore(%run_scoped3A : memref<!tpu.dma_semaphore, #tpu.memory_space<semaphore_mem>>)
        %dma_wait3A = arith.constant 0 : i32
        %dma_wait3A_51 = arith.constant 0 : i32
        %dma_wait3A_52 = tpu.memref_slice %arg3[%add3A_36, %dma_wait3A, %dma_wait3A_51] : memref<2500x2x128xi32, #tpu.memory_space<hbm>> -> memref<1x2x128xi32, #tpu.memory_space<hbm>>
        %dma_wait3A_53 = tpu.memref_squeeze %dma_wait3A_52 : memref<1x2x128xi32, #tpu.memory_space<hbm>> -> memref<2x128xi32, #tpu.memory_space<hbm>>
        %dma_wait3A_54 = arith.constant 0 : i32
        %dma_wait3A_55 = arith.constant 0 : i32
        %dma_wait3A_56 = tpu.memref_slice %arg3[%add3A_36, %dma_wait3A_54, %dma_wait3A_55] : memref<2500x2x128xi32, #tpu.memory_space<hbm>> -> memref<1x2x128xi32, #tpu.memory_space<hbm>>
        %dma_wait3A_57 = tpu.memref_squeeze %dma_wait3A_56 : memref<1x2x128xi32, #tpu.memory_space<hbm>> -> memref<2x128xi32, #tpu.memory_space<hbm>>
        tpu.wait_dma2 semaphore(%run_scoped3A : memref<!tpu.dma_semaphore, #tpu.memory_space<semaphore_mem>>) src(%dma_wait3A_57 : memref<2x128xi32, #tpu.memory_space<hbm>>) dst(%arg7 : memref<2x128xi32, #tpu.memory_space<vmem>>)
        tpu.yield
      }) : () -> ()
      %dma_start3A = arith.constant 0 : i32
      %dma_start3A_37 = arith.constant 0 : i32
      %dma_start3A_38 = tpu.memref_slice %arg7[%dma_start3A, %dma_start3A_37] : memref<2x128xi32, #tpu.memory_space<vmem>> -> memref<1x128xi32, #tpu.memory_space<vmem>>
      %dma_start3A_39 = tpu.memref_squeeze %dma_start3A_38 : memref<1x128xi32, #tpu.memory_space<vmem>> -> memref<128xi32, #tpu.memory_space<vmem>>
      %dma_start3A_40 = arith.constant 0 : i32
      %dma_start3A_41 = arith.constant 0 : i32
      %dma_start3A_42 = tpu.memref_slice %arg2[%dma_start3A_40, %dma_start3A_41] : memref<10000x128xf32, #tpu.memory_space<hbm>> -> memref<10000x128xf32, #tpu.memory_space<hbm>>
      tpu.enqueue_indirect_dma source(%dma_start3A_42 : memref<10000x128xf32, #tpu.memory_space<hbm>>) target(%arg10 : memref<128x128xf32, #tpu.memory_space<vmem>>) offsets(%dma_start3A_39 : memref<128xi32, #tpu.memory_space<vmem>>) semaphore(%arg14 : memref<!tpu.dma_semaphore, #tpu.memory_space<semaphore_mem>>)
    } else {
    }
    %add3A_18 = arith.constant 64 : i32
    %add3A_19 = arith.addi %add3A, %add3A_18 : i32
    %lt3A_20 = arith.constant 2500 : i32
    %lt3A_21 = arith.cmpi slt, %add3A_19, %lt3A_20 : i32
    %convert_element_type3A_22 = arith.extui %lt3A_21 : i1 to i32
    %cond3A_23 = arith.constant 0 : i32
    %cond3A_24 = arith.cmpi ne, %convert_element_type3A_22, %cond3A_23 : i32
    scf.if %cond3A_24 {
      %add3A_35 = arith.constant 64 : i32
      %add3A_36 = arith.addi %add3A, %add3A_35 : i32
      "tpu.region"() ({
        %run_scoped3A = tpu.sem_alloc : memref<!tpu.dma_semaphore, #tpu.memory_space<semaphore_mem>>
        %dma_start3A_43 = arith.constant 0 : i32
        %dma_start3A_44 = arith.constant 0 : i32
        %dma_start3A_45 = tpu.memref_slice %arg3[%add3A_36, %dma_start3A_43, %dma_start3A_44] : memref<2500x2x128xi32, #tpu.memory_space<hbm>> -> memref<1x2x128xi32, #tpu.memory_space<hbm>>
        %dma_start3A_46 = tpu.memref_squeeze %dma_start3A_45 : memref<1x2x128xi32, #tpu.memory_space<hbm>> -> memref<2x128xi32, #tpu.memory_space<hbm>>
        %dma_start3A_47 = arith.constant 0 : i32
        %dma_start3A_48 = arith.constant 0 : i32
        %dma_start3A_49 = tpu.memref_slice %arg3[%add3A_36, %dma_start3A_47, %dma_start3A_48] : memref<2500x2x128xi32, #tpu.memory_space<hbm>> -> memref<1x2x128xi32, #tpu.memory_space<hbm>>
        %dma_start3A_50 = tpu.memref_squeeze %dma_start3A_49 : memref<1x2x128xi32, #tpu.memory_space<hbm>> -> memref<2x128xi32, #tpu.memory_space<hbm>>
        tpu.enqueue_dma source(%dma_start3A_50 : memref<2x128xi32, #tpu.memory_space<hbm>>) target(%arg8 : memref<2x128xi32, #tpu.memory_space<vmem>>) target_semaphore(%run_scoped3A : memref<!tpu.dma_semaphore, #tpu.memory_space<semaphore_mem>>)
        %dma_wait3A = arith.constant 0 : i32
        %dma_wait3A_51 = arith.constant 0 : i32
        %dma_wait3A_52 = tpu.memref_slice %arg3[%add3A_36, %dma_wait3A, %dma_wait3A_51] : memref<2500x2x128xi32, #tpu.memory_space<hbm>> -> memref<1x2x128xi32, #tpu.memory_space<hbm>>
        %dma_wait3A_53 = tpu.memref_squeeze %dma_wait3A_52 : memref<1x2x128xi32, #tpu.memory_space<hbm>> -> memref<2x128xi32, #tpu.memory_space<hbm>>
        %dma_wait3A_54 = arith.constant 0 : i32
        %dma_wait3A_55 = arith.constant 0 : i32
        %dma_wait3A_56 = tpu.memref_slice %arg3[%add3A_36, %dma_wait3A_54, %dma_wait3A_55] : memref<2500x2x128xi32, #tpu.memory_space<hbm>> -> memref<1x2x128xi32, #tpu.memory_space<hbm>>
        %dma_wait3A_57 = tpu.memref_squeeze %dma_wait3A_56 : memref<1x2x128xi32, #tpu.memory_space<hbm>> -> memref<2x128xi32, #tpu.memory_space<hbm>>
        tpu.wait_dma2 semaphore(%run_scoped3A : memref<!tpu.dma_semaphore, #tpu.memory_space<semaphore_mem>>) src(%dma_wait3A_57 : memref<2x128xi32, #tpu.memory_space<hbm>>) dst(%arg8 : memref<2x128xi32, #tpu.memory_space<vmem>>)
        tpu.yield
      }) : () -> ()
      %dma_start3A = arith.constant 0 : i32
      %dma_start3A_37 = arith.constant 0 : i32
      %dma_start3A_38 = tpu.memref_slice %arg8[%dma_start3A, %dma_start3A_37] : memref<2x128xi32, #tpu.memory_space<vmem>> -> memref<1x128xi32, #tpu.memory_space<vmem>>
      %dma_start3A_39 = tpu.memref_squeeze %dma_start3A_38 : memref<1x128xi32, #tpu.memory_space<vmem>> -> memref<128xi32, #tpu.memory_space<vmem>>
      %dma_start3A_40 = arith.constant 0 : i32
      %dma_start3A_41 = arith.constant 0 : i32
      %dma_start3A_42 = tpu.memref_slice %arg2[%dma_start3A_40, %dma_start3A_41] : memref<10000x128xf32, #tpu.memory_space<hbm>> -> memref<10000x128xf32, #tpu.memory_space<hbm>>
      tpu.enqueue_indirect_dma source(%dma_start3A_42 : memref<10000x128xf32, #tpu.memory_space<hbm>>) target(%arg11 : memref<128x128xf32, #tpu.memory_space<vmem>>) offsets(%dma_start3A_39 : memref<128xi32, #tpu.memory_space<vmem>>) semaphore(%arg15 : memref<!tpu.dma_semaphore, #tpu.memory_space<semaphore_mem>>)
    } else {
    }
    %scan3A = arith.constant 0 : i32
    %scan3A_25 = arith.constant 27 : i32
    %scan3A_26 = arith.addi %scan3A, %scan3A_25 : i32
    %scan3A_27 = arith.constant 1 : i32
    scf.for %scan3A_35 = %scan3A to %scan3A_26 step %scan3A_27  : i32 {
      %mul3A_36 = arith.constant 1 : i32
      %mul3A_37 = arith.muli %scan3A_35, %mul3A_36 : i32
      %add3A_38 = arith.constant 0 : i32
      %add3A_39 = arith.addi %add3A_38, %mul3A_37 : i32
      %mul3A_40 = arith.constant 3 : i32
      %mul3A_41 = arith.muli %add3A_39, %mul3A_40 : i32
      %add3A_42 = arith.constant 0 : i32
      %add3A_43 = arith.addi %mul3A_41, %add3A_42 : i32
      %mul3A_44 = arith.constant 32 : i32
      %mul3A_45 = arith.muli %add3A_43, %mul3A_44 : i32
      %add3A_46 = arith.addi %add3A, %mul3A_45 : i32
      %lt3A_47 = arith.constant 2500 : i32
      %lt3A_48 = arith.cmpi slt, %add3A_46, %lt3A_47 : i32
      %convert_element_type3A_49 = arith.extui %lt3A_48 : i1 to i32
      %cond3A_50 = arith.constant 0 : i32
      %cond3A_51 = arith.cmpi ne, %convert_element_type3A_49, %cond3A_50 : i32
      scf.if %cond3A_51 {
        %dma_wait3A = arith.constant 0 : i32
        %dma_wait3A_137 = arith.constant 0 : i32
        %dma_wait3A_138 = tpu.memref_slice %arg6[%dma_wait3A, %dma_wait3A_137] : memref<2x128xi32, #tpu.memory_space<vmem>> -> memref<1x128xi32, #tpu.memory_space<vmem>>
        %dma_wait3A_139 = tpu.memref_squeeze %dma_wait3A_138 : memref<1x128xi32, #tpu.memory_space<vmem>> -> memref<128xi32, #tpu.memory_space<vmem>>
        %dma_wait3A_140 = arith.constant 0 : i32
        %dma_wait3A_141 = arith.constant 0 : i32
        %dma_wait3A_142 = tpu.memref_slice %arg2[%dma_wait3A_140, %dma_wait3A_141] : memref<10000x128xf32, #tpu.memory_space<hbm>> -> memref<10000x128xf32, #tpu.memory_space<hbm>>
        tpu.wait_indirect_dma semaphore(%arg13 : memref<!tpu.dma_semaphore, #tpu.memory_space<semaphore_mem>>) src(%dma_wait3A_142 : memref<10000x128xf32, #tpu.memory_space<hbm>>) dst(%arg9 : memref<128x128xf32, #tpu.memory_space<vmem>>)
        %dma_start3A = arith.constant 1 : i32
        %dma_start3A_143 = arith.constant 0 : i32
        %dma_start3A_144 = tpu.memref_slice %arg6[%dma_start3A, %dma_start3A_143] : memref<2x128xi32, #tpu.memory_space<vmem>> -> memref<1x128xi32, #tpu.memory_space<vmem>>
        %dma_start3A_145 = tpu.memref_squeeze %dma_start3A_144 : memref<1x128xi32, #tpu.memory_space<vmem>> -> memref<128xi32, #tpu.memory_space<vmem>>
        %dma_start3A_146 = arith.constant 0 : i32
        %dma_start3A_147 = arith.constant 0 : i32
        %dma_start3A_148 = tpu.memref_slice %arg12[%dma_start3A_146, %dma_start3A_147] : memref<10000x128xf32, #tpu.memory_space<vmem_shared>> -> memref<10000x128xf32, #tpu.memory_space<vmem_shared>>
        tpu.enqueue_indirect_dma source(%arg9 : memref<128x128xf32, #tpu.memory_space<vmem>>) target(%dma_start3A_148 : memref<10000x128xf32, #tpu.memory_space<vmem_shared>>) offsets(%dma_start3A_145 : memref<128xi32, #tpu.memory_space<vmem>>) semaphore(%arg16 : memref<!tpu.dma_semaphore, #tpu.memory_space<semaphore_mem>>) {add = true}
      } else {
      }
      %add3A_52 = arith.constant 0 : i32
      %add3A_53 = arith.addi %mul3A_41, %add3A_52 : i32
      %add3A_54 = arith.constant 3 : i32
      %add3A_55 = arith.addi %add3A_53, %add3A_54 : i32
      %sub3A = arith.constant 3 : i32
      %sub3A_56 = arith.subi %add3A_55, %sub3A : i32
      %mul3A_57 = arith.constant 32 : i32
      %mul3A_58 = arith.muli %sub3A_56, %mul3A_57 : i32
      %add3A_59 = arith.addi %add3A, %mul3A_58 : i32
      %lt3A_60 = arith.constant 2500 : i32
      %lt3A_61 = arith.cmpi slt, %add3A_59, %lt3A_60 : i32
      %convert_element_type3A_62 = arith.extui %lt3A_61 : i1 to i32
      %cond3A_63 = arith.constant 0 : i32
      %cond3A_64 = arith.cmpi ne, %convert_element_type3A_62, %cond3A_63 : i32
      scf.if %cond3A_64 {
        %sub3A_137 = arith.constant 3 : i32
        %sub3A_138 = arith.subi %add3A_55, %sub3A_137 : i32
        %dma_wait3A = arith.constant 1 : i32
        %dma_wait3A_139 = arith.constant 0 : i32
        %dma_wait3A_140 = tpu.memref_slice %arg6[%dma_wait3A, %dma_wait3A_139] : memref<2x128xi32, #tpu.memory_space<vmem>> -> memref<1x128xi32, #tpu.memory_space<vmem>>
        %dma_wait3A_141 = tpu.memref_squeeze %dma_wait3A_140 : memref<1x128xi32, #tpu.memory_space<vmem>> -> memref<128xi32, #tpu.memory_space<vmem>>
        %dma_wait3A_142 = arith.constant 0 : i32
        %dma_wait3A_143 = arith.constant 0 : i32
        %dma_wait3A_144 = tpu.memref_slice %arg12[%dma_wait3A_142, %dma_wait3A_143] : memref<10000x128xf32, #tpu.memory_space<vmem_shared>> -> memref<10000x128xf32, #tpu.memory_space<vmem_shared>>
        tpu.wait_indirect_dma semaphore(%arg16 : memref<!tpu.dma_semaphore, #tpu.memory_space<semaphore_mem>>) src(%arg9 : memref<128x128xf32, #tpu.memory_space<vmem>>) dst(%dma_wait3A_144 : memref<10000x128xf32, #tpu.memory_space<vmem_shared>>)
      } else {
      }
      %mul3A_65 = arith.constant 32 : i32
      %mul3A_66 = arith.muli %add3A_55, %mul3A_65 : i32
      %add3A_67 = arith.addi %add3A, %mul3A_66 : i32
      %lt3A_68 = arith.constant 2500 : i32
      %lt3A_69 = arith.cmpi slt, %add3A_67, %lt3A_68 : i32
      %convert_element_type3A_70 = arith.extui %lt3A_69 : i1 to i32
      %cond3A_71 = arith.constant 0 : i32
      %cond3A_72 = arith.cmpi ne, %convert_element_type3A_70, %cond3A_71 : i32
      scf.if %cond3A_72 {
        %mul3A_137 = arith.constant 32 : i32
        %mul3A_138 = arith.muli %add3A_55, %mul3A_137 : i32
        %add3A_139 = arith.addi %add3A, %mul3A_138 : i32
        "tpu.region"() ({
          %run_scoped3A = tpu.sem_alloc : memref<!tpu.dma_semaphore, #tpu.memory_space<semaphore_mem>>
          %dma_start3A_146 = arith.constant 0 : i32
          %dma_start3A_147 = arith.constant 0 : i32
          %dma_start3A_148 = tpu.memref_slice %arg3[%add3A_139, %dma_start3A_146, %dma_start3A_147] : memref<2500x2x128xi32, #tpu.memory_space<hbm>> -> memref<1x2x128xi32, #tpu.memory_space<hbm>>
          %dma_start3A_149 = tpu.memref_squeeze %dma_start3A_148 : memref<1x2x128xi32, #tpu.memory_space<hbm>> -> memref<2x128xi32, #tpu.memory_space<hbm>>
          %dma_start3A_150 = arith.constant 0 : i32
          %dma_start3A_151 = arith.constant 0 : i32
          %dma_start3A_152 = tpu.memref_slice %arg3[%add3A_139, %dma_start3A_150, %dma_start3A_151] : memref<2500x2x128xi32, #tpu.memory_space<hbm>> -> memref<1x2x128xi32, #tpu.memory_space<hbm>>
          %dma_start3A_153 = tpu.memref_squeeze %dma_start3A_152 : memref<1x2x128xi32, #tpu.memory_space<hbm>> -> memref<2x128xi32, #tpu.memory_space<hbm>>
          tpu.enqueue_dma source(%dma_start3A_153 : memref<2x128xi32, #tpu.memory_space<hbm>>) target(%arg6 : memref<2x128xi32, #tpu.memory_space<vmem>>) target_semaphore(%run_scoped3A : memref<!tpu.dma_semaphore, #tpu.memory_space<semaphore_mem>>)
          %dma_wait3A = arith.constant 0 : i32
          %dma_wait3A_154 = arith.constant 0 : i32
          %dma_wait3A_155 = tpu.memref_slice %arg3[%add3A_139, %dma_wait3A, %dma_wait3A_154] : memref<2500x2x128xi32, #tpu.memory_space<hbm>> -> memref<1x2x128xi32, #tpu.memory_space<hbm>>
          %dma_wait3A_156 = tpu.memref_squeeze %dma_wait3A_155 : memref<1x2x128xi32, #tpu.memory_space<hbm>> -> memref<2x128xi32, #tpu.memory_space<hbm>>
          %dma_wait3A_157 = arith.constant 0 : i32
          %dma_wait3A_158 = arith.constant 0 : i32
          %dma_wait3A_159 = tpu.memref_slice %arg3[%add3A_139, %dma_wait3A_157, %dma_wait3A_158] : memref<2500x2x128xi32, #tpu.memory_space<hbm>> -> memref<1x2x128xi32, #tpu.memory_space<hbm>>
          %dma_wait3A_160 = tpu.memref_squeeze %dma_wait3A_159 : memref<1x2x128xi32, #tpu.memory_space<hbm>> -> memref<2x128xi32, #tpu.memory_space<hbm>>
          tpu.wait_dma2 semaphore(%run_scoped3A : memref<!tpu.dma_semaphore, #tpu.memory_space<semaphore_mem>>) src(%dma_wait3A_160 : memref<2x128xi32, #tpu.memory_space<hbm>>) dst(%arg6 : memref<2x128xi32, #tpu.memory_space<vmem>>)
          tpu.yield
        }) : () -> ()
        %dma_start3A = arith.constant 0 : i32
        %dma_start3A_140 = arith.constant 0 : i32
        %dma_start3A_141 = tpu.memref_slice %arg6[%dma_start3A, %dma_start3A_140] : memref<2x128xi32, #tpu.memory_space<vmem>> -> memref<1x128xi32, #tpu.memory_space<vmem>>
        %dma_start3A_142 = tpu.memref_squeeze %dma_start3A_141 : memref<1x128xi32, #tpu.memory_space<vmem>> -> memref<128xi32, #tpu.memory_space<vmem>>
        %dma_start3A_143 = arith.constant 0 : i32
        %dma_start3A_144 = arith.constant 0 : i32
        %dma_start3A_145 = tpu.memref_slice %arg2[%dma_start3A_143, %dma_start3A_144] : memref<10000x128xf32, #tpu.memory_space<hbm>> -> memref<10000x128xf32, #tpu.memory_space<hbm>>
        tpu.enqueue_indirect_dma source(%dma_start3A_145 : memref<10000x128xf32, #tpu.memory_space<hbm>>) target(%arg9 : memref<128x128xf32, #tpu.memory_space<vmem>>) offsets(%dma_start3A_142 : memref<128xi32, #tpu.memory_space<vmem>>) semaphore(%arg13 : memref<!tpu.dma_semaphore, #tpu.memory_space<semaphore_mem>>)
      } else {
      }
      %add3A_73 = arith.constant 1 : i32
      %add3A_74 = arith.addi %mul3A_41, %add3A_73 : i32
      %mul3A_75 = arith.constant 32 : i32
      %mul3A_76 = arith.muli %add3A_74, %mul3A_75 : i32
      %add3A_77 = arith.addi %add3A, %mul3A_76 : i32
      %lt3A_78 = arith.constant 2500 : i32
      %lt3A_79 = arith.cmpi slt, %add3A_77, %lt3A_78 : i32
      %convert_element_type3A_80 = arith.extui %lt3A_79 : i1 to i32
      %cond3A_81 = arith.constant 0 : i32
      %cond3A_82 = arith.cmpi ne, %convert_element_type3A_80, %cond3A_81 : i32
      scf.if %cond3A_82 {
        %dma_wait3A = arith.constant 0 : i32
        %dma_wait3A_137 = arith.constant 0 : i32
        %dma_wait3A_138 = tpu.memref_slice %arg7[%dma_wait3A, %dma_wait3A_137] : memref<2x128xi32, #tpu.memory_space<vmem>> -> memref<1x128xi32, #tpu.memory_space<vmem>>
        %dma_wait3A_139 = tpu.memref_squeeze %dma_wait3A_138 : memref<1x128xi32, #tpu.memory_space<vmem>> -> memref<128xi32, #tpu.memory_space<vmem>>
        %dma_wait3A_140 = arith.constant 0 : i32
        %dma_wait3A_141 = arith.constant 0 : i32
        %dma_wait3A_142 = tpu.memref_slice %arg2[%dma_wait3A_140, %dma_wait3A_141] : memref<10000x128xf32, #tpu.memory_space<hbm>> -> memref<10000x128xf32, #tpu.memory_space<hbm>>
        tpu.wait_indirect_dma semaphore(%arg14 : memref<!tpu.dma_semaphore, #tpu.memory_space<semaphore_mem>>) src(%dma_wait3A_142 : memref<10000x128xf32, #tpu.memory_space<hbm>>) dst(%arg10 : memref<128x128xf32, #tpu.memory_space<vmem>>)
        %dma_start3A = arith.constant 1 : i32
        %dma_start3A_143 = arith.constant 0 : i32
        %dma_start3A_144 = tpu.memref_slice %arg7[%dma_start3A, %dma_start3A_143] : memref<2x128xi32, #tpu.memory_space<vmem>> -> memref<1x128xi32, #tpu.memory_space<vmem>>
        %dma_start3A_145 = tpu.memref_squeeze %dma_start3A_144 : memref<1x128xi32, #tpu.memory_space<vmem>> -> memref<128xi32, #tpu.memory_space<vmem>>
        %dma_start3A_146 = arith.constant 0 : i32
        %dma_start3A_147 = arith.constant 0 : i32
        %dma_start3A_148 = tpu.memref_slice %arg12[%dma_start3A_146, %dma_start3A_147] : memref<10000x128xf32, #tpu.memory_space<vmem_shared>> -> memref<10000x128xf32, #tpu.memory_space<vmem_shared>>
        tpu.enqueue_indirect_dma source(%arg10 : memref<128x128xf32, #tpu.memory_space<vmem>>) target(%dma_start3A_148 : memref<10000x128xf32, #tpu.memory_space<vmem_shared>>) offsets(%dma_start3A_145 : memref<128xi32, #tpu.memory_space<vmem>>) semaphore(%arg17 : memref<!tpu.dma_semaphore, #tpu.memory_space<semaphore_mem>>) {add = true}
      } else {
      }
      %add3A_83 = arith.constant 1 : i32
      %add3A_84 = arith.addi %mul3A_41, %add3A_83 : i32
      %add3A_85 = arith.constant 3 : i32
      %add3A_86 = arith.addi %add3A_84, %add3A_85 : i32
      %sub3A_87 = arith.constant 3 : i32
      %sub3A_88 = arith.subi %add3A_86, %sub3A_87 : i32
      %mul3A_89 = arith.constant 32 : i32
      %mul3A_90 = arith.muli %sub3A_88, %mul3A_89 : i32
      %add3A_91 = arith.addi %add3A, %mul3A_90 : i32
      %lt3A_92 = arith.constant 2500 : i32
      %lt3A_93 = arith.cmpi slt, %add3A_91, %lt3A_92 : i32
      %convert_element_type3A_94 = arith.extui %lt3A_93 : i1 to i32
      %cond3A_95 = arith.constant 0 : i32
      %cond3A_96 = arith.cmpi ne, %convert_element_type3A_94, %cond3A_95 : i32
      scf.if %cond3A_96 {
        %sub3A_137 = arith.constant 3 : i32
        %sub3A_138 = arith.subi %add3A_86, %sub3A_137 : i32
        %dma_wait3A = arith.constant 1 : i32
        %dma_wait3A_139 = arith.constant 0 : i32
        %dma_wait3A_140 = tpu.memref_slice %arg7[%dma_wait3A, %dma_wait3A_139] : memref<2x128xi32, #tpu.memory_space<vmem>> -> memref<1x128xi32, #tpu.memory_space<vmem>>
        %dma_wait3A_141 = tpu.memref_squeeze %dma_wait3A_140 : memref<1x128xi32, #tpu.memory_space<vmem>> -> memref<128xi32, #tpu.memory_space<vmem>>
        %dma_wait3A_142 = arith.constant 0 : i32
        %dma_wait3A_143 = arith.constant 0 : i32
        %dma_wait3A_144 = tpu.memref_slice %arg12[%dma_wait3A_142, %dma_wait3A_143] : memref<10000x128xf32, #tpu.memory_space<vmem_shared>> -> memref<10000x128xf32, #tpu.memory_space<vmem_shared>>
        tpu.wait_indirect_dma semaphore(%arg17 : memref<!tpu.dma_semaphore, #tpu.memory_space<semaphore_mem>>) src(%arg10 : memref<128x128xf32, #tpu.memory_space<vmem>>) dst(%dma_wait3A_144 : memref<10000x128xf32, #tpu.memory_space<vmem_shared>>)
      } else {
      }
      %mul3A_97 = arith.constant 32 : i32
      %mul3A_98 = arith.muli %add3A_86, %mul3A_97 : i32
      %add3A_99 = arith.addi %add3A, %mul3A_98 : i32
      %lt3A_100 = arith.constant 2500 : i32
      %lt3A_101 = arith.cmpi slt, %add3A_99, %lt3A_100 : i32
      %convert_element_type3A_102 = arith.extui %lt3A_101 : i1 to i32
      %cond3A_103 = arith.constant 0 : i32
      %cond3A_104 = arith.cmpi ne, %convert_element_type3A_102, %cond3A_103 : i32
      scf.if %cond3A_104 {
        %mul3A_137 = arith.constant 32 : i32
        %mul3A_138 = arith.muli %add3A_86, %mul3A_137 : i32
        %add3A_139 = arith.addi %add3A, %mul3A_138 : i32
        "tpu.region"() ({
          %run_scoped3A = tpu.sem_alloc : memref<!tpu.dma_semaphore, #tpu.memory_space<semaphore_mem>>
          %dma_start3A_146 = arith.constant 0 : i32
          %dma_start3A_147 = arith.constant 0 : i32
          %dma_start3A_148 = tpu.memref_slice %arg3[%add3A_139, %dma_start3A_146, %dma_start3A_147] : memref<2500x2x128xi32, #tpu.memory_space<hbm>> -> memref<1x2x128xi32, #tpu.memory_space<hbm>>
          %dma_start3A_149 = tpu.memref_squeeze %dma_start3A_148 : memref<1x2x128xi32, #tpu.memory_space<hbm>> -> memref<2x128xi32, #tpu.memory_space<hbm>>
          %dma_start3A_150 = arith.constant 0 : i32
          %dma_start3A_151 = arith.constant 0 : i32
          %dma_start3A_152 = tpu.memref_slice %arg3[%add3A_139, %dma_start3A_150, %dma_start3A_151] : memref<2500x2x128xi32, #tpu.memory_space<hbm>> -> memref<1x2x128xi32, #tpu.memory_space<hbm>>
          %dma_start3A_153 = tpu.memref_squeeze %dma_start3A_152 : memref<1x2x128xi32, #tpu.memory_space<hbm>> -> memref<2x128xi32, #tpu.memory_space<hbm>>
          tpu.enqueue_dma source(%dma_start3A_153 : memref<2x128xi32, #tpu.memory_space<hbm>>) target(%arg7 : memref<2x128xi32, #tpu.memory_space<vmem>>) target_semaphore(%run_scoped3A : memref<!tpu.dma_semaphore, #tpu.memory_space<semaphore_mem>>)
          %dma_wait3A = arith.constant 0 : i32
          %dma_wait3A_154 = arith.constant 0 : i32
          %dma_wait3A_155 = tpu.memref_slice %arg3[%add3A_139, %dma_wait3A, %dma_wait3A_154] : memref<2500x2x128xi32, #tpu.memory_space<hbm>> -> memref<1x2x128xi32, #tpu.memory_space<hbm>>
          %dma_wait3A_156 = tpu.memref_squeeze %dma_wait3A_155 : memref<1x2x128xi32, #tpu.memory_space<hbm>> -> memref<2x128xi32, #tpu.memory_space<hbm>>
          %dma_wait3A_157 = arith.constant 0 : i32
          %dma_wait3A_158 = arith.constant 0 : i32
          %dma_wait3A_159 = tpu.memref_slice %arg3[%add3A_139, %dma_wait3A_157, %dma_wait3A_158] : memref<2500x2x128xi32, #tpu.memory_space<hbm>> -> memref<1x2x128xi32, #tpu.memory_space<hbm>>
          %dma_wait3A_160 = tpu.memref_squeeze %dma_wait3A_159 : memref<1x2x128xi32, #tpu.memory_space<hbm>> -> memref<2x128xi32, #tpu.memory_space<hbm>>
          tpu.wait_dma2 semaphore(%run_scoped3A : memref<!tpu.dma_semaphore, #tpu.memory_space<semaphore_mem>>) src(%dma_wait3A_160 : memref<2x128xi32, #tpu.memory_space<hbm>>) dst(%arg7 : memref<2x128xi32, #tpu.memory_space<vmem>>)
          tpu.yield
        }) : () -> ()
        %dma_start3A = arith.constant 0 : i32
        %dma_start3A_140 = arith.constant 0 : i32
        %dma_start3A_141 = tpu.memref_slice %arg7[%dma_start3A, %dma_start3A_140] : memref<2x128xi32, #tpu.memory_space<vmem>> -> memref<1x128xi32, #tpu.memory_space<vmem>>
        %dma_start3A_142 = tpu.memref_squeeze %dma_start3A_141 : memref<1x128xi32, #tpu.memory_space<vmem>> -> memref<128xi32, #tpu.memory_space<vmem>>
        %dma_start3A_143 = arith.constant 0 : i32
        %dma_start3A_144 = arith.constant 0 : i32
        %dma_start3A_145 = tpu.memref_slice %arg2[%dma_start3A_143, %dma_start3A_144] : memref<10000x128xf32, #tpu.memory_space<hbm>> -> memref<10000x128xf32, #tpu.memory_space<hbm>>
        tpu.enqueue_indirect_dma source(%dma_start3A_145 : memref<10000x128xf32, #tpu.memory_space<hbm>>) target(%arg10 : memref<128x128xf32, #tpu.memory_space<vmem>>) offsets(%dma_start3A_142 : memref<128xi32, #tpu.memory_space<vmem>>) semaphore(%arg14 : memref<!tpu.dma_semaphore, #tpu.memory_space<semaphore_mem>>)
      } else {
      }
      %add3A_105 = arith.constant 2 : i32
      %add3A_106 = arith.addi %mul3A_41, %add3A_105 : i32
      %mul3A_107 = arith.constant 32 : i32
      %mul3A_108 = arith.muli %add3A_106, %mul3A_107 : i32
      %add3A_109 = arith.addi %add3A, %mul3A_108 : i32
      %lt3A_110 = arith.constant 2500 : i32
      %lt3A_111 = arith.cmpi slt, %add3A_109, %lt3A_110 : i32
      %convert_element_type3A_112 = arith.extui %lt3A_111 : i1 to i32
      %cond3A_113 = arith.constant 0 : i32
      %cond3A_114 = arith.cmpi ne, %convert_element_type3A_112, %cond3A_113 : i32
      scf.if %cond3A_114 {
        %dma_wait3A = arith.constant 0 : i32
        %dma_wait3A_137 = arith.constant 0 : i32
        %dma_wait3A_138 = tpu.memref_slice %arg8[%dma_wait3A, %dma_wait3A_137] : memref<2x128xi32, #tpu.memory_space<vmem>> -> memref<1x128xi32, #tpu.memory_space<vmem>>
        %dma_wait3A_139 = tpu.memref_squeeze %dma_wait3A_138 : memref<1x128xi32, #tpu.memory_space<vmem>> -> memref<128xi32, #tpu.memory_space<vmem>>
        %dma_wait3A_140 = arith.constant 0 : i32
        %dma_wait3A_141 = arith.constant 0 : i32
        %dma_wait3A_142 = tpu.memref_slice %arg2[%dma_wait3A_140, %dma_wait3A_141] : memref<10000x128xf32, #tpu.memory_space<hbm>> -> memref<10000x128xf32, #tpu.memory_space<hbm>>
        tpu.wait_indirect_dma semaphore(%arg15 : memref<!tpu.dma_semaphore, #tpu.memory_space<semaphore_mem>>) src(%dma_wait3A_142 : memref<10000x128xf32, #tpu.memory_space<hbm>>) dst(%arg11 : memref<128x128xf32, #tpu.memory_space<vmem>>)
        %dma_start3A = arith.constant 1 : i32
        %dma_start3A_143 = arith.constant 0 : i32
        %dma_start3A_144 = tpu.memref_slice %arg8[%dma_start3A, %dma_start3A_143] : memref<2x128xi32, #tpu.memory_space<vmem>> -> memref<1x128xi32, #tpu.memory_space<vmem>>
        %dma_start3A_145 = tpu.memref_squeeze %dma_start3A_144 : memref<1x128xi32, #tpu.memory_space<vmem>> -> memref<128xi32, #tpu.memory_space<vmem>>
        %dma_start3A_146 = arith.constant 0 : i32
        %dma_start3A_147 = arith.constant 0 : i32
        %dma_start3A_148 = tpu.memref_slice %arg12[%dma_start3A_146, %dma_start3A_147] : memref<10000x128xf32, #tpu.memory_space<vmem_shared>> -> memref<10000x128xf32, #tpu.memory_space<vmem_shared>>
        tpu.enqueue_indirect_dma source(%arg11 : memref<128x128xf32, #tpu.memory_space<vmem>>) target(%dma_start3A_148 : memref<10000x128xf32, #tpu.memory_space<vmem_shared>>) offsets(%dma_start3A_145 : memref<128xi32, #tpu.memory_space<vmem>>) semaphore(%arg18 : memref<!tpu.dma_semaphore, #tpu.memory_space<semaphore_mem>>) {add = true}
      } else {
      }
      %add3A_115 = arith.constant 2 : i32
      %add3A_116 = arith.addi %mul3A_41, %add3A_115 : i32
      %add3A_117 = arith.constant 3 : i32
      %add3A_118 = arith.addi %add3A_116, %add3A_117 : i32
      %sub3A_119 = arith.constant 3 : i32
      %sub3A_120 = arith.subi %add3A_118, %sub3A_119 : i32
      %mul3A_121 = arith.constant 32 : i32
      %mul3A_122 = arith.muli %sub3A_120, %mul3A_121 : i32
      %add3A_123 = arith.addi %add3A, %mul3A_122 : i32
      %lt3A_124 = arith.constant 2500 : i32
      %lt3A_125 = arith.cmpi slt, %add3A_123, %lt3A_124 : i32
      %convert_element_type3A_126 = arith.extui %lt3A_125 : i1 to i32
      %cond3A_127 = arith.constant 0 : i32
      %cond3A_128 = arith.cmpi ne, %convert_element_type3A_126, %cond3A_127 : i32
      scf.if %cond3A_128 {
        %sub3A_137 = arith.constant 3 : i32
        %sub3A_138 = arith.subi %add3A_118, %sub3A_137 : i32
        %dma_wait3A = arith.constant 1 : i32
        %dma_wait3A_139 = arith.constant 0 : i32
        %dma_wait3A_140 = tpu.memref_slice %arg8[%dma_wait3A, %dma_wait3A_139] : memref<2x128xi32, #tpu.memory_space<vmem>> -> memref<1x128xi32, #tpu.memory_space<vmem>>
        %dma_wait3A_141 = tpu.memref_squeeze %dma_wait3A_140 : memref<1x128xi32, #tpu.memory_space<vmem>> -> memref<128xi32, #tpu.memory_space<vmem>>
        %dma_wait3A_142 = arith.constant 0 : i32
        %dma_wait3A_143 = arith.constant 0 : i32
        %dma_wait3A_144 = tpu.memref_slice %arg12[%dma_wait3A_142, %dma_wait3A_143] : memref<10000x128xf32, #tpu.memory_space<vmem_shared>> -> memref<10000x128xf32, #tpu.memory_space<vmem_shared>>
        tpu.wait_indirect_dma semaphore(%arg18 : memref<!tpu.dma_semaphore, #tpu.memory_space<semaphore_mem>>) src(%arg11 : memref<128x128xf32, #tpu.memory_space<vmem>>) dst(%dma_wait3A_144 : memref<10000x128xf32, #tpu.memory_space<vmem_shared>>)
      } else {
      }
      %mul3A_129 = arith.constant 32 : i32
      %mul3A_130 = arith.muli %add3A_118, %mul3A_129 : i32
      %add3A_131 = arith.addi %add3A, %mul3A_130 : i32
      %lt3A_132 = arith.constant 2500 : i32
      %lt3A_133 = arith.cmpi slt, %add3A_131, %lt3A_132 : i32
      %convert_element_type3A_134 = arith.extui %lt3A_133 : i1 to i32
      %cond3A_135 = arith.constant 0 : i32
      %cond3A_136 = arith.cmpi ne, %convert_element_type3A_134, %cond3A_135 : i32
      scf.if %cond3A_136 {
        %mul3A_137 = arith.constant 32 : i32
        %mul3A_138 = arith.muli %add3A_118, %mul3A_137 : i32
        %add3A_139 = arith.addi %add3A, %mul3A_138 : i32
        "tpu.region"() ({
          %run_scoped3A = tpu.sem_alloc : memref<!tpu.dma_semaphore, #tpu.memory_space<semaphore_mem>>
          %dma_start3A_146 = arith.constant 0 : i32
          %dma_start3A_147 = arith.constant 0 : i32
          %dma_start3A_148 = tpu.memref_slice %arg3[%add3A_139, %dma_start3A_146, %dma_start3A_147] : memref<2500x2x128xi32, #tpu.memory_space<hbm>> -> memref<1x2x128xi32, #tpu.memory_space<hbm>>
          %dma_start3A_149 = tpu.memref_squeeze %dma_start3A_148 : memref<1x2x128xi32, #tpu.memory_space<hbm>> -> memref<2x128xi32, #tpu.memory_space<hbm>>
          %dma_start3A_150 = arith.constant 0 : i32
          %dma_start3A_151 = arith.constant 0 : i32
          %dma_start3A_152 = tpu.memref_slice %arg3[%add3A_139, %dma_start3A_150, %dma_start3A_151] : memref<2500x2x128xi32, #tpu.memory_space<hbm>> -> memref<1x2x128xi32, #tpu.memory_space<hbm>>
          %dma_start3A_153 = tpu.memref_squeeze %dma_start3A_152 : memref<1x2x128xi32, #tpu.memory_space<hbm>> -> memref<2x128xi32, #tpu.memory_space<hbm>>
          tpu.enqueue_dma source(%dma_start3A_153 : memref<2x128xi32, #tpu.memory_space<hbm>>) target(%arg8 : memref<2x128xi32, #tpu.memory_space<vmem>>) target_semaphore(%run_scoped3A : memref<!tpu.dma_semaphore, #tpu.memory_space<semaphore_mem>>)
          %dma_wait3A = arith.constant 0 : i32
          %dma_wait3A_154 = arith.constant 0 : i32
          %dma_wait3A_155 = tpu.memref_slice %arg3[%add3A_139, %dma_wait3A, %dma_wait3A_154] : memref<2500x2x128xi32, #tpu.memory_space<hbm>> -> memref<1x2x128xi32, #tpu.memory_space<hbm>>
          %dma_wait3A_156 = tpu.memref_squeeze %dma_wait3A_155 : memref<1x2x128xi32, #tpu.memory_space<hbm>> -> memref<2x128xi32, #tpu.memory_space<hbm>>
          %dma_wait3A_157 = arith.constant 0 : i32
          %dma_wait3A_158 = arith.constant 0 : i32
          %dma_wait3A_159 = tpu.memref_slice %arg3[%add3A_139, %dma_wait3A_157, %dma_wait3A_158] : memref<2500x2x128xi32, #tpu.memory_space<hbm>> -> memref<1x2x128xi32, #tpu.memory_space<hbm>>
          %dma_wait3A_160 = tpu.memref_squeeze %dma_wait3A_159 : memref<1x2x128xi32, #tpu.memory_space<hbm>> -> memref<2x128xi32, #tpu.memory_space<hbm>>
          tpu.wait_dma2 semaphore(%run_scoped3A : memref<!tpu.dma_semaphore, #tpu.memory_space<semaphore_mem>>) src(%dma_wait3A_160 : memref<2x128xi32, #tpu.memory_space<hbm>>) dst(%arg8 : memref<2x128xi32, #tpu.memory_space<vmem>>)
          tpu.yield
        }) : () -> ()
        %dma_start3A = arith.constant 0 : i32
        %dma_start3A_140 = arith.constant 0 : i32
        %dma_start3A_141 = tpu.memref_slice %arg8[%dma_start3A, %dma_start3A_140] : memref<2x128xi32, #tpu.memory_space<vmem>> -> memref<1x128xi32, #tpu.memory_space<vmem>>
        %dma_start3A_142 = tpu.memref_squeeze %dma_start3A_141 : memref<1x128xi32, #tpu.memory_space<vmem>> -> memref<128xi32, #tpu.memory_space<vmem>>
        %dma_start3A_143 = arith.constant 0 : i32
        %dma_start3A_144 = arith.constant 0 : i32
        %dma_start3A_145 = tpu.memref_slice %arg2[%dma_start3A_143, %dma_start3A_144] : memref<10000x128xf32, #tpu.memory_space<hbm>> -> memref<10000x128xf32, #tpu.memory_space<hbm>>
        tpu.enqueue_indirect_dma source(%dma_start3A_145 : memref<10000x128xf32, #tpu.memory_space<hbm>>) target(%arg11 : memref<128x128xf32, #tpu.memory_space<vmem>>) offsets(%dma_start3A_142 : memref<128xi32, #tpu.memory_space<vmem>>) semaphore(%arg15 : memref<!tpu.dma_semaphore, #tpu.memory_space<semaphore_mem>>)
      } else {
      }
    }
    %scan3A_28 = arith.constant 27 : i32
    %barrier3A_29 = arith.constant 0 : index
    tpu.barrier barrier_id(%barrier3A_29)
    "tpu.region"() ({
      %run_scoped3A = tpu.sem_alloc : memref<!tpu.dma_semaphore, #tpu.memory_space<semaphore_mem>>
      %dma_start3A = arith.constant 0 : i32
      %dma_start3A_35 = tpu.memref_slice %arg5[%arg0, %mul3A_2, %dma_start3A] : memref<2x10000x128xf32, #tpu.memory_space<hbm>> -> memref<1x624x128xf32, #tpu.memory_space<hbm>>
      %dma_start3A_36 = tpu.memref_squeeze %dma_start3A_35 : memref<1x624x128xf32, #tpu.memory_space<hbm>> -> memref<624x128xf32, #tpu.memory_space<hbm>>
      %dma_start3A_37 = arith.constant 0 : i32
      %dma_start3A_38 = tpu.memref_slice %arg12[%mul3A_2, %dma_start3A_37] : memref<10000x128xf32, #tpu.memory_space<vmem_shared>> -> memref<624x128xf32, #tpu.memory_space<vmem_shared>>
      tpu.enqueue_dma source(%dma_start3A_38 : memref<624x128xf32, #tpu.memory_space<vmem_shared>>) target(%dma_start3A_36 : memref<624x128xf32, #tpu.memory_space<hbm>>) target_semaphore(%run_scoped3A : memref<!tpu.dma_semaphore, #tpu.memory_space<semaphore_mem>>)
      %dma_wait3A = arith.constant 0 : i32
      %dma_wait3A_39 = tpu.memref_slice %arg5[%arg0, %mul3A_2, %dma_wait3A] : memref<2x10000x128xf32, #tpu.memory_space<hbm>> -> memref<1x624x128xf32, #tpu.memory_space<hbm>>
      %dma_wait3A_40 = tpu.memref_squeeze %dma_wait3A_39 : memref<1x624x128xf32, #tpu.memory_space<hbm>> -> memref<624x128xf32, #tpu.memory_space<hbm>>
      %dma_wait3A_41 = arith.constant 0 : i32
      %dma_wait3A_42 = tpu.memref_slice %arg12[%mul3A_2, %dma_wait3A_41] : memref<10000x128xf32, #tpu.memory_space<vmem_shared>> -> memref<624x128xf32, #tpu.memory_space<vmem_shared>>
      tpu.wait_dma2 semaphore(%run_scoped3A : memref<!tpu.dma_semaphore, #tpu.memory_space<semaphore_mem>>) src(%dma_wait3A_42 : memref<624x128xf32, #tpu.memory_space<vmem_shared>>) dst(%dma_wait3A_40 : memref<624x128xf32, #tpu.memory_space<hbm>>)
      tpu.yield
    }) : () -> ()
    %eq3A_30 = arith.constant 15 : i32
    %eq3A_31 = arith.cmpi eq, %arg1, %eq3A_30 : i32
    %convert_element_type3A_32 = arith.extui %eq3A_31 : i1 to i32
    %cond3A_33 = arith.constant 0 : i32
    %cond3A_34 = arith.cmpi ne, %convert_element_type3A_32, %cond3A_33 : i32
    scf.if %cond3A_34 {
      "tpu.region"() ({
        %run_scoped3A = tpu.sem_alloc : memref<!tpu.dma_semaphore, #tpu.memory_space<semaphore_mem>>
        %dma_start3A = arith.constant 9984 : i32
        %dma_start3A_35 = arith.constant 0 : i32
        %dma_start3A_36 = tpu.memref_slice %arg5[%arg0, %dma_start3A, %dma_start3A_35] : memref<2x10000x128xf32, #tpu.memory_space<hbm>> -> memref<1x16x128xf32, #tpu.memory_space<hbm>>
        %dma_start3A_37 = tpu.memref_squeeze %dma_start3A_36 : memref<1x16x128xf32, #tpu.memory_space<hbm>> -> memref<16x128xf32, #tpu.memory_space<hbm>>
        %dma_start3A_38 = arith.constant 9984 : i32
        %dma_start3A_39 = arith.constant 0 : i32
        %dma_start3A_40 = tpu.memref_slice %arg12[%dma_start3A_38, %dma_start3A_39] : memref<10000x128xf32, #tpu.memory_space<vmem_shared>> -> memref<16x128xf32, #tpu.memory_space<vmem_shared>>
        tpu.enqueue_dma source(%dma_start3A_40 : memref<16x128xf32, #tpu.memory_space<vmem_shared>>) target(%dma_start3A_37 : memref<16x128xf32, #tpu.memory_space<hbm>>) target_semaphore(%run_scoped3A : memref<!tpu.dma_semaphore, #tpu.memory_space<semaphore_mem>>)
        %dma_wait3A = arith.constant 9984 : i32
        %dma_wait3A_41 = arith.constant 0 : i32
        %dma_wait3A_42 = tpu.memref_slice %arg5[%arg0, %dma_wait3A, %dma_wait3A_41] : memref<2x10000x128xf32, #tpu.memory_space<hbm>> -> memref<1x16x128xf32, #tpu.memory_space<hbm>>
        %dma_wait3A_43 = tpu.memref_squeeze %dma_wait3A_42 : memref<1x16x128xf32, #tpu.memory_space<hbm>> -> memref<16x128xf32, #tpu.memory_space<hbm>>
        %dma_wait3A_44 = arith.constant 9984 : i32
        %dma_wait3A_45 = arith.constant 0 : i32
        %dma_wait3A_46 = tpu.memref_slice %arg12[%dma_wait3A_44, %dma_wait3A_45] : memref<10000x128xf32, #tpu.memory_space<vmem_shared>> -> memref<16x128xf32, #tpu.memory_space<vmem_shared>>
        tpu.wait_dma2 semaphore(%run_scoped3A : memref<!tpu.dma_semaphore, #tpu.memory_space<semaphore_mem>>) src(%dma_wait3A_46 : memref<16x128xf32, #tpu.memory_space<vmem_shared>>) dst(%dma_wait3A_43 : memref<16x128xf32, #tpu.memory_space<hbm>>)
        tpu.yield
      }) : () -> ()
    } else {
    }
    return
  }
}

module attributes {stable_mosaic.version = 14 : i64} {
  func.func @body(%arg0: i32, %arg1: memref<2000x128xf32, #tpu.memory_space<vmem>>, %arg2: memref<2x2000x128xf32, #tpu.memory_space<vmem>>, %arg3: memref<2000x128xf32, #tpu.memory_space<vmem>>, %arg4: memref<2000x2xf32, #tpu.memory_space<vmem>>) attributes {dimension_semantics = [#tpu.dimension_semantics<arbitrary>], iteration_bounds = array<i64: 5>, scalar_prefetch = 0 : i64, scratch_operands = 0 : i64, tpu.core_type = #tpu.core_type<tc>, window_params = [{transform_indices = @transform_0, window_bounds = array<i64: 2000, 128>}, {transform_indices = @transform_1, window_bounds = array<i64: 2, 2000, 128>}, {transform_indices = @transform_2, window_bounds = array<i64: 2000, 128>}, {transform_indices = @transform_3, window_bounds = array<i64: 2000, 2>}]} {
    %get3A = arith.constant 0 : index
    %get3A_0 = arith.constant 0 : index
    %get3A_1 = arith.constant 0 : index
    %get3A_2 = vector.load %arg2[%get3A, %get3A_0, %get3A_1] : memref<2x2000x128xf32, #tpu.memory_space<vmem>>, vector<2x2000x128xf32>
    %slice3A = vector.extract_strided_slice %get3A_2 {offsets = [0, 0, 0], sizes = [1, 2000, 1], strides = [1, 1, 1]} : vector<2x2000x128xf32> to vector<1x2000x1xf32>
    %squeeze3A = vector.shape_cast %slice3A : vector<1x2000x1xf32> to vector<2000x1xf32>
    %slice3A_3 = vector.extract_strided_slice %get3A_2 {offsets = [1, 0, 0], sizes = [1, 2000, 1], strides = [1, 1, 1]} : vector<2x2000x128xf32> to vector<1x2000x1xf32>
    %squeeze3A_4 = vector.shape_cast %slice3A_3 : vector<1x2000x1xf32> to vector<2000x1xf32>
    %add3A = arith.addf %squeeze3A, %squeeze3A_4 : vector<2000x1xf32>
    %max3A = arith.constant 1.000000e+00 : f32
    %max3A_5 = vector.broadcast %max3A : f32 to vector<2000x1xf32>
    %max3A_6 = arith.maximumf %add3A, %max3A_5 : vector<2000x1xf32>
    %rsqrt3A = math.rsqrt %max3A_6 : vector<2000x1xf32>
    %slice3A_7 = vector.extract_strided_slice %get3A_2 {offsets = [0, 0, 64], sizes = [1, 2000, 1], strides = [1, 1, 1]} : vector<2x2000x128xf32> to vector<1x2000x1xf32>
    %squeeze3A_8 = vector.shape_cast %slice3A_7 : vector<1x2000x1xf32> to vector<2000x1xf32>
    %slice3A_9 = vector.extract_strided_slice %get3A_2 {offsets = [1, 0, 64], sizes = [1, 2000, 1], strides = [1, 1, 1]} : vector<2x2000x128xf32> to vector<1x2000x1xf32>
    %squeeze3A_10 = vector.shape_cast %slice3A_9 : vector<1x2000x1xf32> to vector<2000x1xf32>
    %add3A_11 = arith.addf %squeeze3A_8, %squeeze3A_10 : vector<2000x1xf32>
    %max3A_12 = arith.constant 1.000000e+00 : f32
    %max3A_13 = vector.broadcast %max3A_12 : f32 to vector<2000x1xf32>
    %max3A_14 = arith.maximumf %add3A_11, %max3A_13 : vector<2000x1xf32>
    %rsqrt3A_15 = math.rsqrt %max3A_14 : vector<2000x1xf32>
    %concatenate3A = tpu.concatenate %rsqrt3A, %rsqrt3A_15 in 1 : vector<2000x1xf32>, vector<2000x1xf32> -> vector<2000x2xf32>
    %swap3A = arith.constant 0 : index
    %swap3A_16 = arith.constant 0 : index
    %swap3A_17 = vector.load %arg4[%swap3A, %swap3A_16] : memref<2000x2xf32, #tpu.memory_space<vmem>>, vector<2000x2xf32>
    tpu.vector_store %arg4[%swap3A, %swap3A_16], %concatenate3A {strides = array<i32>} : memref<2000x2xf32, #tpu.memory_space<vmem>>, vector<2000x2xf32>,
    %get3A_18 = arith.constant 0 : index
    %get3A_19 = arith.constant 0 : index
    %get3A_20 = vector.load %arg1[%get3A_18, %get3A_19] : memref<2000x128xf32, #tpu.memory_space<vmem>>, vector<2000x128xf32>
    %mul3A = vector.broadcast %rsqrt3A : vector<2000x1xf32> to vector<2000x128xf32>
    %mul3A_21 = arith.mulf %get3A_20, %mul3A : vector<2000x128xf32>
    %swap3A_22 = arith.constant 0 : index
    %swap3A_23 = arith.constant 0 : index
    %swap3A_24 = vector.load %arg3[%swap3A_22, %swap3A_23] : memref<2000x128xf32, #tpu.memory_space<vmem>>, vector<2000x128xf32>
    tpu.vector_store %arg3[%swap3A_22, %swap3A_23], %mul3A_21 {strides = array<i32>} : memref<2000x128xf32, #tpu.memory_space<vmem>>, vector<2000x128xf32>,
    return
  }
  func.func @transform_0(%arg0: i32) -> (i32, i32) {
    %c0_i32 = arith.constant 0 : i32
    %c0_i32_0 = arith.constant 0 : i32
    return %arg0, %c0_i32 : i32, i32
  }
  func.func @transform_1(%arg0: i32) -> (i32, i32, i32) {
    %c0_i32 = arith.constant 0 : i32
    %c0_i32_0 = arith.constant 0 : i32
    %c0_i32_1 = arith.constant 0 : i32
    return %c0_i32, %arg0, %c0_i32_0 : i32, i32, i32
  }
  func.func @transform_2(%arg0: i32) -> (i32, i32) {
    %c0_i32 = arith.constant 0 : i32
    %c0_i32_0 = arith.constant 0 : i32
    return %arg0, %c0_i32 : i32, i32
  }
  func.func @transform_3(%arg0: i32) -> (i32, i32) {
    %c0_i32 = arith.constant 0 : i32
    %c0_i32_0 = arith.constant 0 : i32
    return %arg0, %c0_i32 : i32, i32
  }
}

module attributes {stable_mosaic.version = 14 : i64} {
  func.func @body(%arg0: i32, %arg1: memref<2x2000x128xf32, #tpu.memory_space<vmem>>, %arg2: memref<2000x2xf32, #tpu.memory_space<vmem>>, %arg3: memref<128x256xf32, #tpu.memory_space<vmem>>, %arg4: memref<256xf32, #tpu.memory_space<vmem>>, %arg5: memref<256x128xf32, #tpu.memory_space<vmem>>, %arg6: memref<128x48xf32, #tpu.memory_space<vmem>>, %arg7: memref<2000x48xf32, #tpu.memory_space<vmem>>) attributes {dimension_semantics = [#tpu.dimension_semantics<arbitrary>], iteration_bounds = array<i64: 5>, scalar_prefetch = 0 : i64, scratch_operands = 0 : i64, tpu.core_type = #tpu.core_type<tc>, window_params = [{transform_indices = @transform_0, window_bounds = array<i64: 2, 2000, 128>}, {transform_indices = @transform_1, window_bounds = array<i64: 2000, 2>}, {pipeline_mode = #tpu.pipeline_mode<synchronous>, transform_indices = @transform_2, window_bounds = array<i64: 128, 256>}, {pipeline_mode = #tpu.pipeline_mode<synchronous>, transform_indices = @transform_3, window_bounds = array<i64: 256>}, {pipeline_mode = #tpu.pipeline_mode<synchronous>, transform_indices = @transform_4, window_bounds = array<i64: 256, 128>}, {pipeline_mode = #tpu.pipeline_mode<synchronous>, transform_indices = @transform_5, window_bounds = array<i64: 128, 48>}, {transform_indices = @transform_6, window_bounds = array<i64: 2000, 48>}]} {
    %get3A = arith.constant 0 : index
    %get3A_0 = arith.constant 1 : index
    %get3A_1 = vector.load %arg2[%get3A, %get3A_0] : memref<2000x2xf32, #tpu.memory_space<vmem>>, vector<2000x1xf32>
    %get3A_2 = vector.shape_cast %get3A_1 : vector<2000x1xf32> to vector<2000xf32>
    %get3A_3 = arith.constant 0 : index
    %get3A_4 = arith.constant 0 : index
    %get3A_5 = vector.load %arg2[%get3A_3, %get3A_4] : memref<2000x2xf32, #tpu.memory_space<vmem>>, vector<2000x1xf32>
    %get3A_6 = vector.shape_cast %get3A_5 : vector<2000x1xf32> to vector<2000xf32>
    %get3A_7 = arith.constant 0 : index
    %get3A_8 = arith.constant 0 : index
    %get3A_9 = arith.constant 0 : index
    %get3A_10 = vector.load %arg1[%get3A_7, %get3A_8, %get3A_9] : memref<2x2000x128xf32, #tpu.memory_space<vmem>>, vector<1x2000x128xf32>
    %get3A_11 = vector.shape_cast %get3A_10 : vector<1x2000x128xf32> to vector<2000x128xf32>
    %get3A_12 = arith.constant 1 : index
    %get3A_13 = arith.constant 0 : index
    %get3A_14 = arith.constant 0 : index
    %get3A_15 = vector.load %arg1[%get3A_12, %get3A_13, %get3A_14] : memref<2x2000x128xf32, #tpu.memory_space<vmem>>, vector<1x2000x128xf32>
    %get3A_16 = vector.shape_cast %get3A_15 : vector<1x2000x128xf32> to vector<2000x128xf32>
    %add3A = arith.addf %get3A_11, %get3A_16 : vector<2000x128xf32>
    %broadcast_in_dim3A = vector.shape_cast %get3A_2 : vector<2000xf32> to vector<2000x1xf32>
    %mul3A = vector.broadcast %broadcast_in_dim3A : vector<2000x1xf32> to vector<2000x128xf32>
    %mul3A_17 = arith.mulf %add3A, %mul3A : vector<2000x128xf32>
    %get3A_18 = arith.constant 0 : index
    %get3A_19 = arith.constant 0 : index
    %get3A_20 = vector.load %arg3[%get3A_18, %get3A_19] : memref<128x256xf32, #tpu.memory_space<vmem>>, vector<128x256xf32>
    %dot_general3A = arith.constant dense<0.000000e+00> : vector<2000x256xf32>
    %dot_general3A_21 = tpu.matmul %mul3A_17, %get3A_20, %dot_general3A {dimension_numbers = #tpu.dot_dimension_numbers<[1], [0], [0], [1], [0, 0, 1, 1], [], []>, transpose_lhs_hint = false} : vector<2000x128xf32>, vector<128x256xf32>, vector<2000x256xf32> -> vector<2000x256xf32>
    %get3A_22 = arith.constant 0 : index
    %get3A_23 = vector.load %arg4[%get3A_22] : memref<256xf32, #tpu.memory_space<vmem>>, vector<256xf32>
    %broadcast_in_dim3A_24 = vector.shape_cast %get3A_23 : vector<256xf32> to vector<1x256xf32>
    %add3A_25 = vector.broadcast %broadcast_in_dim3A_24 : vector<1x256xf32> to vector<2000x256xf32>
    %add3A_26 = arith.addf %dot_general3A_21, %add3A_25 : vector<2000x256xf32>
    %max3A = arith.constant 0.000000e+00 : f32
    %max3A_27 = vector.broadcast %max3A : f32 to vector<2000x256xf32>
    %max3A_28 = arith.maximumf %add3A_26, %max3A_27 : vector<2000x256xf32>
    %get3A_29 = arith.constant 0 : index
    %get3A_30 = arith.constant 0 : index
    %get3A_31 = vector.load %arg5[%get3A_29, %get3A_30] : memref<256x128xf32, #tpu.memory_space<vmem>>, vector<256x128xf32>
    %get3A_32 = arith.constant 0 : index
    %get3A_33 = arith.constant 0 : index
    %get3A_34 = vector.load %arg6[%get3A_32, %get3A_33] : memref<128x48xf32, #tpu.memory_space<vmem>>, vector<128x48xf32>
    %dot_general3A_35 = arith.constant dense<0.000000e+00> : vector<256x48xf32>
    %dot_general3A_36 = tpu.matmul %get3A_31, %get3A_34, %dot_general3A_35 {dimension_numbers = #tpu.dot_dimension_numbers<[1], [0], [0], [1], [0, 0, 1, 1], [], []>, transpose_lhs_hint = false} : vector<256x128xf32>, vector<128x48xf32>, vector<256x48xf32> -> vector<256x48xf32>
    %broadcast_in_dim3A_37 = vector.shape_cast %get3A_6 : vector<2000xf32> to vector<2000x1xf32>
    %mul3A_38 = vector.broadcast %broadcast_in_dim3A_37 : vector<2000x1xf32> to vector<2000x256xf32>
    %mul3A_39 = arith.mulf %max3A_28, %mul3A_38 : vector<2000x256xf32>
    %dot_general3A_40 = arith.constant dense<0.000000e+00> : vector<2000x48xf32>
    %dot_general3A_41 = tpu.matmul %mul3A_39, %dot_general3A_36, %dot_general3A_40 {dimension_numbers = #tpu.dot_dimension_numbers<[1], [0], [0], [1], [0, 0, 1, 1], [], []>, transpose_lhs_hint = false} : vector<2000x256xf32>, vector<256x48xf32>, vector<2000x48xf32> -> vector<2000x48xf32>
    %swap3A = arith.constant 0 : index
    %swap3A_42 = arith.constant 0 : index
    %swap3A_43 = vector.load %arg7[%swap3A, %swap3A_42] : memref<2000x48xf32, #tpu.memory_space<vmem>>, vector<2000x48xf32>
    tpu.vector_store %arg7[%swap3A, %swap3A_42], %dot_general3A_41 {strides = array<i32>} : memref<2000x48xf32, #tpu.memory_space<vmem>>, vector<2000x48xf32>,
    return
  }
  func.func @transform_0(%arg0: i32) -> (i32, i32, i32) {
    %c0_i32 = arith.constant 0 : i32
    %c0_i32_0 = arith.constant 0 : i32
    %c0_i32_1 = arith.constant 0 : i32
    return %c0_i32, %arg0, %c0_i32_0 : i32, i32, i32
  }
  func.func @transform_1(%arg0: i32) -> (i32, i32) {
    %c0_i32 = arith.constant 0 : i32
    %c0_i32_0 = arith.constant 0 : i32
    return %arg0, %c0_i32 : i32, i32
  }
  func.func @transform_2(%arg0: i32) -> (i32, i32) {
    %c0_i32 = arith.constant 0 : i32
    %c0_i32_0 = arith.constant 0 : i32
    %c0_i32_1 = arith.constant 0 : i32
    return %c0_i32, %c0_i32_0 : i32, i32
  }
  func.func @transform_3(%arg0: i32) -> i32 {
    %c0_i32 = arith.constant 0 : i32
    %c0_i32_0 = arith.constant 0 : i32
    return %c0_i32 : i32
  }
  func.func @transform_4(%arg0: i32) -> (i32, i32) {
    %c0_i32 = arith.constant 0 : i32
    %c0_i32_0 = arith.constant 0 : i32
    %c0_i32_1 = arith.constant 0 : i32
    return %c0_i32, %c0_i32_0 : i32, i32
  }
  func.func @transform_5(%arg0: i32) -> (i32, i32) {
    %c0_i32 = arith.constant 0 : i32
    %c0_i32_0 = arith.constant 0 : i32
    %c0_i32_1 = arith.constant 0 : i32
    return %c0_i32, %c0_i32_0 : i32, i32
  }
  func.func @transform_6(%arg0: i32) -> (i32, i32) {
    %c0_i32 = arith.constant 0 : i32
    %c0_i32_0 = arith.constant 0 : i32
    return %arg0, %c0_i32 : i32, i32
  }
}

module attributes {stable_mosaic.version = 14 : i64} {
  func.func @body(%arg0: i32, %arg1: memref<2x2000x48xf32, #tpu.memory_space<vmem>>, %arg2: memref<2000x2xf32, #tpu.memory_space<vmem>>, %arg3: memref<128xf32, #tpu.memory_space<vmem>>, %arg4: memref<128x48xf32, #tpu.memory_space<vmem>>, %arg5: memref<48xf32, #tpu.memory_space<vmem>>, %arg6: memref<2000x47xf32, #tpu.memory_space<vmem>>) attributes {dimension_semantics = [#tpu.dimension_semantics<arbitrary>], iteration_bounds = array<i64: 5>, scalar_prefetch = 0 : i64, scratch_operands = 0 : i64, tpu.core_type = #tpu.core_type<tc>, window_params = [{transform_indices = @transform_0, window_bounds = array<i64: 2, 2000, 48>}, {transform_indices = @transform_1, window_bounds = array<i64: 2000, 2>}, {pipeline_mode = #tpu.pipeline_mode<synchronous>, transform_indices = @transform_2, window_bounds = array<i64: 128>}, {pipeline_mode = #tpu.pipeline_mode<synchronous>, transform_indices = @transform_3, window_bounds = array<i64: 128, 48>}, {pipeline_mode = #tpu.pipeline_mode<synchronous>, transform_indices = @transform_4, window_bounds = array<i64: 48>}, {transform_indices = @transform_5, window_bounds = array<i64: 2000, 47>}]} {
    %get3A = arith.constant 0 : index
    %get3A_0 = vector.load %arg3[%get3A] : memref<128xf32, #tpu.memory_space<vmem>>, vector<128xf32>
    %broadcast_in_dim3A = vector.shape_cast %get3A_0 : vector<128xf32> to vector<1x128xf32>
    %get3A_1 = arith.constant 0 : index
    %get3A_2 = arith.constant 0 : index
    %get3A_3 = vector.load %arg4[%get3A_1, %get3A_2] : memref<128x48xf32, #tpu.memory_space<vmem>>, vector<128x48xf32>
    %dot_general3A = arith.constant dense<0.000000e+00> : vector<1x48xf32>
    %dot_general3A_4 = tpu.matmul %broadcast_in_dim3A, %get3A_3, %dot_general3A {dimension_numbers = #tpu.dot_dimension_numbers<[1], [0], [0], [1], [0, 0, 1, 1], [], []>, transpose_lhs_hint = false} : vector<1x128xf32>, vector<128x48xf32>, vector<1x48xf32> -> vector<1x48xf32>
    %squeeze3A = vector.shape_cast %dot_general3A_4 : vector<1x48xf32> to vector<48xf32>
    %get3A_5 = arith.constant 0 : index
    %get3A_6 = vector.load %arg5[%get3A_5] : memref<48xf32, #tpu.memory_space<vmem>>, vector<48xf32>
    %add3A = arith.addf %squeeze3A, %get3A_6 : vector<48xf32>
    %get3A_7 = arith.constant 0 : index
    %get3A_8 = arith.constant 1 : index
    %get3A_9 = vector.load %arg2[%get3A_7, %get3A_8] : memref<2000x2xf32, #tpu.memory_space<vmem>>, vector<2000x1xf32>
    %get3A_10 = vector.shape_cast %get3A_9 : vector<2000x1xf32> to vector<2000xf32>
    %get3A_11 = arith.constant 0 : index
    %get3A_12 = arith.constant 0 : index
    %get3A_13 = arith.constant 0 : index
    %get3A_14 = vector.load %arg1[%get3A_11, %get3A_12, %get3A_13] : memref<2x2000x48xf32, #tpu.memory_space<vmem>>, vector<1x2000x48xf32>
    %get3A_15 = vector.shape_cast %get3A_14 : vector<1x2000x48xf32> to vector<2000x48xf32>
    %get3A_16 = arith.constant 1 : index
    %get3A_17 = arith.constant 0 : index
    %get3A_18 = arith.constant 0 : index
    %get3A_19 = vector.load %arg1[%get3A_16, %get3A_17, %get3A_18] : memref<2x2000x48xf32, #tpu.memory_space<vmem>>, vector<1x2000x48xf32>
    %get3A_20 = vector.shape_cast %get3A_19 : vector<1x2000x48xf32> to vector<2000x48xf32>
    %add3A_21 = arith.addf %get3A_15, %get3A_20 : vector<2000x48xf32>
    %broadcast_in_dim3A_22 = vector.shape_cast %get3A_10 : vector<2000xf32> to vector<2000x1xf32>
    %mul3A = vector.broadcast %broadcast_in_dim3A_22 : vector<2000x1xf32> to vector<2000x48xf32>
    %mul3A_23 = arith.mulf %add3A_21, %mul3A : vector<2000x48xf32>
    %broadcast_in_dim3A_24 = vector.shape_cast %add3A : vector<48xf32> to vector<1x48xf32>
    %add3A_25 = vector.broadcast %broadcast_in_dim3A_24 : vector<1x48xf32> to vector<2000x48xf32>
    %add3A_26 = arith.addf %mul3A_23, %add3A_25 : vector<2000x48xf32>
    %slice3A = vector.extract_strided_slice %add3A_26 {offsets = [0, 0], sizes = [2000, 47], strides = [1, 1]} : vector<2000x48xf32> to vector<2000x47xf32>
    %swap3A = arith.constant 0 : index
    %swap3A_27 = arith.constant 0 : index
    %swap3A_28 = vector.load %arg6[%swap3A, %swap3A_27] : memref<2000x47xf32, #tpu.memory_space<vmem>>, vector<2000x47xf32>
    tpu.vector_store %arg6[%swap3A, %swap3A_27], %slice3A {strides = array<i32>} : memref<2000x47xf32, #tpu.memory_space<vmem>>, vector<2000x47xf32>,
    return
  }
  func.func @transform_0(%arg0: i32) -> (i32, i32, i32) {
    %c0_i32 = arith.constant 0 : i32
    %c0_i32_0 = arith.constant 0 : i32
    %c0_i32_1 = arith.constant 0 : i32
    return %c0_i32, %arg0, %c0_i32_0 : i32, i32, i32
  }
  func.func @transform_1(%arg0: i32) -> (i32, i32) {
    %c0_i32 = arith.constant 0 : i32
    %c0_i32_0 = arith.constant 0 : i32
    return %arg0, %c0_i32 : i32, i32
  }
  func.func @transform_2(%arg0: i32) -> i32 {
    %c0_i32 = arith.constant 0 : i32
    %c0_i32_0 = arith.constant 0 : i32
    return %c0_i32 : i32
  }
  func.func @transform_3(%arg0: i32) -> (i32, i32) {
    %c0_i32 = arith.constant 0 : i32
    %c0_i32_0 = arith.constant 0 : i32
    %c0_i32_1 = arith.constant 0 : i32
    return %c0_i32, %c0_i32_0 : i32, i32
  }
  func.func @transform_4(%arg0: i32) -> i32 {
    %c0_i32 = arith.constant 0 : i32
    %c0_i32_0 = arith.constant 0 : i32
    return %c0_i32 : i32
  }
  func.func @transform_5(%arg0: i32) -> (i32, i32) {
    %c0_i32 = arith.constant 0 : i32
    %c0_i32_0 = arith.constant 0 : i32
    return %arg0, %c0_i32 : i32, i32
  }
}

</mosaic_0001>

<sc_bundles>
// kernel: kernel.11.cloned.1.call-start
scs
__scs_entry_jumppad:
0x0: {  	(pc) =	sbr.rel $0x88, $3  }
0x1: {  	(tag) =	ssettag $0x0;
	lr =	simm.s32 $0x1  }
0x2: {  	[smem:$0x3F99] =	sst lr;
	_ =	strace $0xD0000000  }
0x3: {  	_ = 	snop  }
0x4: {  	_ = 	snop  }
0x5: {  	_ = 	snop  }
0x6: {  	_ = 	snop  }
0x7: {  	_ = 	snop  }
__scs_overlays_trampoline_lowered:
0x8: {  	[smem:$0x3FA8] =	sst s0  }
0x9: {  	[smem:$0x3FA9] =	sst s1  }
0xa: {  	[smem:$0x3FAA] =	sst s2  }
0xb: {  	[smem:$0x3FAB] =	sst s3  }
0xc: {  	[smem:$0x3FAC] =	sst s4  }
0xd: {  	[smem:$0x3FAD] =	sst s5  }
0xe: {  	[smem:$0x3FAE] =	sst s6  }
0xf: {  	[smem:$0x3FAF] =	sst s7  }
0x10: {  	[smem:$0x3FB0] =	sst s8  }
0x11: {  	[smem:$0x3FB1] =	sst s9;
	s0 =	simm.s32 @!p0 $0x0  }
0x12: {  	s1 =	sld [smem:$0x3F97];
	s0 =	simm.s32 @p0 $0x1  }
0x13: {  	[smem:$0x3FB2] =	sst s0;
	s0 =	simm.s32 @!p1 $0x0  }
0x14: {  	s2 =	sld [smem:$0x3F96];
	s0 =	simm.s32 @p1 $0x1  }
0x15: {  	[smem:$0x3FB3] =	sst s0;
	s0 =	simm.s32 @!p2 $0x0  }
0x16: {  	s3 =	sld [smem:$0x3FDB];
	s0 =	simm.s32 @p2 $0x1  }
0x17: {  	s4 =	simm.s32 $0x1BF5;
	[smem:$0x3FB5] =	sst s0  }
0x18: {  	s0 =	sld [smem:$0x3F98];
	_ =	swait.ge [sflag:s4], $0x0  }
0x19: {  	s7 =	sld [smem:$0x3F99]  }
0x1a: {  	s8 =	sadd.s32 $0xFFFFE003, lr  }
0x1b: {  	s9 =	sadd.s32 $0xFFFFFEF7, lr;
	s5 =	simm.s32 $0xFFFFFFFF;
	p2 =	slt.u32 s8, $0xFFFFF086  }
0x1c: {  	p1 =	slt.u32 s9, $0xF7A;
	s5 =	simm.s32 @!p2 $0x0  }
0x1d: {  	s5 =	simm.s32 @p1 $0x1;
	p0 =	seq.s32 s7, s2  }
0x1e: {  	s7 =	smul.u32 @!p0 $0xF7A, s2;
	p2 =	seq.s32 @!p0 s5, $0x0  }
0x1f: {  	s9 =	smul.u32 $0xF7A, s1;
	s8 =	simm.s32 @!p0 $0x1BF5;
	p2 =	por !p2, p0  }
0x20: {  	[sflag:s8] =	ssyncset.s32 @!p0 $0xFFFFF086;
	s6 =	sadd.s32 @!p0 s3, s7;
	s7 =	simm.s32 @!p0 $0x108  }
0x21: {  	s3 =	sadd.s32 s3, s9;
	s6 =	sadd.s32 @!p0 $0x88, s6;
	s7 =	simm.s32 @p2 $0x1082  }
0x22: {  	[simem:s7], [sflag:s8] =	dma.local @!p0 [hbm:s6], $0xF7A  }
0x23: {  	s9 =	sor.u32 $0xD0000000, s2;
	s6 =	simm.s32 $0x108;
	_ =	swait.ge @!p0 [sflag:s8], $0x0  }
0x24: {  	s3 =	sadd.s32 $0x88, s3;
	s6 =	simm.s32 @!p1 $0x1082;
	[sflag:s4] =	ssyncset.s32 $0xFFFFF086  }
0x25: {  	[simem:s6], [sflag:s4] =	dma.local [hbm:s3], $0xF7A  }
0x26: {  	[smem:$0x3F99] =	sst s1;
	(tag) =	ssettag s2;
	_ =	strace s9  }
0x27: {  	s1 =	sld [smem:$0x3FA9]  }
0x28: {  	s2 =	sld [smem:$0x3FAA]  }
0x29: {  	s4 =	sld [smem:$0x3FAC]  }
0x2a: {  	p0 =	seq.s32 s5, $0x0;
	s5 =	sld [smem:$0x3FAD]  }
0x2b: {  	s6 =	sld [smem:$0x3FAE]  }
0x2c: {  	s7 =	sld [smem:$0x3FAF]  }
0x2d: {  	s3 =	simm.s32 $0x108;
	s8 =	sld [smem:$0x3FB0]  }
0x2e: {  	s3 =	simm.s32 @!p0 $0x1082;
	s9 =	sld [smem:$0x3FB1]  }
0x2f: {  	lr =	sadd.s32 s0, s3;
	s0 =	sld [smem:$0x3FA8]  }
0x30: {  	s3 =	sld [smem:$0x3FAB]  }
0x31: {  	[smem:$0x3FB4] =	sst s10  }
0x32: {  	s10 =	sld [smem:$0x3FB2];
	_ =	sdelay $0x3  }
0x33: {  	p0 =	seq.s32 s10, $0x1;
	s10 =	sld [smem:$0x3FB4];
	_ =	sdelay $0x3  }
0x34: {  	[smem:$0x3FB4] =	sst s10  }
0x35: {  	s10 =	sld [smem:$0x3FB3];
	_ =	sdelay $0x3  }
0x36: {  	p1 =	seq.s32 s10, $0x1;
	s10 =	sld [smem:$0x3FB4];
	_ =	sdelay $0x3  }
0x37: {  	[smem:$0x3FB4] =	sst s10  }
0x38: {  	s10 =	sld [smem:$0x3FB5]  }
0x39: {  	_ = 	snop;
	(pc) =	sbr.ind lr, $3  }
0x3a: {  	_ = 	snop  }
0x3b: {  	_ = 	snop  }
0x3c: {  	p2 =	seq.s32 s10, $0x1;
	s10 =	sld [smem:$0x3FB4]  }
0x3d: {  	_ =	shalt  }
0x3e: {  	_ =	shalt  }
0x3f: {  	_ =	shalt  }
0x40: {  	_ =	shalt  }
0x41: {  	_ =	shalt  }
0x42: {  	_ =	shalt  }
0x43: {  	_ =	shalt  }
0x44: {  	_ =	shalt  }
0x45: {  	_ =	shalt  }
0x46: {  	_ =	shalt  }
0x47: {  	_ =	shalt  }
0x48: {  	_ =	shalt  }
0x49: {  	_ =	shalt  }
0x4a: {  	_ =	shalt  }
0x4b: {  	_ =	shalt  }
0x4c: {  	_ =	shalt  }
0x4d: {  	_ =	shalt  }
0x4e: {  	_ =	shalt  }
0x4f: {  	_ =	shalt  }
0x50: {  	_ =	shalt  }
0x51: {  	_ =	shalt  }
0x52: {  	_ =	shalt  }
0x53: {  	_ =	shalt  }
0x54: {  	_ =	shalt  }
0x55: {  	_ =	shalt  }
0x56: {  	_ =	shalt  }
0x57: {  	_ =	shalt  }
0x58: {  	_ =	shalt  }
0x59: {  	_ =	shalt  }
0x5a: {  	_ =	shalt  }
0x5b: {  	_ =	shalt  }
0x5c: {  	_ =	shalt  }
0x5d: {  	_ =	shalt  }
0x5e: {  	_ =	shalt  }
0x5f: {  	_ =	shalt  }
0x60: {  	_ =	shalt  }
0x61: {  	_ =	shalt  }
0x62: {  	_ =	shalt  }
0x63: {  	_ =	shalt  }
0x64: {  	_ =	shalt  }
0x65: {  	_ =	shalt  }
0x66: {  	_ =	shalt  }
0x67: {  	_ =	shalt  }
0x68: {  	_ =	shalt  }
0x69: {  	_ =	shalt  }
0x6a: {  	_ =	shalt  }
0x6b: {  	_ =	shalt  }
0x6c: {  	_ =	shalt  }
0x6d: {  	_ =	shalt  }
0x6e: {  	_ =	shalt  }
0x6f: {  	_ =	shalt  }
0x70: {  	_ =	shalt  }
0x71: {  	_ =	shalt  }
0x72: {  	_ =	shalt  }
0x73: {  	_ =	shalt  }
0x74: {  	_ =	shalt  }
0x75: {  	_ =	shalt  }
0x76: {  	_ =	shalt  }
0x77: {  	_ =	shalt  }
0x78: {  	_ =	shalt  }
0x79: {  	_ =	shalt  }
0x7a: {  	_ =	shalt  }
0x7b: {  	_ =	shalt  }
0x7c: {  	_ =	shalt  }
0x7d: {  	_ =	shalt  }
0x7e: {  	_ =	shalt  }
0x7f: {  	_ =	shalt  }
0x80: {  	_ =	shalt  }
0x81: {  	_ =	shalt  }
0x82: {  	_ =	shalt  }
0x83: {  	_ =	shalt  }
0x84: {  	_ =	shalt  }
0x85: {  	_ =	shalt  }
0x86: {  	_ =	shalt  }
0x87: {  	_ =	shalt  }
.Lfunc_end0:
.L_simem_size_0:
called_computation.1_lowered:
.L_overlay_start_0:
0x88: {  	s2 =	sld [smem:$0x3FD9]  }
0x89: {  	s3 =	sld [smem:$0x3FFE];
	_ =	sdelay $0x1  }
0x8a: {  	s1 =	srdreg.scid  }
0x8b: {  	s0 =	sand.u32 $0x1, s1  }
0x8c: {  	s17 =	sshll.u32 s0, $0xA;
	s2 =	sadd.s32 s3, s2  }
0x8d: {  	s2 =	sadd.s32 s2, s17  }
0x8e: {  	[smem:$0x3FC0] =	sst s2  }
0x8f: {  	_ = 	snop  }
0x90: {  	s2 =	sld [smem:$0x3FC8];
	(tm) =	ssettm $0x1  }
0x91: {  	s18 =	sld [smem:$0x3FFB];
	_ =	sdelay $0x3  }
0x92: {  	_ =	strace s18  }
0x93: {  	s3 =	sld [smem:$0x3FFC];
	_ =	sdelay $0x3  }
0x94: {  	_ =	strace s3  }
0x95: {  	s3 =	sld [smem:$0x3FFD];
	_ =	sdelay $0x3  }
0x96: {  	_ =	strace s3  }
0x97: {  	_ =	strace $0x8FFFFFFF  }
0x98: {  	s19 =	sld [smem:$0x3FDB];
	_ =	sdelay $0x1  }
0x99: {  	s4 =	simm.s32 $_scs_section_size  }
0x9a: {  	s5 =	simm.s32 $_size__tile_overlayer_lowered;
	s6 =	simm.s32 $_tile_overlayer_lowered  }
0x9b: {  	s22 =	simm.s32 $0x1BFF;
	s21 =	sshll.u32 s6, $0x1;
	s3 =	sadd.s32 s4, s19  }
0x9c: {  	s7 =	simm.s32 $0x0;
	s20 =	sshll.u32 s5, $0x1;
	s5 =	sadd.s32 s21, s3  }
0x9d: {  	[timem:s7], [sflag:s22] =	dma.local [hbm:s5], s20  }
0x9e: {  	_ =	swait.ge [sflag:s22], s20  }
0x9f: {  	s4 =	ssub.s32 $0x0, s20;
	[sflag:s22] =	ssyncset.done $0x0  }
0xa0: {  	[sflag:s22] =	ssyncadd.s32 s4;
	_ =	sdelay $0x1  }
0xa1: {  	s23 =	simm.s32 $0x1B8B  }
0xa2: {  	_ =	swait.ge [sflag:s23], $0x1  }
0xa3: {  	[sflag:s23] =	ssyncset.done $0x0  }
0xa4: {  	s25 =	simm.s32 $0x1B8E;
	s24 =	sld [smem:$0x3FFE];
	[sflag:s23] =	ssyncadd.s32 $0xFFFFFFFF  }
0xa5: {  	s26 =	simm.s32 $execute0_lowered;
	[smem:$0x3FD2] =	sst s25  }
0xa6: {  	s5 =	sshll.u32 s26, $0x1;
	_ =	strace $0x80000049;
	[dreg:$0x1] =	wrdreg $0xFFFFFFFF  }
0xa7: {  	s28 =	simm.s32 $_size_execute0_lowered;
	s3 =	sadd.s32 s3, s5;
	[dreg:$0x0] =	wrdreg $0x0  }
0xa8: {  	s5 =	sshll.u32 s28, $0x1;
	[dreg:$0x2] =	wrdreg s3  }
0xa9: {  	[dreg:$0x3] =	wrdreg s5  }
0xaa: {  	[dreg:$0x4] =	wrdreg $0xC0  }
0xab: {  	_ =	task [dreg:s7], $0x5FFFF  }
0xac: {  	[dreg:$0x1] =	wrdreg $0xFFFFFFFF  }
0xad: {  	[dreg:$0x0] =	wrdreg $0x60  }
0xae: {  	[dreg:$0x2] =	wrdreg s24  }
0xaf: {  	[dreg:$0x3] =	wrdreg s2  }
0xb0: {  	[dreg:$0x4] =	wrdreg $0xC3000  }
0xb1: {  	[dreg:$0x5] =	wrdreg $0x9  }
0xb2: {  	_ =	task.clear_ibuf [dreg:s7], $0x6FFFF;
	_ =	strace $0x90000049  }
0xb3: {  	s29 =	simm.s32 $0x9;
	_ =	strace $0x8000004B  }
0xb4: {  	_ =	swait.ge [sflag:s29], $0x1  }
0xb5: {  	[sflag:s29] =	ssyncadd.s32 $0xFFFFFFFF  }
0xb6: {  	_ =	strace $0x9000004B  }
0xb7: {  	_ =	sfence  }
0xb8: {  	s30 =	sld [smem:$0x0];
	_ =	sdelay $0x2  }
0xb9: {  	s31 =	sshll.u32 s1, $0xD;
	s1 =	sshrl.u32 s1, $0x2  }
0xba: {  	s3 =	sand.u32 $0x4000, s31;
	s1 =	sadd.s32 s1, s30  }
0xbb: {  	s0 =	sor.u32 s3, s0;
	s1 =	sshll.u32 s1, $0x11  }
0xbc: {  	s0 =	sor.u32 s1, s0  }
0xbd: {  	s0 =	sadd.s32 $0x8F2B, s0  }
0xbe: {  	[sflag:s0] =	ssyncadd.remote.s32 $0x1  }
0xbf: {  	_ =	sfence.sel $0xFFFF  }
0xc0: {  	[dreg:$0x0] =	wrdreg $0xFFFFFFFF;
	(pc) =	sbr.abs _section_cstart, $3  }
0xc1: {  	[dreg:$0x1] =	wrdreg $0xFFFFFFFF  }
0xc2: {  	_ =	task.clear_ibuf [dreg:s7], $0x2FFFF;
	_ =	strace $0x9FFFFFFF  }
0xc3: {  	(tm) =	ssettm $0x7FFFFFFF  }
tec
execute0_lowered:
.L_overlay_start_1:
0x0: {  	(tag) =	ssettag $0x1  }
0x1: {  	s0 =	rddreg [dreg:$0x0]  }
0x2: {  	s1 =	rddreg [dreg:$0x1]  }
0x3: {  	s2 =	rddreg [dreg:$0x2]  }
0x4: {  	s19 =	stileid.u32;
	s3 =	simm.s32 $0x0;
	s4 =	srdreg.scid  }
0x5: {  	s11 =	smul.u32 $0x13800, s19;
	[smem:$0x7FF] =	sst s3  }
0x6: {  	s13 =	sand.u32 $0x1, s4;
	s4 =	sadd.s32 $0x2600, s0;
	s14 =	sadd.s32 $0x50A00, s0  }
0x7: {  	s22 =	sshll.u32 s19, $0x6;
	s18 =	sadd.s32 $0x138000, s2;
	s30 =	sshll.u32 s19, $0x5  }
0x8: {  	p0 =	sne.s32 s19, $0xF;
	_ =	strace $0x8000004A;
	s21 =	ssub.s32 $0x2, s13  }
0x9: {  	s8 =	sshll.u32 s13, $0x4;
	s17 =	smul.u32 $0x138800, s13;
	s13 =	sshll.u32 s13, $0x9  }
0xa: {  	s18 =	sshrl.u32 @!p0 s18, $0x3;
	s5 =	sshrl.u32 s11, $0x3;
	s7 =	sshrl.u32 s21, $0x1  }
0xb: {  	s16 =	sadd.s32 s11, s2;
	s6 =	sadd.s32 s5, s0;
	s15 =	ssub.s32 s21, s7  }
0xc: {  	s5 =	sor.u32 s19, s8;
	s7 =	sor.u32 $0x1C07, s22;
	s8 =	sadd.s32 $0x50800, s0  }
0xd: {  	s12 =	sadd.s32 s11, s17;
	s29 =	sshrl.u32 s17, $0x3;
	s16 =	sshrl.u32 s16, $0x3  }
0xe: {  	s17 =	simm.s32 $0x7;
	s19 =	simm.s32 $0x80;
	s21 =	simm.s32 $0x100  }
0xf: {  	s6 =	sadd.s32 $0x29800, s6;
	s23 =	sshll.u32 s5, $0x5;
	s24 =	ssub.s32 $0x9C4, s5  }
0x10: {  	s25 =	ssub.s32 $0x9A4, s5;
	s26 =	ssub.s32 $0x984, s5;
	[dreg:$0x4] =	wrdreg s24  }
0x11: {  	s28 =	sshrl.u32 s12, $0x3;
	s0 =	sadd.s32 s14, s29;
	[dreg:$0x5] =	wrdreg s25  }
0x12: {  	s9 =	sadd.s32 s1, s23;
	[dreg:$0x6] =	wrdreg s26;
	s12 =	sadd.s32 s14, s28  }
0x13: {  	s1 =	sadd.s32 s13, s1;
	s13 =	sadd.s32 $0x27000, s0;
	s14 =	smax.u32 s15, $0x1  }
0x14: {  	s23 =	simm.s32 $0x200;
	s25 =	simm.s32 $0x0;
	s31 =	sadd.s32 s30, s1  }
0x15: {  	s10 =	sadd.s32 $0x400, s9;
	s11 =	sadd.s32 $0x800, s9;
	s15 =	sadd.s32 $0x1400, s31  }
.LBB2_1:
0x16: {  	[spmem:s16], [sflag:s7] =	dma.local [hbm:s6], $0x2700  }
0x17: {  	_ =	swait.ge [sflag:s17], $0x2700  }
0x18: {  	[sflag:s17] =	ssyncset.done $0x0  }
0x19: {  	s0 =	simm.s32 @!p0 $0x7;
	[sflag:s17] =	ssyncadd.s32 $0xFFFFD900  }
0x1a: {  	[spmem:s18], [sflag:s7] =	dma.local @!p0 [hbm:s8], $0x100  }
0x1b: {  	_ =	swait.ge @!p0 [sflag:s0], $0x100  }
0x1c: {  	[sflag:s0] =	ssyncset.done @!p0 $0x0  }
0x1d: {  	[sflag:s0] =	ssyncadd.s32 @!p0 $0xFFFFFF00  }
0x1e: {  	[bflag:$0x0] =	sbarrier.arrive $0xFFFF  }
0x1f: {  	[tilespmem:s3], [sflag:$0x7] =	stream.linear.gather [hbm4b:s9+s3], $0x100, $0x38;
	[tilespmem:$0x1FB80] =	vst v63  }
0x20: {  	_ =	swait.ge [sflag:s17], $0x100  }
0x21: {  	[sflag:s17] =	ssyncset.done $0x0  }
0x22: {  	s20 =	simm.s32 $0x300;
	[sflag:s17] =	ssyncadd.s32 $0xFFFFFF00  }
0x23: {  	[tilespmem:s20], [sflag:$0x1] =	stream.indirect.gather [hbm4b:s4+s19], $0x80, s3, s19, $0xb8;
	[tilespmem:$0x1FB80] =	vst v63  }
0x24: {  	_ = 	snop  }
0x25: {  	[tilespmem:s21], [sflag:$0x7] =	stream.linear.gather [hbm4b:s10+s3], $0x100, $0x38;
	[tilespmem:$0x1FB80] =	vst v63  }
0x26: {  	_ =	swait.ge [sflag:s17], $0x100  }
0x27: {  	[sflag:s17] =	ssyncset.done $0x0  }
0x28: {  	s22 =	simm.s32 $0x4300;
	[sflag:s17] =	ssyncadd.s32 $0xFFFFFF00  }
0x29: {  	[tilespmem:s22], [sflag:$0x2] =	stream.indirect.gather [hbm4b:s4+s19], $0x80, s21, s19, $0xb8;
	[tilespmem:$0x1FB80] =	vst v63  }
0x2a: {  	_ = 	snop  }
0x2b: {  	[tilespmem:s23], [sflag:$0x7] =	stream.linear.gather [hbm4b:s11+s3], $0x100, $0x38;
	[tilespmem:$0x1FB80] =	vst v63  }
0x2c: {  	_ =	swait.ge [sflag:s17], $0x100  }
0x2d: {  	[sflag:s17] =	ssyncset.done $0x0;
	s24 =	rddreg [dreg:$0x4]  }
0x2e: {  	s1 =	simm.s32 $0x8300;
	[sflag:s17] =	ssyncadd.s32 $0xFFFFFF00;
	p1 =	sle.u32 s24, $0x0  }
0x2f: {  	[tilespmem:s1], [sflag:$0x3] =	stream.indirect.gather [hbm4b:s4+s19], $0x80, s23, s19, $0xb8;
	[tilespmem:$0x1FB80] =	vst v63  }
0x30: {  	s0 =	simm.s32 @!p1 $0x1  }
0x31: {  	_ =	swait.ge @!p1 [sflag:s0], $0x4000  }
0x32: {  	s20 =	sadd.s32 $0x0, s5;
	s1 =	simm.s32 @!p1 $0x4;
	[sflag:s0] =	ssyncset.done @!p1 $0x0  }
0x33: {  	s26 =	simm.s32 @!p1 $0x300;
	[sflag:s0] =	ssyncadd.s32 @!p1 $0xFFFFC000;
	s0 =	simm.s32 @!p1 $0x80  }
0x34: {  	[spmem:s2] =	stream.indirect.scatter.add.f32 @!p1 [tilespmem:s26], [sflag:$0x4], $0x80, s0, s0, $0xb8;
	[tilespmem:$0x1FB80] =	vst v63  }
0x35: {  	s26 =	sadd.s32 $0x60, s20;
	_ =	swait.ge @!p1 [sflag:s1], $0x4000  }
0x36: {  	p2 =	sgt.u32 s26, $0x9C3;
	[sflag:s1] =	ssyncset.done @!p1 $0x0  }
0x37: {  	s0 =	sadd.s32 @!p2 $0xFFFFF800, s15;
	[sflag:s1] =	ssyncadd.s32 @!p1 $0xFFFFC000;
	s1 =	simm.s32 @!p2 $0x0  }
0x38: {  	[tilespmem:s1], [sflag:$0x7] =	stream.linear.gather @!p2 [hbm4b:s0+s1], $0x100, $0x38;
	[tilespmem:$0x1FB80] =	vst v63  }
0x39: {  	s0 =	simm.s32 @!p2 $0x7  }
0x3a: {  	_ =	swait.ge @!p2 [sflag:s0], $0x100  }
0x3b: {  	s28 =	simm.s32 @!p2 $0x300;
	[sflag:s0] =	ssyncset.done @!p2 $0x0;
	s22 =	rddreg [dreg:$0x5]  }
0x3c: {  	[sflag:s0] =	ssyncadd.s32 @!p2 $0xFFFFFF00;
	s0 =	simm.s32 @!p2 $0x80;
	p1 =	sle.u32 s22, $0x0  }
0x3d: {  	[tilespmem:s28], [sflag:$0x1] =	stream.indirect.gather @!p2 [hbm4b:s4+s0], $0x80, s1, s0, $0xb8;
	[tilespmem:$0x1FB80] =	vst v63  }
0x3e: {  	s0 =	simm.s32 @!p1 $0x2  }
0x3f: {  	s24 =	sadd.s32 $0x80, s20;
	_ =	swait.ge @!p1 [sflag:s0], $0x4000  }
0x40: {  	s26 =	simm.s32 @!p1 $0x4300;
	s28 =	simm.s32 @!p1 $0x80;
	[sflag:s0] =	ssyncset.done @!p1 $0x0  }
0x41: {  	s29 =	simm.s32 @!p1 $0x180;
	[sflag:s0] =	ssyncadd.s32 @!p1 $0xFFFFC000;
	s0 =	simm.s32 @!p1 $0x5  }
0x42: {  	[spmem:s2] =	stream.indirect.scatter.add.f32 @!p1 [tilespmem:s26], [sflag:$0x5], $0x80, s29, s28, $0xb8;
	[tilespmem:$0x1FB80] =	vst v63  }
0x43: {  	p2 =	sgt.u32 s24, $0x9C3;
	_ =	swait.ge @!p1 [sflag:s0], $0x4000  }
0x44: {  	s1 =	sadd.s32 @!p2 $0xFFFFFC00, s15;
	s26 =	simm.s32 @!p2 $0x100;
	[sflag:s0] =	ssyncset.done @!p1 $0x0  }
0x45: {  	s28 =	simm.s32 @!p2 $0x7;
	[sflag:s0] =	ssyncadd.s32 @!p1 $0xFFFFC000;
	s0 =	simm.s32 @!p2 $0x0  }
0x46: {  	[tilespmem:s26], [sflag:$0x7] =	stream.linear.gather @!p2 [hbm4b:s1+s0], $0x100, $0x38;
	[tilespmem:$0x1FB80] =	vst v63  }
0x47: {  	_ =	swait.ge @!p2 [sflag:s28], $0x100  }
0x48: {  	s1 =	simm.s32 @!p2 $0x80;
	[sflag:s28] =	ssyncset.done @!p2 $0x0;
	s22 =	rddreg [dreg:$0x6]  }
0x49: {  	[sflag:s28] =	ssyncadd.s32 @!p2 $0xFFFFFF00;
	s28 =	simm.s32 @!p2 $0x4300;
	p1 =	sle.u32 s22, $0x0  }
0x4a: {  	[tilespmem:s28], [sflag:$0x2] =	stream.indirect.gather @!p2 [hbm4b:s4+s1], $0x80, s26, s1, $0xb8;
	[tilespmem:$0x1FB80] =	vst v63  }
0x4b: {  	s0 =	simm.s32 @!p1 $0x3  }
0x4c: {  	s24 =	sadd.s32 $0xA0, s20;
	_ =	swait.ge @!p1 [sflag:s0], $0x4000  }
0x4d: {  	s20 =	simm.s32 @!p1 $0x8300;
	s26 =	simm.s32 @!p1 $0x80;
	[sflag:s0] =	ssyncset.done @!p1 $0x0  }
0x4e: {  	s28 =	simm.s32 @!p1 $0x280;
	[sflag:s0] =	ssyncadd.s32 @!p1 $0xFFFFC000;
	s0 =	simm.s32 @!p1 $0x6  }
0x4f: {  	[spmem:s2] =	stream.indirect.scatter.add.f32 @!p1 [tilespmem:s20], [sflag:$0x6], $0x80, s28, s26, $0xb8;
	[tilespmem:$0x1FB80] =	vst v63  }
0x50: {  	s29 =	simm.s32 $0xC0;
	p2 =	sgt.u32 s24, $0x9C3;
	_ =	swait.ge @!p1 [sflag:s0], $0x4000  }
0x51: {  	s1 =	simm.s32 @!p2 $0x0;
	s31 =	simm.s32 @!p2 $0x200;
	[sflag:s0] =	ssyncset.done @!p1 $0x0  }
0x52: {  	s30 =	simm.s32 @!p2 $0x7;
	s26 =	simm.s32 $0x60;
	[sflag:s0] =	ssyncadd.s32 @!p1 $0xFFFFC000  }
0x53: {  	[tilespmem:s31], [sflag:$0x7] =	stream.linear.gather @!p2 [hbm4b:s15+s1], $0x100, $0x38;
	[tilespmem:$0x1FB80] =	vst v63  }
0x54: {  	s20 =	simm.s32 @!p2 $0x80;
	s28 =	smov.u32 s15;
	_ =	swait.ge @!p2 [sflag:s30], $0x100  }
0x55: {  	s1 =	simm.s32 @!p2 $0x8300;
	s0 =	rddreg [dreg:$0x4];
	[sflag:s30] =	ssyncset.done @!p2 $0x0  }
.LBB2_2:
0x56: {  	[sflag:s30] =	ssyncadd.s32 @!p2 $0xFFFFFF00  }
0x57: {  	[tilespmem:s1], [sflag:$0x3] =	stream.indirect.gather @!p2 [hbm4b:s4+s20], $0x80, s31, s20, $0xb8;
	[tilespmem:$0x1FB80] =	vst v63  }
0x58: {  	p2 =	sge.u32 s26, s0  }
0x59: {  	s0 =	simm.s32 @!p2 $0x1  }
0x5a: {  	_ =	swait.ge @!p2 [sflag:s0], $0x4000  }
0x5b: {  	s20 =	sadd.s32 s26, s5;
	s1 =	simm.s32 @!p2 $0x4;
	[sflag:s0] =	ssyncset.done @!p2 $0x0  }
0x5c: {  	s31 =	simm.s32 @!p2 $0x300;
	[sflag:s0] =	ssyncadd.s32 @!p2 $0xFFFFC000;
	s0 =	simm.s32 @!p2 $0x80  }
0x5d: {  	[spmem:s2] =	stream.indirect.scatter.add.f32 @!p2 [tilespmem:s31], [sflag:$0x4], $0x80, s0, s0, $0xb8;
	[tilespmem:$0x1FB80] =	vst v63  }
0x5e: {  	s24 =	sadd.s32 $0x60, s20;
	_ =	swait.ge @!p2 [sflag:s1], $0x4000  }
0x5f: {  	s28 =	sadd.s32 $0xC00, s28;
	p3 =	sgt.u32 s24, $0x9C3;
	[sflag:s1] =	ssyncset.done @!p2 $0x0  }
0x60: {  	s0 =	sadd.s32 @!p3 $0xFFFFF800, s28;
	[sflag:s1] =	ssyncadd.s32 @!p2 $0xFFFFC000;
	s1 =	simm.s32 @!p3 $0x0  }
0x61: {  	[tilespmem:s1], [sflag:$0x7] =	stream.linear.gather @!p3 [hbm4b:s0+s1], $0x100, $0x38;
	[tilespmem:$0x1FB80] =	vst v63  }
0x62: {  	s0 =	simm.s32 @!p3 $0x7  }
0x63: {  	s22 =	sadd.s32 $0x80, s20;
	s24 =	simm.s32 @!p3 $0x300;
	_ =	swait.ge @!p3 [sflag:s0], $0x100  }
0x64: {  	s31 =	sadd.s32 $0xA0, s20;
	[sflag:s0] =	ssyncset.done @!p3 $0x0;
	s20 =	rddreg [dreg:$0x5]  }
0x65: {  	[sflag:s0] =	ssyncadd.s32 @!p3 $0xFFFFFF00;
	s0 =	simm.s32 @!p3 $0x80;
	p2 =	sge.u32 s26, s20  }
0x66: {  	[tilespmem:s24], [sflag:$0x1] =	stream.indirect.gather @!p3 [hbm4b:s4+s0], $0x80, s1, s0, $0xb8;
	[tilespmem:$0x1FB80] =	vst v63  }
0x67: {  	s0 =	simm.s32 @!p2 $0x2  }
0x68: {  	_ =	swait.ge @!p2 [sflag:s0], $0x4000  }
0x69: {  	s1 =	simm.s32 @!p2 $0x4300;
	s20 =	simm.s32 @!p2 $0x80;
	[sflag:s0] =	ssyncset.done @!p2 $0x0  }
0x6a: {  	s24 =	simm.s32 @!p2 $0x180;
	[sflag:s0] =	ssyncadd.s32 @!p2 $0xFFFFC000;
	s0 =	simm.s32 @!p2 $0x5  }
0x6b: {  	[spmem:s2] =	stream.indirect.scatter.add.f32 @!p2 [tilespmem:s1], [sflag:$0x5], $0x80, s24, s20, $0xb8;
	[tilespmem:$0x1FB80] =	vst v63  }
0x6c: {  	p3 =	sgt.u32 s22, $0x9C3;
	_ =	swait.ge @!p2 [sflag:s0], $0x4000  }
0x6d: {  	s22 =	simm.s32 @!p3 $0x7;
	s1 =	sadd.s32 @!p3 $0xFFFFFC00, s28;
	[sflag:s0] =	ssyncset.done @!p2 $0x0  }
0x6e: {  	s20 =	simm.s32 @!p3 $0x100;
	[sflag:s0] =	ssyncadd.s32 @!p2 $0xFFFFC000;
	s0 =	simm.s32 @!p3 $0x0  }
0x6f: {  	[tilespmem:s20], [sflag:$0x7] =	stream.linear.gather @!p3 [hbm4b:s1+s0], $0x100, $0x38;
	[tilespmem:$0x1FB80] =	vst v63  }
0x70: {  	_ =	swait.ge @!p3 [sflag:s22], $0x100  }
0x71: {  	s1 =	simm.s32 @!p3 $0x80;
	[sflag:s22] =	ssyncset.done @!p3 $0x0  }
0x72: {  	s24 =	rddreg [dreg:$0x6];
	[sflag:s22] =	ssyncadd.s32 @!p3 $0xFFFFFF00;
	s22 =	simm.s32 @!p3 $0x4300  }
0x73: {  	[tilespmem:s22], [sflag:$0x2] =	stream.indirect.gather @!p3 [hbm4b:s4+s1], $0x80, s20, s1, $0xb8;
	[tilespmem:$0x1FB80] =	vst v63  }
0x74: {  	p3 =	sge.u32 s26, s24  }
0x75: {  	s30 =	smov.u32 s29;
	s0 =	simm.s32 @!p3 $0x3  }
0x76: {  	s29 =	sadd.s32 $0x60, s29;
	p2 =	sgt.u32 s31, $0x9C3;
	_ =	swait.ge @!p3 [sflag:s0], $0x4000  }
0x77: {  	s1 =	simm.s32 @!p3 $0x8300;
	s20 =	simm.s32 @!p3 $0x80;
	[sflag:s0] =	ssyncset.done @!p3 $0x0  }
0x78: {  	s22 =	simm.s32 @!p3 $0x280;
	[sflag:s0] =	ssyncadd.s32 @!p3 $0xFFFFC000;
	s0 =	simm.s32 @!p3 $0x6  }
0x79: {  	[spmem:s2] =	stream.indirect.scatter.add.f32 @!p3 [tilespmem:s1], [sflag:$0x6], $0x80, s22, s20, $0xb8;
	[tilespmem:$0x1FB80] =	vst v63  }
0x7a: {  	p1 =	sne.s32 s29, $0xA20;
	s31 =	simm.s32 @!p2 $0x200;
	_ =	swait.ge @!p3 [sflag:s0], $0x4000  }
.Ltmp0:
0x7b: {  	s26 =	smov.u32 s30;
	[sflag:s0] =	ssyncset.done @!p3 $0x0;
	(pc) =	sbr.rel @p1 .LBB2_2-.Ltmp0, $4  }
0x7c: {  	s30 =	simm.s32 @!p2 $0x7;
	s1 =	simm.s32 @!p2 $0x0;
	[sflag:s0] =	ssyncadd.s32 @!p3 $0xFFFFC000  }
0x7d: {  	[tilespmem:s31], [sflag:$0x7] =	stream.linear.gather @!p2 [hbm4b:s28+s1], $0x100, $0x38;
	[tilespmem:$0x1FB80] =	vst v63  }
0x7e: {  	s20 =	simm.s32 @!p2 $0x80;
	_ =	swait.ge @!p2 [sflag:s30], $0x100  }
0x7f: {  	s1 =	simm.s32 @!p2 $0x8300;
	s0 =	rddreg [dreg:$0x4];
	[sflag:s30] =	ssyncset.done @!p2 $0x0  }
0x80: {  	[sflag:s30] =	ssyncadd.s32 @!p2 $0xFFFFFF00;
	p1 =	sge.u32 s26, s0  }
0x81: {  	[tilespmem:s1], [sflag:$0x3] =	stream.indirect.gather @!p2 [hbm4b:s4+s20], $0x80, s31, s20, $0xb8;
	[tilespmem:$0x1FB80] =	vst v63  }
0x82: {  	s0 =	simm.s32 @!p1 $0x1  }
0x83: {  	_ =	swait.ge @!p1 [sflag:s0], $0x4000  }
0x84: {  	s1 =	simm.s32 @!p1 $0x4;
	s20 =	sadd.s32 s26, s5;
	[sflag:s0] =	ssyncset.done @!p1 $0x0  }
0x85: {  	s22 =	simm.s32 @!p1 $0x300;
	[sflag:s0] =	ssyncadd.s32 @!p1 $0xFFFFC000;
	s0 =	simm.s32 @!p1 $0x80  }
0x86: {  	[spmem:s2] =	stream.indirect.scatter.add.f32 @!p1 [tilespmem:s22], [sflag:$0x4], $0x80, s0, s0, $0xb8;
	[tilespmem:$0x1FB80] =	vst v63  }
0x87: {  	s30 =	sadd.s32 $0x60, s20;
	_ =	swait.ge @!p1 [sflag:s1], $0x4000  }
0x88: {  	p2 =	sgt.u32 s30, $0x9C3;
	s22 =	sadd.s32 $0xC00, s28;
	[sflag:s1] =	ssyncset.done @!p1 $0x0  }
0x89: {  	s0 =	sadd.s32 @!p2 $0xFFFFF800, s22;
	[sflag:s1] =	ssyncadd.s32 @!p1 $0xFFFFC000;
	s1 =	simm.s32 @!p2 $0x0  }
0x8a: {  	[tilespmem:s1], [sflag:$0x7] =	stream.linear.gather @!p2 [hbm4b:s0+s1], $0x100, $0x38;
	[tilespmem:$0x1FB80] =	vst v63  }
0x8b: {  	s0 =	simm.s32 @!p2 $0x7  }
0x8c: {  	_ =	swait.ge @!p2 [sflag:s0], $0x100  }
0x8d: {  	s28 =	simm.s32 @!p2 $0x300;
	[sflag:s0] =	ssyncset.done @!p2 $0x0;
	s24 =	rddreg [dreg:$0x5]  }
0x8e: {  	[sflag:s0] =	ssyncadd.s32 @!p2 $0xFFFFFF00;
	s0 =	simm.s32 @!p2 $0x80;
	p1 =	sge.u32 s26, s24  }
0x8f: {  	[tilespmem:s28], [sflag:$0x1] =	stream.indirect.gather @!p2 [hbm4b:s4+s0], $0x80, s1, s0, $0xb8;
	[tilespmem:$0x1FB80] =	vst v63  }
0x90: {  	s0 =	simm.s32 @!p1 $0x2  }
0x91: {  	s31 =	sadd.s32 $0x80, s20;
	_ =	swait.ge @!p1 [sflag:s0], $0x4000  }
0x92: {  	s24 =	simm.s32 @!p1 $0x4300;
	s28 =	simm.s32 @!p1 $0x80;
	[sflag:s0] =	ssyncset.done @!p1 $0x0  }
0x93: {  	s29 =	simm.s32 @!p1 $0x180;
	[sflag:s0] =	ssyncadd.s32 @!p1 $0xFFFFC000;
	s0 =	simm.s32 @!p1 $0x5  }
0x94: {  	[spmem:s2] =	stream.indirect.scatter.add.f32 @!p1 [tilespmem:s24], [sflag:$0x5], $0x80, s29, s28, $0xb8;
	[tilespmem:$0x1FB80] =	vst v63  }
0x95: {  	p2 =	sgt.u32 s31, $0x9C3;
	_ =	swait.ge @!p1 [sflag:s0], $0x4000  }
0x96: {  	s1 =	sadd.s32 @!p2 $0xFFFFFC00, s22;
	s24 =	simm.s32 @!p2 $0x100;
	[sflag:s0] =	ssyncset.done @!p1 $0x0  }
0x97: {  	s28 =	simm.s32 @!p2 $0x7;
	[sflag:s0] =	ssyncadd.s32 @!p1 $0xFFFFC000;
	s0 =	simm.s32 @!p2 $0x0  }
0x98: {  	[tilespmem:s24], [sflag:$0x7] =	stream.linear.gather @!p2 [hbm4b:s1+s0], $0x100, $0x38;
	[tilespmem:$0x1FB80] =	vst v63  }
0x99: {  	_ =	swait.ge @!p2 [sflag:s28], $0x100  }
0x9a: {  	s1 =	simm.s32 @!p2 $0x80;
	[sflag:s28] =	ssyncset.done @!p2 $0x0;
	s30 =	rddreg [dreg:$0x6]  }
0x9b: {  	[sflag:s28] =	ssyncadd.s32 @!p2 $0xFFFFFF00;
	s28 =	simm.s32 @!p2 $0x4300;
	p1 =	sge.u32 s26, s30  }
0x9c: {  	[tilespmem:s28], [sflag:$0x2] =	stream.indirect.gather @!p2 [hbm4b:s4+s1], $0x80, s24, s1, $0xb8;
	[tilespmem:$0x1FB80] =	vst v63  }
0x9d: {  	s0 =	simm.s32 @!p1 $0x3  }
0x9e: {  	s31 =	sadd.s32 $0xA0, s20;
	_ =	swait.ge @!p1 [sflag:s0], $0x4000  }
0x9f: {  	s20 =	simm.s32 @!p1 $0x8300;
	s24 =	simm.s32 @!p1 $0x80;
	[sflag:s0] =	ssyncset.done @!p1 $0x0  }
0xa0: {  	s26 =	simm.s32 @!p1 $0x280;
	[sflag:s0] =	ssyncadd.s32 @!p1 $0xFFFFC000;
	s0 =	simm.s32 @!p1 $0x6  }
0xa1: {  	[spmem:s2] =	stream.indirect.scatter.add.f32 @!p1 [tilespmem:s20], [sflag:$0x6], $0x80, s26, s24, $0xb8;
	[tilespmem:$0x1FB80] =	vst v63  }
0xa2: {  	p2 =	sgt.u32 s31, $0x9C3;
	_ =	swait.ge @!p1 [sflag:s0], $0x4000  }
0xa3: {  	s1 =	simm.s32 @!p2 $0x0;
	[sflag:s0] =	ssyncset.done @!p1 $0x0  }
0xa4: {  	s20 =	simm.s32 @!p2 $0x200;
	[sflag:s0] =	ssyncadd.s32 @!p1 $0xFFFFC000;
	s0 =	simm.s32 @!p2 $0x7  }
0xa5: {  	[tilespmem:s20], [sflag:$0x7] =	stream.linear.gather @!p2 [hbm4b:s22+s1], $0x100, $0x38;
	[tilespmem:$0x1FB80] =	vst v63  }
0xa6: {  	_ =	swait.ge @!p2 [sflag:s0], $0x100  }
0xa7: {  	[sflag:s0] =	ssyncset.done @!p2 $0x0  }
0xa8: {  	s1 =	simm.s32 @!p2 $0x8300;
	s22 =	simm.s32 @!p2 $0x80;
	[sflag:s0] =	ssyncadd.s32 @!p2 $0xFFFFFF00  }
0xa9: {  	[tilespmem:s1], [sflag:$0x3] =	stream.indirect.gather @!p2 [hbm4b:s4+s22], $0x80, s20, s22, $0xb8;
	[tilespmem:$0x1FB80] =	vst v63  }
0xaa: {  	[bflag:$0x0] =	sbarrier.arrive $0xFFFF  }
0xab: {  	[hbm:s12], [sflag:s7] =	dma.local [spmem:s16], $0x2700  }
0xac: {  	s25 =	sadd.s32 $0x1, s25;
	_ =	swait.ge [sflag:s17], $0x2700  }
0xad: {  	p1 =	sne.s32 s25, s14;
	[sflag:s17] =	ssyncset.done $0x0  }
.Ltmp1:
0xae: {  	s0 =	simm.s32 @!p0 $0x7;
	[sflag:s17] =	ssyncadd.s32 $0xFFFFD900;
	(pc) =	sbr.rel @p1 .LBB2_1-.Ltmp1, $4  }
0xaf: {  	[hbm:s13], [sflag:s7] =	dma.local @!p0 [spmem:s18], $0x100  }
0xb0: {  	_ =	swait.ge @!p0 [sflag:s0], $0x100  }
0xb1: {  	[sflag:s0] =	ssyncset.done @!p0 $0x0  }
0xb2: {  	[sflag:s0] =	ssyncadd.s32 @!p0 $0xFFFFFF00  }
0xb3: {  	_ =	sfence.sel $0x180000  }
0xb4: {  	[bflag:$0x0] =	sbarrier.arrive $0xFFFF  }
0xb5: {  	_ =	strace $0x9000004A  }
0xb6: {  	s0 =	stileid.u32;
	[bflag:$0x2] =	sbarrier.arrive $0xFFFF  }
0xb7: {  	p0 =	sne.s32 s0, $0x0;
	s0 =	rddreg [dreg:$0x3]  }
0xb8: {  	s0 =	sadd.s32 @!p0 $0x100000, s0  }
0xb9: {  	[sflag:s0] =	ssyncadd.tile.s32 @!p0 $0x1;
	_ =	shalt  }
.Lfunc_end2:
_tile_overlayer_lowered:
.L_overlay_start_2:
0xba: {  	(tag) =	ssettag $0x2  }
0xbb: {  	s0 =	rddreg [dreg:$0x0];
	s2 =	stileid.u32  }
0xbc: {  	s1 =	rddreg [dreg:$0x1];
	p0 =	sne.s32 s2, $0x0  }
0xbd: {  	s3 =	rddreg [dreg:$0x2];
	[bflag:$0x3] =	sbarrier.arrive $0xFFFF;
	s2 =	simm.s32 @!p0 $0x1C07  }
0xbe: {  	[timem:s3], [sflag:s2] =	dma.local @!p0 [hbm:s0], s1  }
0xbf: {  	s0 =	simm.s32 @!p0 $0x7  }
0xc0: {  	_ =	swait.ge @!p0 [sflag:s0], s1  }
0xc1: {  	s1 =	ssub.s32 @!p0 $0x0, s1;
	[sflag:s0] =	ssyncset.done @!p0 $0x0  }
0xc2: {  	[sflag:s0] =	ssyncadd.s32 @!p0 s1  }
0xc3: {  	[bflag:$0x3] =	sbarrier.arrive $0xFFFF  }
0xc4: {  	_ =	shalt  }

// kernel: kernel.14.cloned.1.call-start
scs
__scs_entry_jumppad:
0x0: {  	(pc) =	sbr.rel $0x88, $3  }
0x1: {  	(tag) =	ssettag $0x0;
	lr =	simm.s32 $0x1  }
0x2: {  	[smem:$0x3F99] =	sst lr;
	_ =	strace $0xD0000000  }
0x3: {  	_ = 	snop  }
0x4: {  	_ = 	snop  }
0x5: {  	_ = 	snop  }
0x6: {  	_ = 	snop  }
0x7: {  	_ = 	snop  }
__scs_overlays_trampoline_lowered:
0x8: {  	[smem:$0x3FA8] =	sst s0  }
0x9: {  	[smem:$0x3FA9] =	sst s1  }
0xa: {  	[smem:$0x3FAA] =	sst s2  }
0xb: {  	[smem:$0x3FAB] =	sst s3  }
0xc: {  	[smem:$0x3FAC] =	sst s4  }
0xd: {  	[smem:$0x3FAD] =	sst s5  }
0xe: {  	[smem:$0x3FAE] =	sst s6  }
0xf: {  	[smem:$0x3FAF] =	sst s7  }
0x10: {  	[smem:$0x3FB0] =	sst s8  }
0x11: {  	[smem:$0x3FB1] =	sst s9;
	s0 =	simm.s32 @!p0 $0x0  }
0x12: {  	s1 =	sld [smem:$0x3F97];
	s0 =	simm.s32 @p0 $0x1  }
0x13: {  	[smem:$0x3FB2] =	sst s0;
	s0 =	simm.s32 @!p1 $0x0  }
0x14: {  	s2 =	sld [smem:$0x3F96];
	s0 =	simm.s32 @p1 $0x1  }
0x15: {  	[smem:$0x3FB3] =	sst s0;
	s0 =	simm.s32 @!p2 $0x0  }
0x16: {  	s3 =	sld [smem:$0x3FDB];
	s0 =	simm.s32 @p2 $0x1  }
0x17: {  	s4 =	simm.s32 $0x1BF5;
	[smem:$0x3FB5] =	sst s0  }
0x18: {  	s0 =	sld [smem:$0x3F98];
	_ =	swait.ge [sflag:s4], $0x0  }
0x19: {  	s7 =	sld [smem:$0x3F99]  }
0x1a: {  	s8 =	sadd.s32 $0xFFFFE003, lr  }
0x1b: {  	s9 =	sadd.s32 $0xFFFFFEF7, lr;
	s5 =	simm.s32 $0xFFFFFFFF;
	p2 =	slt.u32 s8, $0xFFFFF086  }
0x1c: {  	p1 =	slt.u32 s9, $0xF7A;
	s5 =	simm.s32 @!p2 $0x0  }
0x1d: {  	s5 =	simm.s32 @p1 $0x1;
	p0 =	seq.s32 s7, s2  }
0x1e: {  	s7 =	smul.u32 @!p0 $0xF7A, s2;
	p2 =	seq.s32 @!p0 s5, $0x0  }
0x1f: {  	s9 =	smul.u32 $0xF7A, s1;
	s8 =	simm.s32 @!p0 $0x1BF5;
	p2 =	por !p2, p0  }
0x20: {  	[sflag:s8] =	ssyncset.s32 @!p0 $0xFFFFF086;
	s6 =	sadd.s32 @!p0 s3, s7;
	s7 =	simm.s32 @!p0 $0x108  }
0x21: {  	s3 =	sadd.s32 s3, s9;
	s6 =	sadd.s32 @!p0 $0x88, s6;
	s7 =	simm.s32 @p2 $0x1082  }
0x22: {  	[simem:s7], [sflag:s8] =	dma.local @!p0 [hbm:s6], $0xF7A  }
0x23: {  	s9 =	sor.u32 $0xD0000000, s2;
	s6 =	simm.s32 $0x108;
	_ =	swait.ge @!p0 [sflag:s8], $0x0  }
0x24: {  	s3 =	sadd.s32 $0x88, s3;
	s6 =	simm.s32 @!p1 $0x1082;
	[sflag:s4] =	ssyncset.s32 $0xFFFFF086  }
0x25: {  	[simem:s6], [sflag:s4] =	dma.local [hbm:s3], $0xF7A  }
0x26: {  	[smem:$0x3F99] =	sst s1;
	(tag) =	ssettag s2;
	_ =	strace s9  }
0x27: {  	s1 =	sld [smem:$0x3FA9]  }
0x28: {  	s2 =	sld [smem:$0x3FAA]  }
0x29: {  	s4 =	sld [smem:$0x3FAC]  }
0x2a: {  	p0 =	seq.s32 s5, $0x0;
	s5 =	sld [smem:$0x3FAD]  }
0x2b: {  	s6 =	sld [smem:$0x3FAE]  }
0x2c: {  	s7 =	sld [smem:$0x3FAF]  }
0x2d: {  	s3 =	simm.s32 $0x108;
	s8 =	sld [smem:$0x3FB0]  }
0x2e: {  	s3 =	simm.s32 @!p0 $0x1082;
	s9 =	sld [smem:$0x3FB1]  }
0x2f: {  	lr =	sadd.s32 s0, s3;
	s0 =	sld [smem:$0x3FA8]  }
0x30: {  	s3 =	sld [smem:$0x3FAB]  }
0x31: {  	[smem:$0x3FB4] =	sst s10  }
0x32: {  	s10 =	sld [smem:$0x3FB2];
	_ =	sdelay $0x3  }
0x33: {  	p0 =	seq.s32 s10, $0x1;
	s10 =	sld [smem:$0x3FB4];
	_ =	sdelay $0x3  }
0x34: {  	[smem:$0x3FB4] =	sst s10  }
0x35: {  	s10 =	sld [smem:$0x3FB3];
	_ =	sdelay $0x3  }
0x36: {  	p1 =	seq.s32 s10, $0x1;
	s10 =	sld [smem:$0x3FB4];
	_ =	sdelay $0x3  }
0x37: {  	[smem:$0x3FB4] =	sst s10  }
0x38: {  	s10 =	sld [smem:$0x3FB5]  }
0x39: {  	_ = 	snop;
	(pc) =	sbr.ind lr, $3  }
0x3a: {  	_ = 	snop  }
0x3b: {  	_ = 	snop  }
0x3c: {  	p2 =	seq.s32 s10, $0x1;
	s10 =	sld [smem:$0x3FB4]  }
0x3d: {  	_ =	shalt  }
0x3e: {  	_ =	shalt  }
0x3f: {  	_ =	shalt  }
0x40: {  	_ =	shalt  }
0x41: {  	_ =	shalt  }
0x42: {  	_ =	shalt  }
0x43: {  	_ =	shalt  }
0x44: {  	_ =	shalt  }
0x45: {  	_ =	shalt  }
0x46: {  	_ =	shalt  }
0x47: {  	_ =	shalt  }
0x48: {  	_ =	shalt  }
0x49: {  	_ =	shalt  }
0x4a: {  	_ =	shalt  }
0x4b: {  	_ =	shalt  }
0x4c: {  	_ =	shalt  }
0x4d: {  	_ =	shalt  }
0x4e: {  	_ =	shalt  }
0x4f: {  	_ =	shalt  }
0x50: {  	_ =	shalt  }
0x51: {  	_ =	shalt  }
0x52: {  	_ =	shalt  }
0x53: {  	_ =	shalt  }
0x54: {  	_ =	shalt  }
0x55: {  	_ =	shalt  }
0x56: {  	_ =	shalt  }
0x57: {  	_ =	shalt  }
0x58: {  	_ =	shalt  }
0x59: {  	_ =	shalt  }
0x5a: {  	_ =	shalt  }
0x5b: {  	_ =	shalt  }
0x5c: {  	_ =	shalt  }
0x5d: {  	_ =	shalt  }
0x5e: {  	_ =	shalt  }
0x5f: {  	_ =	shalt  }
0x60: {  	_ =	shalt  }
0x61: {  	_ =	shalt  }
0x62: {  	_ =	shalt  }
0x63: {  	_ =	shalt  }
0x64: {  	_ =	shalt  }
0x65: {  	_ =	shalt  }
0x66: {  	_ =	shalt  }
0x67: {  	_ =	shalt  }
0x68: {  	_ =	shalt  }
0x69: {  	_ =	shalt  }
0x6a: {  	_ =	shalt  }
0x6b: {  	_ =	shalt  }
0x6c: {  	_ =	shalt  }
0x6d: {  	_ =	shalt  }
0x6e: {  	_ =	shalt  }
0x6f: {  	_ =	shalt  }
0x70: {  	_ =	shalt  }
0x71: {  	_ =	shalt  }
0x72: {  	_ =	shalt  }
0x73: {  	_ =	shalt  }
0x74: {  	_ =	shalt  }
0x75: {  	_ =	shalt  }
0x76: {  	_ =	shalt  }
0x77: {  	_ =	shalt  }
0x78: {  	_ =	shalt  }
0x79: {  	_ =	shalt  }
0x7a: {  	_ =	shalt  }
0x7b: {  	_ =	shalt  }
0x7c: {  	_ =	shalt  }
0x7d: {  	_ =	shalt  }
0x7e: {  	_ =	shalt  }
0x7f: {  	_ =	shalt  }
0x80: {  	_ =	shalt  }
0x81: {  	_ =	shalt  }
0x82: {  	_ =	shalt  }
0x83: {  	_ =	shalt  }
0x84: {  	_ =	shalt  }
0x85: {  	_ =	shalt  }
0x86: {  	_ =	shalt  }
0x87: {  	_ =	shalt  }
.Lfunc_end0:
.L_simem_size_0:
called_computation.2_lowered:
.L_overlay_start_0:
0x88: {  	s2 =	sld [smem:$0x3FD9]  }
0x89: {  	s3 =	sld [smem:$0x3FFE];
	_ =	sdelay $0x1  }
0x8a: {  	s1 =	srdreg.scid  }
0x8b: {  	s0 =	sand.u32 $0x1, s1  }
0x8c: {  	s17 =	sshll.u32 s0, $0xA;
	s2 =	sadd.s32 s3, s2  }
0x8d: {  	s2 =	sadd.s32 s2, s17  }
0x8e: {  	[smem:$0x3FC0] =	sst s2  }
0x8f: {  	_ = 	snop  }
0x90: {  	s2 =	sld [smem:$0x3FC8]  }
0x91: {  	s18 =	sld [smem:$0x3FD0];
	(tm) =	ssettm $0x1  }
0x92: {  	s4 =	sld [smem:$0x3FFB];
	_ =	sdelay $0x3  }
0x93: {  	_ =	strace s4  }
0x94: {  	s4 =	sld [smem:$0x3FFC];
	_ =	sdelay $0x3  }
0x95: {  	_ =	strace s4  }
0x96: {  	s4 =	sld [smem:$0x3FFD];
	_ =	sdelay $0x3  }
0x97: {  	_ =	strace s4  }
0x98: {  	_ =	strace $0x8FFFFFFF  }
0x99: {  	s19 =	sld [smem:$0x3FDB];
	_ =	sdelay $0x1  }
0x9a: {  	s5 =	simm.s32 $_scs_section_size  }
0x9b: {  	s6 =	simm.s32 $_size__tile_overlayer_lowered;
	s7 =	simm.s32 $_tile_overlayer_lowered  }
0x9c: {  	s22 =	simm.s32 $0x1BFF;
	s21 =	sshll.u32 s7, $0x1;
	s4 =	sadd.s32 s5, s19  }
0x9d: {  	s8 =	simm.s32 $0x0;
	s20 =	sshll.u32 s6, $0x1;
	s6 =	sadd.s32 s21, s4  }
0x9e: {  	[timem:s8], [sflag:s22] =	dma.local [hbm:s6], s20  }
0x9f: {  	_ =	swait.ge [sflag:s22], s20  }
0xa0: {  	s5 =	ssub.s32 $0x0, s20;
	[sflag:s22] =	ssyncset.done $0x0  }
0xa1: {  	[sflag:s22] =	ssyncadd.s32 s5;
	_ =	sdelay $0x1  }
0xa2: {  	s23 =	simm.s32 $0x1B8B  }
0xa3: {  	_ =	swait.ge [sflag:s23], $0x1  }
0xa4: {  	[sflag:s23] =	ssyncset.done $0x0  }
0xa5: {  	s25 =	simm.s32 $0x1B8E;
	s24 =	sld [smem:$0x3FFE];
	[sflag:s23] =	ssyncadd.s32 $0xFFFFFFFF  }
0xa6: {  	s26 =	simm.s32 $execute0_lowered;
	[smem:$0x3FD2] =	sst s25  }
0xa7: {  	s6 =	sshll.u32 s26, $0x1;
	_ =	strace $0x8000004C;
	[dreg:$0x1] =	wrdreg $0xFFFFFFFF  }
0xa8: {  	s28 =	simm.s32 $_size_execute0_lowered;
	s4 =	sadd.s32 s4, s6;
	[dreg:$0x0] =	wrdreg $0x0  }
0xa9: {  	s6 =	sshll.u32 s28, $0x1;
	[dreg:$0x2] =	wrdreg s4  }
0xaa: {  	[dreg:$0x3] =	wrdreg s6  }
0xab: {  	[dreg:$0x4] =	wrdreg $0xC0  }
0xac: {  	_ =	task [dreg:s8], $0x5FFFF  }
0xad: {  	[dreg:$0x1] =	wrdreg $0xFFFFFFFF  }
0xae: {  	[dreg:$0x0] =	wrdreg $0x60  }
0xaf: {  	[dreg:$0x2] =	wrdreg s18  }
0xb0: {  	[dreg:$0x3] =	wrdreg s2  }
0xb1: {  	[dreg:$0x4] =	wrdreg s24  }
0xb2: {  	[dreg:$0x5] =	wrdreg $0x96000  }
0xb3: {  	[dreg:$0x6] =	wrdreg $0x9  }
0xb4: {  	_ =	task.clear_ibuf [dreg:s8], $0x7FFFF;
	_ =	strace $0x9000004C  }
0xb5: {  	s29 =	simm.s32 $0x9;
	_ =	strace $0x8000004E  }
0xb6: {  	_ =	swait.ge [sflag:s29], $0x1  }
0xb7: {  	[sflag:s29] =	ssyncadd.s32 $0xFFFFFFFF  }
0xb8: {  	_ =	strace $0x9000004E  }
0xb9: {  	_ =	sfence  }
0xba: {  	s30 =	sld [smem:$0x0];
	_ =	sdelay $0x2  }
0xbb: {  	s31 =	sshll.u32 s1, $0xD;
	s1 =	sshrl.u32 s1, $0x2  }
0xbc: {  	s3 =	sand.u32 $0x4000, s31;
	s1 =	sadd.s32 s1, s30  }
0xbd: {  	s0 =	sor.u32 s3, s0;
	s1 =	sshll.u32 s1, $0x11  }
0xbe: {  	s0 =	sor.u32 s1, s0  }
0xbf: {  	s0 =	sadd.s32 $0x8F2B, s0  }
0xc0: {  	[sflag:s0] =	ssyncadd.remote.s32 $0x1  }
0xc1: {  	_ =	sfence.sel $0xFFFF  }
0xc2: {  	[dreg:$0x0] =	wrdreg $0xFFFFFFFF;
	(pc) =	sbr.abs _section_cstart, $3  }
0xc3: {  	[dreg:$0x1] =	wrdreg $0xFFFFFFFF  }
0xc4: {  	_ =	task.clear_ibuf [dreg:s8], $0x2FFFF;
	_ =	strace $0x9FFFFFFF  }
0xc5: {  	(tm) =	ssettm $0x7FFFFFFF  }
tec
execute0_lowered:
.L_overlay_start_1:
0x0: {  	(tag) =	ssettag $0x1  }
0x1: {  	s1 =	rddreg [dreg:$0x0]  }
0x2: {  	s0 =	rddreg [dreg:$0x1]  }
0x3: {  	s2 =	rddreg [dreg:$0x2]  }
0x4: {  	s3 =	rddreg [dreg:$0x3]  }
0x5: {  	s13 =	stileid.u32;
	s5 =	srdreg.scid  }
0x6: {  	s4 =	simm.s32 $0x0;
	s29 =	simm.s32 $0x300;
	s31 =	simm.s32 $0x400  }
0x7: {  	s6 =	smul.u32 $0x7500, s13;
	s7 =	sand.u32 $0x1, s5;
	[smem:$0x7FF] =	sst s4  }
0x8: {  	s10 =	sadd.s32 $0x11200, s2;
	s28 =	sshll.u32 s13, $0x6;
	s11 =	sadd.s32 $0x75000, s3  }
0x9: {  	p0 =	sne.s32 s13, $0xF;
	s8 =	ssub.s32 $0x2, s7;
	_ =	strace $0x8000004D  }
0xa: {  	s25 =	sshll.u32 s7, $0x4;
	[dreg:$0xd] =	wrdreg s11;
	s21 =	smul.u32 $0x75300, s7  }
0xb: {  	s23 =	sshrl.u32 s6, $0x3;
	s24 =	sshrl.u32 s8, $0x1;
	s5 =	sor.u32 s13, s25  }
0xc: {  	s26 =	sadd.s32 s6, s3;
	s25 =	sshll.u32 s7, $0x9;
	s9 =	sadd.s32 s23, s2  }
0xd: {  	s12 =	ssub.s32 s8, s24;
	[dreg:$0xb] =	wrdreg s26;
	s2 =	sadd.s32 $0x11000, s2  }
0xe: {  	s8 =	sor.u32 $0x1C0D, s28;
	s16 =	ssub.s32 $0x9C4, s5;
	[dreg:$0xe] =	wrdreg s2  }
0xf: {  	s30 =	sshll.u32 s5, $0x5;
	s17 =	ssub.s32 $0x984, s5;
	[dreg:$0x5] =	wrdreg s16  }
0x10: {  	s19 =	ssub.s32 $0x964, s5;
	s20 =	ssub.s32 $0x944, s5;
	[dreg:$0x7] =	wrdreg s17  }
0x11: {  	s22 =	ssub.s32 $0x924, s5;
	s23 =	ssub.s32 $0x9A4, s5;
	[dreg:$0x8] =	wrdreg s19  }
0x12: {  	s6 =	sadd.s32 s6, s21;
	s26 =	sshrl.u32 s21, $0x3;
	[dreg:$0x9] =	wrdreg s20  }
0x13: {  	s28 =	sshll.u32 s13, $0x5;
	s21 =	simm.s32 $0xD;
	[dreg:$0xa] =	wrdreg s22  }
0x14: {  	s9 =	sadd.s32 $0x2600, s9;
	s11 =	sadd.s32 s0, s30;
	[dreg:$0x6] =	wrdreg s23  }
0x15: {  	s24 =	sshrl.u32 s6, $0x3;
	s0 =	sadd.s32 s25, s0;
	s30 =	sadd.s32 s10, s26  }
0x16: {  	s19 =	smax.u32 s12, $0x1;
	[dreg:$0xc] =	wrdreg s9;
	s14 =	sadd.s32 $0x400, s11  }
0x17: {  	s22 =	simm.s32 $0x80;
	s15 =	sadd.s32 $0x800, s11;
	[dreg:$0xf] =	wrdreg s14  }
0x18: {  	s26 =	simm.s32 $0x200;
	s9 =	sadd.s32 $0xC00, s11;
	[dreg:$0x10] =	wrdreg s15  }
0x19: {  	s25 =	simm.s32 $0x0;
	s18 =	sadd.s32 $0x1000, s11;
	[dreg:$0x11] =	wrdreg s9  }
0x1a: {  	s2 =	sadd.s32 s10, s24;
	s0 =	sadd.s32 s28, s0;
	[dreg:$0x12] =	wrdreg s18  }
0x1b: {  	s14 =	sadd.s32 $0x1400, s11;
	[dreg:$0x14] =	wrdreg s2;
	s18 =	sadd.s32 $0xEA00, s30  }
0x1c: {  	s23 =	sadd.s32 $0x2C00, s0;
	s0 =	simm.s32 $0x500;
	[dreg:$0x13] =	wrdreg s14  }
.LBB2_1:
0x1d: {  	s2 =	rddreg [dreg:$0xb]  }
0x1e: {  	s16 =	rddreg [dreg:$0xc];
	s28 =	sshrl.u32 s2, $0x3  }
0x1f: {  	[spmem:s28], [sflag:s8] =	dma.local [hbm:s16], $0xEA0  }
0x20: {  	_ =	swait.ge [sflag:s21], $0xEA0  }
0x21: {  	[sflag:s21] =	ssyncset.done $0x0;
	s2 =	rddreg [dreg:$0xd]  }
0x22: {  	[sflag:s21] =	ssyncadd.s32 $0xFFFFF160;
	s30 =	sshrl.u32 @!p0 s2, $0x3;
	s2 =	rddreg [dreg:$0xe]  }
0x23: {  	[spmem:s30], [sflag:s8] =	dma.local @!p0 [hbm:s2], $0x60  }
0x24: {  	s2 =	simm.s32 @!p0 $0xD  }
0x25: {  	_ =	swait.ge @!p0 [sflag:s2], $0x60  }
0x26: {  	[sflag:s2] =	ssyncset.done @!p0 $0x0  }
0x27: {  	[sflag:s2] =	ssyncadd.s32 @!p0 $0xFFFFFFA0  }
0x28: {  	[bflag:$0x0] =	sbarrier.arrive $0xFFFF  }
0x29: {  	[tilespmem:s4], [sflag:$0xD] =	stream.linear.gather [hbm4b:s11+s4], $0x100, $0x38;
	[tilespmem:$0x10B30] =	vst v63  }
0x2a: {  	_ =	swait.ge [sflag:s21], $0x100  }
0x2b: {  	[sflag:s21] =	ssyncset.done $0x0  }
0x2c: {  	s17 =	simm.s32 $0x600;
	[sflag:s21] =	ssyncadd.s32 $0xFFFFFF00  }
0x2d: {  	[tilespmem:s17], [sflag:$0x1] =	stream.indirect.gather [hbm4b:s1+s22], $0x30, s4, s22, $0xb8;
	[tilespmem:$0x10B30] =	vst v63  }
0x2e: {  	s6 =	simm.s32 $0x100;
	s20 =	rddreg [dreg:$0xf]  }
0x2f: {  	[tilespmem:s6], [sflag:$0xD] =	stream.linear.gather [hbm4b:s20+s4], $0x100, $0x38;
	[tilespmem:$0x10B30] =	vst v63  }
0x30: {  	_ =	swait.ge [sflag:s21], $0x100  }
0x31: {  	[sflag:s21] =	ssyncset.done $0x0  }
0x32: {  	s24 =	simm.s32 $0x1E00;
	[sflag:s21] =	ssyncadd.s32 $0xFFFFFF00  }
0x33: {  	[tilespmem:s24], [sflag:$0x2] =	stream.indirect.gather [hbm4b:s1+s22], $0x30, s6, s22, $0xb8;
	[tilespmem:$0x10B30] =	vst v63  }
0x34: {  	s6 =	rddreg [dreg:$0x10]  }
0x35: {  	[tilespmem:s26], [sflag:$0xD] =	stream.linear.gather [hbm4b:s6+s4], $0x100, $0x38;
	[tilespmem:$0x10B30] =	vst v63  }
0x36: {  	_ =	swait.ge [sflag:s21], $0x100  }
0x37: {  	[sflag:s21] =	ssyncset.done $0x0  }
0x38: {  	s7 =	simm.s32 $0x3600;
	[sflag:s21] =	ssyncadd.s32 $0xFFFFFF00  }
0x39: {  	[tilespmem:s7], [sflag:$0x3] =	stream.indirect.gather [hbm4b:s1+s22], $0x30, s26, s22, $0xb8;
	[tilespmem:$0x10B30] =	vst v63  }
0x3a: {  	s9 =	rddreg [dreg:$0x11]  }
0x3b: {  	[tilespmem:s29], [sflag:$0xD] =	stream.linear.gather [hbm4b:s9+s4], $0x100, $0x38;
	[tilespmem:$0x10B30] =	vst v63  }
0x3c: {  	_ =	swait.ge [sflag:s21], $0x100  }
0x3d: {  	[sflag:s21] =	ssyncset.done $0x0  }
0x3e: {  	s10 =	simm.s32 $0x4E00;
	[sflag:s21] =	ssyncadd.s32 $0xFFFFFF00  }
0x3f: {  	[tilespmem:s10], [sflag:$0x4] =	stream.indirect.gather [hbm4b:s1+s22], $0x30, s29, s22, $0xb8;
	[tilespmem:$0x10B30] =	vst v63  }
0x40: {  	s12 =	rddreg [dreg:$0x12]  }
0x41: {  	[tilespmem:s31], [sflag:$0xD] =	stream.linear.gather [hbm4b:s12+s4], $0x100, $0x38;
	[tilespmem:$0x10B30] =	vst v63  }
0x42: {  	_ =	swait.ge [sflag:s21], $0x100  }
0x43: {  	[sflag:s21] =	ssyncset.done $0x0  }
0x44: {  	s13 =	simm.s32 $0x6600;
	[sflag:s21] =	ssyncadd.s32 $0xFFFFFF00  }
0x45: {  	[tilespmem:s13], [sflag:$0x5] =	stream.indirect.gather [hbm4b:s1+s22], $0x30, s31, s22, $0xb8;
	[tilespmem:$0x10B30] =	vst v63  }
0x46: {  	s14 =	rddreg [dreg:$0x13]  }
0x47: {  	[tilespmem:s0], [sflag:$0xD] =	stream.linear.gather [hbm4b:s14+s4], $0x100, $0x38;
	[tilespmem:$0x10B30] =	vst v63  }
0x48: {  	_ =	swait.ge [sflag:s21], $0x100  }
0x49: {  	[sflag:s21] =	ssyncset.done $0x0;
	s15 =	rddreg [dreg:$0x5]  }
0x4a: {  	s16 =	simm.s32 $0x7E00;
	[sflag:s21] =	ssyncadd.s32 $0xFFFFFF00;
	p1 =	sle.u32 s15, $0x0  }
0x4b: {  	[tilespmem:s16], [sflag:$0x6] =	stream.indirect.gather [hbm4b:s1+s22], $0x30, s0, s22, $0xb8;
	[tilespmem:$0x10B30] =	vst v63  }
0x4c: {  	s6 =	simm.s32 @!p1 $0x1  }
0x4d: {  	_ =	swait.ge @!p1 [sflag:s6], $0x1800  }
0x4e: {  	s2 =	sadd.s32 $0x0, s5;
	s7 =	simm.s32 @!p1 $0x7;
	[sflag:s6] =	ssyncset.done @!p1 $0x0  }
0x4f: {  	s9 =	simm.s32 @!p1 $0x600;
	[sflag:s6] =	ssyncadd.s32 @!p1 $0xFFFFE800;
	s6 =	simm.s32 @!p1 $0x80  }
0x50: {  	[spmem:s3] =	stream.indirect.scatter.add.f32 @!p1 [tilespmem:s9], [sflag:$0x7], $0x30, s6, s6, $0xb8;
	[tilespmem:$0x10B30] =	vst v63  }
0x51: {  	s17 =	sadd.s32 $0xC0, s2;
	_ =	swait.ge @!p1 [sflag:s7], $0x1800  }
0x52: {  	p2 =	sgt.u32 s17, $0x9C3;
	[sflag:s7] =	ssyncset.done @!p1 $0x0  }
0x53: {  	s6 =	sadd.s32 @!p2 $0xFFFFEC00, s23;
	[sflag:s7] =	ssyncadd.s32 @!p1 $0xFFFFE800;
	s7 =	simm.s32 @!p2 $0x0  }
0x54: {  	[tilespmem:s7], [sflag:$0xD] =	stream.linear.gather @!p2 [hbm4b:s6+s7], $0x100, $0x38;
	[tilespmem:$0x10B30] =	vst v63  }
0x55: {  	s6 =	simm.s32 @!p2 $0xD  }
0x56: {  	_ =	swait.ge @!p2 [sflag:s6], $0x100  }
0x57: {  	s10 =	simm.s32 @!p2 $0x600;
	[sflag:s6] =	ssyncset.done @!p2 $0x0;
	s20 =	rddreg [dreg:$0x6]  }
0x58: {  	[sflag:s6] =	ssyncadd.s32 @!p2 $0xFFFFFF00;
	s6 =	simm.s32 @!p2 $0x80;
	p1 =	sle.u32 s20, $0x0  }
0x59: {  	[tilespmem:s10], [sflag:$0x1] =	stream.indirect.gather @!p2 [hbm4b:s1+s6], $0x30, s7, s6, $0xb8;
	[tilespmem:$0x10B30] =	vst v63  }
0x5a: {  	s6 =	simm.s32 @!p1 $0x2  }
0x5b: {  	s24 =	sadd.s32 $0xE0, s2;
	_ =	swait.ge @!p1 [sflag:s6], $0x1800  }
0x5c: {  	s9 =	simm.s32 @!p1 $0x1E00;
	s10 =	simm.s32 @!p1 $0x80;
	[sflag:s6] =	ssyncset.done @!p1 $0x0  }
0x5d: {  	s12 =	simm.s32 @!p1 $0x180;
	[sflag:s6] =	ssyncadd.s32 @!p1 $0xFFFFE800;
	s6 =	simm.s32 @!p1 $0x8  }
0x5e: {  	[spmem:s3] =	stream.indirect.scatter.add.f32 @!p1 [tilespmem:s9], [sflag:$0x8], $0x30, s12, s10, $0xb8;
	[tilespmem:$0x10B30] =	vst v63  }
0x5f: {  	p2 =	sgt.u32 s24, $0x9C3;
	_ =	swait.ge @!p1 [sflag:s6], $0x1800  }
0x60: {  	s7 =	sadd.s32 @!p2 $0xFFFFF000, s23;
	s9 =	simm.s32 @!p2 $0x100;
	[sflag:s6] =	ssyncset.done @!p1 $0x0  }
0x61: {  	s10 =	simm.s32 @!p2 $0xD;
	[sflag:s6] =	ssyncadd.s32 @!p1 $0xFFFFE800;
	s6 =	simm.s32 @!p2 $0x0  }
0x62: {  	[tilespmem:s9], [sflag:$0xD] =	stream.linear.gather @!p2 [hbm4b:s7+s6], $0x100, $0x38;
	[tilespmem:$0x10B30] =	vst v63  }
0x63: {  	_ =	swait.ge @!p2 [sflag:s10], $0x100  }
0x64: {  	s7 =	simm.s32 @!p2 $0x80;
	[sflag:s10] =	ssyncset.done @!p2 $0x0;
	s13 =	rddreg [dreg:$0x7]  }
0x65: {  	[sflag:s10] =	ssyncadd.s32 @!p2 $0xFFFFFF00;
	s10 =	simm.s32 @!p2 $0x1E00;
	p1 =	sle.u32 s13, $0x0  }
0x66: {  	[tilespmem:s10], [sflag:$0x2] =	stream.indirect.gather @!p2 [hbm4b:s1+s7], $0x30, s9, s7, $0xb8;
	[tilespmem:$0x10B30] =	vst v63  }
0x67: {  	s6 =	simm.s32 @!p1 $0x3  }
0x68: {  	s14 =	sadd.s32 $0x100, s2;
	_ =	swait.ge @!p1 [sflag:s6], $0x1800  }
0x69: {  	s9 =	simm.s32 @!p1 $0x3600;
	s10 =	simm.s32 @!p1 $0x80;
	[sflag:s6] =	ssyncset.done @!p1 $0x0  }
0x6a: {  	s12 =	simm.s32 @!p1 $0x280;
	[sflag:s6] =	ssyncadd.s32 @!p1 $0xFFFFE800;
	s6 =	simm.s32 @!p1 $0x9  }
0x6b: {  	[spmem:s3] =	stream.indirect.scatter.add.f32 @!p1 [tilespmem:s9], [sflag:$0x9], $0x30, s12, s10, $0xb8;
	[tilespmem:$0x10B30] =	vst v63  }
0x6c: {  	p2 =	sgt.u32 s14, $0x9C3;
	_ =	swait.ge @!p1 [sflag:s6], $0x1800  }
0x6d: {  	s7 =	sadd.s32 @!p2 $0xFFFFF400, s23;
	s9 =	simm.s32 @!p2 $0x200;
	[sflag:s6] =	ssyncset.done @!p1 $0x0  }
0x6e: {  	s10 =	simm.s32 @!p2 $0xD;
	[sflag:s6] =	ssyncadd.s32 @!p1 $0xFFFFE800;
	s6 =	simm.s32 @!p2 $0x0  }
0x6f: {  	[tilespmem:s9], [sflag:$0xD] =	stream.linear.gather @!p2 [hbm4b:s7+s6], $0x100, $0x38;
	[tilespmem:$0x10B30] =	vst v63  }
0x70: {  	_ =	swait.ge @!p2 [sflag:s10], $0x100  }
0x71: {  	s7 =	simm.s32 @!p2 $0x80;
	[sflag:s10] =	ssyncset.done @!p2 $0x0;
	s15 =	rddreg [dreg:$0x8]  }
0x72: {  	[sflag:s10] =	ssyncadd.s32 @!p2 $0xFFFFFF00;
	s10 =	simm.s32 @!p2 $0x3600;
	p1 =	sle.u32 s15, $0x0  }
0x73: {  	[tilespmem:s10], [sflag:$0x3] =	stream.indirect.gather @!p2 [hbm4b:s1+s7], $0x30, s9, s7, $0xb8;
	[tilespmem:$0x10B30] =	vst v63  }
0x74: {  	s6 =	simm.s32 @!p1 $0x4  }
0x75: {  	s16 =	sadd.s32 $0x120, s2;
	_ =	swait.ge @!p1 [sflag:s6], $0x1800  }
0x76: {  	s9 =	simm.s32 @!p1 $0x4E00;
	s10 =	simm.s32 @!p1 $0x80;
	[sflag:s6] =	ssyncset.done @!p1 $0x0  }
0x77: {  	s12 =	simm.s32 @!p1 $0x380;
	[sflag:s6] =	ssyncadd.s32 @!p1 $0xFFFFE800;
	s6 =	simm.s32 @!p1 $0xA  }
0x78: {  	[spmem:s3] =	stream.indirect.scatter.add.f32 @!p1 [tilespmem:s9], [sflag:$0xA], $0x30, s12, s10, $0xb8;
	[tilespmem:$0x10B30] =	vst v63  }
0x79: {  	p2 =	sgt.u32 s16, $0x9C3;
	_ =	swait.ge @!p1 [sflag:s6], $0x1800  }
0x7a: {  	s7 =	sadd.s32 @!p2 $0xFFFFF800, s23;
	s9 =	simm.s32 @!p2 $0x300;
	[sflag:s6] =	ssyncset.done @!p1 $0x0  }
0x7b: {  	s10 =	simm.s32 @!p2 $0xD;
	[sflag:s6] =	ssyncadd.s32 @!p1 $0xFFFFE800;
	s6 =	simm.s32 @!p2 $0x0  }
0x7c: {  	[tilespmem:s9], [sflag:$0xD] =	stream.linear.gather @!p2 [hbm4b:s7+s6], $0x100, $0x38;
	[tilespmem:$0x10B30] =	vst v63  }
0x7d: {  	_ =	swait.ge @!p2 [sflag:s10], $0x100  }
0x7e: {  	s7 =	simm.s32 @!p2 $0x80;
	[sflag:s10] =	ssyncset.done @!p2 $0x0;
	s17 =	rddreg [dreg:$0x9]  }
0x7f: {  	[sflag:s10] =	ssyncadd.s32 @!p2 $0xFFFFFF00;
	s10 =	simm.s32 @!p2 $0x4E00;
	p1 =	sle.u32 s17, $0x0  }
0x80: {  	[tilespmem:s10], [sflag:$0x4] =	stream.indirect.gather @!p2 [hbm4b:s1+s7], $0x30, s9, s7, $0xb8;
	[tilespmem:$0x10B30] =	vst v63  }
0x81: {  	s6 =	simm.s32 @!p1 $0x5  }
0x82: {  	s20 =	sadd.s32 $0x140, s2;
	_ =	swait.ge @!p1 [sflag:s6], $0x1800  }
0x83: {  	s9 =	simm.s32 @!p1 $0x6600;
	s10 =	simm.s32 @!p1 $0x80;
	[sflag:s6] =	ssyncset.done @!p1 $0x0  }
0x84: {  	s12 =	simm.s32 @!p1 $0x480;
	[sflag:s6] =	ssyncadd.s32 @!p1 $0xFFFFE800;
	s6 =	simm.s32 @!p1 $0xB  }
0x85: {  	[spmem:s3] =	stream.indirect.scatter.add.f32 @!p1 [tilespmem:s9], [sflag:$0xB], $0x30, s12, s10, $0xb8;
	[tilespmem:$0x10B30] =	vst v63  }
0x86: {  	p2 =	sgt.u32 s20, $0x9C3;
	_ =	swait.ge @!p1 [sflag:s6], $0x1800  }
0x87: {  	s7 =	sadd.s32 @!p2 $0xFFFFFC00, s23;
	s9 =	simm.s32 @!p2 $0x400;
	[sflag:s6] =	ssyncset.done @!p1 $0x0  }
0x88: {  	s10 =	simm.s32 @!p2 $0xD;
	[sflag:s6] =	ssyncadd.s32 @!p1 $0xFFFFE800;
	s6 =	simm.s32 @!p2 $0x0  }
0x89: {  	[tilespmem:s9], [sflag:$0xD] =	stream.linear.gather @!p2 [hbm4b:s7+s6], $0x100, $0x38;
	[tilespmem:$0x10B30] =	vst v63  }
0x8a: {  	_ =	swait.ge @!p2 [sflag:s10], $0x100  }
0x8b: {  	s7 =	simm.s32 @!p2 $0x80;
	[sflag:s10] =	ssyncset.done @!p2 $0x0;
	s24 =	rddreg [dreg:$0xa]  }
0x8c: {  	[sflag:s10] =	ssyncadd.s32 @!p2 $0xFFFFFF00;
	s10 =	simm.s32 @!p2 $0x6600;
	p1 =	sle.u32 s24, $0x0  }
0x8d: {  	[tilespmem:s10], [sflag:$0x5] =	stream.indirect.gather @!p2 [hbm4b:s1+s7], $0x30, s9, s7, $0xb8;
	[tilespmem:$0x10B30] =	vst v63  }
0x8e: {  	s6 =	simm.s32 @!p1 $0x6  }
0x8f: {  	s2 =	sadd.s32 $0x160, s2;
	_ =	swait.ge @!p1 [sflag:s6], $0x1800  }
0x90: {  	s7 =	simm.s32 @!p1 $0x7E00;
	s9 =	simm.s32 @!p1 $0x80;
	[sflag:s6] =	ssyncset.done @!p1 $0x0  }
0x91: {  	s10 =	simm.s32 @!p1 $0x580;
	[sflag:s6] =	ssyncadd.s32 @!p1 $0xFFFFE800;
	s6 =	simm.s32 @!p1 $0xC  }
0x92: {  	[spmem:s3] =	stream.indirect.scatter.add.f32 @!p1 [tilespmem:s7], [sflag:$0xC], $0x30, s10, s9, $0xb8;
	[tilespmem:$0x10B30] =	vst v63  }
0x93: {  	s20 =	smov.u32 s23;
	p2 =	sgt.u32 s2, $0x9C3;
	_ =	swait.ge @!p1 [sflag:s6], $0x1800  }
0x94: {  	s2 =	simm.s32 $0xC0;
	s10 =	simm.s32 @!p2 $0x0;
	[sflag:s6] =	ssyncset.done @!p1 $0x0  }
0x95: {  	s9 =	simm.s32 @!p2 $0x500;
	s7 =	simm.s32 @!p2 $0xD;
	[sflag:s6] =	ssyncadd.s32 @!p1 $0xFFFFE800  }
0x96: {  	[tilespmem:s9], [sflag:$0xD] =	stream.linear.gather @!p2 [hbm4b:s23+s10], $0x100, $0x38;
	[tilespmem:$0x10B30] =	vst v63  }
0x97: {  	s12 =	simm.s32 @!p2 $0x7E00;
	s13 =	simm.s32 @!p2 $0x80;
	_ =	swait.ge @!p2 [sflag:s7], $0x100  }
0x98: {  	s6 =	simm.s32 $0x180;
	s10 =	rddreg [dreg:$0x5];
	[sflag:s7] =	ssyncset.done @!p2 $0x0  }
.LBB2_2:
0x99: {  	[sflag:s7] =	ssyncadd.s32 @!p2 $0xFFFFFF00  }
0x9a: {  	[tilespmem:s12], [sflag:$0x6] =	stream.indirect.gather @!p2 [hbm4b:s1+s13], $0x30, s9, s13, $0xb8;
	[tilespmem:$0x10B30] =	vst v63  }
0x9b: {  	p2 =	sge.u32 s2, s10  }
0x9c: {  	s14 =	sadd.s32 s2, s5;
	s9 =	simm.s32 @!p2 $0x1  }
0x9d: {  	s20 =	sadd.s32 $0x1800, s20;
	s17 =	sadd.s32 $0xC0, s14;
	_ =	swait.ge @!p2 [sflag:s9], $0x1800  }
0x9e: {  	s15 =	sadd.s32 $0xE0, s14;
	s10 =	simm.s32 @!p2 $0x7;
	[sflag:s9] =	ssyncset.done @!p2 $0x0  }
0x9f: {  	s12 =	simm.s32 @!p2 $0x600;
	[sflag:s9] =	ssyncadd.s32 @!p2 $0xFFFFE800;
	s9 =	simm.s32 @!p2 $0x80  }
0xa0: {  	[spmem:s3] =	stream.indirect.scatter.add.f32 @!p2 [tilespmem:s12], [sflag:$0x7], $0x30, s9, s9, $0xb8;
	[tilespmem:$0x10B30] =	vst v63  }
0xa1: {  	s13 =	sadd.s32 $0x100, s14;
	p3 =	sgt.u32 s17, $0x9C3;
	_ =	swait.ge @!p2 [sflag:s10], $0x1800  }
0xa2: {  	s16 =	simm.s32 @!p3 $0x0;
	s24 =	simm.s32 @!p3 $0xD;
	[sflag:s10] =	ssyncset.done @!p2 $0x0  }
0xa3: {  	s17 =	simm.s32 @!p3 $0x600;
	s9 =	sadd.s32 @!p3 $0xFFFFEC00, s20;
	[sflag:s10] =	ssyncadd.s32 @!p2 $0xFFFFE800  }
0xa4: {  	[tilespmem:s16], [sflag:$0xD] =	stream.linear.gather @!p3 [hbm4b:s9+s16], $0x100, $0x38;
	[tilespmem:$0x10B30] =	vst v63  }
0xa5: {  	s12 =	sadd.s32 $0x120, s14;
	s10 =	sadd.s32 $0x140, s14;
	_ =	swait.ge @!p3 [sflag:s24], $0x100  }
0xa6: {  	s9 =	sadd.s32 $0x160, s14;
	[sflag:s24] =	ssyncset.done @!p3 $0x0;
	s14 =	rddreg [dreg:$0x6]  }
0xa7: {  	[sflag:s24] =	ssyncadd.s32 @!p3 $0xFFFFFF00;
	s24 =	simm.s32 @!p3 $0x80;
	p2 =	sge.u32 s2, s14  }
0xa8: {  	[tilespmem:s17], [sflag:$0x1] =	stream.indirect.gather @!p3 [hbm4b:s1+s24], $0x30, s16, s24, $0xb8;
	[tilespmem:$0x10B30] =	vst v63  }
0xa9: {  	s14 =	simm.s32 @!p2 $0x2  }
0xaa: {  	_ =	swait.ge @!p2 [sflag:s14], $0x1800  }
0xab: {  	s16 =	simm.s32 @!p2 $0x1E00;
	s17 =	simm.s32 @!p2 $0x80;
	[sflag:s14] =	ssyncset.done @!p2 $0x0  }
0xac: {  	s24 =	simm.s32 @!p2 $0x180;
	[sflag:s14] =	ssyncadd.s32 @!p2 $0xFFFFE800;
	s14 =	simm.s32 @!p2 $0x8  }
0xad: {  	[spmem:s3] =	stream.indirect.scatter.add.f32 @!p2 [tilespmem:s16], [sflag:$0x8], $0x30, s24, s17, $0xb8;
	[tilespmem:$0x10B30] =	vst v63  }
0xae: {  	p3 =	sgt.u32 s15, $0x9C3;
	_ =	swait.ge @!p2 [sflag:s14], $0x1800  }
0xaf: {  	s15 =	sadd.s32 @!p3 $0xFFFFF000, s20;
	s16 =	simm.s32 @!p3 $0x100;
	[sflag:s14] =	ssyncset.done @!p2 $0x0  }
0xb0: {  	s17 =	simm.s32 @!p3 $0xD;
	[sflag:s14] =	ssyncadd.s32 @!p2 $0xFFFFE800;
	s14 =	simm.s32 @!p3 $0x0  }
0xb1: {  	[tilespmem:s16], [sflag:$0xD] =	stream.linear.gather @!p3 [hbm4b:s15+s14], $0x100, $0x38;
	[tilespmem:$0x10B30] =	vst v63  }
0xb2: {  	_ =	swait.ge @!p3 [sflag:s17], $0x100  }
0xb3: {  	s15 =	simm.s32 @!p3 $0x80;
	[sflag:s17] =	ssyncset.done @!p3 $0x0;
	s24 =	rddreg [dreg:$0x7]  }
0xb4: {  	[sflag:s17] =	ssyncadd.s32 @!p3 $0xFFFFFF00;
	s17 =	simm.s32 @!p3 $0x1E00;
	p2 =	sge.u32 s2, s24  }
0xb5: {  	[tilespmem:s17], [sflag:$0x2] =	stream.indirect.gather @!p3 [hbm4b:s1+s15], $0x30, s16, s15, $0xb8;
	[tilespmem:$0x10B30] =	vst v63  }
0xb6: {  	s14 =	simm.s32 @!p2 $0x3  }
0xb7: {  	_ =	swait.ge @!p2 [sflag:s14], $0x1800  }
0xb8: {  	s15 =	simm.s32 @!p2 $0x3600;
	s16 =	simm.s32 @!p2 $0x80;
	[sflag:s14] =	ssyncset.done @!p2 $0x0  }
0xb9: {  	s17 =	simm.s32 @!p2 $0x280;
	[sflag:s14] =	ssyncadd.s32 @!p2 $0xFFFFE800;
	s14 =	simm.s32 @!p2 $0x9  }
0xba: {  	[spmem:s3] =	stream.indirect.scatter.add.f32 @!p2 [tilespmem:s15], [sflag:$0x9], $0x30, s17, s16, $0xb8;
	[tilespmem:$0x10B30] =	vst v63  }
0xbb: {  	p3 =	sgt.u32 s13, $0x9C3;
	_ =	swait.ge @!p2 [sflag:s14], $0x1800  }
0xbc: {  	s13 =	sadd.s32 @!p3 $0xFFFFF400, s20;
	s15 =	simm.s32 @!p3 $0x200;
	[sflag:s14] =	ssyncset.done @!p2 $0x0  }
0xbd: {  	s16 =	simm.s32 @!p3 $0xD;
	[sflag:s14] =	ssyncadd.s32 @!p2 $0xFFFFE800;
	s14 =	simm.s32 @!p3 $0x0  }
0xbe: {  	[tilespmem:s15], [sflag:$0xD] =	stream.linear.gather @!p3 [hbm4b:s13+s14], $0x100, $0x38;
	[tilespmem:$0x10B30] =	vst v63  }
0xbf: {  	_ =	swait.ge @!p3 [sflag:s16], $0x100  }
0xc0: {  	s14 =	simm.s32 @!p3 $0x80;
	[sflag:s16] =	ssyncset.done @!p3 $0x0;
	s24 =	rddreg [dreg:$0x8]  }
0xc1: {  	[sflag:s16] =	ssyncadd.s32 @!p3 $0xFFFFFF00;
	s16 =	simm.s32 @!p3 $0x3600;
	p2 =	sge.u32 s2, s24  }
0xc2: {  	[tilespmem:s16], [sflag:$0x3] =	stream.indirect.gather @!p3 [hbm4b:s1+s14], $0x30, s15, s14, $0xb8;
	[tilespmem:$0x10B30] =	vst v63  }
0xc3: {  	s13 =	simm.s32 @!p2 $0x4  }
0xc4: {  	_ =	swait.ge @!p2 [sflag:s13], $0x1800  }
0xc5: {  	s14 =	simm.s32 @!p2 $0x4E00;
	s15 =	simm.s32 @!p2 $0x80;
	[sflag:s13] =	ssyncset.done @!p2 $0x0  }
0xc6: {  	s16 =	simm.s32 @!p2 $0x380;
	[sflag:s13] =	ssyncadd.s32 @!p2 $0xFFFFE800;
	s13 =	simm.s32 @!p2 $0xA  }
0xc7: {  	[spmem:s3] =	stream.indirect.scatter.add.f32 @!p2 [tilespmem:s14], [sflag:$0xA], $0x30, s16, s15, $0xb8;
	[tilespmem:$0x10B30] =	vst v63  }
0xc8: {  	p3 =	sgt.u32 s12, $0x9C3;
	_ =	swait.ge @!p2 [sflag:s13], $0x1800  }
0xc9: {  	s12 =	sadd.s32 @!p3 $0xFFFFF800, s20;
	s14 =	simm.s32 @!p3 $0x300;
	[sflag:s13] =	ssyncset.done @!p2 $0x0  }
0xca: {  	s15 =	simm.s32 @!p3 $0xD;
	[sflag:s13] =	ssyncadd.s32 @!p2 $0xFFFFE800;
	s13 =	simm.s32 @!p3 $0x0  }
0xcb: {  	[tilespmem:s14], [sflag:$0xD] =	stream.linear.gather @!p3 [hbm4b:s12+s13], $0x100, $0x38;
	[tilespmem:$0x10B30] =	vst v63  }
0xcc: {  	_ =	swait.ge @!p3 [sflag:s15], $0x100  }
0xcd: {  	s13 =	simm.s32 @!p3 $0x80;
	[sflag:s15] =	ssyncset.done @!p3 $0x0;
	s17 =	rddreg [dreg:$0x9]  }
0xce: {  	[sflag:s15] =	ssyncadd.s32 @!p3 $0xFFFFFF00;
	s15 =	simm.s32 @!p3 $0x4E00;
	p2 =	sge.u32 s2, s17  }
0xcf: {  	[tilespmem:s15], [sflag:$0x4] =	stream.indirect.gather @!p3 [hbm4b:s1+s13], $0x30, s14, s13, $0xb8;
	[tilespmem:$0x10B30] =	vst v63  }
0xd0: {  	s12 =	simm.s32 @!p2 $0x5  }
0xd1: {  	_ =	swait.ge @!p2 [sflag:s12], $0x1800  }
0xd2: {  	s13 =	simm.s32 @!p2 $0x6600;
	s14 =	simm.s32 @!p2 $0x80;
	[sflag:s12] =	ssyncset.done @!p2 $0x0  }
0xd3: {  	s15 =	simm.s32 @!p2 $0x480;
	[sflag:s12] =	ssyncadd.s32 @!p2 $0xFFFFE800;
	s12 =	simm.s32 @!p2 $0xB  }
0xd4: {  	[spmem:s3] =	stream.indirect.scatter.add.f32 @!p2 [tilespmem:s13], [sflag:$0xB], $0x30, s15, s14, $0xb8;
	[tilespmem:$0x10B30] =	vst v63  }
0xd5: {  	p3 =	sgt.u32 s10, $0x9C3;
	_ =	swait.ge @!p2 [sflag:s12], $0x1800  }
0xd6: {  	s10 =	sadd.s32 @!p3 $0xFFFFFC00, s20;
	s13 =	simm.s32 @!p3 $0x400;
	[sflag:s12] =	ssyncset.done @!p2 $0x0  }
0xd7: {  	s14 =	simm.s32 @!p3 $0xD;
	[sflag:s12] =	ssyncadd.s32 @!p2 $0xFFFFE800;
	s12 =	simm.s32 @!p3 $0x0  }
0xd8: {  	[tilespmem:s13], [sflag:$0xD] =	stream.linear.gather @!p3 [hbm4b:s10+s12], $0x100, $0x38;
	[tilespmem:$0x10B30] =	vst v63  }
0xd9: {  	_ =	swait.ge @!p3 [sflag:s14], $0x100  }
0xda: {  	s12 =	simm.s32 @!p3 $0x80;
	[sflag:s14] =	ssyncset.done @!p3 $0x0  }
0xdb: {  	s24 =	rddreg [dreg:$0xa];
	[sflag:s14] =	ssyncadd.s32 @!p3 $0xFFFFFF00;
	s14 =	simm.s32 @!p3 $0x6600  }
0xdc: {  	[tilespmem:s14], [sflag:$0x5] =	stream.indirect.gather @!p3 [hbm4b:s1+s12], $0x30, s13, s12, $0xb8;
	[tilespmem:$0x10B30] =	vst v63  }
0xdd: {  	s7 =	smov.u32 s6;
	p3 =	sge.u32 s2, s24  }
0xde: {  	s2 =	smov.u32 s7;
	s7 =	simm.s32 @!p3 $0x6  }
0xdf: {  	s6 =	sadd.s32 $0xC0, s6;
	_ =	swait.ge @!p3 [sflag:s7], $0x1800  }
0xe0: {  	s10 =	simm.s32 @!p3 $0x7E00;
	s12 =	simm.s32 @!p3 $0x80;
	[sflag:s7] =	ssyncset.done @!p3 $0x0  }
0xe1: {  	s13 =	simm.s32 @!p3 $0x580;
	[sflag:s7] =	ssyncadd.s32 @!p3 $0xFFFFE800;
	s7 =	simm.s32 @!p3 $0xC  }
0xe2: {  	[spmem:s3] =	stream.indirect.scatter.add.f32 @!p3 [tilespmem:s10], [sflag:$0xC], $0x30, s13, s12, $0xb8;
	[tilespmem:$0x10B30] =	vst v63  }
0xe3: {  	p1 =	sne.s32 s6, $0xA80;
	p2 =	sgt.u32 s9, $0x9C3;
	_ =	swait.ge @!p3 [sflag:s7], $0x1800  }
.Ltmp0:
0xe4: {  	s9 =	simm.s32 @!p2 $0x500;
	[sflag:s7] =	ssyncset.done @!p3 $0x0;
	(pc) =	sbr.rel @p1 .LBB2_2-.Ltmp0, $4  }
0xe5: {  	s10 =	simm.s32 @!p2 $0x0;
	[sflag:s7] =	ssyncadd.s32 @!p3 $0xFFFFE800;
	s7 =	simm.s32 @!p2 $0xD  }
0xe6: {  	[tilespmem:s9], [sflag:$0xD] =	stream.linear.gather @!p2 [hbm4b:s20+s10], $0x100, $0x38;
	[tilespmem:$0x10B30] =	vst v63  }
0xe7: {  	s12 =	simm.s32 @!p2 $0x7E00;
	_ =	swait.ge @!p2 [sflag:s7], $0x100  }
0xe8: {  	s13 =	simm.s32 @!p2 $0x80;
	s10 =	rddreg [dreg:$0x5];
	[sflag:s7] =	ssyncset.done @!p2 $0x0  }
0xe9: {  	[sflag:s7] =	ssyncadd.s32 @!p2 $0xFFFFFF00;
	p1 =	sge.u32 s2, s10  }
0xea: {  	[tilespmem:s12], [sflag:$0x6] =	stream.indirect.gather @!p2 [hbm4b:s1+s13], $0x30, s9, s13, $0xb8;
	[tilespmem:$0x10B30] =	vst v63  }
0xeb: {  	s6 =	simm.s32 @!p1 $0x1  }
0xec: {  	_ =	swait.ge @!p1 [sflag:s6], $0x1800  }
0xed: {  	s7 =	sadd.s32 s2, s5;
	s9 =	simm.s32 @!p1 $0x7;
	[sflag:s6] =	ssyncset.done @!p1 $0x0  }
0xee: {  	s10 =	simm.s32 @!p1 $0x600;
	[sflag:s6] =	ssyncadd.s32 @!p1 $0xFFFFE800;
	s6 =	simm.s32 @!p1 $0x80  }
0xef: {  	[spmem:s3] =	stream.indirect.scatter.add.f32 @!p1 [tilespmem:s10], [sflag:$0x7], $0x30, s6, s6, $0xb8;
	[tilespmem:$0x10B30] =	vst v63  }
0xf0: {  	s15 =	sadd.s32 $0xC0, s7;
	_ =	swait.ge @!p1 [sflag:s9], $0x1800  }
0xf1: {  	p2 =	sgt.u32 s15, $0x9C3;
	s6 =	sadd.s32 $0x1800, s20;
	[sflag:s9] =	ssyncset.done @!p1 $0x0  }
0xf2: {  	s10 =	simm.s32 @!p2 $0x0;
	[sflag:s9] =	ssyncadd.s32 @!p1 $0xFFFFE800;
	s9 =	sadd.s32 @!p2 $0xFFFFEC00, s6  }
0xf3: {  	[tilespmem:s10], [sflag:$0xD] =	stream.linear.gather @!p2 [hbm4b:s9+s10], $0x100, $0x38;
	[tilespmem:$0x10B30] =	vst v63  }
0xf4: {  	s9 =	simm.s32 @!p2 $0xD  }
0xf5: {  	_ =	swait.ge @!p2 [sflag:s9], $0x100  }
0xf6: {  	s13 =	simm.s32 @!p2 $0x600;
	[sflag:s9] =	ssyncset.done @!p2 $0x0;
	s16 =	rddreg [dreg:$0x6]  }
0xf7: {  	[sflag:s9] =	ssyncadd.s32 @!p2 $0xFFFFFF00;
	s9 =	simm.s32 @!p2 $0x80;
	p1 =	sge.u32 s2, s16  }
0xf8: {  	[tilespmem:s13], [sflag:$0x1] =	stream.indirect.gather @!p2 [hbm4b:s1+s9], $0x30, s10, s9, $0xb8;
	[tilespmem:$0x10B30] =	vst v63  }
0xf9: {  	s9 =	simm.s32 @!p1 $0x2  }
0xfa: {  	s17 =	sadd.s32 $0xE0, s7;
	_ =	swait.ge @!p1 [sflag:s9], $0x1800  }
0xfb: {  	s12 =	simm.s32 @!p1 $0x1E00;
	s13 =	simm.s32 @!p1 $0x80;
	[sflag:s9] =	ssyncset.done @!p1 $0x0  }
0xfc: {  	s14 =	simm.s32 @!p1 $0x180;
	[sflag:s9] =	ssyncadd.s32 @!p1 $0xFFFFE800;
	s9 =	simm.s32 @!p1 $0x8  }
0xfd: {  	[spmem:s3] =	stream.indirect.scatter.add.f32 @!p1 [tilespmem:s12], [sflag:$0x8], $0x30, s14, s13, $0xb8;
	[tilespmem:$0x10B30] =	vst v63  }
0xfe: {  	p2 =	sgt.u32 s17, $0x9C3;
	_ =	swait.ge @!p1 [sflag:s9], $0x1800  }
0xff: {  	s10 =	sadd.s32 @!p2 $0xFFFFF000, s6;
	s12 =	simm.s32 @!p2 $0x100;
	[sflag:s9] =	ssyncset.done @!p1 $0x0  }
0x100: {  	s13 =	simm.s32 @!p2 $0xD;
	[sflag:s9] =	ssyncadd.s32 @!p1 $0xFFFFE800;
	s9 =	simm.s32 @!p2 $0x0  }
0x101: {  	[tilespmem:s12], [sflag:$0xD] =	stream.linear.gather @!p2 [hbm4b:s10+s9], $0x100, $0x38;
	[tilespmem:$0x10B30] =	vst v63  }
0x102: {  	_ =	swait.ge @!p2 [sflag:s13], $0x100  }
0x103: {  	s10 =	simm.s32 @!p2 $0x80;
	[sflag:s13] =	ssyncset.done @!p2 $0x0;
	s20 =	rddreg [dreg:$0x7]  }
0x104: {  	[sflag:s13] =	ssyncadd.s32 @!p2 $0xFFFFFF00;
	s13 =	simm.s32 @!p2 $0x1E00;
	p1 =	sge.u32 s2, s20  }
0x105: {  	[tilespmem:s13], [sflag:$0x2] =	stream.indirect.gather @!p2 [hbm4b:s1+s10], $0x30, s12, s10, $0xb8;
	[tilespmem:$0x10B30] =	vst v63  }
0x106: {  	s9 =	simm.s32 @!p1 $0x3  }
0x107: {  	s24 =	sadd.s32 $0x100, s7;
	_ =	swait.ge @!p1 [sflag:s9], $0x1800  }
0x108: {  	s12 =	simm.s32 @!p1 $0x3600;
	s13 =	simm.s32 @!p1 $0x80;
	[sflag:s9] =	ssyncset.done @!p1 $0x0  }
0x109: {  	s14 =	simm.s32 @!p1 $0x280;
	[sflag:s9] =	ssyncadd.s32 @!p1 $0xFFFFE800;
	s9 =	simm.s32 @!p1 $0x9  }
0x10a: {  	[spmem:s3] =	stream.indirect.scatter.add.f32 @!p1 [tilespmem:s12], [sflag:$0x9], $0x30, s14, s13, $0xb8;
	[tilespmem:$0x10B30] =	vst v63  }
0x10b: {  	p2 =	sgt.u32 s24, $0x9C3;
	_ =	swait.ge @!p1 [sflag:s9], $0x1800  }
0x10c: {  	s10 =	sadd.s32 @!p2 $0xFFFFF400, s6;
	s12 =	simm.s32 @!p2 $0x200;
	[sflag:s9] =	ssyncset.done @!p1 $0x0  }
0x10d: {  	s13 =	simm.s32 @!p2 $0xD;
	[sflag:s9] =	ssyncadd.s32 @!p1 $0xFFFFE800;
	s9 =	simm.s32 @!p2 $0x0  }
0x10e: {  	[tilespmem:s12], [sflag:$0xD] =	stream.linear.gather @!p2 [hbm4b:s10+s9], $0x100, $0x38;
	[tilespmem:$0x10B30] =	vst v63  }
0x10f: {  	_ =	swait.ge @!p2 [sflag:s13], $0x100  }
0x110: {  	s10 =	simm.s32 @!p2 $0x80;
	[sflag:s13] =	ssyncset.done @!p2 $0x0;
	s14 =	rddreg [dreg:$0x8]  }
0x111: {  	[sflag:s13] =	ssyncadd.s32 @!p2 $0xFFFFFF00;
	s13 =	simm.s32 @!p2 $0x3600;
	p1 =	sge.u32 s2, s14  }
0x112: {  	[tilespmem:s13], [sflag:$0x3] =	stream.indirect.gather @!p2 [hbm4b:s1+s10], $0x30, s12, s10, $0xb8;
	[tilespmem:$0x10B30] =	vst v63  }
0x113: {  	s9 =	simm.s32 @!p1 $0x4  }
0x114: {  	s15 =	sadd.s32 $0x120, s7;
	_ =	swait.ge @!p1 [sflag:s9], $0x1800  }
0x115: {  	s12 =	simm.s32 @!p1 $0x4E00;
	s13 =	simm.s32 @!p1 $0x80;
	[sflag:s9] =	ssyncset.done @!p1 $0x0  }
0x116: {  	s14 =	simm.s32 @!p1 $0x380;
	[sflag:s9] =	ssyncadd.s32 @!p1 $0xFFFFE800;
	s9 =	simm.s32 @!p1 $0xA  }
0x117: {  	[spmem:s3] =	stream.indirect.scatter.add.f32 @!p1 [tilespmem:s12], [sflag:$0xA], $0x30, s14, s13, $0xb8;
	[tilespmem:$0x10B30] =	vst v63  }
0x118: {  	p2 =	sgt.u32 s15, $0x9C3;
	_ =	swait.ge @!p1 [sflag:s9], $0x1800  }
0x119: {  	s10 =	sadd.s32 @!p2 $0xFFFFF800, s6;
	s12 =	simm.s32 @!p2 $0x300;
	[sflag:s9] =	ssyncset.done @!p1 $0x0  }
0x11a: {  	s13 =	simm.s32 @!p2 $0xD;
	[sflag:s9] =	ssyncadd.s32 @!p1 $0xFFFFE800;
	s9 =	simm.s32 @!p2 $0x0  }
0x11b: {  	[tilespmem:s12], [sflag:$0xD] =	stream.linear.gather @!p2 [hbm4b:s10+s9], $0x100, $0x38;
	[tilespmem:$0x10B30] =	vst v63  }
0x11c: {  	_ =	swait.ge @!p2 [sflag:s13], $0x100  }
0x11d: {  	s10 =	simm.s32 @!p2 $0x80;
	[sflag:s13] =	ssyncset.done @!p2 $0x0;
	s16 =	rddreg [dreg:$0x9]  }
0x11e: {  	[sflag:s13] =	ssyncadd.s32 @!p2 $0xFFFFFF00;
	s13 =	simm.s32 @!p2 $0x4E00;
	p1 =	sge.u32 s2, s16  }
0x11f: {  	[tilespmem:s13], [sflag:$0x4] =	stream.indirect.gather @!p2 [hbm4b:s1+s10], $0x30, s12, s10, $0xb8;
	[tilespmem:$0x10B30] =	vst v63  }
0x120: {  	s9 =	simm.s32 @!p1 $0x5  }
0x121: {  	s17 =	sadd.s32 $0x140, s7;
	_ =	swait.ge @!p1 [sflag:s9], $0x1800  }
0x122: {  	s12 =	simm.s32 @!p1 $0x6600;
	s13 =	simm.s32 @!p1 $0x80;
	[sflag:s9] =	ssyncset.done @!p1 $0x0  }
0x123: {  	s14 =	simm.s32 @!p1 $0x480;
	[sflag:s9] =	ssyncadd.s32 @!p1 $0xFFFFE800;
	s9 =	simm.s32 @!p1 $0xB  }
0x124: {  	[spmem:s3] =	stream.indirect.scatter.add.f32 @!p1 [tilespmem:s12], [sflag:$0xB], $0x30, s14, s13, $0xb8;
	[tilespmem:$0x10B30] =	vst v63  }
0x125: {  	p2 =	sgt.u32 s17, $0x9C3;
	_ =	swait.ge @!p1 [sflag:s9], $0x1800  }
0x126: {  	s10 =	sadd.s32 @!p2 $0xFFFFFC00, s6;
	s12 =	simm.s32 @!p2 $0x400;
	[sflag:s9] =	ssyncset.done @!p1 $0x0  }
0x127: {  	s13 =	simm.s32 @!p2 $0xD;
	[sflag:s9] =	ssyncadd.s32 @!p1 $0xFFFFE800;
	s9 =	simm.s32 @!p2 $0x0  }
0x128: {  	[tilespmem:s12], [sflag:$0xD] =	stream.linear.gather @!p2 [hbm4b:s10+s9], $0x100, $0x38;
	[tilespmem:$0x10B30] =	vst v63  }
0x129: {  	_ =	swait.ge @!p2 [sflag:s13], $0x100  }
0x12a: {  	s10 =	simm.s32 @!p2 $0x80;
	[sflag:s13] =	ssyncset.done @!p2 $0x0;
	s20 =	rddreg [dreg:$0xa]  }
0x12b: {  	[sflag:s13] =	ssyncadd.s32 @!p2 $0xFFFFFF00;
	s13 =	simm.s32 @!p2 $0x6600;
	p1 =	sge.u32 s2, s20  }
0x12c: {  	[tilespmem:s13], [sflag:$0x5] =	stream.indirect.gather @!p2 [hbm4b:s1+s10], $0x30, s12, s10, $0xb8;
	[tilespmem:$0x10B30] =	vst v63  }
0x12d: {  	s2 =	simm.s32 @!p1 $0x6  }
0x12e: {  	s7 =	sadd.s32 $0x160, s7;
	_ =	swait.ge @!p1 [sflag:s2], $0x1800  }
0x12f: {  	s9 =	simm.s32 @!p1 $0x7E00;
	s10 =	simm.s32 @!p1 $0x80;
	[sflag:s2] =	ssyncset.done @!p1 $0x0  }
0x130: {  	s12 =	simm.s32 @!p1 $0x580;
	[sflag:s2] =	ssyncadd.s32 @!p1 $0xFFFFE800;
	s2 =	simm.s32 @!p1 $0xC  }
0x131: {  	[spmem:s3] =	stream.indirect.scatter.add.f32 @!p1 [tilespmem:s9], [sflag:$0xC], $0x30, s12, s10, $0xb8;
	[tilespmem:$0x10B30] =	vst v63  }
0x132: {  	p2 =	sgt.u32 s7, $0x9C3;
	_ =	swait.ge @!p1 [sflag:s2], $0x1800  }
0x133: {  	s7 =	simm.s32 @!p2 $0x0;
	[sflag:s2] =	ssyncset.done @!p1 $0x0  }
0x134: {  	s9 =	simm.s32 @!p2 $0x500;
	[sflag:s2] =	ssyncadd.s32 @!p1 $0xFFFFE800;
	s2 =	simm.s32 @!p2 $0xD  }
0x135: {  	[tilespmem:s9], [sflag:$0xD] =	stream.linear.gather @!p2 [hbm4b:s6+s7], $0x100, $0x38;
	[tilespmem:$0x10B30] =	vst v63  }
0x136: {  	_ =	swait.ge @!p2 [sflag:s2], $0x100  }
0x137: {  	[sflag:s2] =	ssyncset.done @!p2 $0x0  }
0x138: {  	s6 =	simm.s32 @!p2 $0x7E00;
	s7 =	simm.s32 @!p2 $0x80;
	[sflag:s2] =	ssyncadd.s32 @!p2 $0xFFFFFF00  }
0x139: {  	[tilespmem:s6], [sflag:$0x6] =	stream.indirect.gather @!p2 [hbm4b:s1+s7], $0x30, s9, s7, $0xb8;
	[tilespmem:$0x10B30] =	vst v63  }
0x13a: {  	[bflag:$0x0] =	sbarrier.arrive $0xFFFF  }
0x13b: {  	s24 =	rddreg [dreg:$0x14]  }
0x13c: {  	[hbm:s24], [sflag:s8] =	dma.local [spmem:s28], $0xEA0  }
0x13d: {  	s25 =	sadd.s32 $0x1, s25;
	_ =	swait.ge [sflag:s21], $0xEA0  }
0x13e: {  	p1 =	sne.s32 s25, s19;
	[sflag:s21] =	ssyncset.done $0x0  }
.Ltmp1:
0x13f: {  	s2 =	simm.s32 @!p0 $0xD;
	[sflag:s21] =	ssyncadd.s32 $0xFFFFF160;
	(pc) =	sbr.rel @p1 .LBB2_1-.Ltmp1, $4  }
0x140: {  	[hbm:s18], [sflag:s8] =	dma.local @!p0 [spmem:s30], $0x60  }
0x141: {  	_ =	swait.ge @!p0 [sflag:s2], $0x60  }
0x142: {  	[sflag:s2] =	ssyncset.done @!p0 $0x0  }
0x143: {  	[sflag:s2] =	ssyncadd.s32 @!p0 $0xFFFFFFA0  }
0x144: {  	_ =	sfence.sel $0x180000  }
0x145: {  	[bflag:$0x0] =	sbarrier.arrive $0xFFFF  }
0x146: {  	_ =	strace $0x9000004D  }
0x147: {  	s0 =	stileid.u32;
	[bflag:$0x2] =	sbarrier.arrive $0xFFFF  }
0x148: {  	p0 =	sne.s32 s0, $0x0;
	s0 =	rddreg [dreg:$0x4]  }
0x149: {  	s0 =	sadd.s32 @!p0 $0x100000, s0  }
0x14a: {  	[sflag:s0] =	ssyncadd.tile.s32 @!p0 $0x1;
	_ =	shalt  }
.Lfunc_end2:
_tile_overlayer_lowered:
.L_overlay_start_2:
0x14b: {  	(tag) =	ssettag $0x2  }
0x14c: {  	s0 =	rddreg [dreg:$0x0];
	s2 =	stileid.u32  }
0x14d: {  	s1 =	rddreg [dreg:$0x1];
	p0 =	sne.s32 s2, $0x0  }
0x14e: {  	s3 =	rddreg [dreg:$0x2];
	[bflag:$0x3] =	sbarrier.arrive $0xFFFF;
	s2 =	simm.s32 @!p0 $0x1C0D  }
0x14f: {  	[timem:s3], [sflag:s2] =	dma.local @!p0 [hbm:s0], s1  }
0x150: {  	s0 =	simm.s32 @!p0 $0xD  }
0x151: {  	_ =	swait.ge @!p0 [sflag:s0], s1  }
0x152: {  	s1 =	ssub.s32 @!p0 $0x0, s1;
	[sflag:s0] =	ssyncset.done @!p0 $0x0  }
0x153: {  	[sflag:s0] =	ssyncadd.s32 @!p0 s1  }
0x154: {  	[bflag:$0x3] =	sbarrier.arrive $0xFFFF  }
0x155: {  	_ =	shalt  }

// kernel: kernel.8.cloned.1.call-start
scs
__scs_entry_jumppad:
0x0: {  	(pc) =	sbr.rel $0x88, $3  }
0x1: {  	(tag) =	ssettag $0x0;
	lr =	simm.s32 $0x1  }
0x2: {  	[smem:$0x3F99] =	sst lr;
	_ =	strace $0xD0000000  }
0x3: {  	_ = 	snop  }
0x4: {  	_ = 	snop  }
0x5: {  	_ = 	snop  }
0x6: {  	_ = 	snop  }
0x7: {  	_ = 	snop  }
__scs_overlays_trampoline_lowered:
0x8: {  	[smem:$0x3FA8] =	sst s0  }
0x9: {  	[smem:$0x3FA9] =	sst s1  }
0xa: {  	[smem:$0x3FAA] =	sst s2  }
0xb: {  	[smem:$0x3FAB] =	sst s3  }
0xc: {  	[smem:$0x3FAC] =	sst s4  }
0xd: {  	[smem:$0x3FAD] =	sst s5  }
0xe: {  	[smem:$0x3FAE] =	sst s6  }
0xf: {  	[smem:$0x3FAF] =	sst s7  }
0x10: {  	[smem:$0x3FB0] =	sst s8  }
0x11: {  	[smem:$0x3FB1] =	sst s9;
	s0 =	simm.s32 @!p0 $0x0  }
0x12: {  	s1 =	sld [smem:$0x3F97];
	s0 =	simm.s32 @p0 $0x1  }
0x13: {  	[smem:$0x3FB2] =	sst s0;
	s0 =	simm.s32 @!p1 $0x0  }
0x14: {  	s2 =	sld [smem:$0x3F96];
	s0 =	simm.s32 @p1 $0x1  }
0x15: {  	[smem:$0x3FB3] =	sst s0;
	s0 =	simm.s32 @!p2 $0x0  }
0x16: {  	s3 =	sld [smem:$0x3FDB];
	s0 =	simm.s32 @p2 $0x1  }
0x17: {  	s4 =	simm.s32 $0x1BF5;
	[smem:$0x3FB5] =	sst s0  }
0x18: {  	s0 =	sld [smem:$0x3F98];
	_ =	swait.ge [sflag:s4], $0x0  }
0x19: {  	s7 =	sld [smem:$0x3F99]  }
0x1a: {  	s8 =	sadd.s32 $0xFFFFE003, lr  }
0x1b: {  	s9 =	sadd.s32 $0xFFFFFEF7, lr;
	s5 =	simm.s32 $0xFFFFFFFF;
	p2 =	slt.u32 s8, $0xFFFFF086  }
0x1c: {  	p1 =	slt.u32 s9, $0xF7A;
	s5 =	simm.s32 @!p2 $0x0  }
0x1d: {  	s5 =	simm.s32 @p1 $0x1;
	p0 =	seq.s32 s7, s2  }
0x1e: {  	s7 =	smul.u32 @!p0 $0xF7A, s2;
	p2 =	seq.s32 @!p0 s5, $0x0  }
0x1f: {  	s9 =	smul.u32 $0xF7A, s1;
	s8 =	simm.s32 @!p0 $0x1BF5;
	p2 =	por !p2, p0  }
0x20: {  	[sflag:s8] =	ssyncset.s32 @!p0 $0xFFFFF086;
	s6 =	sadd.s32 @!p0 s3, s7;
	s7 =	simm.s32 @!p0 $0x108  }
0x21: {  	s3 =	sadd.s32 s3, s9;
	s6 =	sadd.s32 @!p0 $0x88, s6;
	s7 =	simm.s32 @p2 $0x1082  }
0x22: {  	[simem:s7], [sflag:s8] =	dma.local @!p0 [hbm:s6], $0xF7A  }
0x23: {  	s9 =	sor.u32 $0xD0000000, s2;
	s6 =	simm.s32 $0x108;
	_ =	swait.ge @!p0 [sflag:s8], $0x0  }
0x24: {  	s3 =	sadd.s32 $0x88, s3;
	s6 =	simm.s32 @!p1 $0x1082;
	[sflag:s4] =	ssyncset.s32 $0xFFFFF086  }
0x25: {  	[simem:s6], [sflag:s4] =	dma.local [hbm:s3], $0xF7A  }
0x26: {  	[smem:$0x3F99] =	sst s1;
	(tag) =	ssettag s2;
	_ =	strace s9  }
0x27: {  	s1 =	sld [smem:$0x3FA9]  }
0x28: {  	s2 =	sld [smem:$0x3FAA]  }
0x29: {  	s4 =	sld [smem:$0x3FAC]  }
0x2a: {  	p0 =	seq.s32 s5, $0x0;
	s5 =	sld [smem:$0x3FAD]  }
0x2b: {  	s6 =	sld [smem:$0x3FAE]  }
0x2c: {  	s7 =	sld [smem:$0x3FAF]  }
0x2d: {  	s3 =	simm.s32 $0x108;
	s8 =	sld [smem:$0x3FB0]  }
0x2e: {  	s3 =	simm.s32 @!p0 $0x1082;
	s9 =	sld [smem:$0x3FB1]  }
0x2f: {  	lr =	sadd.s32 s0, s3;
	s0 =	sld [smem:$0x3FA8]  }
0x30: {  	s3 =	sld [smem:$0x3FAB]  }
0x31: {  	[smem:$0x3FB4] =	sst s10  }
0x32: {  	s10 =	sld [smem:$0x3FB2];
	_ =	sdelay $0x3  }
0x33: {  	p0 =	seq.s32 s10, $0x1;
	s10 =	sld [smem:$0x3FB4];
	_ =	sdelay $0x3  }
0x34: {  	[smem:$0x3FB4] =	sst s10  }
0x35: {  	s10 =	sld [smem:$0x3FB3];
	_ =	sdelay $0x3  }
0x36: {  	p1 =	seq.s32 s10, $0x1;
	s10 =	sld [smem:$0x3FB4];
	_ =	sdelay $0x3  }
0x37: {  	[smem:$0x3FB4] =	sst s10  }
0x38: {  	s10 =	sld [smem:$0x3FB5]  }
0x39: {  	_ = 	snop;
	(pc) =	sbr.ind lr, $3  }
0x3a: {  	_ = 	snop  }
0x3b: {  	_ = 	snop  }
0x3c: {  	p2 =	seq.s32 s10, $0x1;
	s10 =	sld [smem:$0x3FB4]  }
0x3d: {  	_ =	shalt  }
0x3e: {  	_ =	shalt  }
0x3f: {  	_ =	shalt  }
0x40: {  	_ =	shalt  }
0x41: {  	_ =	shalt  }
0x42: {  	_ =	shalt  }
0x43: {  	_ =	shalt  }
0x44: {  	_ =	shalt  }
0x45: {  	_ =	shalt  }
0x46: {  	_ =	shalt  }
0x47: {  	_ =	shalt  }
0x48: {  	_ =	shalt  }
0x49: {  	_ =	shalt  }
0x4a: {  	_ =	shalt  }
0x4b: {  	_ =	shalt  }
0x4c: {  	_ =	shalt  }
0x4d: {  	_ =	shalt  }
0x4e: {  	_ =	shalt  }
0x4f: {  	_ =	shalt  }
0x50: {  	_ =	shalt  }
0x51: {  	_ =	shalt  }
0x52: {  	_ =	shalt  }
0x53: {  	_ =	shalt  }
0x54: {  	_ =	shalt  }
0x55: {  	_ =	shalt  }
0x56: {  	_ =	shalt  }
0x57: {  	_ =	shalt  }
0x58: {  	_ =	shalt  }
0x59: {  	_ =	shalt  }
0x5a: {  	_ =	shalt  }
0x5b: {  	_ =	shalt  }
0x5c: {  	_ =	shalt  }
0x5d: {  	_ =	shalt  }
0x5e: {  	_ =	shalt  }
0x5f: {  	_ =	shalt  }
0x60: {  	_ =	shalt  }
0x61: {  	_ =	shalt  }
0x62: {  	_ =	shalt  }
0x63: {  	_ =	shalt  }
0x64: {  	_ =	shalt  }
0x65: {  	_ =	shalt  }
0x66: {  	_ =	shalt  }
0x67: {  	_ =	shalt  }
0x68: {  	_ =	shalt  }
0x69: {  	_ =	shalt  }
0x6a: {  	_ =	shalt  }
0x6b: {  	_ =	shalt  }
0x6c: {  	_ =	shalt  }
0x6d: {  	_ =	shalt  }
0x6e: {  	_ =	shalt  }
0x6f: {  	_ =	shalt  }
0x70: {  	_ =	shalt  }
0x71: {  	_ =	shalt  }
0x72: {  	_ =	shalt  }
0x73: {  	_ =	shalt  }
0x74: {  	_ =	shalt  }
0x75: {  	_ =	shalt  }
0x76: {  	_ =	shalt  }
0x77: {  	_ =	shalt  }
0x78: {  	_ =	shalt  }
0x79: {  	_ =	shalt  }
0x7a: {  	_ =	shalt  }
0x7b: {  	_ =	shalt  }
0x7c: {  	_ =	shalt  }
0x7d: {  	_ =	shalt  }
0x7e: {  	_ =	shalt  }
0x7f: {  	_ =	shalt  }
0x80: {  	_ =	shalt  }
0x81: {  	_ =	shalt  }
0x82: {  	_ =	shalt  }
0x83: {  	_ =	shalt  }
0x84: {  	_ =	shalt  }
0x85: {  	_ =	shalt  }
0x86: {  	_ =	shalt  }
0x87: {  	_ =	shalt  }
.Lfunc_end0:
.L_simem_size_0:
called_computation_lowered:
.L_overlay_start_0:
0x88: {  	s2 =	sld [smem:$0x3FD9]  }
0x89: {  	s3 =	sld [smem:$0x3FFE];
	_ =	sdelay $0x1  }
0x8a: {  	s1 =	srdreg.scid  }
0x8b: {  	s0 =	sand.u32 $0x1, s1  }
0x8c: {  	s17 =	sshll.u32 s0, $0xA;
	s2 =	sadd.s32 s3, s2  }
0x8d: {  	s2 =	sadd.s32 s2, s17  }
0x8e: {  	[smem:$0x3FC0] =	sst s2  }
0x8f: {  	_ = 	snop  }
0x90: {  	s2 =	sld [smem:$0x3FC8]  }
0x91: {  	s18 =	sld [smem:$0x3FD0];
	(tm) =	ssettm $0x1  }
0x92: {  	s4 =	sld [smem:$0x3FFB];
	_ =	sdelay $0x3  }
0x93: {  	_ =	strace s4  }
0x94: {  	s4 =	sld [smem:$0x3FFC];
	_ =	sdelay $0x3  }
0x95: {  	_ =	strace s4  }
0x96: {  	s4 =	sld [smem:$0x3FFD];
	_ =	sdelay $0x3  }
0x97: {  	_ =	strace s4  }
0x98: {  	_ =	strace $0x8FFFFFFF  }
0x99: {  	s19 =	sld [smem:$0x3FDB];
	_ =	sdelay $0x1  }
0x9a: {  	s5 =	simm.s32 $_scs_section_size  }
0x9b: {  	s6 =	simm.s32 $_size__tile_overlayer_lowered;
	s7 =	simm.s32 $_tile_overlayer_lowered  }
0x9c: {  	s22 =	simm.s32 $0x1BFF;
	s21 =	sshll.u32 s7, $0x1;
	s4 =	sadd.s32 s5, s19  }
0x9d: {  	s8 =	simm.s32 $0x0;
	s20 =	sshll.u32 s6, $0x1;
	s6 =	sadd.s32 s21, s4  }
0x9e: {  	[timem:s8], [sflag:s22] =	dma.local [hbm:s6], s20  }
0x9f: {  	_ =	swait.ge [sflag:s22], s20  }
0xa0: {  	s5 =	ssub.s32 $0x0, s20;
	[sflag:s22] =	ssyncset.done $0x0  }
0xa1: {  	[sflag:s22] =	ssyncadd.s32 s5;
	_ =	sdelay $0x1  }
0xa2: {  	s23 =	simm.s32 $0x1B8B  }
0xa3: {  	_ =	swait.ge [sflag:s23], $0x1  }
0xa4: {  	[sflag:s23] =	ssyncset.done $0x0  }
0xa5: {  	s25 =	simm.s32 $0x1B8E;
	s24 =	sld [smem:$0x3FFE];
	[sflag:s23] =	ssyncadd.s32 $0xFFFFFFFF  }
0xa6: {  	s26 =	simm.s32 $execute0_lowered;
	[smem:$0x3FD2] =	sst s25  }
0xa7: {  	s6 =	sshll.u32 s26, $0x1;
	_ =	strace $0x80000046;
	[dreg:$0x1] =	wrdreg $0xFFFFFFFF  }
0xa8: {  	s28 =	simm.s32 $_size_execute0_lowered;
	s4 =	sadd.s32 s4, s6;
	[dreg:$0x0] =	wrdreg $0x0  }
0xa9: {  	s6 =	sshll.u32 s28, $0x1;
	[dreg:$0x2] =	wrdreg s4  }
0xaa: {  	[dreg:$0x3] =	wrdreg s6  }
0xab: {  	[dreg:$0x4] =	wrdreg $0xC0  }
0xac: {  	_ =	task [dreg:s8], $0x5FFFF  }
0xad: {  	[dreg:$0x1] =	wrdreg $0xFFFFFFFF  }
0xae: {  	[dreg:$0x0] =	wrdreg $0x60  }
0xaf: {  	[dreg:$0x2] =	wrdreg s2  }
0xb0: {  	[dreg:$0x3] =	wrdreg s24  }
0xb1: {  	[dreg:$0x4] =	wrdreg s18  }
0xb2: {  	[dreg:$0x5] =	wrdreg $0x8E000  }
0xb3: {  	[dreg:$0x6] =	wrdreg $0xB5100  }
0xb4: {  	[dreg:$0x7] =	wrdreg $0x9  }
0xb5: {  	_ =	task.clear_ibuf [dreg:s8], $0x8FFFF;
	_ =	strace $0x90000046  }
0xb6: {  	s29 =	simm.s32 $0x9;
	_ =	strace $0x80000048  }
0xb7: {  	_ =	swait.ge [sflag:s29], $0x1  }
0xb8: {  	[sflag:s29] =	ssyncadd.s32 $0xFFFFFFFF  }
0xb9: {  	_ =	strace $0x90000048  }
0xba: {  	_ =	sfence  }
0xbb: {  	s30 =	sld [smem:$0x0];
	_ =	sdelay $0x2  }
0xbc: {  	s31 =	sshll.u32 s1, $0xD;
	s1 =	sshrl.u32 s1, $0x2  }
0xbd: {  	s3 =	sand.u32 $0x4000, s31;
	s1 =	sadd.s32 s1, s30  }
0xbe: {  	s0 =	sor.u32 s3, s0;
	s1 =	sshll.u32 s1, $0x11  }
0xbf: {  	s0 =	sor.u32 s1, s0  }
0xc0: {  	s0 =	sadd.s32 $0x8F2B, s0  }
0xc1: {  	[sflag:s0] =	ssyncadd.remote.s32 $0x1  }
0xc2: {  	_ =	sfence.sel $0xFFFF  }
0xc3: {  	[dreg:$0x0] =	wrdreg $0xFFFFFFFF;
	(pc) =	sbr.abs _section_cstart, $3  }
0xc4: {  	[dreg:$0x1] =	wrdreg $0xFFFFFFFF  }
0xc5: {  	_ =	task.clear_ibuf [dreg:s8], $0x2FFFF;
	_ =	strace $0x9FFFFFFF  }
0xc6: {  	(tm) =	ssettm $0x7FFFFFFF  }
0xc7: {  	_ =	shalt  }
tec
execute0_lowered:
.L_overlay_start_1:
0x0: {  	(tag) =	ssettag $0x1  }
0x1: {  	s0 =	rddreg [dreg:$0x0]  }
0x2: {  	s4 =	rddreg [dreg:$0x1]  }
0x3: {  	s5 =	rddreg [dreg:$0x2]  }
0x4: {  	s1 =	rddreg [dreg:$0x3]  }
0x5: {  	s2 =	rddreg [dreg:$0x4]  }
0x6: {  	s3 =	simm.s32 $0x0;
	s6 =	srdreg.scid;
	s17 =	stileid.u32  }
0x7: {  	s29 =	simm.s32 $0x5A00;
	s30 =	simm.s32 $0x0;
	[smem:$0x7FF] =	sst s3  }
0x8: {  	s19 =	sand.u32 $0x1, s6;
	s21 =	sadd.s32 $0x2600, s4;
	s11 =	smul.u32 $0x2700, s17  }
0x9: {  	s6 =	sadd.s32 $0x2800, s4;
	s12 =	sadd.s32 $0x27000, s1;
	s13 =	sadd.s32 $0x4E00, s5  }
0xa: {  	s14 =	sadd.s32 $0x27000, s2;
	s26 =	sshll.u32 s17, $0x5;
	p0 =	sne.s32 s17, $0xF  }
0xb: {  	s31 =	sshll.u32 s17, $0x6;
	_ =	strace $0x80000047;
	s7 =	ssub.s32 $0x2, s19  }
0xc: {  	[dreg:$0x6] =	wrdreg s21;
	s23 =	sshll.u32 s19, $0x4;
	s16 =	smul.u32 $0x138800, s19  }
0xd: {  	s25 =	sshll.u32 s19, $0x9;
	s8 =	sshrl.u32 s7, $0x1;
	s10 =	sshrl.u32 s11, $0x3  }
0xe: {  	s9 =	sadd.s32 s11, s1;
	s11 =	sadd.s32 s11, s2;
	s22 =	ssub.s32 s7, s8  }
0xf: {  	s7 =	sor.u32 s17, s23;
	s8 =	smul.u32 $0x270, s17;
	s10 =	sadd.s32 s5, s10  }
0x10: {  	s20 =	sshrl.u32 s16, $0x3;
	s23 =	simm.s32 $0x5;
	s24 =	sshll.u32 s7, $0x5  }
.Ltmp0:
0x11: {  	s18 =	ssub.s32 $0x9C4, s7;
	s19 =	ssub.s32 $0x9A4, s7;
	(pc) =	sbr.rel .LBB2_1-.Ltmp0, $4  }
0x12: {  	s20 =	sadd.s32 s6, s20;
	s4 =	smax.u32 s22, $0x1;
	s15 =	sadd.s32 s0, s24  }
0x13: {  	s0 =	sadd.s32 s25, s0;
	s28 =	sadd.s32 $0x27000, s20;
	[dreg:$0x9] =	wrdreg s4  }
0x14: {  	s5 =	sadd.s32 $0x400, s15;
	s0 =	sadd.s32 s26, s0;
	[dreg:$0x8] =	wrdreg s28  }
0x15: {  	s24 =	sor.u32 $0x1C05, s31;
	[dreg:$0x7] =	wrdreg s5;
	s25 =	sadd.s32 $0xC00, s0  }
.LBB2_11:
0x16: {  	s30 =	sadd.s32 $0x1, s30;
	s0 =	rddreg [dreg:$0x9]  }
0x17: {  	p1 =	sne.s32 s30, s0  }
.Ltmp1:
0x18: {  	_ = 	snop;
	(pc) =	sbr.rel @!p1 .LBB2_12-.Ltmp1, $1  }
0x19: {  	_ =	sdelay $0x3  }
.LBB2_1:
0x1a: {  	s0 =	rddreg [dreg:$0x6]  }
0x1b: {  	[tilespmem:s3], [sflag:$0x5] =	stream.linear.gather [hbm4b:s0+s3], $0x800, $0x38;
	[tilespmem:$0xDC20] =	vst v63  }
0x1c: {  	_ =	swait.ge [sflag:s23], $0x800  }
0x1d: {  	[sflag:s23] =	ssyncset.done $0x0  }
0x1e: {  	s26 =	sshrl.u32 s9, $0x3;
	[sflag:s23] =	ssyncadd.s32 $0xFFFFF800  }
0x1f: {  	[spmem:s26], [sflag:s24] =	dma.local [hbm:s10], $0x4E0  }
0x20: {  	_ =	swait.ge [sflag:s23], $0x4E0  }
0x21: {  	[sflag:s23] =	ssyncset.done $0x0  }
0x22: {  	s4 =	sshrl.u32 s11, $0x3;
	[sflag:s23] =	ssyncadd.s32 $0xFFFFFB20  }
0x23: {  	[spmem:s4], [sflag:s24] =	dma.local [hbm:s10], $0x4E0  }
0x24: {  	_ =	swait.ge [sflag:s23], $0x4E0  }
0x25: {  	[sflag:s23] =	ssyncset.done $0x0  }
0x26: {  	s0 =	sshrl.u32 @!p0 s12, $0x3;
	[sflag:s23] =	ssyncadd.s32 $0xFFFFFB20  }
0x27: {  	[spmem:s0], [sflag:s24] =	dma.local @!p0 [hbm:s13], $0x20  }
0x28: {  	s0 =	simm.s32 @!p0 $0x5  }
0x29: {  	_ =	swait.ge @!p0 [sflag:s0], $0x20  }
0x2a: {  	[sflag:s0] =	ssyncset.done @!p0 $0x0  }
0x2b: {  	s4 =	sshrl.u32 @!p0 s14, $0x3;
	[sflag:s0] =	ssyncadd.s32 @!p0 $0xFFFFFFE0  }
0x2c: {  	[spmem:s4], [sflag:s24] =	dma.local @!p0 [hbm:s13], $0x20  }
0x2d: {  	_ =	swait.ge @!p0 [sflag:s0], $0x20  }
0x2e: {  	[sflag:s0] =	ssyncset.done @!p0 $0x0  }
0x2f: {  	p1 =	sle.u32 s18, $0x0;
	[sflag:s0] =	ssyncadd.s32 @!p0 $0xFFFFFFE0  }
0x30: {  	s5 =	simm.s32 $0x800;
	p1 =	por p1, p1;
	[bflag:$0x0] =	sbarrier.arrive $0xFFFF  }
0x31: {  	[tilespmem:s5], [sflag:$0x1] =	stream.linear.gather [hbm4b:s15+s3], $0x100, $0x38;
	[tilespmem:$0xDC20] =	vst v63  }
0x32: {  	s20 =	simm.s32 $0x900;
	s0 =	simm.s32 @!p1 $0x1;
	s17 =	rddreg [dreg:$0x7]  }
0x33: {  	[tilespmem:s20], [sflag:$0x2] =	stream.linear.gather [hbm4b:s17+s3], $0x100, $0x38;
	[tilespmem:$0xDC20] =	vst v63  }
0x34: {  	_ =	swait.ge @!p1 [sflag:s0], $0x100  }
0x35: {  	s4 =	simm.s32 @!p1 $0x0;
	[sflag:s0] =	ssyncset.done @!p1 $0x0  }
0x36: {  	s5 =	simm.s32 @!p1 $0x800;
	[sflag:s0] =	ssyncadd.s32 @!p1 $0xFFFFFF00;
	s0 =	simm.s32 @!p1 $0x80  }
0x37: {  	[spmem:s1] =	stream.indirect.scatter.add.f32 @!p1 [tilespmem:s4], [sflag:$0x3], $0x10, s5, s0, $0xb8;
	[tilespmem:$0xDC20] =	vst v63  }
0x38: {  	s20 =	simm.s32 @!p1 $0x3;
	s5 =	simm.s32 @!p1 $0x880  }
0x39: {  	[spmem:s2] =	stream.indirect.scatter.add.f32 @!p1 [tilespmem:s4], [sflag:$0x3], $0x10, s5, s0, $0xb8;
	[tilespmem:$0xDC20] =	vst v63  }
0x3a: {  	_ =	swait.ge @!p1 [sflag:s20], $0x800  }
0x3b: {  	s21 =	sadd.s32 $0x0, s7;
	[sflag:s20] =	ssyncset.done @!p1 $0x0  }
0x3c: {  	s26 =	sadd.s32 $0x40, s21;
	[sflag:s20] =	ssyncadd.s32 @!p1 $0xFFFFF800  }
0x3d: {  	p2 =	sle.u32 s19, $0x0;
	p3 =	sgt.u32 s26, $0x9C3;
	_ =	swait.ge @!p1 [sflag:s20], $0x800  }
0x3e: {  	s22 =	simm.s32 @!p2 $0x2;
	s0 =	sadd.s32 @!p3 $0xFFFFFC00, s25;
	[sflag:s20] =	ssyncset.done @!p1 $0x0  }
0x3f: {  	s4 =	simm.s32 @!p3 $0x0;
	[sflag:s20] =	ssyncadd.s32 @!p1 $0xFFFFF800;
	s20 =	simm.s32 @!p3 $0x800  }
0x40: {  	[tilespmem:s20], [sflag:$0x1] =	stream.linear.gather @!p3 [hbm4b:s0+s4], $0x100, $0x38;
	[tilespmem:$0xDC20] =	vst v63  }
0x41: {  	_ =	swait.ge @!p2 [sflag:s22], $0x100  }
0x42: {  	s0 =	simm.s32 @!p2 $0x0;
	[sflag:s22] =	ssyncset.done @!p2 $0x0  }
0x43: {  	s4 =	simm.s32 @!p2 $0x80;
	s20 =	simm.s32 @!p2 $0x900;
	[sflag:s22] =	ssyncadd.s32 @!p2 $0xFFFFFF00  }
0x44: {  	[spmem:s1] =	stream.indirect.scatter.add.f32 @!p2 [tilespmem:s0], [sflag:$0x4], $0x10, s20, s4, $0xb8;
	[tilespmem:$0xDC20] =	vst v63  }
0x45: {  	p6 =	sle.u32 s18, $0x40;
	s26 =	simm.s32 @!p2 $0x4;
	s20 =	simm.s32 @!p2 $0x980  }
0x46: {  	[spmem:s2] =	stream.indirect.scatter.add.f32 @!p2 [tilespmem:s0], [sflag:$0x4], $0x10, s20, s4, $0xb8;
	[tilespmem:$0xDC20] =	vst v63  }
0x47: {  	s31 =	sadd.s32 $0x800, s25;
	s5 =	sadd.s32 $0x60, s21;
	_ =	swait.ge @!p2 [sflag:s26], $0x800  }
0x48: {  	p5 =	sgt.u32 s5, $0x9C3;
	p1 =	por p6, p6;
	[sflag:s26] =	ssyncset.done @!p2 $0x0  }
0x49: {  	s5 =	simm.s32 @!p5 $0x900;
	s28 =	simm.s32 @!p1 $0x1;
	[sflag:s26] =	ssyncadd.s32 @!p2 $0xFFFFF800  }
0x4a: {  	s22 =	smov.u32 s25;
	s0 =	simm.s32 $0x40;
	_ =	swait.ge @!p2 [sflag:s26], $0x800  }
0x4b: {  	s4 =	simm.s32 $0x80;
	s20 =	simm.s32 @!p5 $0x0;
	[sflag:s26] =	ssyncset.done @!p2 $0x0  }
.LBB2_2:
0x4c: {  	p4 =	sge.u32 s4, s18  }
0x4d: {  	[sflag:s26] =	ssyncadd.s32 @!p2 $0xFFFFF800;
	s26 =	smov.u32 s4;
	s4 =	sadd.s32 $0x40, s4  }
0x4e: {  	[tilespmem:s5], [sflag:$0x2] =	stream.linear.gather @!p5 [hbm4b:s22+s20], $0x100, $0x38;
	[tilespmem:$0xDC20] =	vst v63  }
0x4f: {  	p3 =	sne.s32 s4, $0xA00;
	s22 =	smov.u32 s31;
	_ =	swait.ge @!p1 [sflag:s28], $0x100  }
0x50: {  	s5 =	simm.s32 @!p1 $0x0;
	[sflag:s28] =	ssyncset.done @!p1 $0x0  }
0x51: {  	s20 =	simm.s32 @!p1 $0x80;
	[sflag:s28] =	ssyncadd.s32 @!p1 $0xFFFFFF00;
	s28 =	simm.s32 @!p1 $0x800  }
0x52: {  	[spmem:s1] =	stream.indirect.scatter.add.f32 @!p1 [tilespmem:s5], [sflag:$0x3], $0x10, s28, s20, $0xb8;
	[tilespmem:$0xDC20] =	vst v63  }
0x53: {  	s17 =	simm.s32 @!p1 $0x3;
	s28 =	simm.s32 @!p1 $0x880  }
0x54: {  	[spmem:s2] =	stream.indirect.scatter.add.f32 @!p1 [tilespmem:s5], [sflag:$0x3], $0x10, s28, s20, $0xb8;
	[tilespmem:$0xDC20] =	vst v63  }
0x55: {  	_ =	swait.ge @!p1 [sflag:s17], $0x800  }
0x56: {  	[sflag:s17] =	ssyncset.done @!p1 $0x0  }
0x57: {  	s5 =	sadd.s32 s0, s7;
	[sflag:s17] =	ssyncadd.s32 @!p1 $0xFFFFF800  }
0x58: {  	s20 =	sadd.s32 $0x40, s5;
	s5 =	sadd.s32 $0x60, s5;
	_ =	swait.ge @!p1 [sflag:s17], $0x800  }
0x59: {  	p2 =	sge.u32 s0, s19;
	p5 =	sgt.u32 s20, $0x9C3;
	[sflag:s17] =	ssyncset.done @!p1 $0x0  }
0x5a: {  	s20 =	simm.s32 @!p5 $0x0;
	[sflag:s17] =	ssyncadd.s32 @!p1 $0xFFFFF800;
	s17 =	sadd.s32 @!p5 $0xFFFFFC00, s31  }
0x5b: {  	s21 =	simm.s32 @!p2 $0x2;
	s0 =	smov.u32 s26;
	s28 =	simm.s32 @!p5 $0x800  }
0x5c: {  	[tilespmem:s28], [sflag:$0x1] =	stream.linear.gather @!p5 [hbm4b:s17+s20], $0x100, $0x38;
	[tilespmem:$0xDC20] =	vst v63  }
0x5d: {  	p1 =	por p4, p4;
	s17 =	simm.s32 @!p2 $0x0;
	_ =	swait.ge @!p2 [sflag:s21], $0x100  }
0x5e: {  	s26 =	simm.s32 @!p2 $0x900;
	s20 =	simm.s32 @!p2 $0x80;
	[sflag:s21] =	ssyncset.done @!p2 $0x0  }
0x5f: {  	[sflag:s21] =	ssyncadd.s32 @!p2 $0xFFFFFF00;
	s21 =	simm.s32 @!p2 $0x980  }
0x60: {  	[spmem:s1] =	stream.indirect.scatter.add.f32 @!p2 [tilespmem:s17], [sflag:$0x4], $0x10, s26, s20, $0xb8;
	[tilespmem:$0xDC20] =	vst v63  }
0x61: {  	s26 =	simm.s32 @!p2 $0x4  }
0x62: {  	[spmem:s2] =	stream.indirect.scatter.add.f32 @!p2 [tilespmem:s17], [sflag:$0x4], $0x10, s21, s20, $0xb8;
	[tilespmem:$0xDC20] =	vst v63  }
.Ltmp2:
0x63: {  	_ =	swait.ge @!p2 [sflag:s26], $0x800;
	(pc) =	sbr.rel @p3 .LBB2_2-.Ltmp2, $4  }
0x64: {  	[sflag:s26] =	ssyncset.done @!p2 $0x0  }
0x65: {  	s31 =	sadd.s32 $0x800, s31;
	[sflag:s26] =	ssyncadd.s32 @!p2 $0xFFFFF800  }
0x66: {  	s28 =	simm.s32 @!p1 $0x1;
	p5 =	sgt.u32 s5, $0x9C3;
	_ =	swait.ge @!p2 [sflag:s26], $0x800  }
0x67: {  	s5 =	simm.s32 @!p5 $0x900;
	s20 =	simm.s32 @!p5 $0x0;
	[sflag:s26] =	ssyncset.done @!p2 $0x0  }
0x68: {  	[sflag:s26] =	ssyncadd.s32 @!p2 $0xFFFFF800  }
0x69: {  	[tilespmem:s5], [sflag:$0x2] =	stream.linear.gather @!p5 [hbm4b:s22+s20], $0x100, $0x38;
	[tilespmem:$0xDC20] =	vst v63  }
0x6a: {  	_ =	swait.ge @!p1 [sflag:s28], $0x100  }
0x6b: {  	s4 =	simm.s32 @!p1 $0x0;
	[sflag:s28] =	ssyncset.done @!p1 $0x0  }
0x6c: {  	s17 =	simm.s32 @!p1 $0x800;
	s5 =	simm.s32 @!p1 $0x80;
	[sflag:s28] =	ssyncadd.s32 @!p1 $0xFFFFFF00  }
0x6d: {  	[spmem:s1] =	stream.indirect.scatter.add.f32 @!p1 [tilespmem:s4], [sflag:$0x3], $0x10, s17, s5, $0xb8;
	[tilespmem:$0xDC20] =	vst v63  }
0x6e: {  	s20 =	simm.s32 @!p1 $0x3;
	s17 =	simm.s32 @!p1 $0x880  }
0x6f: {  	[spmem:s2] =	stream.indirect.scatter.add.f32 @!p1 [tilespmem:s4], [sflag:$0x3], $0x10, s17, s5, $0xb8;
	[tilespmem:$0xDC20] =	vst v63  }
0x70: {  	_ =	swait.ge @!p1 [sflag:s20], $0x800  }
0x71: {  	s22 =	sadd.s32 s0, s7;
	[sflag:s20] =	ssyncset.done @!p1 $0x0  }
0x72: {  	s26 =	sadd.s32 $0x40, s22;
	[sflag:s20] =	ssyncadd.s32 @!p1 $0xFFFFF800  }
0x73: {  	p2 =	sge.u32 s0, s19;
	p3 =	sgt.u32 s26, $0x9C3;
	_ =	swait.ge @!p1 [sflag:s20], $0x800  }
0x74: {  	s0 =	sadd.s32 @!p3 $0xFFFFFC00, s31;
	s5 =	simm.s32 @!p3 $0x0;
	[sflag:s20] =	ssyncset.done @!p1 $0x0  }
0x75: {  	s17 =	simm.s32 @!p3 $0x800;
	[sflag:s20] =	ssyncadd.s32 @!p1 $0xFFFFF800;
	s20 =	simm.s32 @!p2 $0x2  }
0x76: {  	[tilespmem:s17], [sflag:$0x1] =	stream.linear.gather @!p3 [hbm4b:s0+s5], $0x100, $0x38;
	[tilespmem:$0xDC20] =	vst v63  }
0x77: {  	_ =	swait.ge @!p2 [sflag:s20], $0x100  }
0x78: {  	s0 =	simm.s32 @!p2 $0x0;
	[sflag:s20] =	ssyncset.done @!p2 $0x0  }
0x79: {  	s5 =	simm.s32 @!p2 $0x80;
	s17 =	simm.s32 @!p2 $0x900;
	[sflag:s20] =	ssyncadd.s32 @!p2 $0xFFFFFF00  }
0x7a: {  	[spmem:s1] =	stream.indirect.scatter.add.f32 @!p2 [tilespmem:s0], [sflag:$0x4], $0x10, s17, s5, $0xb8;
	[tilespmem:$0xDC20] =	vst v63  }
0x7b: {  	s20 =	simm.s32 @!p2 $0x4;
	s17 =	simm.s32 @!p2 $0x980  }
0x7c: {  	[spmem:s2] =	stream.indirect.scatter.add.f32 @!p2 [tilespmem:s0], [sflag:$0x4], $0x10, s17, s5, $0xb8;
	[tilespmem:$0xDC20] =	vst v63  }
0x7d: {  	_ =	swait.ge @!p2 [sflag:s20], $0x800  }
0x7e: {  	[sflag:s20] =	ssyncset.done @!p2 $0x0  }
0x7f: {  	[sflag:s20] =	ssyncadd.s32 @!p2 $0xFFFFF800  }
0x80: {  	s28 =	sadd.s32 $0x60, s22;
	_ =	swait.ge @!p2 [sflag:s20], $0x800  }
0x81: {  	p1 =	sgt.u32 s28, $0x9C3;
	[sflag:s20] =	ssyncset.done @!p2 $0x0  }
0x82: {  	s4 =	simm.s32 @!p1 $0x900;
	s0 =	simm.s32 @!p1 $0x0;
	[sflag:s20] =	ssyncadd.s32 @!p2 $0xFFFFF800  }
0x83: {  	[tilespmem:s4], [sflag:$0x2] =	stream.linear.gather @!p1 [hbm4b:s31+s0], $0x100, $0x38;
	[tilespmem:$0xDC20] =	vst v63  }
0x84: {  	s31 =	simm.s32 $0xA00;
	[bflag:$0x0] =	sbarrier.arrive $0xFFFF  }
0x85: {  	[tilespmem:s31], [sflag:$0x5] =	stream.linear.gather [spmem:s9], $0x2700, $0x38;
	[tilespmem:$0xDC20] =	vst v63  }
0x86: {  	_ =	swait.ge [sflag:s23], $0x2700  }
0x87: {  	[sflag:s23] =	ssyncset.done $0x0  }
0x88: {  	s0 =	simm.s32 @p0 $0x3200;
	[sflag:s23] =	ssyncadd.s32 $0xFFFFD900  }
0x89: {  	[tilespmem:s0], [sflag:$0x5] =	stream.linear.gather @p0 [spmem:s11], $0x2700, $0x38;
	[tilespmem:$0xDC20] =	vst v63  }
0x8a: {  	s0 =	simm.s32 @p0 $0x5  }
0x8b: {  	_ =	swait.ge @p0 [sflag:s0], $0x2700  }
0x8c: {  	[sflag:s0] =	ssyncset.done @p0 $0x0  }
0x8d: {  	[sflag:s0] =	ssyncadd.s32 @p0 $0xFFFFD900;
	s0 =	simm.s32 @!p0 $0x3100  }
0x8e: {  	[tilespmem:s0], [sflag:$0x5] =	stream.linear.gather @!p0 [spmem:s12], $0x100, $0x38;
	[tilespmem:$0xDC20] =	vst v63  }
0x8f: {  	s0 =	simm.s32 @!p0 $0x5  }
0x90: {  	_ =	swait.ge @!p0 [sflag:s0], $0x100  }
0x91: {  	[sflag:s0] =	ssyncset.done @!p0 $0x0  }
0x92: {  	s4 =	simm.s32 @!p0 $0x3200;
	[sflag:s0] =	ssyncadd.s32 @!p0 $0xFFFFFF00  }
0x93: {  	[tilespmem:s4], [sflag:$0x5] =	stream.linear.gather @!p0 [spmem:s11], $0x2700, $0x38;
	[tilespmem:$0xDC20] =	vst v63  }
0x94: {  	_ =	swait.ge @!p0 [sflag:s0], $0x2700  }
0x95: {  	[sflag:s0] =	ssyncset.done @!p0 $0x0  }
0x96: {  	s4 =	simm.s32 @!p0 $0x5900;
	[sflag:s0] =	ssyncadd.s32 @!p0 $0xFFFFD900  }
0x97: {  	[tilespmem:s4], [sflag:$0x5] =	stream.linear.gather @!p0 [spmem:s14], $0x100, $0x38;
	[tilespmem:$0xDC20] =	vst v63  }
0x98: {  	_ =	swait.ge @!p0 [sflag:s0], $0x100  }
0x99: {  	s22 =	simm.s32 $0x3200;
	[sflag:s0] =	ssyncset.done @!p0 $0x0  }
0x9a: {  	s4 =	simm.s32 $0xA00;
	[sflag:s0] =	ssyncadd.s32 @!p0 $0xFFFFFF00;
	s0 =	simm.s32 $0x0  }
.LBB2_4:
0x9b: {  	v1 =	vmov s4  }
0x9c: {  	v2 =	vmov s22;
	_ =	sdelay $0x2  }
0x9d: {  	s5 =	simm.s32 $0x0  }
0x9e: {  	s26 =	smul.u32 $0x68, s0;
	v3 =	vld.idx.msk [tilespmem:v1+s5+$0x0 ss:$0x1], $0xffff  }
0x9f: {  	s31 =	simm.s32 $0x5A40;
	s28 =	simm.s32 $0x40;
	s20 =	simm.s32 $0x5A40;
	v0 =	vld.idx.msk [tilespmem:v2+s5+$0x0 ss:$0x1], $0xffff  }
.LBB2_5:
0xa0: {  	_ =	sdelay $0x1  }
0xa1: {  	p1 =	sne.s32 s28, $0x19C0  }
0xa2: {  	s20 =	sadd.s32 $0x80, s20;
	s5 =	smov.u32 s28;
	s28 =	sadd.s32 $0x40, s28;
	[tilespmem:s31+$0xFFFFFFC0] =	vst v3  }
0xa3: {  	[tilespmem:s31+$0xFFFFFFF0] =	vst v3  }
0xa4: {  	[tilespmem:s31+$0xFFFFFFE0] =	vst v3  }
0xa5: {  	[tilespmem:s31+$0xFFFFFFD0] =	vst v3  }
0xa6: {  	[tilespmem:s31+$0x30] =	vst v0  }
.Ltmp3:
0xa7: {  	[tilespmem:s31+$0x20] =	vst v0;
	(pc) =	sbr.rel @p1 .LBB2_5-.Ltmp3, $4  }
0xa8: {  	[tilespmem:s31+$0x0] =	vst v0  }
0xa9: {  	s5 =	sshra.s32 s5, $0x2;
	[tilespmem:s31+$0x10] =	vst v0;
	s31 =	smov.u32 s20  }
0xaa: {  	v3 =	vld.idx.msk [tilespmem:v1+s5+$0x0 ss:$0x1], $0xffff  }
0xab: {  	v0 =	vld.idx.msk [tilespmem:v2+s5+$0x0 ss:$0x1], $0xffff  }
0xac: {  	_ =	sdelay $0x2  }
0xad: {  	[tilespmem:s31+$0xFFFFFFC0] =	vst v3  }
0xae: {  	[tilespmem:s31+$0xFFFFFFF0] =	vst v3  }
0xaf: {  	[tilespmem:s31+$0xFFFFFFE0] =	vst v3  }
0xb0: {  	s5 =	sadd.s32 s8, s26;
	[tilespmem:s31+$0xFFFFFFD0] =	vst v3  }
0xb1: {  	s5 =	sshll.u32 s5, $0x7;
	[tilespmem:s31+$0x30] =	vst v0  }
0xb2: {  	s0 =	sadd.s32 $0x1, s0;
	s5 =	sadd.s32 s16, s5;
	[tilespmem:s31+$0x20] =	vst v0  }
0xb3: {  	p1 =	sne.s32 s0, $0x6;
	s5 =	sshrl.u32 s5, $0x3;
	[tilespmem:s31+$0x0] =	vst v0  }
.Ltmp4:
0xb4: {  	[tilespmem:s31+$0x10] =	vst v0;
	s5 =	sadd.s32 s6, s5;
	(pc) =	sbr.rel @p1 .LBB2_4-.Ltmp4, $4  }
0xb5: {  	[hbm4b:s5+s3] =	stream.linear.scatter [tilespmem:s29], [sflag:$0x5], $0x3400, $0x38;
	[tilespmem:$0xDC20] =	vst v63  }
0xb6: {  	_ =	swait.ge [sflag:s23], $0x3400  }
0xb7: {  	[sflag:s23] =	ssyncset.done $0x0  }
0xb8: {  	s4 =	sadd.s32 $0x680, s4;
	s22 =	sadd.s32 $0x680, s22;
	[sflag:s23] =	ssyncadd.s32 $0xFFFFCC00  }
.Ltmp5:
0xb9: {  	(pc) =	sbr.rel @p0 .LBB2_11-.Ltmp5, $1  }
0xba: {  	_ =	sdelay $0x3  }
0xbb: {  	s5 =	simm.s32 $0x0  }
0xbc: {  	v1 =	vld [tilespmem:s5+$0x3100]  }
0xbd: {  	s0 =	simm.s32 $0x5A40;
	s4 =	simm.s32 $0x40;
	s20 =	simm.s32 $0x5A40;
	v0 =	vld [tilespmem:s5+$0x5900]  }
.LBB2_9:
0xbe: {  	_ =	sdelay $0x1  }
0xbf: {  	p1 =	sne.s32 s4, $0x3C0  }
0xc0: {  	s20 =	sadd.s32 $0x80, s20;
	s5 =	smov.u32 s4;
	s4 =	sadd.s32 $0x40, s4;
	[tilespmem:s0+$0xFFFFFFC0] =	vst v1  }
0xc1: {  	[tilespmem:s0+$0xFFFFFFF0] =	vst v1  }
0xc2: {  	[tilespmem:s0+$0xFFFFFFE0] =	vst v1  }
0xc3: {  	[tilespmem:s0+$0xFFFFFFD0] =	vst v1  }
0xc4: {  	[tilespmem:s0+$0x30] =	vst v0  }
.Ltmp6:
0xc5: {  	[tilespmem:s0+$0x20] =	vst v0;
	(pc) =	sbr.rel @p1 .LBB2_9-.Ltmp6, $4  }
0xc6: {  	[tilespmem:s0+$0x0] =	vst v0  }
0xc7: {  	s5 =	sshra.s32 s5, $0x2;
	[tilespmem:s0+$0x10] =	vst v0;
	s0 =	smov.u32 s20  }
0xc8: {  	v1 =	vld [tilespmem:s5+$0x3100]  }
0xc9: {  	v0 =	vld [tilespmem:s5+$0x5900]  }
0xca: {  	_ =	sdelay $0x2  }
0xcb: {  	[tilespmem:s0+$0xFFFFFFC0] =	vst v1  }
0xcc: {  	[tilespmem:s0+$0xFFFFFFF0] =	vst v1  }
0xcd: {  	[tilespmem:s0+$0xFFFFFFE0] =	vst v1  }
0xce: {  	[tilespmem:s0+$0xFFFFFFD0] =	vst v1  }
0xcf: {  	[tilespmem:s0+$0x30] =	vst v0  }
0xd0: {  	[tilespmem:s0+$0x20] =	vst v0  }
0xd1: {  	[tilespmem:s0+$0x0] =	vst v0  }
.Ltmp7:
0xd2: {  	s31 =	rddreg [dreg:$0x8];
	[tilespmem:s0+$0x10] =	vst v0;
	(pc) =	sbr.rel .LBB2_11-.Ltmp7, $4  }
0xd3: {  	[hbm4b:s31+s3] =	stream.linear.scatter [tilespmem:s29], [sflag:$0x5], $0x800, $0x38;
	[tilespmem:$0xDC20] =	vst v63  }
0xd4: {  	_ =	swait.ge [sflag:s23], $0x800  }
0xd5: {  	[sflag:s23] =	ssyncset.done $0x0  }
0xd6: {  	[sflag:s23] =	ssyncadd.s32 $0xFFFFF800  }
.LBB2_12:
0xd7: {  	_ =	sfence.sel $0x180000  }
0xd8: {  	[bflag:$0x0] =	sbarrier.arrive $0xFFFF  }
0xd9: {  	_ =	strace $0x90000047  }
0xda: {  	s0 =	stileid.u32;
	[bflag:$0x2] =	sbarrier.arrive $0xFFFF  }
0xdb: {  	p0 =	sne.s32 s0, $0x0;
	s0 =	rddreg [dreg:$0x5]  }
0xdc: {  	s0 =	sadd.s32 @!p0 $0x100000, s0  }
0xdd: {  	[sflag:s0] =	ssyncadd.tile.s32 @!p0 $0x1;
	_ =	shalt  }
.Lfunc_end2:
_tile_overlayer_lowered:
.L_overlay_start_2:
0xde: {  	(tag) =	ssettag $0x2  }
0xdf: {  	s0 =	rddreg [dreg:$0x0];
	s2 =	stileid.u32  }
0xe0: {  	s1 =	rddreg [dreg:$0x1];
	p0 =	sne.s32 s2, $0x0  }
0xe1: {  	s3 =	rddreg [dreg:$0x2];
	[bflag:$0x3] =	sbarrier.arrive $0xFFFF;
	s2 =	simm.s32 @!p0 $0x1C05  }
0xe2: {  	[timem:s3], [sflag:s2] =	dma.local @!p0 [hbm:s0], s1  }
0xe3: {  	s0 =	simm.s32 @!p0 $0x5  }
0xe4: {  	_ =	swait.ge @!p0 [sflag:s0], s1  }
0xe5: {  	s1 =	ssub.s32 @!p0 $0x0, s1;
	[sflag:s0] =	ssyncset.done @!p0 $0x0  }
0xe6: {  	[sflag:s0] =	ssyncadd.s32 @!p0 s1  }
0xe7: {  	[bflag:$0x3] =	sbarrier.arrive $0xFFFF  }
0xe8: {  	_ =	shalt  }

</sc_bundles>
